<compile_context>
chip_gen: v7x
topology: tpu7x:2x2x1
jax: 0.10.2.dev20260603
libtpu: 0.0.44.dev20260713+nightly
codegen_flags: <defaults>
</compile_context>

<pallas_src>
import functools

import jax
import jax.numpy as jnp
from jax import lax
from jax.experimental import pallas as pl
from jax.experimental.pallas import tpu as pltpu
from jax.experimental.pallas import tpu_sc as plsc

MEM = 10000
MEMP = 10112
BATCH = 1024
C = 4
YX = 84 * 84
BLK = 16
NBLK = YX // BLK
NC = 2
NS = 16
NW = NC * NS
MAXB = -(-NBLK // NW)
LANES = 16
NVEC = BATCH // LANES
SLABW = BATCH * C
BLKW = BLK * SLABW
OUTW = YX * SLABW
CORR = 0.1

_f32 = jnp.float32
_i32 = jnp.int32


_DBY = 48
_DROWS = _DBY * C * (MEMP // 128)
NBLKA = 210
NBLKB = NBLK - NBLKA


def _detile_body(xin, xout):
    v = xin[...]
    v = jnp.pad(v, ((0, 0), (0, 0), (0, MEMP - MEM)))
    xout[...] = v.reshape(_DROWS, 128)


def _make_detile(nsteps, offset):
    def run(xt):
        return pl.pallas_call(
            _detile_body,
            grid=(nsteps,),
            in_specs=[pl.BlockSpec((_DBY, C, MEM),
                                   lambda i: (i + offset, 0, 0))],
            out_specs=pl.BlockSpec((_DROWS, 128), lambda i: (i, 0)),
            out_shape=jax.ShapeDtypeStruct((nsteps * _DROWS, 128), _f32),
        )(xt).reshape(nsteps * _DBY, C, MEMP)

    return run


_detile_a = _make_detile(NBLKA * BLK // _DBY, 0)
_detile_b = _make_detile(NBLKB * BLK // _DBY, NBLKA * BLK // _DBY)


def _rsqrt(x):
    xi = plsc.bitcast(x, _i32)
    yi = jnp.int32(0x5F3759DF) - lax.shift_right_arithmetic(xi, 1)
    y = plsc.bitcast(yi, _f32)
    for _ in range(3):
        y = y * (1.5 - 0.5 * x * y * y)
    return y


def _extract_blocks(xt, out, idx_v, pieces, accum, g0, g1, ws, tid, nblk):

    def issue(yx, half, slot, sem):
        return pltpu.async_copy(
            xt.at[yx, pl.ds(half * 2, 2), :], pieces.at[slot], sem)

    def gather_piece(slot, c0, roff):
        dc0 = jnp.zeros((LANES,), _i32)
        dc1 = jnp.ones((LANES,), _i32)

        def vbody(v, _):
            iv = idx_v[pl.ds(v * LANES, LANES)]
            base = roff + ((v >> 3) * 512 + (v & 7) * 16) + c0 * 128
            g = plsc.load_gather(pieces.at[slot], [dc0, iv])
            accum[pl.ds(base, LANES)] = g
            g2 = plsc.load_gather(pieces.at[slot], [dc1, iv])
            accum[pl.ds(base + 128, LANES)] = g2
            return 0

        lax.fori_loop(0, NVEC, vbody, 0, unroll=4)

    def block_body(j, _):
        b = tid + j * NW

        @pl.when(b < nblk)
        def _():
            issue(b * BLK, 0, 0, g0)
            @pl.when(j > 0)
            def _():
                pltpu.make_async_copy(accum, out.at[pl.ds(0, BLKW)], ws).wait()

            def rbody(r, _):
                yx = b * BLK + r
                roff = r * 4096
                d1 = issue(yx, 1, 1, g1)
                pltpu.make_async_copy(xt.at[yx, pl.ds(0, 2), :],
                                      pieces.at[0], g0).wait()
                gather_piece(0, 0, roff)

                @pl.when(r < BLK - 1)
                def _():
                    issue(yx + 1, 0, 0, g0)

                d1.wait()
                gather_piece(1, 2, roff)
                return 0

            lax.fori_loop(0, BLK, rbody, 0)
            pltpu.async_copy(accum, out.at[pl.ds(b * BLKW, BLKW)], ws)

        return 0

    lax.fori_loop(0, -(-nblk // NW), block_body, 0)
    pltpu.make_async_copy(accum, out.at[pl.ds(0, BLKW)], ws).wait()


def _body0(xt, pri, idxf, err, act, rew, don,
           out, o_a, o_r, o_d, o_w, o_p,
           idx_v, pieces, accum, table, vals, wbuf,
           g0, g1, ws):
    c = lax.axis_index("c")
    s = lax.axis_index("s")
    tid = s * NC + c
    lane = lax.iota(_i32, LANES)

    pltpu.sync_copy(idxf, idx_v)

    @pl.when(tid == 0)
    def _weights_and_scatter():
        pltpu.sync_copy(pri, table)
        pltpu.sync_copy(err, vals)

        def wbody(v, m):
            iv = idx_v[pl.ds(v * LANES, LANES)]
            p = plsc.bitcast(plsc.load_gather(table, [iv]), _f32)
            w = _rsqrt(jnp.float32(MEM) * p)
            wbuf[pl.ds(v * LANES, LANES)] = plsc.bitcast(w, _i32)
            return jnp.maximum(m, w)

        m = lax.fori_loop(0, NVEC, wbody, jnp.zeros((LANES,), _f32))
        mx = jnp.max(m) * jnp.ones((LANES,), _f32)

        def nbody(v, _):
            w = plsc.bitcast(wbuf[pl.ds(v * LANES, LANES)], _f32)
            wbuf[pl.ds(v * LANES, LANES)] = plsc.bitcast(w / mx, _i32)
            return 0

        lax.fori_loop(0, NVEC, nbody, 0)
        pltpu.sync_copy(wbuf, o_w)

        def sbody(v, _):
            iv = idx_v[pl.ds(v * LANES, LANES)]
            e = plsc.bitcast(vals[pl.ds(v * LANES, LANES)], _f32)
            nv = plsc.bitcast(jnp.abs(e) + CORR, _i32)
            for l in range(LANES):
                plsc.store_scatter(table, [iv], nv, mask=lane == l)
            return 0

        lax.fori_loop(0, NVEC, sbody, 0)
        pltpu.sync_copy(table, o_p)

    def _small_gather(src_hbm, dst_hbm):
        pltpu.sync_copy(src_hbm, table)

        def gbody(v, _):
            iv = idx_v[pl.ds(v * LANES, LANES)]
            wbuf[pl.ds(v * LANES, LANES)] = plsc.load_gather(table, [iv])
            return 0

        lax.fori_loop(0, NVEC, gbody, 0)
        pltpu.sync_copy(wbuf, dst_hbm)

    @pl.when(tid == 1)
    def _actions():
        _small_gather(act, o_a)

    @pl.when(tid == 2)
    def _rewards():
        _small_gather(rew, o_r)

    @pl.when(tid == 3)
    def _done():
        _small_gather(don, o_d)

    _extract_blocks(xt, out, idx_v, pieces, accum, g0, g1, ws, tid, NBLKA)


def _make_body1(nblk):
    def _body1(xt, idxf, out, idx_v, pieces, accum, g0, g1, ws):
        c = lax.axis_index("c")
        s = lax.axis_index("s")
        tid = s * NC + c
        pltpu.sync_copy(idxf, idx_v)
        _extract_blocks(xt, out, idx_v, pieces, accum, g0, g1, ws, tid, nblk)

    return _body1


_sdt = jax.ShapeDtypeStruct
_mesh = plsc.VectorSubcoreMesh(
    core_axis_name="c", subcore_axis_name="s",
    num_cores=NC, num_subcores=NS)
_params = pltpu.CompilerParams(
    needs_layout_passes=False, use_tc_tiling_on_sc=False)

_extract0 = functools.partial(
    pl.kernel,
    out_type=(
        _sdt((NBLKA * BLKW,), _f32),
        _sdt((BATCH,), _i32),
        _sdt((BATCH,), _i32),
        _sdt((BATCH,), _i32),
        _sdt((BATCH,), _i32),
        _sdt((MEM,), _i32),
    ),
    mesh=_mesh,
    scratch_types=[
        pltpu.VMEM((BATCH,), _i32),
        pltpu.VMEM((2, 2, MEMP), _f32),
        pltpu.VMEM((BLKW,), _f32),
        pltpu.VMEM((MEM,), _i32),
        pltpu.VMEM((BATCH,), _i32),
        pltpu.VMEM((BATCH,), _i32),
    ] + [pltpu.SemaphoreType.DMA] * 3,
    compiler_params=_params,
)(_body0)

def _make_extract_plain(nblk):
    return functools.partial(
        pl.kernel,
        out_type=_sdt((nblk * BLKW,), _f32),
        mesh=_mesh,
        scratch_types=[
            pltpu.VMEM((BATCH,), _i32),
            pltpu.VMEM((2, 2, MEMP), _f32),
            pltpu.VMEM((BLKW,), _f32),
        ] + [pltpu.SemaphoreType.DMA] * 3,
        compiler_params=_params,
    )(_make_body1(nblk))


_extract_a = _make_extract_plain(NBLKA)
_extract_b = _make_extract_plain(NBLKB)


def kernel(state0_buffer, actions_buffer, rewards_buffer, done_buffer,
           state1_buffer, priorities, indices, errors):
    bc_i = lambda x: lax.bitcast_convert_type(x, _i32)
    bc_f = lambda x: lax.bitcast_convert_type(x, _f32)
    xt0 = jnp.transpose(state0_buffer, (2, 3, 1, 0)).reshape(YX, C, MEM)
    xt1 = jnp.transpose(state1_buffer, (2, 3, 1, 0)).reshape(YX, C, MEM)
    idx = indices.astype(_i32)
    lin0a = _detile_a(xt0)
    s0a, ao, ro, do_, wo, po = _extract0(
        lin0a, bc_i(priorities), idx, bc_i(errors),
        actions_buffer.astype(_i32), bc_i(rewards_buffer),
        bc_i(done_buffer))
    lin0b = _detile_b(xt0)
    s0b = _extract_b(lin0b, idx)
    lin1a = _detile_a(xt1)
    s1a = _extract_a(lin1a, idx)
    lin1b = _detile_b(xt1)
    s1b = _extract_b(lin1b, idx)
    s0o = jnp.concatenate([s0a, s0b])
    s1o = jnp.concatenate([s1a, s1b])

    def to_out(o):
        return (o.reshape(84, 84, 8, C, 128)
                 .transpose(2, 4, 3, 0, 1)
                 .reshape(BATCH, C, 84, 84))

    return (to_out(s0o), ao, bc_f(ro), bc_f(do_),
            to_out(s1o), bc_f(wo), bc_f(po))

# --- scband reference (transcript-rebuilt; emitter-appended) ---
"""Pipeline reference for scband-replay-buffer-87565793230919 (READ-ONLY COPY).

The authoritative reference and input builder live on the scoring server;
editing this copy changes nothing except your own understanding.
"""

import jax, jax.numpy as jnp
import numpy as np

MEMORY = 10000
ALPHA = 0.5
BETA = 0.5
CORR = 0.1
BATCH = 1024


def setup_inputs(seed: int = 0) -> dict:
    key = jax.random.key(seed)
    ks = jax.random.split(key, 8)
    return {
        "state0_buffer": jax.random.normal(ks[0], (MEMORY, 4, 84, 84), dtype=jnp.float32),
        "actions_buffer": jax.random.randint(ks[1], (MEMORY,), 0, 18).astype(jnp.int32),
        "rewards_buffer": jax.random.normal(ks[2], (MEMORY,), dtype=jnp.float32),
        "done_buffer": jax.random.uniform(ks[3], (MEMORY,), dtype=jnp.float32),
        "state1_buffer": jax.random.normal(ks[4], (MEMORY, 4, 84, 84), dtype=jnp.float32),
        "priorities": jax.random.uniform(ks[5], (MEMORY,), dtype=jnp.float32) + 1e-3,
        "indices": jax.random.randint(ks[6], (BATCH,), 0, MEMORY),
        "errors": jax.random.normal(ks[7], (BATCH,), dtype=jnp.float32),
    }


def reference(state0_buffer, actions_buffer, rewards_buffer, done_buffer,
              state1_buffer, priorities, indices, errors):
    # sample(): buffer is assumed full, so size == MEMORY.
    # multinomial sampling is replaced by externally-provided `indices`
    # for determinism; gather + importance-weight math is faithful.
    size = MEMORY
    sampled_S0 = jnp.take(state0_buffer, indices, axis=0)
    sampled_A = jnp.take(actions_buffer, indices, axis=0)
    sampled_R = jnp.take(rewards_buffer, indices, axis=0)
    sampled_D = jnp.take(done_buffer, indices, axis=0)
    sampled_S1 = jnp.take(state1_buffer, indices, axis=0)
    weights = jnp.take(size * priorities, indices, axis=0) ** (-BETA)
    weights = weights / jnp.max(weights)
    # update_priority(): scatter-overwrite of new priorities at sampled indices
    new_priorities = priorities.at[indices].set(jnp.abs(errors) + CORR)
    return (sampled_S0, sampled_A, sampled_R, sampled_D, sampled_S1, weights, new_priorities)

if __name__ == "__main__":
    import jax
    _d = setup_inputs()
    print(jax.jit(kernel)(*tuple(_d.values())))

</pallas_src>

<mosaic_0001>
#map = affine_map<(d0, d1) -> (0, 0, 0)>
#map1 = affine_map<(d0, d1) -> (0)>
module attributes {stable_mosaic.version = 14 : i64} {
  func.func @_body0(%arg0: i32, %arg1: i32, %arg2: memref<3360x4x10112xf32, #tpu.memory_space<hbm>>, %arg3: memref<10000xi32, #tpu.memory_space<hbm>>, %arg4: memref<1024xi32, #tpu.memory_space<hbm>>, %arg5: memref<1024xi32, #tpu.memory_space<hbm>>, %arg6: memref<10000xi32, #tpu.memory_space<hbm>>, %arg7: memref<10000xi32, #tpu.memory_space<hbm>>, %arg8: memref<10000xi32, #tpu.memory_space<hbm>>, %arg9: memref<13762560xf32, #tpu.memory_space<hbm>>, %arg10: memref<1024xi32, #tpu.memory_space<hbm>>, %arg11: memref<1024xi32, #tpu.memory_space<hbm>>, %arg12: memref<1024xi32, #tpu.memory_space<hbm>>, %arg13: memref<1024xi32, #tpu.memory_space<hbm>>, %arg14: memref<10000xi32, #tpu.memory_space<hbm>>, %arg15: memref<1024xi32, #tpu.memory_space<vmem>>, %arg16: memref<2x2x10112xf32, #tpu.memory_space<vmem>>, %arg17: memref<65536xf32, #tpu.memory_space<vmem>>, %arg18: memref<10000xi32, #tpu.memory_space<vmem>>, %arg19: memref<1024xi32, #tpu.memory_space<vmem>>, %arg20: memref<1024xi32, #tpu.memory_space<vmem>>, %arg21: memref<!tpu.dma_semaphore, #tpu.memory_space<semaphore_mem>>, %arg22: memref<!tpu.dma_semaphore, #tpu.memory_space<semaphore_mem>>, %arg23: memref<!tpu.dma_semaphore, #tpu.memory_space<semaphore_mem>>) attributes {dimension_semantics = [#tpu.dimension_semantics<core_parallel>, #tpu.dimension_semantics<subcore_parallel>], iteration_bounds = array<i64: 2, 16>, scalar_prefetch = 0 : i64, scratch_operands = 9 : i64, tpu.core_type = #tpu.core_type<sc_vector_subcore>, window_params = [{transform_indices = #map}, {transform_indices = #map1}, {transform_indices = #map1}, {transform_indices = #map1}, {transform_indices = #map1}, {transform_indices = #map1}, {transform_indices = #map1}, {transform_indices = #map1}, {transform_indices = #map1}, {transform_indices = #map1}, {transform_indices = #map1}, {transform_indices = #map1}, {transform_indices = #map1}]} {
    %mul3A = arith.constant 2 : i32
    %mul3A_0 = arith.muli %arg1, %mul3A : i32
    %add3A = arith.addi %mul3A_0, %arg0 : i32
    %iota3A = tpu.iota {dimensions = array<i32: 0>} : vector<16xi32>
    "tpu.region"() ({
      %run_scoped3A = tpu.sem_alloc : memref<!tpu.dma_semaphore, #tpu.memory_space<semaphore_mem>>
      tpu.enqueue_dma source(%arg4 : memref<1024xi32, #tpu.memory_space<hbm>>) target(%arg15 : memref<1024xi32, #tpu.memory_space<vmem>>) target_semaphore(%run_scoped3A : memref<!tpu.dma_semaphore, #tpu.memory_space<semaphore_mem>>)
      tpu.wait_dma2 semaphore(%run_scoped3A : memref<!tpu.dma_semaphore, #tpu.memory_space<semaphore_mem>>) src(%arg4 : memref<1024xi32, #tpu.memory_space<hbm>>) dst(%arg15 : memref<1024xi32, #tpu.memory_space<vmem>>)
      tpu.yield
    }) : () -> ()
    %eq3A = arith.constant 0 : i32
    %eq3A_1 = arith.cmpi eq, %add3A, %eq3A : i32
    %convert_element_type3A = arith.extui %eq3A_1 : i1 to i32
    %cond3A = arith.constant 0 : i32
    %cond3A_2 = arith.cmpi ne, %convert_element_type3A, %cond3A : i32
    scf.if %cond3A_2 {
      "tpu.region"() ({
        %run_scoped3A = tpu.sem_alloc : memref<!tpu.dma_semaphore, #tpu.memory_space<semaphore_mem>>
        tpu.enqueue_dma source(%arg3 : memref<10000xi32, #tpu.memory_space<hbm>>) target(%arg18 : memref<10000xi32, #tpu.memory_space<vmem>>) target_semaphore(%run_scoped3A : memref<!tpu.dma_semaphore, #tpu.memory_space<semaphore_mem>>)
        tpu.wait_dma2 semaphore(%run_scoped3A : memref<!tpu.dma_semaphore, #tpu.memory_space<semaphore_mem>>) src(%arg3 : memref<10000xi32, #tpu.memory_space<hbm>>) dst(%arg18 : memref<10000xi32, #tpu.memory_space<vmem>>)
        tpu.yield
      }) : () -> ()
      "tpu.region"() ({
        %run_scoped3A = tpu.sem_alloc : memref<!tpu.dma_semaphore, #tpu.memory_space<semaphore_mem>>
        tpu.enqueue_dma source(%arg5 : memref<1024xi32, #tpu.memory_space<hbm>>) target(%arg19 : memref<1024xi32, #tpu.memory_space<vmem>>) target_semaphore(%run_scoped3A : memref<!tpu.dma_semaphore, #tpu.memory_space<semaphore_mem>>)
        tpu.wait_dma2 semaphore(%run_scoped3A : memref<!tpu.dma_semaphore, #tpu.memory_space<semaphore_mem>>) src(%arg5 : memref<1024xi32, #tpu.memory_space<hbm>>) dst(%arg19 : memref<1024xi32, #tpu.memory_space<vmem>>)
        tpu.yield
      }) : () -> ()
      %broadcast_in_dim3A = arith.constant 0.000000e+00 : f32
      %broadcast_in_dim3A_27 = vector.broadcast %broadcast_in_dim3A : f32 to vector<16xf32>
      %scan3A_28 = arith.constant 0 : i32
      %scan3A_29 = arith.constant 64 : i32
      %scan3A_30 = arith.addi %scan3A_28, %scan3A_29 : i32
      %scan3A_31 = arith.constant 1 : i32
      %scan3A_32 = scf.for %scan3A_55 = %scan3A_28 to %scan3A_30 step %scan3A_31 iter_args(%scan3A_56 = %broadcast_in_dim3A_27) -> (vector<16xf32>)  : i32 {
        %mul3A_57 = arith.constant 16 : i32
        %mul3A_58 = arith.muli %scan3A_55, %mul3A_57 : i32
        %get3A = arith.index_cast %mul3A_58 : i32 to index
        %get3A_59 = tpu.vector_load %arg15[%get3A] {strides = array<i32>} : memref<1024xi32, #tpu.memory_space<vmem>>, vector<16xi32>,
        %gather3A = tpu.vector_load_idx %arg18[%get3A_59] : memref<10000xi32, #tpu.memory_space<vmem>>[vector<16xi32>], vector<16xi32>,
        %bitcast3A = vector.bitcast %gather3A : vector<16xi32> to vector<16xf32>
        %mul3A_60 = arith.constant 1.000000e+04 : f32
        %mul3A_61 = vector.broadcast %mul3A_60 : f32 to vector<16xf32>
        %mul3A_62 = arith.mulf %mul3A_61, %bitcast3A : vector<16xf32>
        %bitcast3A_63 = vector.bitcast %mul3A_62 : vector<16xf32> to vector<16xi32>
        %shift_right_arithmetic3A = arith.constant 1 : i32
        %shift_right_arithmetic3A_64 = vector.broadcast %shift_right_arithmetic3A : i32 to vector<16xi32>
        %shift_right_arithmetic3A_65 = arith.shrsi %bitcast3A_63, %shift_right_arithmetic3A_64 : vector<16xi32>
        %sub3A = arith.constant 1597463007 : i32
        %sub3A_66 = vector.broadcast %sub3A : i32 to vector<16xi32>
        %sub3A_67 = arith.subi %sub3A_66, %shift_right_arithmetic3A_65 : vector<16xi32>
        %bitcast3A_68 = vector.bitcast %sub3A_67 : vector<16xi32> to vector<16xf32>
        %mul3A_69 = arith.constant 5.000000e-01 : f32
        %mul3A_70 = vector.broadcast %mul3A_69 : f32 to vector<16xf32>
        %mul3A_71 = arith.mulf %mul3A_70, %mul3A_62 : vector<16xf32>
        %mul3A_72 = arith.mulf %mul3A_71, %bitcast3A_68 : vector<16xf32>
        %mul3A_73 = arith.mulf %mul3A_72, %bitcast3A_68 : vector<16xf32>
        %sub3A_74 = arith.constant 1.500000e+00 : f32
        %sub3A_75 = vector.broadcast %sub3A_74 : f32 to vector<16xf32>
        %sub3A_76 = arith.subf %sub3A_75, %mul3A_73 : vector<16xf32>
        %mul3A_77 = arith.mulf %bitcast3A_68, %sub3A_76 : vector<16xf32>
        %mul3A_78 = arith.constant 5.000000e-01 : f32
        %mul3A_79 = vector.broadcast %mul3A_78 : f32 to vector<16xf32>
        %mul3A_80 = arith.mulf %mul3A_79, %mul3A_62 : vector<16xf32>
        %mul3A_81 = arith.mulf %mul3A_80, %mul3A_77 : vector<16xf32>
        %mul3A_82 = arith.mulf %mul3A_81, %mul3A_77 : vector<16xf32>
        %sub3A_83 = arith.constant 1.500000e+00 : f32
        %sub3A_84 = vector.broadcast %sub3A_83 : f32 to vector<16xf32>
        %sub3A_85 = arith.subf %sub3A_84, %mul3A_82 : vector<16xf32>
        %mul3A_86 = arith.mulf %mul3A_77, %sub3A_85 : vector<16xf32>
        %mul3A_87 = arith.constant 5.000000e-01 : f32
        %mul3A_88 = vector.broadcast %mul3A_87 : f32 to vector<16xf32>
        %mul3A_89 = arith.mulf %mul3A_88, %mul3A_62 : vector<16xf32>
        %mul3A_90 = arith.mulf %mul3A_89, %mul3A_86 : vector<16xf32>
        %mul3A_91 = arith.mulf %mul3A_90, %mul3A_86 : vector<16xf32>
        %sub3A_92 = arith.constant 1.500000e+00 : f32
        %sub3A_93 = vector.broadcast %sub3A_92 : f32 to vector<16xf32>
        %sub3A_94 = arith.subf %sub3A_93, %mul3A_91 : vector<16xf32>
        %mul3A_95 = arith.mulf %mul3A_86, %sub3A_94 : vector<16xf32>
        %bitcast3A_96 = vector.bitcast %mul3A_95 : vector<16xf32> to vector<16xi32>
        %mul3A_97 = arith.constant 16 : i32
        %mul3A_98 = arith.muli %scan3A_55, %mul3A_97 : i32
        %swap3A = arith.index_cast %mul3A_98 : i32 to index
        %swap3A_99 = tpu.vector_load %arg20[%swap3A] {strides = array<i32>} : memref<1024xi32, #tpu.memory_space<vmem>>, vector<16xi32>,
        tpu.vector_store %arg20[%swap3A], %bitcast3A_96 {strides = array<i32>} : memref<1024xi32, #tpu.memory_space<vmem>>, vector<16xi32>,
        %max3A = arith.maximumf %scan3A_56, %mul3A_95 : vector<16xf32>
        scf.yield %max3A : vector<16xf32>
      }
      %scan3A_33 = arith.constant 64 : i32
      %reduce_max3A = arith.constant true
      %reduce_max3A_34 = vector.broadcast %reduce_max3A : i1 to vector<16xi1>
      %reduce_max3A_35 = tpu.scan <max>, %scan3A_32 masked %reduce_max3A_34 : vector<16xf32>, vector<16xi1> -> vector<16xf32>
      %reduce_max3A_36 = vector.extract %reduce_max3A_35[15] : f32 from vector<16xf32>
      %broadcast_in_dim3A_37 = arith.constant 1.000000e+00 : f32
      %broadcast_in_dim3A_38 = vector.broadcast %broadcast_in_dim3A_37 : f32 to vector<16xf32>
      %mul3A_39 = vector.broadcast %reduce_max3A_36 : f32 to vector<16xf32>
      %mul3A_40 = arith.mulf %mul3A_39, %broadcast_in_dim3A_38 : vector<16xf32>
      %scan3A_41 = arith.constant 0 : i32
      %scan3A_42 = arith.constant 0 : i32
      %scan3A_43 = arith.constant 64 : i32
      %scan3A_44 = arith.addi %scan3A_42, %scan3A_43 : i32
      %scan3A_45 = arith.constant 1 : i32
      %scan3A_46 = scf.for %scan3A_55 = %scan3A_42 to %scan3A_44 step %scan3A_45 iter_args(%scan3A_56 = %scan3A_41) -> (i32)  : i32 {
        %mul3A_57 = arith.constant 16 : i32
        %mul3A_58 = arith.muli %scan3A_55, %mul3A_57 : i32
        %get3A = arith.index_cast %mul3A_58 : i32 to index
        %get3A_59 = tpu.vector_load %arg20[%get3A] {strides = array<i32>} : memref<1024xi32, #tpu.memory_space<vmem>>, vector<16xi32>,
        %bitcast3A = vector.bitcast %get3A_59 : vector<16xi32> to vector<16xf32>
        %div3A = arith.divf %bitcast3A, %mul3A_40 : vector<16xf32>
        %bitcast3A_60 = vector.bitcast %div3A : vector<16xf32> to vector<16xi32>
        %mul3A_61 = arith.constant 16 : i32
        %mul3A_62 = arith.muli %scan3A_55, %mul3A_61 : i32
        %swap3A = arith.index_cast %mul3A_62 : i32 to index
        %swap3A_63 = tpu.vector_load %arg20[%swap3A] {strides = array<i32>} : memref<1024xi32, #tpu.memory_space<vmem>>, vector<16xi32>,
        tpu.vector_store %arg20[%swap3A], %bitcast3A_60 {strides = array<i32>} : memref<1024xi32, #tpu.memory_space<vmem>>, vector<16xi32>,
        %scan3A_64 = arith.constant 0 : i32
        scf.yield %scan3A_64 : i32
      }
      %scan3A_47 = arith.constant 64 : i32
      "tpu.region"() ({
        %run_scoped3A = tpu.sem_alloc : memref<!tpu.dma_semaphore, #tpu.memory_space<semaphore_mem>>
        tpu.enqueue_dma source(%arg20 : memref<1024xi32, #tpu.memory_space<vmem>>) target(%arg13 : memref<1024xi32, #tpu.memory_space<hbm>>) target_semaphore(%run_scoped3A : memref<!tpu.dma_semaphore, #tpu.memory_space<semaphore_mem>>)
        tpu.wait_dma2 semaphore(%run_scoped3A : memref<!tpu.dma_semaphore, #tpu.memory_space<semaphore_mem>>) src(%arg20 : memref<1024xi32, #tpu.memory_space<vmem>>) dst(%arg13 : memref<1024xi32, #tpu.memory_space<hbm>>)
        tpu.yield
      }) : () -> ()
      %scan3A_48 = arith.constant 0 : i32
      %scan3A_49 = arith.constant 0 : i32
      %scan3A_50 = arith.constant 64 : i32
      %scan3A_51 = arith.addi %scan3A_49, %scan3A_50 : i32
      %scan3A_52 = arith.constant 1 : i32
      %scan3A_53 = scf.for %scan3A_55 = %scan3A_49 to %scan3A_51 step %scan3A_52 iter_args(%scan3A_56 = %scan3A_48) -> (i32)  : i32 {
        %mul3A_57 = arith.constant 16 : i32
        %mul3A_58 = arith.muli %scan3A_55, %mul3A_57 : i32
        %get3A = arith.index_cast %mul3A_58 : i32 to index
        %get3A_59 = tpu.vector_load %arg15[%get3A] {strides = array<i32>} : memref<1024xi32, #tpu.memory_space<vmem>>, vector<16xi32>,
        %mul3A_60 = arith.constant 16 : i32
        %mul3A_61 = arith.muli %scan3A_55, %mul3A_60 : i32
        %get3A_62 = arith.index_cast %mul3A_61 : i32 to index
        %get3A_63 = tpu.vector_load %arg19[%get3A_62] {strides = array<i32>} : memref<1024xi32, #tpu.memory_space<vmem>>, vector<16xi32>,
        %bitcast3A = vector.bitcast %get3A_63 : vector<16xi32> to vector<16xf32>
        %abs3A = math.absf %bitcast3A : vector<16xf32>
        %add3A_64 = arith.constant 1.000000e-01 : f32
        %add3A_65 = vector.broadcast %add3A_64 : f32 to vector<16xf32>
        %add3A_66 = arith.addf %abs3A, %add3A_65 : vector<16xf32>
        %bitcast3A_67 = vector.bitcast %add3A_66 : vector<16xf32> to vector<16xi32>
        %eq3A_68 = arith.constant 0 : i32
        %eq3A_69 = vector.broadcast %eq3A_68 : i32 to vector<16xi32>
        %eq3A_70 = arith.cmpi eq, %iota3A, %eq3A_69 : vector<16xi32>
        tpu.vector_store_idx %arg18[%get3A_59], %bitcast3A_67 masked %eq3A_70 : memref<10000xi32, #tpu.memory_space<vmem>>[vector<16xi32>], vector<16xi32>, vector<16xi1>
        %eq3A_71 = arith.constant 1 : i32
        %eq3A_72 = vector.broadcast %eq3A_71 : i32 to vector<16xi32>
        %eq3A_73 = arith.cmpi eq, %iota3A, %eq3A_72 : vector<16xi32>
        tpu.vector_store_idx %arg18[%get3A_59], %bitcast3A_67 masked %eq3A_73 : memref<10000xi32, #tpu.memory_space<vmem>>[vector<16xi32>], vector<16xi32>, vector<16xi1>
        %eq3A_74 = arith.constant 2 : i32
        %eq3A_75 = vector.broadcast %eq3A_74 : i32 to vector<16xi32>
        %eq3A_76 = arith.cmpi eq, %iota3A, %eq3A_75 : vector<16xi32>
        tpu.vector_store_idx %arg18[%get3A_59], %bitcast3A_67 masked %eq3A_76 : memref<10000xi32, #tpu.memory_space<vmem>>[vector<16xi32>], vector<16xi32>, vector<16xi1>
        %eq3A_77 = arith.constant 3 : i32
        %eq3A_78 = vector.broadcast %eq3A_77 : i32 to vector<16xi32>
        %eq3A_79 = arith.cmpi eq, %iota3A, %eq3A_78 : vector<16xi32>
        tpu.vector_store_idx %arg18[%get3A_59], %bitcast3A_67 masked %eq3A_79 : memref<10000xi32, #tpu.memory_space<vmem>>[vector<16xi32>], vector<16xi32>, vector<16xi1>
        %eq3A_80 = arith.constant 4 : i32
        %eq3A_81 = vector.broadcast %eq3A_80 : i32 to vector<16xi32>
        %eq3A_82 = arith.cmpi eq, %iota3A, %eq3A_81 : vector<16xi32>
        tpu.vector_store_idx %arg18[%get3A_59], %bitcast3A_67 masked %eq3A_82 : memref<10000xi32, #tpu.memory_space<vmem>>[vector<16xi32>], vector<16xi32>, vector<16xi1>
        %eq3A_83 = arith.constant 5 : i32
        %eq3A_84 = vector.broadcast %eq3A_83 : i32 to vector<16xi32>
        %eq3A_85 = arith.cmpi eq, %iota3A, %eq3A_84 : vector<16xi32>
        tpu.vector_store_idx %arg18[%get3A_59], %bitcast3A_67 masked %eq3A_85 : memref<10000xi32, #tpu.memory_space<vmem>>[vector<16xi32>], vector<16xi32>, vector<16xi1>
        %eq3A_86 = arith.constant 6 : i32
        %eq3A_87 = vector.broadcast %eq3A_86 : i32 to vector<16xi32>
        %eq3A_88 = arith.cmpi eq, %iota3A, %eq3A_87 : vector<16xi32>
        tpu.vector_store_idx %arg18[%get3A_59], %bitcast3A_67 masked %eq3A_88 : memref<10000xi32, #tpu.memory_space<vmem>>[vector<16xi32>], vector<16xi32>, vector<16xi1>
        %eq3A_89 = arith.constant 7 : i32
        %eq3A_90 = vector.broadcast %eq3A_89 : i32 to vector<16xi32>
        %eq3A_91 = arith.cmpi eq, %iota3A, %eq3A_90 : vector<16xi32>
        tpu.vector_store_idx %arg18[%get3A_59], %bitcast3A_67 masked %eq3A_91 : memref<10000xi32, #tpu.memory_space<vmem>>[vector<16xi32>], vector<16xi32>, vector<16xi1>
        %eq3A_92 = arith.constant 8 : i32
        %eq3A_93 = vector.broadcast %eq3A_92 : i32 to vector<16xi32>
        %eq3A_94 = arith.cmpi eq, %iota3A, %eq3A_93 : vector<16xi32>
        tpu.vector_store_idx %arg18[%get3A_59], %bitcast3A_67 masked %eq3A_94 : memref<10000xi32, #tpu.memory_space<vmem>>[vector<16xi32>], vector<16xi32>, vector<16xi1>
        %eq3A_95 = arith.constant 9 : i32
        %eq3A_96 = vector.broadcast %eq3A_95 : i32 to vector<16xi32>
        %eq3A_97 = arith.cmpi eq, %iota3A, %eq3A_96 : vector<16xi32>
        tpu.vector_store_idx %arg18[%get3A_59], %bitcast3A_67 masked %eq3A_97 : memref<10000xi32, #tpu.memory_space<vmem>>[vector<16xi32>], vector<16xi32>, vector<16xi1>
        %eq3A_98 = arith.constant 10 : i32
        %eq3A_99 = vector.broadcast %eq3A_98 : i32 to vector<16xi32>
        %eq3A_100 = arith.cmpi eq, %iota3A, %eq3A_99 : vector<16xi32>
        tpu.vector_store_idx %arg18[%get3A_59], %bitcast3A_67 masked %eq3A_100 : memref<10000xi32, #tpu.memory_space<vmem>>[vector<16xi32>], vector<16xi32>, vector<16xi1>
        %eq3A_101 = arith.constant 11 : i32
        %eq3A_102 = vector.broadcast %eq3A_101 : i32 to vector<16xi32>
        %eq3A_103 = arith.cmpi eq, %iota3A, %eq3A_102 : vector<16xi32>
        tpu.vector_store_idx %arg18[%get3A_59], %bitcast3A_67 masked %eq3A_103 : memref<10000xi32, #tpu.memory_space<vmem>>[vector<16xi32>], vector<16xi32>, vector<16xi1>
        %eq3A_104 = arith.constant 12 : i32
        %eq3A_105 = vector.broadcast %eq3A_104 : i32 to vector<16xi32>
        %eq3A_106 = arith.cmpi eq, %iota3A, %eq3A_105 : vector<16xi32>
        tpu.vector_store_idx %arg18[%get3A_59], %bitcast3A_67 masked %eq3A_106 : memref<10000xi32, #tpu.memory_space<vmem>>[vector<16xi32>], vector<16xi32>, vector<16xi1>
        %eq3A_107 = arith.constant 13 : i32
        %eq3A_108 = vector.broadcast %eq3A_107 : i32 to vector<16xi32>
        %eq3A_109 = arith.cmpi eq, %iota3A, %eq3A_108 : vector<16xi32>
        tpu.vector_store_idx %arg18[%get3A_59], %bitcast3A_67 masked %eq3A_109 : memref<10000xi32, #tpu.memory_space<vmem>>[vector<16xi32>], vector<16xi32>, vector<16xi1>
        %eq3A_110 = arith.constant 14 : i32
        %eq3A_111 = vector.broadcast %eq3A_110 : i32 to vector<16xi32>
        %eq3A_112 = arith.cmpi eq, %iota3A, %eq3A_111 : vector<16xi32>
        tpu.vector_store_idx %arg18[%get3A_59], %bitcast3A_67 masked %eq3A_112 : memref<10000xi32, #tpu.memory_space<vmem>>[vector<16xi32>], vector<16xi32>, vector<16xi1>
        %eq3A_113 = arith.constant 15 : i32
        %eq3A_114 = vector.broadcast %eq3A_113 : i32 to vector<16xi32>
        %eq3A_115 = arith.cmpi eq, %iota3A, %eq3A_114 : vector<16xi32>
        tpu.vector_store_idx %arg18[%get3A_59], %bitcast3A_67 masked %eq3A_115 : memref<10000xi32, #tpu.memory_space<vmem>>[vector<16xi32>], vector<16xi32>, vector<16xi1>
        %scan3A_116 = arith.constant 0 : i32
        scf.yield %scan3A_116 : i32
      }
      %scan3A_54 = arith.constant 64 : i32
      "tpu.region"() ({
        %run_scoped3A = tpu.sem_alloc : memref<!tpu.dma_semaphore, #tpu.memory_space<semaphore_mem>>
        tpu.enqueue_dma source(%arg18 : memref<10000xi32, #tpu.memory_space<vmem>>) target(%arg14 : memref<10000xi32, #tpu.memory_space<hbm>>) target_semaphore(%run_scoped3A : memref<!tpu.dma_semaphore, #tpu.memory_space<semaphore_mem>>)
        tpu.wait_dma2 semaphore(%run_scoped3A : memref<!tpu.dma_semaphore, #tpu.memory_space<semaphore_mem>>) src(%arg18 : memref<10000xi32, #tpu.memory_space<vmem>>) dst(%arg14 : memref<10000xi32, #tpu.memory_space<hbm>>)
        tpu.yield
      }) : () -> ()
    } else {
    }
    %eq3A_3 = arith.constant 1 : i32
    %eq3A_4 = arith.cmpi eq, %add3A, %eq3A_3 : i32
    %convert_element_type3A_5 = arith.extui %eq3A_4 : i1 to i32
    %cond3A_6 = arith.constant 0 : i32
    %cond3A_7 = arith.cmpi ne, %convert_element_type3A_5, %cond3A_6 : i32
    scf.if %cond3A_7 {
      "tpu.region"() ({
        %run_scoped3A = tpu.sem_alloc : memref<!tpu.dma_semaphore, #tpu.memory_space<semaphore_mem>>
        tpu.enqueue_dma source(%arg6 : memref<10000xi32, #tpu.memory_space<hbm>>) target(%arg18 : memref<10000xi32, #tpu.memory_space<vmem>>) target_semaphore(%run_scoped3A : memref<!tpu.dma_semaphore, #tpu.memory_space<semaphore_mem>>)
        tpu.wait_dma2 semaphore(%run_scoped3A : memref<!tpu.dma_semaphore, #tpu.memory_space<semaphore_mem>>) src(%arg6 : memref<10000xi32, #tpu.memory_space<hbm>>) dst(%arg18 : memref<10000xi32, #tpu.memory_space<vmem>>)
        tpu.yield
      }) : () -> ()
      %scan3A_27 = arith.constant 0 : i32
      %scan3A_28 = arith.constant 0 : i32
      %scan3A_29 = arith.constant 64 : i32
      %scan3A_30 = arith.addi %scan3A_28, %scan3A_29 : i32
      %scan3A_31 = arith.constant 1 : i32
      %scan3A_32 = scf.for %scan3A_34 = %scan3A_28 to %scan3A_30 step %scan3A_31 iter_args(%scan3A_35 = %scan3A_27) -> (i32)  : i32 {
        %mul3A_36 = arith.constant 16 : i32
        %mul3A_37 = arith.muli %scan3A_34, %mul3A_36 : i32
        %get3A = arith.index_cast %mul3A_37 : i32 to index
        %get3A_38 = tpu.vector_load %arg15[%get3A] {strides = array<i32>} : memref<1024xi32, #tpu.memory_space<vmem>>, vector<16xi32>,
        %gather3A = tpu.vector_load_idx %arg18[%get3A_38] : memref<10000xi32, #tpu.memory_space<vmem>>[vector<16xi32>], vector<16xi32>,
        %mul3A_39 = arith.constant 16 : i32
        %mul3A_40 = arith.muli %scan3A_34, %mul3A_39 : i32
        %swap3A = arith.index_cast %mul3A_40 : i32 to index
        %swap3A_41 = tpu.vector_load %arg20[%swap3A] {strides = array<i32>} : memref<1024xi32, #tpu.memory_space<vmem>>, vector<16xi32>,
        tpu.vector_store %arg20[%swap3A], %gather3A {strides = array<i32>} : memref<1024xi32, #tpu.memory_space<vmem>>, vector<16xi32>,
        %scan3A_42 = arith.constant 0 : i32
        scf.yield %scan3A_42 : i32
      }
      %scan3A_33 = arith.constant 64 : i32
      "tpu.region"() ({
        %run_scoped3A = tpu.sem_alloc : memref<!tpu.dma_semaphore, #tpu.memory_space<semaphore_mem>>
        tpu.enqueue_dma source(%arg20 : memref<1024xi32, #tpu.memory_space<vmem>>) target(%arg10 : memref<1024xi32, #tpu.memory_space<hbm>>) target_semaphore(%run_scoped3A : memref<!tpu.dma_semaphore, #tpu.memory_space<semaphore_mem>>)
        tpu.wait_dma2 semaphore(%run_scoped3A : memref<!tpu.dma_semaphore, #tpu.memory_space<semaphore_mem>>) src(%arg20 : memref<1024xi32, #tpu.memory_space<vmem>>) dst(%arg10 : memref<1024xi32, #tpu.memory_space<hbm>>)
        tpu.yield
      }) : () -> ()
    } else {
    }
    %eq3A_8 = arith.constant 2 : i32
    %eq3A_9 = arith.cmpi eq, %add3A, %eq3A_8 : i32
    %convert_element_type3A_10 = arith.extui %eq3A_9 : i1 to i32
    %cond3A_11 = arith.constant 0 : i32
    %cond3A_12 = arith.cmpi ne, %convert_element_type3A_10, %cond3A_11 : i32
    scf.if %cond3A_12 {
      "tpu.region"() ({
        %run_scoped3A = tpu.sem_alloc : memref<!tpu.dma_semaphore, #tpu.memory_space<semaphore_mem>>
        tpu.enqueue_dma source(%arg7 : memref<10000xi32, #tpu.memory_space<hbm>>) target(%arg18 : memref<10000xi32, #tpu.memory_space<vmem>>) target_semaphore(%run_scoped3A : memref<!tpu.dma_semaphore, #tpu.memory_space<semaphore_mem>>)
        tpu.wait_dma2 semaphore(%run_scoped3A : memref<!tpu.dma_semaphore, #tpu.memory_space<semaphore_mem>>) src(%arg7 : memref<10000xi32, #tpu.memory_space<hbm>>) dst(%arg18 : memref<10000xi32, #tpu.memory_space<vmem>>)
        tpu.yield
      }) : () -> ()
      %scan3A_27 = arith.constant 0 : i32
      %scan3A_28 = arith.constant 0 : i32
      %scan3A_29 = arith.constant 64 : i32
      %scan3A_30 = arith.addi %scan3A_28, %scan3A_29 : i32
      %scan3A_31 = arith.constant 1 : i32
      %scan3A_32 = scf.for %scan3A_34 = %scan3A_28 to %scan3A_30 step %scan3A_31 iter_args(%scan3A_35 = %scan3A_27) -> (i32)  : i32 {
        %mul3A_36 = arith.constant 16 : i32
        %mul3A_37 = arith.muli %scan3A_34, %mul3A_36 : i32
        %get3A = arith.index_cast %mul3A_37 : i32 to index
        %get3A_38 = tpu.vector_load %arg15[%get3A] {strides = array<i32>} : memref<1024xi32, #tpu.memory_space<vmem>>, vector<16xi32>,
        %gather3A = tpu.vector_load_idx %arg18[%get3A_38] : memref<10000xi32, #tpu.memory_space<vmem>>[vector<16xi32>], vector<16xi32>,
        %mul3A_39 = arith.constant 16 : i32
        %mul3A_40 = arith.muli %scan3A_34, %mul3A_39 : i32
        %swap3A = arith.index_cast %mul3A_40 : i32 to index
        %swap3A_41 = tpu.vector_load %arg20[%swap3A] {strides = array<i32>} : memref<1024xi32, #tpu.memory_space<vmem>>, vector<16xi32>,
        tpu.vector_store %arg20[%swap3A], %gather3A {strides = array<i32>} : memref<1024xi32, #tpu.memory_space<vmem>>, vector<16xi32>,
        %scan3A_42 = arith.constant 0 : i32
        scf.yield %scan3A_42 : i32
      }
      %scan3A_33 = arith.constant 64 : i32
      "tpu.region"() ({
        %run_scoped3A = tpu.sem_alloc : memref<!tpu.dma_semaphore, #tpu.memory_space<semaphore_mem>>
        tpu.enqueue_dma source(%arg20 : memref<1024xi32, #tpu.memory_space<vmem>>) target(%arg11 : memref<1024xi32, #tpu.memory_space<hbm>>) target_semaphore(%run_scoped3A : memref<!tpu.dma_semaphore, #tpu.memory_space<semaphore_mem>>)
        tpu.wait_dma2 semaphore(%run_scoped3A : memref<!tpu.dma_semaphore, #tpu.memory_space<semaphore_mem>>) src(%arg20 : memref<1024xi32, #tpu.memory_space<vmem>>) dst(%arg11 : memref<1024xi32, #tpu.memory_space<hbm>>)
        tpu.yield
      }) : () -> ()
    } else {
    }
    %eq3A_13 = arith.constant 3 : i32
    %eq3A_14 = arith.cmpi eq, %add3A, %eq3A_13 : i32
    %convert_element_type3A_15 = arith.extui %eq3A_14 : i1 to i32
    %cond3A_16 = arith.constant 0 : i32
    %cond3A_17 = arith.cmpi ne, %convert_element_type3A_15, %cond3A_16 : i32
    scf.if %cond3A_17 {
      "tpu.region"() ({
        %run_scoped3A = tpu.sem_alloc : memref<!tpu.dma_semaphore, #tpu.memory_space<semaphore_mem>>
        tpu.enqueue_dma source(%arg8 : memref<10000xi32, #tpu.memory_space<hbm>>) target(%arg18 : memref<10000xi32, #tpu.memory_space<vmem>>) target_semaphore(%run_scoped3A : memref<!tpu.dma_semaphore, #tpu.memory_space<semaphore_mem>>)
        tpu.wait_dma2 semaphore(%run_scoped3A : memref<!tpu.dma_semaphore, #tpu.memory_space<semaphore_mem>>) src(%arg8 : memref<10000xi32, #tpu.memory_space<hbm>>) dst(%arg18 : memref<10000xi32, #tpu.memory_space<vmem>>)
        tpu.yield
      }) : () -> ()
      %scan3A_27 = arith.constant 0 : i32
      %scan3A_28 = arith.constant 0 : i32
      %scan3A_29 = arith.constant 64 : i32
      %scan3A_30 = arith.addi %scan3A_28, %scan3A_29 : i32
      %scan3A_31 = arith.constant 1 : i32
      %scan3A_32 = scf.for %scan3A_34 = %scan3A_28 to %scan3A_30 step %scan3A_31 iter_args(%scan3A_35 = %scan3A_27) -> (i32)  : i32 {
        %mul3A_36 = arith.constant 16 : i32
        %mul3A_37 = arith.muli %scan3A_34, %mul3A_36 : i32
        %get3A = arith.index_cast %mul3A_37 : i32 to index
        %get3A_38 = tpu.vector_load %arg15[%get3A] {strides = array<i32>} : memref<1024xi32, #tpu.memory_space<vmem>>, vector<16xi32>,
        %gather3A = tpu.vector_load_idx %arg18[%get3A_38] : memref<10000xi32, #tpu.memory_space<vmem>>[vector<16xi32>], vector<16xi32>,
        %mul3A_39 = arith.constant 16 : i32
        %mul3A_40 = arith.muli %scan3A_34, %mul3A_39 : i32
        %swap3A = arith.index_cast %mul3A_40 : i32 to index
        %swap3A_41 = tpu.vector_load %arg20[%swap3A] {strides = array<i32>} : memref<1024xi32, #tpu.memory_space<vmem>>, vector<16xi32>,
        tpu.vector_store %arg20[%swap3A], %gather3A {strides = array<i32>} : memref<1024xi32, #tpu.memory_space<vmem>>, vector<16xi32>,
        %scan3A_42 = arith.constant 0 : i32
        scf.yield %scan3A_42 : i32
      }
      %scan3A_33 = arith.constant 64 : i32
      "tpu.region"() ({
        %run_scoped3A = tpu.sem_alloc : memref<!tpu.dma_semaphore, #tpu.memory_space<semaphore_mem>>
        tpu.enqueue_dma source(%arg20 : memref<1024xi32, #tpu.memory_space<vmem>>) target(%arg12 : memref<1024xi32, #tpu.memory_space<hbm>>) target_semaphore(%run_scoped3A : memref<!tpu.dma_semaphore, #tpu.memory_space<semaphore_mem>>)
        tpu.wait_dma2 semaphore(%run_scoped3A : memref<!tpu.dma_semaphore, #tpu.memory_space<semaphore_mem>>) src(%arg20 : memref<1024xi32, #tpu.memory_space<vmem>>) dst(%arg12 : memref<1024xi32, #tpu.memory_space<hbm>>)
        tpu.yield
      }) : () -> ()
    } else {
    }
    %scan3A = arith.constant 0 : i32
    %scan3A_18 = arith.constant 0 : i32
    %scan3A_19 = arith.constant 7 : i32
    %scan3A_20 = arith.addi %scan3A_18, %scan3A_19 : i32
    %scan3A_21 = arith.constant 1 : i32
    %scan3A_22 = scf.for %scan3A_27 = %scan3A_18 to %scan3A_20 step %scan3A_21 iter_args(%scan3A_28 = %scan3A) -> (i32)  : i32 {
      %mul3A_29 = arith.constant 32 : i32
      %mul3A_30 = arith.muli %scan3A_27, %mul3A_29 : i32
      %add3A_31 = arith.addi %add3A, %mul3A_30 : i32
      %lt3A = arith.constant 210 : i32
      %lt3A_32 = arith.cmpi slt, %add3A_31, %lt3A : i32
      %convert_element_type3A_33 = arith.extui %lt3A_32 : i1 to i32
      %cond3A_34 = arith.constant 0 : i32
      %cond3A_35 = arith.cmpi ne, %convert_element_type3A_33, %cond3A_34 : i32
      scf.if %cond3A_35 {
        %mul3A_37 = arith.constant 16 : i32
        %mul3A_38 = arith.muli %add3A_31, %mul3A_37 : i32
        %dma_start3A = arith.constant 0 : i32
        %dma_start3A_39 = arith.constant 0 : i32
        %dma_start3A_40 = arith.constant 0 : i32
        %dma_start3A_41 = tpu.memref_slice %arg16[%dma_start3A, %dma_start3A_39, %dma_start3A_40] : memref<2x2x10112xf32, #tpu.memory_space<vmem>> -> memref<1x2x10112xf32, #tpu.memory_space<vmem>>
        %dma_start3A_42 = tpu.memref_squeeze %dma_start3A_41 : memref<1x2x10112xf32, #tpu.memory_space<vmem>> -> memref<2x10112xf32, #tpu.memory_space<vmem>>
        %dma_start3A_43 = arith.constant 0 : i32
        %dma_start3A_44 = arith.constant 0 : i32
        %dma_start3A_45 = tpu.memref_slice %arg2[%mul3A_38, %dma_start3A_43, %dma_start3A_44] : memref<3360x4x10112xf32, #tpu.memory_space<hbm>> -> memref<1x2x10112xf32, #tpu.memory_space<hbm>>
        %dma_start3A_46 = tpu.memref_squeeze %dma_start3A_45 : memref<1x2x10112xf32, #tpu.memory_space<hbm>> -> memref<2x10112xf32, #tpu.memory_space<hbm>>
        %dma_start3A_47 = arith.constant 0 : i32
        %dma_start3A_48 = arith.constant 0 : i32
        %dma_start3A_49 = tpu.memref_slice %arg16[%dma_start3A, %dma_start3A_47, %dma_start3A_48] : memref<2x2x10112xf32, #tpu.memory_space<vmem>> -> memref<1x2x10112xf32, #tpu.memory_space<vmem>>
        %dma_start3A_50 = tpu.memref_squeeze %dma_start3A_49 : memref<1x2x10112xf32, #tpu.memory_space<vmem>> -> memref<2x10112xf32, #tpu.memory_space<vmem>>
        %dma_start3A_51 = arith.constant 0 : i32
        %dma_start3A_52 = arith.constant 0 : i32
        %dma_start3A_53 = tpu.memref_slice %arg2[%mul3A_38, %dma_start3A_51, %dma_start3A_52] : memref<3360x4x10112xf32, #tpu.memory_space<hbm>> -> memref<1x2x10112xf32, #tpu.memory_space<hbm>>
        %dma_start3A_54 = tpu.memref_squeeze %dma_start3A_53 : memref<1x2x10112xf32, #tpu.memory_space<hbm>> -> memref<2x10112xf32, #tpu.memory_space<hbm>>
        tpu.enqueue_dma source(%dma_start3A_54 : memref<2x10112xf32, #tpu.memory_space<hbm>>) target(%dma_start3A_50 : memref<2x10112xf32, #tpu.memory_space<vmem>>) target_semaphore(%arg21 : memref<!tpu.dma_semaphore, #tpu.memory_space<semaphore_mem>>)
        %gt3A = arith.constant 0 : i32
        %gt3A_55 = arith.cmpi sgt, %scan3A_27, %gt3A : i32
        %convert_element_type3A_56 = arith.extui %gt3A_55 : i1 to i32
        %cond3A_57 = arith.constant 0 : i32
        %cond3A_58 = arith.cmpi ne, %convert_element_type3A_56, %cond3A_57 : i32
        scf.if %cond3A_58 {
          %dma_wait3A_70 = arith.constant 0 : i32
          %dma_wait3A_71 = tpu.memref_slice %arg9[%dma_wait3A_70] : memref<13762560xf32, #tpu.memory_space<hbm>> -> memref<65536xf32, #tpu.memory_space<hbm>>
          %dma_wait3A_72 = arith.constant 0 : i32
          %dma_wait3A_73 = tpu.memref_slice %arg9[%dma_wait3A_72] : memref<13762560xf32, #tpu.memory_space<hbm>> -> memref<65536xf32, #tpu.memory_space<hbm>>
          tpu.wait_dma2 semaphore(%arg23 : memref<!tpu.dma_semaphore, #tpu.memory_space<semaphore_mem>>) src(%arg17 : memref<65536xf32, #tpu.memory_space<vmem>>) dst(%dma_wait3A_73 : memref<65536xf32, #tpu.memory_space<hbm>>)
        } else {
        }
        %scan3A_59 = arith.constant 0 : i32
        %scan3A_60 = arith.constant 0 : i32
        %scan3A_61 = arith.constant 16 : i32
        %scan3A_62 = arith.addi %scan3A_60, %scan3A_61 : i32
        %scan3A_63 = arith.constant 1 : i32
        %scan3A_64 = scf.for %scan3A_70 = %scan3A_60 to %scan3A_62 step %scan3A_63 iter_args(%scan3A_71 = %scan3A_59) -> (i32)  : i32 {
          %mul3A_72 = arith.constant 16 : i32
          %mul3A_73 = arith.muli %add3A_31, %mul3A_72 : i32
          %add3A_74 = arith.addi %mul3A_73, %scan3A_70 : i32
          %mul3A_75 = arith.constant 4096 : i32
          %mul3A_76 = arith.muli %scan3A_70, %mul3A_75 : i32
          %dma_start3A_77 = arith.constant 1 : i32
          %dma_start3A_78 = arith.constant 0 : i32
          %dma_start3A_79 = arith.constant 0 : i32
          %dma_start3A_80 = tpu.memref_slice %arg16[%dma_start3A_77, %dma_start3A_78, %dma_start3A_79] : memref<2x2x10112xf32, #tpu.memory_space<vmem>> -> memref<1x2x10112xf32, #tpu.memory_space<vmem>>
          %dma_start3A_81 = tpu.memref_squeeze %dma_start3A_80 : memref<1x2x10112xf32, #tpu.memory_space<vmem>> -> memref<2x10112xf32, #tpu.memory_space<vmem>>
          %dma_start3A_82 = arith.constant 2 : i32
          %dma_start3A_83 = arith.constant 0 : i32
          %dma_start3A_84 = tpu.memref_slice %arg2[%add3A_74, %dma_start3A_82, %dma_start3A_83] : memref<3360x4x10112xf32, #tpu.memory_space<hbm>> -> memref<1x2x10112xf32, #tpu.memory_space<hbm>>
          %dma_start3A_85 = tpu.memref_squeeze %dma_start3A_84 : memref<1x2x10112xf32, #tpu.memory_space<hbm>> -> memref<2x10112xf32, #tpu.memory_space<hbm>>
          %dma_start3A_86 = arith.constant 0 : i32
          %dma_start3A_87 = arith.constant 0 : i32
          %dma_start3A_88 = tpu.memref_slice %arg16[%dma_start3A_77, %dma_start3A_86, %dma_start3A_87] : memref<2x2x10112xf32, #tpu.memory_space<vmem>> -> memref<1x2x10112xf32, #tpu.memory_space<vmem>>
          %dma_start3A_89 = tpu.memref_squeeze %dma_start3A_88 : memref<1x2x10112xf32, #tpu.memory_space<vmem>> -> memref<2x10112xf32, #tpu.memory_space<vmem>>
          %dma_start3A_90 = arith.constant 2 : i32
          %dma_start3A_91 = arith.constant 0 : i32
          %dma_start3A_92 = tpu.memref_slice %arg2[%add3A_74, %dma_start3A_90, %dma_start3A_91] : memref<3360x4x10112xf32, #tpu.memory_space<hbm>> -> memref<1x2x10112xf32, #tpu.memory_space<hbm>>
          %dma_start3A_93 = tpu.memref_squeeze %dma_start3A_92 : memref<1x2x10112xf32, #tpu.memory_space<hbm>> -> memref<2x10112xf32, #tpu.memory_space<hbm>>
          tpu.enqueue_dma source(%dma_start3A_93 : memref<2x10112xf32, #tpu.memory_space<hbm>>) target(%dma_start3A_89 : memref<2x10112xf32, #tpu.memory_space<vmem>>) target_semaphore(%arg22 : memref<!tpu.dma_semaphore, #tpu.memory_space<semaphore_mem>>)
          %dma_wait3A_94 = arith.constant 0 : i32
          %dma_wait3A_95 = arith.constant 0 : i32
          %dma_wait3A_96 = arith.constant 0 : i32
          %dma_wait3A_97 = tpu.memref_slice %arg16[%dma_wait3A_94, %dma_wait3A_95, %dma_wait3A_96] : memref<2x2x10112xf32, #tpu.memory_space<vmem>> -> memref<1x2x10112xf32, #tpu.memory_space<vmem>>
          %dma_wait3A_98 = tpu.memref_squeeze %dma_wait3A_97 : memref<1x2x10112xf32, #tpu.memory_space<vmem>> -> memref<2x10112xf32, #tpu.memory_space<vmem>>
          %dma_wait3A_99 = arith.constant 0 : i32
          %dma_wait3A_100 = arith.constant 0 : i32
          %dma_wait3A_101 = tpu.memref_slice %arg2[%add3A_74, %dma_wait3A_99, %dma_wait3A_100] : memref<3360x4x10112xf32, #tpu.memory_space<hbm>> -> memref<1x2x10112xf32, #tpu.memory_space<hbm>>
          %dma_wait3A_102 = tpu.memref_squeeze %dma_wait3A_101 : memref<1x2x10112xf32, #tpu.memory_space<hbm>> -> memref<2x10112xf32, #tpu.memory_space<hbm>>
          %dma_wait3A_103 = arith.constant 0 : i32
          %dma_wait3A_104 = arith.constant 0 : i32
          %dma_wait3A_105 = tpu.memref_slice %arg16[%dma_wait3A_94, %dma_wait3A_103, %dma_wait3A_104] : memref<2x2x10112xf32, #tpu.memory_space<vmem>> -> memref<1x2x10112xf32, #tpu.memory_space<vmem>>
          %dma_wait3A_106 = tpu.memref_squeeze %dma_wait3A_105 : memref<1x2x10112xf32, #tpu.memory_space<vmem>> -> memref<2x10112xf32, #tpu.memory_space<vmem>>
          %dma_wait3A_107 = arith.constant 0 : i32
          %dma_wait3A_108 = arith.constant 0 : i32
          %dma_wait3A_109 = tpu.memref_slice %arg2[%add3A_74, %dma_wait3A_107, %dma_wait3A_108] : memref<3360x4x10112xf32, #tpu.memory_space<hbm>> -> memref<1x2x10112xf32, #tpu.memory_space<hbm>>
          %dma_wait3A_110 = tpu.memref_squeeze %dma_wait3A_109 : memref<1x2x10112xf32, #tpu.memory_space<hbm>> -> memref<2x10112xf32, #tpu.memory_space<hbm>>
          tpu.wait_dma2 semaphore(%arg21 : memref<!tpu.dma_semaphore, #tpu.memory_space<semaphore_mem>>) src(%dma_wait3A_110 : memref<2x10112xf32, #tpu.memory_space<hbm>>) dst(%dma_wait3A_106 : memref<2x10112xf32, #tpu.memory_space<vmem>>)
          %broadcast_in_dim3A = arith.constant 0 : i32
          %broadcast_in_dim3A_111 = vector.broadcast %broadcast_in_dim3A : i32 to vector<16xi32>
          %broadcast_in_dim3A_112 = arith.constant 1 : i32
          %broadcast_in_dim3A_113 = vector.broadcast %broadcast_in_dim3A_112 : i32 to vector<16xi32>
          %scan3A_114 = arith.constant 0 : i32
          %scan3A_115 = arith.constant 0 : i32
          %scan3A_116 = arith.constant 64 : i32
          %scan3A_117 = arith.addi %scan3A_115, %scan3A_116 : i32
          %scan3A_118 = arith.constant 4 : i32
          %scan3A_119 = scf.for %scan3A_155 = %scan3A_115 to %scan3A_117 step %scan3A_118 iter_args(%scan3A_156 = %scan3A_114) -> (i32)  : i32 {
            %mul3A_157 = arith.constant 16 : i32
            %mul3A_158 = arith.muli %scan3A_155, %mul3A_157 : i32
            %get3A = arith.index_cast %mul3A_158 : i32 to index
            %get3A_159 = tpu.vector_load %arg15[%get3A] {strides = array<i32>} : memref<1024xi32, #tpu.memory_space<vmem>>, vector<16xi32>,
            %shift_right_arithmetic3A = arith.constant 3 : i32
            %shift_right_arithmetic3A_160 = arith.shrsi %scan3A_155, %shift_right_arithmetic3A : i32
            %mul3A_161 = arith.constant 512 : i32
            %mul3A_162 = arith.muli %shift_right_arithmetic3A_160, %mul3A_161 : i32
            %and3A = arith.constant 7 : i32
            %and3A_163 = arith.andi %scan3A_155, %and3A : i32
            %mul3A_164 = arith.constant 16 : i32
            %mul3A_165 = arith.muli %and3A_163, %mul3A_164 : i32
            %add3A_166 = arith.addi %mul3A_162, %mul3A_165 : i32
            %add3A_167 = arith.addi %mul3A_76, %add3A_166 : i32
            %add3A_168 = arith.constant 0 : i32
            %add3A_169 = arith.addi %add3A_167, %add3A_168 : i32
            %gather3A = arith.constant 0 : i32
            %gather3A_170 = arith.constant 0 : i32
            %gather3A_171 = arith.constant 0 : i32
            %gather3A_172 = tpu.memref_slice %arg16[%gather3A, %gather3A_170, %gather3A_171] : memref<2x2x10112xf32, #tpu.memory_space<vmem>> -> memref<1x2x10112xf32, #tpu.memory_space<vmem>>
            %gather3A_173 = tpu.memref_squeeze %gather3A_172 : memref<1x2x10112xf32, #tpu.memory_space<vmem>> -> memref<2x10112xf32, #tpu.memory_space<vmem>>
            %gather3A_174 = tpu.vector_load_idx %gather3A_173[%broadcast_in_dim3A_111, %get3A_159] : memref<2x10112xf32, #tpu.memory_space<vmem>>[vector<16xi32>, vector<16xi32>], vector<16xf32>,
            %swap3A = arith.index_cast %add3A_169 : i32 to index
            %swap3A_175 = tpu.vector_load %arg17[%swap3A] {strides = array<i32>} : memref<65536xf32, #tpu.memory_space<vmem>>, vector<16xf32>,
            tpu.vector_store %arg17[%swap3A], %gather3A_174 {strides = array<i32>} : memref<65536xf32, #tpu.memory_space<vmem>>, vector<16xf32>,
            %gather3A_176 = arith.constant 0 : i32
            %gather3A_177 = arith.constant 0 : i32
            %gather3A_178 = arith.constant 0 : i32
            %gather3A_179 = tpu.memref_slice %arg16[%gather3A_176, %gather3A_177, %gather3A_178] : memref<2x2x10112xf32, #tpu.memory_space<vmem>> -> memref<1x2x10112xf32, #tpu.memory_space<vmem>>
            %gather3A_180 = tpu.memref_squeeze %gather3A_179 : memref<1x2x10112xf32, #tpu.memory_space<vmem>> -> memref<2x10112xf32, #tpu.memory_space<vmem>>
            %gather3A_181 = tpu.vector_load_idx %gather3A_180[%broadcast_in_dim3A_113, %get3A_159] : memref<2x10112xf32, #tpu.memory_space<vmem>>[vector<16xi32>, vector<16xi32>], vector<16xf32>,
            %add3A_182 = arith.constant 128 : i32
            %add3A_183 = arith.addi %add3A_169, %add3A_182 : i32
            %swap3A_184 = arith.index_cast %add3A_183 : i32 to index
            %swap3A_185 = tpu.vector_load %arg17[%swap3A_184] {strides = array<i32>} : memref<65536xf32, #tpu.memory_space<vmem>>, vector<16xf32>,
            tpu.vector_store %arg17[%swap3A_184], %gather3A_181 {strides = array<i32>} : memref<65536xf32, #tpu.memory_space<vmem>>, vector<16xf32>,
            %scan3A_186 = arith.constant 0 : i32
            %scan3A_187 = arith.constant 1 : i32
            %scan3A_188 = arith.addi %scan3A_155, %scan3A_187 : i32
            %mul3A_189 = arith.constant 16 : i32
            %mul3A_190 = arith.muli %scan3A_188, %mul3A_189 : i32
            %get3A_191 = arith.index_cast %mul3A_190 : i32 to index
            %get3A_192 = tpu.vector_load %arg15[%get3A_191] {strides = array<i32>} : memref<1024xi32, #tpu.memory_space<vmem>>, vector<16xi32>,
            %shift_right_arithmetic3A_193 = arith.constant 3 : i32
            %shift_right_arithmetic3A_194 = arith.shrsi %scan3A_188, %shift_right_arithmetic3A_193 : i32
            %mul3A_195 = arith.constant 512 : i32
            %mul3A_196 = arith.muli %shift_right_arithmetic3A_194, %mul3A_195 : i32
            %and3A_197 = arith.constant 7 : i32
            %and3A_198 = arith.andi %scan3A_188, %and3A_197 : i32
            %mul3A_199 = arith.constant 16 : i32
            %mul3A_200 = arith.muli %and3A_198, %mul3A_199 : i32
            %add3A_201 = arith.addi %mul3A_196, %mul3A_200 : i32
            %add3A_202 = arith.addi %mul3A_76, %add3A_201 : i32
            %add3A_203 = arith.constant 0 : i32
            %add3A_204 = arith.addi %add3A_202, %add3A_203 : i32
            %gather3A_205 = arith.constant 0 : i32
            %gather3A_206 = arith.constant 0 : i32
            %gather3A_207 = arith.constant 0 : i32
            %gather3A_208 = tpu.memref_slice %arg16[%gather3A_205, %gather3A_206, %gather3A_207] : memref<2x2x10112xf32, #tpu.memory_space<vmem>> -> memref<1x2x10112xf32, #tpu.memory_space<vmem>>
            %gather3A_209 = tpu.memref_squeeze %gather3A_208 : memref<1x2x10112xf32, #tpu.memory_space<vmem>> -> memref<2x10112xf32, #tpu.memory_space<vmem>>
            %gather3A_210 = tpu.vector_load_idx %gather3A_209[%broadcast_in_dim3A_111, %get3A_192] : memref<2x10112xf32, #tpu.memory_space<vmem>>[vector<16xi32>, vector<16xi32>], vector<16xf32>,
            %swap3A_211 = arith.index_cast %add3A_204 : i32 to index
            %swap3A_212 = tpu.vector_load %arg17[%swap3A_211] {strides = array<i32>} : memref<65536xf32, #tpu.memory_space<vmem>>, vector<16xf32>,
            tpu.vector_store %arg17[%swap3A_211], %gather3A_210 {strides = array<i32>} : memref<65536xf32, #tpu.memory_space<vmem>>, vector<16xf32>,
            %gather3A_213 = arith.constant 0 : i32
            %gather3A_214 = arith.constant 0 : i32
            %gather3A_215 = arith.constant 0 : i32
            %gather3A_216 = tpu.memref_slice %arg16[%gather3A_213, %gather3A_214, %gather3A_215] : memref<2x2x10112xf32, #tpu.memory_space<vmem>> -> memref<1x2x10112xf32, #tpu.memory_space<vmem>>
            %gather3A_217 = tpu.memref_squeeze %gather3A_216 : memref<1x2x10112xf32, #tpu.memory_space<vmem>> -> memref<2x10112xf32, #tpu.memory_space<vmem>>
            %gather3A_218 = tpu.vector_load_idx %gather3A_217[%broadcast_in_dim3A_113, %get3A_192] : memref<2x10112xf32, #tpu.memory_space<vmem>>[vector<16xi32>, vector<16xi32>], vector<16xf32>,
            %add3A_219 = arith.constant 128 : i32
            %add3A_220 = arith.addi %add3A_204, %add3A_219 : i32
            %swap3A_221 = arith.index_cast %add3A_220 : i32 to index
            %swap3A_222 = tpu.vector_load %arg17[%swap3A_221] {strides = array<i32>} : memref<65536xf32, #tpu.memory_space<vmem>>, vector<16xf32>,
            tpu.vector_store %arg17[%swap3A_221], %gather3A_218 {strides = array<i32>} : memref<65536xf32, #tpu.memory_space<vmem>>, vector<16xf32>,
            %scan3A_223 = arith.constant 0 : i32
            %scan3A_224 = arith.constant 2 : i32
            %scan3A_225 = arith.addi %scan3A_155, %scan3A_224 : i32
            %mul3A_226 = arith.constant 16 : i32
            %mul3A_227 = arith.muli %scan3A_225, %mul3A_226 : i32
            %get3A_228 = arith.index_cast %mul3A_227 : i32 to index
            %get3A_229 = tpu.vector_load %arg15[%get3A_228] {strides = array<i32>} : memref<1024xi32, #tpu.memory_space<vmem>>, vector<16xi32>,
            %shift_right_arithmetic3A_230 = arith.constant 3 : i32
            %shift_right_arithmetic3A_231 = arith.shrsi %scan3A_225, %shift_right_arithmetic3A_230 : i32
            %mul3A_232 = arith.constant 512 : i32
            %mul3A_233 = arith.muli %shift_right_arithmetic3A_231, %mul3A_232 : i32
            %and3A_234 = arith.constant 7 : i32
            %and3A_235 = arith.andi %scan3A_225, %and3A_234 : i32
            %mul3A_236 = arith.constant 16 : i32
            %mul3A_237 = arith.muli %and3A_235, %mul3A_236 : i32
            %add3A_238 = arith.addi %mul3A_233, %mul3A_237 : i32
            %add3A_239 = arith.addi %mul3A_76, %add3A_238 : i32
            %add3A_240 = arith.constant 0 : i32
            %add3A_241 = arith.addi %add3A_239, %add3A_240 : i32
            %gather3A_242 = arith.constant 0 : i32
            %gather3A_243 = arith.constant 0 : i32
            %gather3A_244 = arith.constant 0 : i32
            %gather3A_245 = tpu.memref_slice %arg16[%gather3A_242, %gather3A_243, %gather3A_244] : memref<2x2x10112xf32, #tpu.memory_space<vmem>> -> memref<1x2x10112xf32, #tpu.memory_space<vmem>>
            %gather3A_246 = tpu.memref_squeeze %gather3A_245 : memref<1x2x10112xf32, #tpu.memory_space<vmem>> -> memref<2x10112xf32, #tpu.memory_space<vmem>>
            %gather3A_247 = tpu.vector_load_idx %gather3A_246[%broadcast_in_dim3A_111, %get3A_229] : memref<2x10112xf32, #tpu.memory_space<vmem>>[vector<16xi32>, vector<16xi32>], vector<16xf32>,
            %swap3A_248 = arith.index_cast %add3A_241 : i32 to index
            %swap3A_249 = tpu.vector_load %arg17[%swap3A_248] {strides = array<i32>} : memref<65536xf32, #tpu.memory_space<vmem>>, vector<16xf32>,
            tpu.vector_store %arg17[%swap3A_248], %gather3A_247 {strides = array<i32>} : memref<65536xf32, #tpu.memory_space<vmem>>, vector<16xf32>,
            %gather3A_250 = arith.constant 0 : i32
            %gather3A_251 = arith.constant 0 : i32
            %gather3A_252 = arith.constant 0 : i32
            %gather3A_253 = tpu.memref_slice %arg16[%gather3A_250, %gather3A_251, %gather3A_252] : memref<2x2x10112xf32, #tpu.memory_space<vmem>> -> memref<1x2x10112xf32, #tpu.memory_space<vmem>>
            %gather3A_254 = tpu.memref_squeeze %gather3A_253 : memref<1x2x10112xf32, #tpu.memory_space<vmem>> -> memref<2x10112xf32, #tpu.memory_space<vmem>>
            %gather3A_255 = tpu.vector_load_idx %gather3A_254[%broadcast_in_dim3A_113, %get3A_229] : memref<2x10112xf32, #tpu.memory_space<vmem>>[vector<16xi32>, vector<16xi32>], vector<16xf32>,
            %add3A_256 = arith.constant 128 : i32
            %add3A_257 = arith.addi %add3A_241, %add3A_256 : i32
            %swap3A_258 = arith.index_cast %add3A_257 : i32 to index
            %swap3A_259 = tpu.vector_load %arg17[%swap3A_258] {strides = array<i32>} : memref<65536xf32, #tpu.memory_space<vmem>>, vector<16xf32>,
            tpu.vector_store %arg17[%swap3A_258], %gather3A_255 {strides = array<i32>} : memref<65536xf32, #tpu.memory_space<vmem>>, vector<16xf32>,
            %scan3A_260 = arith.constant 0 : i32
            %scan3A_261 = arith.constant 3 : i32
            %scan3A_262 = arith.addi %scan3A_155, %scan3A_261 : i32
            %mul3A_263 = arith.constant 16 : i32
            %mul3A_264 = arith.muli %scan3A_262, %mul3A_263 : i32
            %get3A_265 = arith.index_cast %mul3A_264 : i32 to index
            %get3A_266 = tpu.vector_load %arg15[%get3A_265] {strides = array<i32>} : memref<1024xi32, #tpu.memory_space<vmem>>, vector<16xi32>,
            %shift_right_arithmetic3A_267 = arith.constant 3 : i32
            %shift_right_arithmetic3A_268 = arith.shrsi %scan3A_262, %shift_right_arithmetic3A_267 : i32
            %mul3A_269 = arith.constant 512 : i32
            %mul3A_270 = arith.muli %shift_right_arithmetic3A_268, %mul3A_269 : i32
            %and3A_271 = arith.constant 7 : i32
            %and3A_272 = arith.andi %scan3A_262, %and3A_271 : i32
            %mul3A_273 = arith.constant 16 : i32
            %mul3A_274 = arith.muli %and3A_272, %mul3A_273 : i32
            %add3A_275 = arith.addi %mul3A_270, %mul3A_274 : i32
            %add3A_276 = arith.addi %mul3A_76, %add3A_275 : i32
            %add3A_277 = arith.constant 0 : i32
            %add3A_278 = arith.addi %add3A_276, %add3A_277 : i32
            %gather3A_279 = arith.constant 0 : i32
            %gather3A_280 = arith.constant 0 : i32
            %gather3A_281 = arith.constant 0 : i32
            %gather3A_282 = tpu.memref_slice %arg16[%gather3A_279, %gather3A_280, %gather3A_281] : memref<2x2x10112xf32, #tpu.memory_space<vmem>> -> memref<1x2x10112xf32, #tpu.memory_space<vmem>>
            %gather3A_283 = tpu.memref_squeeze %gather3A_282 : memref<1x2x10112xf32, #tpu.memory_space<vmem>> -> memref<2x10112xf32, #tpu.memory_space<vmem>>
            %gather3A_284 = tpu.vector_load_idx %gather3A_283[%broadcast_in_dim3A_111, %get3A_266] : memref<2x10112xf32, #tpu.memory_space<vmem>>[vector<16xi32>, vector<16xi32>], vector<16xf32>,
            %swap3A_285 = arith.index_cast %add3A_278 : i32 to index
            %swap3A_286 = tpu.vector_load %arg17[%swap3A_285] {strides = array<i32>} : memref<65536xf32, #tpu.memory_space<vmem>>, vector<16xf32>,
            tpu.vector_store %arg17[%swap3A_285], %gather3A_284 {strides = array<i32>} : memref<65536xf32, #tpu.memory_space<vmem>>, vector<16xf32>,
            %gather3A_287 = arith.constant 0 : i32
            %gather3A_288 = arith.constant 0 : i32
            %gather3A_289 = arith.constant 0 : i32
            %gather3A_290 = tpu.memref_slice %arg16[%gather3A_287, %gather3A_288, %gather3A_289] : memref<2x2x10112xf32, #tpu.memory_space<vmem>> -> memref<1x2x10112xf32, #tpu.memory_space<vmem>>
            %gather3A_291 = tpu.memref_squeeze %gather3A_290 : memref<1x2x10112xf32, #tpu.memory_space<vmem>> -> memref<2x10112xf32, #tpu.memory_space<vmem>>
            %gather3A_292 = tpu.vector_load_idx %gather3A_291[%broadcast_in_dim3A_113, %get3A_266] : memref<2x10112xf32, #tpu.memory_space<vmem>>[vector<16xi32>, vector<16xi32>], vector<16xf32>,
            %add3A_293 = arith.constant 128 : i32
            %add3A_294 = arith.addi %add3A_278, %add3A_293 : i32
            %swap3A_295 = arith.index_cast %add3A_294 : i32 to index
            %swap3A_296 = tpu.vector_load %arg17[%swap3A_295] {strides = array<i32>} : memref<65536xf32, #tpu.memory_space<vmem>>, vector<16xf32>,
            tpu.vector_store %arg17[%swap3A_295], %gather3A_292 {strides = array<i32>} : memref<65536xf32, #tpu.memory_space<vmem>>, vector<16xf32>,
            %scan3A_297 = arith.constant 0 : i32
            scf.yield %scan3A_297 : i32
          }
          %scan3A_120 = arith.constant 64 : i32
          %lt3A_121 = arith.constant 15 : i32
          %lt3A_122 = arith.cmpi slt, %scan3A_70, %lt3A_121 : i32
          %convert_element_type3A_123 = arith.extui %lt3A_122 : i1 to i32
          %cond3A_124 = arith.constant 0 : i32
          %cond3A_125 = arith.cmpi ne, %convert_element_type3A_123, %cond3A_124 : i32
          scf.if %cond3A_125 {
            %add3A_155 = arith.constant 1 : i32
            %add3A_156 = arith.addi %add3A_74, %add3A_155 : i32
            %dma_start3A_157 = arith.constant 0 : i32
            %dma_start3A_158 = arith.constant 0 : i32
            %dma_start3A_159 = arith.constant 0 : i32
            %dma_start3A_160 = tpu.memref_slice %arg16[%dma_start3A_157, %dma_start3A_158, %dma_start3A_159] : memref<2x2x10112xf32, #tpu.memory_space<vmem>> -> memref<1x2x10112xf32, #tpu.memory_space<vmem>>
            %dma_start3A_161 = tpu.memref_squeeze %dma_start3A_160 : memref<1x2x10112xf32, #tpu.memory_space<vmem>> -> memref<2x10112xf32, #tpu.memory_space<vmem>>
            %dma_start3A_162 = arith.constant 0 : i32
            %dma_start3A_163 = arith.constant 0 : i32
            %dma_start3A_164 = tpu.memref_slice %arg2[%add3A_156, %dma_start3A_162, %dma_start3A_163] : memref<3360x4x10112xf32, #tpu.memory_space<hbm>> -> memref<1x2x10112xf32, #tpu.memory_space<hbm>>
            %dma_start3A_165 = tpu.memref_squeeze %dma_start3A_164 : memref<1x2x10112xf32, #tpu.memory_space<hbm>> -> memref<2x10112xf32, #tpu.memory_space<hbm>>
            %dma_start3A_166 = arith.constant 0 : i32
            %dma_start3A_167 = arith.constant 0 : i32
            %dma_start3A_168 = tpu.memref_slice %arg16[%dma_start3A_157, %dma_start3A_166, %dma_start3A_167] : memref<2x2x10112xf32, #tpu.memory_space<vmem>> -> memref<1x2x10112xf32, #tpu.memory_space<vmem>>
            %dma_start3A_169 = tpu.memref_squeeze %dma_start3A_168 : memref<1x2x10112xf32, #tpu.memory_space<vmem>> -> memref<2x10112xf32, #tpu.memory_space<vmem>>
            %dma_start3A_170 = arith.constant 0 : i32
            %dma_start3A_171 = arith.constant 0 : i32
            %dma_start3A_172 = tpu.memref_slice %arg2[%add3A_156, %dma_start3A_170, %dma_start3A_171] : memref<3360x4x10112xf32, #tpu.memory_space<hbm>> -> memref<1x2x10112xf32, #tpu.memory_space<hbm>>
            %dma_start3A_173 = tpu.memref_squeeze %dma_start3A_172 : memref<1x2x10112xf32, #tpu.memory_space<hbm>> -> memref<2x10112xf32, #tpu.memory_space<hbm>>
            tpu.enqueue_dma source(%dma_start3A_173 : memref<2x10112xf32, #tpu.memory_space<hbm>>) target(%dma_start3A_169 : memref<2x10112xf32, #tpu.memory_space<vmem>>) target_semaphore(%arg21 : memref<!tpu.dma_semaphore, #tpu.memory_space<semaphore_mem>>)
          } else {
          }
          %dma_wait3A_126 = arith.constant 1 : i32
          %dma_wait3A_127 = arith.constant 0 : i32
          %dma_wait3A_128 = arith.constant 0 : i32
          %dma_wait3A_129 = tpu.memref_slice %arg16[%dma_wait3A_126, %dma_wait3A_127, %dma_wait3A_128] : memref<2x2x10112xf32, #tpu.memory_space<vmem>> -> memref<1x2x10112xf32, #tpu.memory_space<vmem>>
          %dma_wait3A_130 = tpu.memref_squeeze %dma_wait3A_129 : memref<1x2x10112xf32, #tpu.memory_space<vmem>> -> memref<2x10112xf32, #tpu.memory_space<vmem>>
          %dma_wait3A_131 = arith.constant 2 : i32
          %dma_wait3A_132 = arith.constant 0 : i32
          %dma_wait3A_133 = tpu.memref_slice %arg2[%add3A_74, %dma_wait3A_131, %dma_wait3A_132] : memref<3360x4x10112xf32, #tpu.memory_space<hbm>> -> memref<1x2x10112xf32, #tpu.memory_space<hbm>>
          %dma_wait3A_134 = tpu.memref_squeeze %dma_wait3A_133 : memref<1x2x10112xf32, #tpu.memory_space<hbm>> -> memref<2x10112xf32, #tpu.memory_space<hbm>>
          %dma_wait3A_135 = arith.constant 0 : i32
          %dma_wait3A_136 = arith.constant 0 : i32
          %dma_wait3A_137 = tpu.memref_slice %arg16[%dma_wait3A_126, %dma_wait3A_135, %dma_wait3A_136] : memref<2x2x10112xf32, #tpu.memory_space<vmem>> -> memref<1x2x10112xf32, #tpu.memory_space<vmem>>
          %dma_wait3A_138 = tpu.memref_squeeze %dma_wait3A_137 : memref<1x2x10112xf32, #tpu.memory_space<vmem>> -> memref<2x10112xf32, #tpu.memory_space<vmem>>
          %dma_wait3A_139 = arith.constant 2 : i32
          %dma_wait3A_140 = arith.constant 0 : i32
          %dma_wait3A_141 = tpu.memref_slice %arg2[%add3A_74, %dma_wait3A_139, %dma_wait3A_140] : memref<3360x4x10112xf32, #tpu.memory_space<hbm>> -> memref<1x2x10112xf32, #tpu.memory_space<hbm>>
          %dma_wait3A_142 = tpu.memref_squeeze %dma_wait3A_141 : memref<1x2x10112xf32, #tpu.memory_space<hbm>> -> memref<2x10112xf32, #tpu.memory_space<hbm>>
          tpu.wait_dma2 semaphore(%arg22 : memref<!tpu.dma_semaphore, #tpu.memory_space<semaphore_mem>>) src(%dma_wait3A_142 : memref<2x10112xf32, #tpu.memory_space<hbm>>) dst(%dma_wait3A_138 : memref<2x10112xf32, #tpu.memory_space<vmem>>)
          %broadcast_in_dim3A_143 = arith.constant 0 : i32
          %broadcast_in_dim3A_144 = vector.broadcast %broadcast_in_dim3A_143 : i32 to vector<16xi32>
          %broadcast_in_dim3A_145 = arith.constant 1 : i32
          %broadcast_in_dim3A_146 = vector.broadcast %broadcast_in_dim3A_145 : i32 to vector<16xi32>
          %scan3A_147 = arith.constant 0 : i32
          %scan3A_148 = arith.constant 0 : i32
          %scan3A_149 = arith.constant 64 : i32
          %scan3A_150 = arith.addi %scan3A_148, %scan3A_149 : i32
          %scan3A_151 = arith.constant 4 : i32
          %scan3A_152 = scf.for %scan3A_155 = %scan3A_148 to %scan3A_150 step %scan3A_151 iter_args(%scan3A_156 = %scan3A_147) -> (i32)  : i32 {
            %mul3A_157 = arith.constant 16 : i32
            %mul3A_158 = arith.muli %scan3A_155, %mul3A_157 : i32
            %get3A = arith.index_cast %mul3A_158 : i32 to index
            %get3A_159 = tpu.vector_load %arg15[%get3A] {strides = array<i32>} : memref<1024xi32, #tpu.memory_space<vmem>>, vector<16xi32>,
            %shift_right_arithmetic3A = arith.constant 3 : i32
            %shift_right_arithmetic3A_160 = arith.shrsi %scan3A_155, %shift_right_arithmetic3A : i32
            %mul3A_161 = arith.constant 512 : i32
            %mul3A_162 = arith.muli %shift_right_arithmetic3A_160, %mul3A_161 : i32
            %and3A = arith.constant 7 : i32
            %and3A_163 = arith.andi %scan3A_155, %and3A : i32
            %mul3A_164 = arith.constant 16 : i32
            %mul3A_165 = arith.muli %and3A_163, %mul3A_164 : i32
            %add3A_166 = arith.addi %mul3A_162, %mul3A_165 : i32
            %add3A_167 = arith.addi %mul3A_76, %add3A_166 : i32
            %add3A_168 = arith.constant 256 : i32
            %add3A_169 = arith.addi %add3A_167, %add3A_168 : i32
            %gather3A = arith.constant 1 : i32
            %gather3A_170 = arith.constant 0 : i32
            %gather3A_171 = arith.constant 0 : i32
            %gather3A_172 = tpu.memref_slice %arg16[%gather3A, %gather3A_170, %gather3A_171] : memref<2x2x10112xf32, #tpu.memory_space<vmem>> -> memref<1x2x10112xf32, #tpu.memory_space<vmem>>
            %gather3A_173 = tpu.memref_squeeze %gather3A_172 : memref<1x2x10112xf32, #tpu.memory_space<vmem>> -> memref<2x10112xf32, #tpu.memory_space<vmem>>
            %gather3A_174 = tpu.vector_load_idx %gather3A_173[%broadcast_in_dim3A_144, %get3A_159] : memref<2x10112xf32, #tpu.memory_space<vmem>>[vector<16xi32>, vector<16xi32>], vector<16xf32>,
            %swap3A = arith.index_cast %add3A_169 : i32 to index
            %swap3A_175 = tpu.vector_load %arg17[%swap3A] {strides = array<i32>} : memref<65536xf32, #tpu.memory_space<vmem>>, vector<16xf32>,
            tpu.vector_store %arg17[%swap3A], %gather3A_174 {strides = array<i32>} : memref<65536xf32, #tpu.memory_space<vmem>>, vector<16xf32>,
            %gather3A_176 = arith.constant 1 : i32
            %gather3A_177 = arith.constant 0 : i32
            %gather3A_178 = arith.constant 0 : i32
            %gather3A_179 = tpu.memref_slice %arg16[%gather3A_176, %gather3A_177, %gather3A_178] : memref<2x2x10112xf32, #tpu.memory_space<vmem>> -> memref<1x2x10112xf32, #tpu.memory_space<vmem>>
            %gather3A_180 = tpu.memref_squeeze %gather3A_179 : memref<1x2x10112xf32, #tpu.memory_space<vmem>> -> memref<2x10112xf32, #tpu.memory_space<vmem>>
            %gather3A_181 = tpu.vector_load_idx %gather3A_180[%broadcast_in_dim3A_146, %get3A_159] : memref<2x10112xf32, #tpu.memory_space<vmem>>[vector<16xi32>, vector<16xi32>], vector<16xf32>,
            %add3A_182 = arith.constant 128 : i32
            %add3A_183 = arith.addi %add3A_169, %add3A_182 : i32
            %swap3A_184 = arith.index_cast %add3A_183 : i32 to index
            %swap3A_185 = tpu.vector_load %arg17[%swap3A_184] {strides = array<i32>} : memref<65536xf32, #tpu.memory_space<vmem>>, vector<16xf32>,
            tpu.vector_store %arg17[%swap3A_184], %gather3A_181 {strides = array<i32>} : memref<65536xf32, #tpu.memory_space<vmem>>, vector<16xf32>,
            %scan3A_186 = arith.constant 0 : i32
            %scan3A_187 = arith.constant 1 : i32
            %scan3A_188 = arith.addi %scan3A_155, %scan3A_187 : i32
            %mul3A_189 = arith.constant 16 : i32
            %mul3A_190 = arith.muli %scan3A_188, %mul3A_189 : i32
            %get3A_191 = arith.index_cast %mul3A_190 : i32 to index
            %get3A_192 = tpu.vector_load %arg15[%get3A_191] {strides = array<i32>} : memref<1024xi32, #tpu.memory_space<vmem>>, vector<16xi32>,
            %shift_right_arithmetic3A_193 = arith.constant 3 : i32
            %shift_right_arithmetic3A_194 = arith.shrsi %scan3A_188, %shift_right_arithmetic3A_193 : i32
            %mul3A_195 = arith.constant 512 : i32
            %mul3A_196 = arith.muli %shift_right_arithmetic3A_194, %mul3A_195 : i32
            %and3A_197 = arith.constant 7 : i32
            %and3A_198 = arith.andi %scan3A_188, %and3A_197 : i32
            %mul3A_199 = arith.constant 16 : i32
            %mul3A_200 = arith.muli %and3A_198, %mul3A_199 : i32
            %add3A_201 = arith.addi %mul3A_196, %mul3A_200 : i32
            %add3A_202 = arith.addi %mul3A_76, %add3A_201 : i32
            %add3A_203 = arith.constant 256 : i32
            %add3A_204 = arith.addi %add3A_202, %add3A_203 : i32
            %gather3A_205 = arith.constant 1 : i32
            %gather3A_206 = arith.constant 0 : i32
            %gather3A_207 = arith.constant 0 : i32
            %gather3A_208 = tpu.memref_slice %arg16[%gather3A_205, %gather3A_206, %gather3A_207] : memref<2x2x10112xf32, #tpu.memory_space<vmem>> -> memref<1x2x10112xf32, #tpu.memory_space<vmem>>
            %gather3A_209 = tpu.memref_squeeze %gather3A_208 : memref<1x2x10112xf32, #tpu.memory_space<vmem>> -> memref<2x10112xf32, #tpu.memory_space<vmem>>
            %gather3A_210 = tpu.vector_load_idx %gather3A_209[%broadcast_in_dim3A_144, %get3A_192] : memref<2x10112xf32, #tpu.memory_space<vmem>>[vector<16xi32>, vector<16xi32>], vector<16xf32>,
            %swap3A_211 = arith.index_cast %add3A_204 : i32 to index
            %swap3A_212 = tpu.vector_load %arg17[%swap3A_211] {strides = array<i32>} : memref<65536xf32, #tpu.memory_space<vmem>>, vector<16xf32>,
            tpu.vector_store %arg17[%swap3A_211], %gather3A_210 {strides = array<i32>} : memref<65536xf32, #tpu.memory_space<vmem>>, vector<16xf32>,
            %gather3A_213 = arith.constant 1 : i32
            %gather3A_214 = arith.constant 0 : i32
            %gather3A_215 = arith.constant 0 : i32
            %gather3A_216 = tpu.memref_slice %arg16[%gather3A_213, %gather3A_214, %gather3A_215] : memref<2x2x10112xf32, #tpu.memory_space<vmem>> -> memref<1x2x10112xf32, #tpu.memory_space<vmem>>
            %gather3A_217 = tpu.memref_squeeze %gather3A_216 : memref<1x2x10112xf32, #tpu.memory_space<vmem>> -> memref<2x10112xf32, #tpu.memory_space<vmem>>
            %gather3A_218 = tpu.vector_load_idx %gather3A_217[%broadcast_in_dim3A_146, %get3A_192] : memref<2x10112xf32, #tpu.memory_space<vmem>>[vector<16xi32>, vector<16xi32>], vector<16xf32>,
            %add3A_219 = arith.constant 128 : i32
            %add3A_220 = arith.addi %add3A_204, %add3A_219 : i32
            %swap3A_221 = arith.index_cast %add3A_220 : i32 to index
            %swap3A_222 = tpu.vector_load %arg17[%swap3A_221] {strides = array<i32>} : memref<65536xf32, #tpu.memory_space<vmem>>, vector<16xf32>,
            tpu.vector_store %arg17[%swap3A_221], %gather3A_218 {strides = array<i32>} : memref<65536xf32, #tpu.memory_space<vmem>>, vector<16xf32>,
            %scan3A_223 = arith.constant 0 : i32
            %scan3A_224 = arith.constant 2 : i32
            %scan3A_225 = arith.addi %scan3A_155, %scan3A_224 : i32
            %mul3A_226 = arith.constant 16 : i32
            %mul3A_227 = arith.muli %scan3A_225, %mul3A_226 : i32
            %get3A_228 = arith.index_cast %mul3A_227 : i32 to index
            %get3A_229 = tpu.vector_load %arg15[%get3A_228] {strides = array<i32>} : memref<1024xi32, #tpu.memory_space<vmem>>, vector<16xi32>,
            %shift_right_arithmetic3A_230 = arith.constant 3 : i32
            %shift_right_arithmetic3A_231 = arith.shrsi %scan3A_225, %shift_right_arithmetic3A_230 : i32
            %mul3A_232 = arith.constant 512 : i32
            %mul3A_233 = arith.muli %shift_right_arithmetic3A_231, %mul3A_232 : i32
            %and3A_234 = arith.constant 7 : i32
            %and3A_235 = arith.andi %scan3A_225, %and3A_234 : i32
            %mul3A_236 = arith.constant 16 : i32
            %mul3A_237 = arith.muli %and3A_235, %mul3A_236 : i32
            %add3A_238 = arith.addi %mul3A_233, %mul3A_237 : i32
            %add3A_239 = arith.addi %mul3A_76, %add3A_238 : i32
            %add3A_240 = arith.constant 256 : i32
            %add3A_241 = arith.addi %add3A_239, %add3A_240 : i32
            %gather3A_242 = arith.constant 1 : i32
            %gather3A_243 = arith.constant 0 : i32
            %gather3A_244 = arith.constant 0 : i32
            %gather3A_245 = tpu.memref_slice %arg16[%gather3A_242, %gather3A_243, %gather3A_244] : memref<2x2x10112xf32, #tpu.memory_space<vmem>> -> memref<1x2x10112xf32, #tpu.memory_space<vmem>>
            %gather3A_246 = tpu.memref_squeeze %gather3A_245 : memref<1x2x10112xf32, #tpu.memory_space<vmem>> -> memref<2x10112xf32, #tpu.memory_space<vmem>>
            %gather3A_247 = tpu.vector_load_idx %gather3A_246[%broadcast_in_dim3A_144, %get3A_229] : memref<2x10112xf32, #tpu.memory_space<vmem>>[vector<16xi32>, vector<16xi32>], vector<16xf32>,
            %swap3A_248 = arith.index_cast %add3A_241 : i32 to index
            %swap3A_249 = tpu.vector_load %arg17[%swap3A_248] {strides = array<i32>} : memref<65536xf32, #tpu.memory_space<vmem>>, vector<16xf32>,
            tpu.vector_store %arg17[%swap3A_248], %gather3A_247 {strides = array<i32>} : memref<65536xf32, #tpu.memory_space<vmem>>, vector<16xf32>,
            %gather3A_250 = arith.constant 1 : i32
            %gather3A_251 = arith.constant 0 : i32
            %gather3A_252 = arith.constant 0 : i32
            %gather3A_253 = tpu.memref_slice %arg16[%gather3A_250, %gather3A_251, %gather3A_252] : memref<2x2x10112xf32, #tpu.memory_space<vmem>> -> memref<1x2x10112xf32, #tpu.memory_space<vmem>>
            %gather3A_254 = tpu.memref_squeeze %gather3A_253 : memref<1x2x10112xf32, #tpu.memory_space<vmem>> -> memref<2x10112xf32, #tpu.memory_space<vmem>>
            %gather3A_255 = tpu.vector_load_idx %gather3A_254[%broadcast_in_dim3A_146, %get3A_229] : memref<2x10112xf32, #tpu.memory_space<vmem>>[vector<16xi32>, vector<16xi32>], vector<16xf32>,
            %add3A_256 = arith.constant 128 : i32
            %add3A_257 = arith.addi %add3A_241, %add3A_256 : i32
            %swap3A_258 = arith.index_cast %add3A_257 : i32 to index
            %swap3A_259 = tpu.vector_load %arg17[%swap3A_258] {strides = array<i32>} : memref<65536xf32, #tpu.memory_space<vmem>>, vector<16xf32>,
            tpu.vector_store %arg17[%swap3A_258], %gather3A_255 {strides = array<i32>} : memref<65536xf32, #tpu.memory_space<vmem>>, vector<16xf32>,
            %scan3A_260 = arith.constant 0 : i32
            %scan3A_261 = arith.constant 3 : i32
            %scan3A_262 = arith.addi %scan3A_155, %scan3A_261 : i32
            %mul3A_263 = arith.constant 16 : i32
            %mul3A_264 = arith.muli %scan3A_262, %mul3A_263 : i32
            %get3A_265 = arith.index_cast %mul3A_264 : i32 to index
            %get3A_266 = tpu.vector_load %arg15[%get3A_265] {strides = array<i32>} : memref<1024xi32, #tpu.memory_space<vmem>>, vector<16xi32>,
            %shift_right_arithmetic3A_267 = arith.constant 3 : i32
            %shift_right_arithmetic3A_268 = arith.shrsi %scan3A_262, %shift_right_arithmetic3A_267 : i32
            %mul3A_269 = arith.constant 512 : i32
            %mul3A_270 = arith.muli %shift_right_arithmetic3A_268, %mul3A_269 : i32
            %and3A_271 = arith.constant 7 : i32
            %and3A_272 = arith.andi %scan3A_262, %and3A_271 : i32
            %mul3A_273 = arith.constant 16 : i32
            %mul3A_274 = arith.muli %and3A_272, %mul3A_273 : i32
            %add3A_275 = arith.addi %mul3A_270, %mul3A_274 : i32
            %add3A_276 = arith.addi %mul3A_76, %add3A_275 : i32
            %add3A_277 = arith.constant 256 : i32
            %add3A_278 = arith.addi %add3A_276, %add3A_277 : i32
            %gather3A_279 = arith.constant 1 : i32
            %gather3A_280 = arith.constant 0 : i32
            %gather3A_281 = arith.constant 0 : i32
            %gather3A_282 = tpu.memref_slice %arg16[%gather3A_279, %gather3A_280, %gather3A_281] : memref<2x2x10112xf32, #tpu.memory_space<vmem>> -> memref<1x2x10112xf32, #tpu.memory_space<vmem>>
            %gather3A_283 = tpu.memref_squeeze %gather3A_282 : memref<1x2x10112xf32, #tpu.memory_space<vmem>> -> memref<2x10112xf32, #tpu.memory_space<vmem>>
            %gather3A_284 = tpu.vector_load_idx %gather3A_283[%broadcast_in_dim3A_144, %get3A_266] : memref<2x10112xf32, #tpu.memory_space<vmem>>[vector<16xi32>, vector<16xi32>], vector<16xf32>,
            %swap3A_285 = arith.index_cast %add3A_278 : i32 to index
            %swap3A_286 = tpu.vector_load %arg17[%swap3A_285] {strides = array<i32>} : memref<65536xf32, #tpu.memory_space<vmem>>, vector<16xf32>,
            tpu.vector_store %arg17[%swap3A_285], %gather3A_284 {strides = array<i32>} : memref<65536xf32, #tpu.memory_space<vmem>>, vector<16xf32>,
            %gather3A_287 = arith.constant 1 : i32
            %gather3A_288 = arith.constant 0 : i32
            %gather3A_289 = arith.constant 0 : i32
            %gather3A_290 = tpu.memref_slice %arg16[%gather3A_287, %gather3A_288, %gather3A_289] : memref<2x2x10112xf32, #tpu.memory_space<vmem>> -> memref<1x2x10112xf32, #tpu.memory_space<vmem>>
            %gather3A_291 = tpu.memref_squeeze %gather3A_290 : memref<1x2x10112xf32, #tpu.memory_space<vmem>> -> memref<2x10112xf32, #tpu.memory_space<vmem>>
            %gather3A_292 = tpu.vector_load_idx %gather3A_291[%broadcast_in_dim3A_146, %get3A_266] : memref<2x10112xf32, #tpu.memory_space<vmem>>[vector<16xi32>, vector<16xi32>], vector<16xf32>,
            %add3A_293 = arith.constant 128 : i32
            %add3A_294 = arith.addi %add3A_278, %add3A_293 : i32
            %swap3A_295 = arith.index_cast %add3A_294 : i32 to index
            %swap3A_296 = tpu.vector_load %arg17[%swap3A_295] {strides = array<i32>} : memref<65536xf32, #tpu.memory_space<vmem>>, vector<16xf32>,
            tpu.vector_store %arg17[%swap3A_295], %gather3A_292 {strides = array<i32>} : memref<65536xf32, #tpu.memory_space<vmem>>, vector<16xf32>,
            %scan3A_297 = arith.constant 0 : i32
            scf.yield %scan3A_297 : i32
          }
          %scan3A_153 = arith.constant 64 : i32
          %scan3A_154 = arith.constant 0 : i32
          scf.yield %scan3A_154 : i32
        }
        %scan3A_65 = arith.constant 16 : i32
        %mul3A_66 = arith.constant 65536 : i32
        %mul3A_67 = arith.muli %add3A_31, %mul3A_66 : i32
        %dma_start3A_68 = tpu.memref_slice %arg9[%mul3A_67] : memref<13762560xf32, #tpu.memory_space<hbm>> -> memref<65536xf32, #tpu.memory_space<hbm>>
        %dma_start3A_69 = tpu.memref_slice %arg9[%mul3A_67] : memref<13762560xf32, #tpu.memory_space<hbm>> -> memref<65536xf32, #tpu.memory_space<hbm>>
        tpu.enqueue_dma source(%arg17 : memref<65536xf32, #tpu.memory_space<vmem>>) target(%dma_start3A_69 : memref<65536xf32, #tpu.memory_space<hbm>>) target_semaphore(%arg23 : memref<!tpu.dma_semaphore, #tpu.memory_space<semaphore_mem>>)
      } else {
      }
      %scan3A_36 = arith.constant 0 : i32
      scf.yield %scan3A_36 : i32
    }
    %scan3A_23 = arith.constant 7 : i32
    %dma_wait3A = arith.constant 0 : i32
    %dma_wait3A_24 = tpu.memref_slice %arg9[%dma_wait3A] : memref<13762560xf32, #tpu.memory_space<hbm>> -> memref<65536xf32, #tpu.memory_space<hbm>>
    %dma_wait3A_25 = arith.constant 0 : i32
    %dma_wait3A_26 = tpu.memref_slice %arg9[%dma_wait3A_25] : memref<13762560xf32, #tpu.memory_space<hbm>> -> memref<65536xf32, #tpu.memory_space<hbm>>
    tpu.wait_dma2 semaphore(%arg23 : memref<!tpu.dma_semaphore, #tpu.memory_space<semaphore_mem>>) src(%arg17 : memref<65536xf32, #tpu.memory_space<vmem>>) dst(%dma_wait3A_26 : memref<65536xf32, #tpu.memory_space<hbm>>)
    return
  }
}

#map = affine_map<(d0, d1) -> (0, 0, 0)>
#map1 = affine_map<(d0, d1) -> (0)>
module attributes {stable_mosaic.version = 14 : i64} {
  func.func @_body1(%arg0: i32, %arg1: i32, %arg2: memref<3360x4x10112xf32, #tpu.memory_space<hbm>>, %arg3: memref<1024xi32, #tpu.memory_space<hbm>>, %arg4: memref<13762560xf32, #tpu.memory_space<hbm>>, %arg5: memref<1024xi32, #tpu.memory_space<vmem>>, %arg6: memref<2x2x10112xf32, #tpu.memory_space<vmem>>, %arg7: memref<65536xf32, #tpu.memory_space<vmem>>, %arg8: memref<!tpu.dma_semaphore, #tpu.memory_space<semaphore_mem>>, %arg9: memref<!tpu.dma_semaphore, #tpu.memory_space<semaphore_mem>>, %arg10: memref<!tpu.dma_semaphore, #tpu.memory_space<semaphore_mem>>) attributes {dimension_semantics = [#tpu.dimension_semantics<core_parallel>, #tpu.dimension_semantics<subcore_parallel>], iteration_bounds = array<i64: 2, 16>, scalar_prefetch = 0 : i64, scratch_operands = 6 : i64, tpu.core_type = #tpu.core_type<sc_vector_subcore>, window_params = [{transform_indices = #map}, {transform_indices = #map1}, {transform_indices = #map1}]} {
    %mul3A = arith.constant 2 : i32
    %mul3A_0 = arith.muli %arg1, %mul3A : i32
    %add3A = arith.addi %mul3A_0, %arg0 : i32
    "tpu.region"() ({
      %run_scoped3A = tpu.sem_alloc : memref<!tpu.dma_semaphore, #tpu.memory_space<semaphore_mem>>
      tpu.enqueue_dma source(%arg3 : memref<1024xi32, #tpu.memory_space<hbm>>) target(%arg5 : memref<1024xi32, #tpu.memory_space<vmem>>) target_semaphore(%run_scoped3A : memref<!tpu.dma_semaphore, #tpu.memory_space<semaphore_mem>>)
      tpu.wait_dma2 semaphore(%run_scoped3A : memref<!tpu.dma_semaphore, #tpu.memory_space<semaphore_mem>>) src(%arg3 : memref<1024xi32, #tpu.memory_space<hbm>>) dst(%arg5 : memref<1024xi32, #tpu.memory_space<vmem>>)
      tpu.yield
    }) : () -> ()
    %scan3A = arith.constant 0 : i32
    %scan3A_1 = arith.constant 0 : i32
    %scan3A_2 = arith.constant 7 : i32
    %scan3A_3 = arith.addi %scan3A_1, %scan3A_2 : i32
    %scan3A_4 = arith.constant 1 : i32
    %scan3A_5 = scf.for %scan3A_10 = %scan3A_1 to %scan3A_3 step %scan3A_4 iter_args(%scan3A_11 = %scan3A) -> (i32)  : i32 {
      %mul3A_12 = arith.constant 32 : i32
      %mul3A_13 = arith.muli %scan3A_10, %mul3A_12 : i32
      %add3A_14 = arith.addi %add3A, %mul3A_13 : i32
      %lt3A = arith.constant 210 : i32
      %lt3A_15 = arith.cmpi slt, %add3A_14, %lt3A : i32
      %convert_element_type3A = arith.extui %lt3A_15 : i1 to i32
      %cond3A = arith.constant 0 : i32
      %cond3A_16 = arith.cmpi ne, %convert_element_type3A, %cond3A : i32
      scf.if %cond3A_16 {
        %mul3A_18 = arith.constant 16 : i32
        %mul3A_19 = arith.muli %add3A_14, %mul3A_18 : i32
        %dma_start3A = arith.constant 0 : i32
        %dma_start3A_20 = arith.constant 0 : i32
        %dma_start3A_21 = arith.constant 0 : i32
        %dma_start3A_22 = tpu.memref_slice %arg6[%dma_start3A, %dma_start3A_20, %dma_start3A_21] : memref<2x2x10112xf32, #tpu.memory_space<vmem>> -> memref<1x2x10112xf32, #tpu.memory_space<vmem>>
        %dma_start3A_23 = tpu.memref_squeeze %dma_start3A_22 : memref<1x2x10112xf32, #tpu.memory_space<vmem>> -> memref<2x10112xf32, #tpu.memory_space<vmem>>
        %dma_start3A_24 = arith.constant 0 : i32
        %dma_start3A_25 = arith.constant 0 : i32
        %dma_start3A_26 = tpu.memref_slice %arg2[%mul3A_19, %dma_start3A_24, %dma_start3A_25] : memref<3360x4x10112xf32, #tpu.memory_space<hbm>> -> memref<1x2x10112xf32, #tpu.memory_space<hbm>>
        %dma_start3A_27 = tpu.memref_squeeze %dma_start3A_26 : memref<1x2x10112xf32, #tpu.memory_space<hbm>> -> memref<2x10112xf32, #tpu.memory_space<hbm>>
        %dma_start3A_28 = arith.constant 0 : i32
        %dma_start3A_29 = arith.constant 0 : i32
        %dma_start3A_30 = tpu.memref_slice %arg6[%dma_start3A, %dma_start3A_28, %dma_start3A_29] : memref<2x2x10112xf32, #tpu.memory_space<vmem>> -> memref<1x2x10112xf32, #tpu.memory_space<vmem>>
        %dma_start3A_31 = tpu.memref_squeeze %dma_start3A_30 : memref<1x2x10112xf32, #tpu.memory_space<vmem>> -> memref<2x10112xf32, #tpu.memory_space<vmem>>
        %dma_start3A_32 = arith.constant 0 : i32
        %dma_start3A_33 = arith.constant 0 : i32
        %dma_start3A_34 = tpu.memref_slice %arg2[%mul3A_19, %dma_start3A_32, %dma_start3A_33] : memref<3360x4x10112xf32, #tpu.memory_space<hbm>> -> memref<1x2x10112xf32, #tpu.memory_space<hbm>>
        %dma_start3A_35 = tpu.memref_squeeze %dma_start3A_34 : memref<1x2x10112xf32, #tpu.memory_space<hbm>> -> memref<2x10112xf32, #tpu.memory_space<hbm>>
        tpu.enqueue_dma source(%dma_start3A_35 : memref<2x10112xf32, #tpu.memory_space<hbm>>) target(%dma_start3A_31 : memref<2x10112xf32, #tpu.memory_space<vmem>>) target_semaphore(%arg8 : memref<!tpu.dma_semaphore, #tpu.memory_space<semaphore_mem>>)
        %gt3A = arith.constant 0 : i32
        %gt3A_36 = arith.cmpi sgt, %scan3A_10, %gt3A : i32
        %convert_element_type3A_37 = arith.extui %gt3A_36 : i1 to i32
        %cond3A_38 = arith.constant 0 : i32
        %cond3A_39 = arith.cmpi ne, %convert_element_type3A_37, %cond3A_38 : i32
        scf.if %cond3A_39 {
          %dma_wait3A_51 = arith.constant 0 : i32
          %dma_wait3A_52 = tpu.memref_slice %arg4[%dma_wait3A_51] : memref<13762560xf32, #tpu.memory_space<hbm>> -> memref<65536xf32, #tpu.memory_space<hbm>>
          %dma_wait3A_53 = arith.constant 0 : i32
          %dma_wait3A_54 = tpu.memref_slice %arg4[%dma_wait3A_53] : memref<13762560xf32, #tpu.memory_space<hbm>> -> memref<65536xf32, #tpu.memory_space<hbm>>
          tpu.wait_dma2 semaphore(%arg10 : memref<!tpu.dma_semaphore, #tpu.memory_space<semaphore_mem>>) src(%arg7 : memref<65536xf32, #tpu.memory_space<vmem>>) dst(%dma_wait3A_54 : memref<65536xf32, #tpu.memory_space<hbm>>)
        } else {
        }
        %scan3A_40 = arith.constant 0 : i32
        %scan3A_41 = arith.constant 0 : i32
        %scan3A_42 = arith.constant 16 : i32
        %scan3A_43 = arith.addi %scan3A_41, %scan3A_42 : i32
        %scan3A_44 = arith.constant 1 : i32
        %scan3A_45 = scf.for %scan3A_51 = %scan3A_41 to %scan3A_43 step %scan3A_44 iter_args(%scan3A_52 = %scan3A_40) -> (i32)  : i32 {
          %mul3A_53 = arith.constant 16 : i32
          %mul3A_54 = arith.muli %add3A_14, %mul3A_53 : i32
          %add3A_55 = arith.addi %mul3A_54, %scan3A_51 : i32
          %mul3A_56 = arith.constant 4096 : i32
          %mul3A_57 = arith.muli %scan3A_51, %mul3A_56 : i32
          %dma_start3A_58 = arith.constant 1 : i32
          %dma_start3A_59 = arith.constant 0 : i32
          %dma_start3A_60 = arith.constant 0 : i32
          %dma_start3A_61 = tpu.memref_slice %arg6[%dma_start3A_58, %dma_start3A_59, %dma_start3A_60] : memref<2x2x10112xf32, #tpu.memory_space<vmem>> -> memref<1x2x10112xf32, #tpu.memory_space<vmem>>
          %dma_start3A_62 = tpu.memref_squeeze %dma_start3A_61 : memref<1x2x10112xf32, #tpu.memory_space<vmem>> -> memref<2x10112xf32, #tpu.memory_space<vmem>>
          %dma_start3A_63 = arith.constant 2 : i32
          %dma_start3A_64 = arith.constant 0 : i32
          %dma_start3A_65 = tpu.memref_slice %arg2[%add3A_55, %dma_start3A_63, %dma_start3A_64] : memref<3360x4x10112xf32, #tpu.memory_space<hbm>> -> memref<1x2x10112xf32, #tpu.memory_space<hbm>>
          %dma_start3A_66 = tpu.memref_squeeze %dma_start3A_65 : memref<1x2x10112xf32, #tpu.memory_space<hbm>> -> memref<2x10112xf32, #tpu.memory_space<hbm>>
          %dma_start3A_67 = arith.constant 0 : i32
          %dma_start3A_68 = arith.constant 0 : i32
          %dma_start3A_69 = tpu.memref_slice %arg6[%dma_start3A_58, %dma_start3A_67, %dma_start3A_68] : memref<2x2x10112xf32, #tpu.memory_space<vmem>> -> memref<1x2x10112xf32, #tpu.memory_space<vmem>>
          %dma_start3A_70 = tpu.memref_squeeze %dma_start3A_69 : memref<1x2x10112xf32, #tpu.memory_space<vmem>> -> memref<2x10112xf32, #tpu.memory_space<vmem>>
          %dma_start3A_71 = arith.constant 2 : i32
          %dma_start3A_72 = arith.constant 0 : i32
          %dma_start3A_73 = tpu.memref_slice %arg2[%add3A_55, %dma_start3A_71, %dma_start3A_72] : memref<3360x4x10112xf32, #tpu.memory_space<hbm>> -> memref<1x2x10112xf32, #tpu.memory_space<hbm>>
          %dma_start3A_74 = tpu.memref_squeeze %dma_start3A_73 : memref<1x2x10112xf32, #tpu.memory_space<hbm>> -> memref<2x10112xf32, #tpu.memory_space<hbm>>
          tpu.enqueue_dma source(%dma_start3A_74 : memref<2x10112xf32, #tpu.memory_space<hbm>>) target(%dma_start3A_70 : memref<2x10112xf32, #tpu.memory_space<vmem>>) target_semaphore(%arg9 : memref<!tpu.dma_semaphore, #tpu.memory_space<semaphore_mem>>)
          %dma_wait3A_75 = arith.constant 0 : i32
          %dma_wait3A_76 = arith.constant 0 : i32
          %dma_wait3A_77 = arith.constant 0 : i32
          %dma_wait3A_78 = tpu.memref_slice %arg6[%dma_wait3A_75, %dma_wait3A_76, %dma_wait3A_77] : memref<2x2x10112xf32, #tpu.memory_space<vmem>> -> memref<1x2x10112xf32, #tpu.memory_space<vmem>>
          %dma_wait3A_79 = tpu.memref_squeeze %dma_wait3A_78 : memref<1x2x10112xf32, #tpu.memory_space<vmem>> -> memref<2x10112xf32, #tpu.memory_space<vmem>>
          %dma_wait3A_80 = arith.constant 0 : i32
          %dma_wait3A_81 = arith.constant 0 : i32
          %dma_wait3A_82 = tpu.memref_slice %arg2[%add3A_55, %dma_wait3A_80, %dma_wait3A_81] : memref<3360x4x10112xf32, #tpu.memory_space<hbm>> -> memref<1x2x10112xf32, #tpu.memory_space<hbm>>
          %dma_wait3A_83 = tpu.memref_squeeze %dma_wait3A_82 : memref<1x2x10112xf32, #tpu.memory_space<hbm>> -> memref<2x10112xf32, #tpu.memory_space<hbm>>
          %dma_wait3A_84 = arith.constant 0 : i32
          %dma_wait3A_85 = arith.constant 0 : i32
          %dma_wait3A_86 = tpu.memref_slice %arg6[%dma_wait3A_75, %dma_wait3A_84, %dma_wait3A_85] : memref<2x2x10112xf32, #tpu.memory_space<vmem>> -> memref<1x2x10112xf32, #tpu.memory_space<vmem>>
          %dma_wait3A_87 = tpu.memref_squeeze %dma_wait3A_86 : memref<1x2x10112xf32, #tpu.memory_space<vmem>> -> memref<2x10112xf32, #tpu.memory_space<vmem>>
          %dma_wait3A_88 = arith.constant 0 : i32
          %dma_wait3A_89 = arith.constant 0 : i32
          %dma_wait3A_90 = tpu.memref_slice %arg2[%add3A_55, %dma_wait3A_88, %dma_wait3A_89] : memref<3360x4x10112xf32, #tpu.memory_space<hbm>> -> memref<1x2x10112xf32, #tpu.memory_space<hbm>>
          %dma_wait3A_91 = tpu.memref_squeeze %dma_wait3A_90 : memref<1x2x10112xf32, #tpu.memory_space<hbm>> -> memref<2x10112xf32, #tpu.memory_space<hbm>>
          tpu.wait_dma2 semaphore(%arg8 : memref<!tpu.dma_semaphore, #tpu.memory_space<semaphore_mem>>) src(%dma_wait3A_91 : memref<2x10112xf32, #tpu.memory_space<hbm>>) dst(%dma_wait3A_87 : memref<2x10112xf32, #tpu.memory_space<vmem>>)
          %broadcast_in_dim3A = arith.constant 0 : i32
          %broadcast_in_dim3A_92 = vector.broadcast %broadcast_in_dim3A : i32 to vector<16xi32>
          %broadcast_in_dim3A_93 = arith.constant 1 : i32
          %broadcast_in_dim3A_94 = vector.broadcast %broadcast_in_dim3A_93 : i32 to vector<16xi32>
          %scan3A_95 = arith.constant 0 : i32
          %scan3A_96 = arith.constant 0 : i32
          %scan3A_97 = arith.constant 64 : i32
          %scan3A_98 = arith.addi %scan3A_96, %scan3A_97 : i32
          %scan3A_99 = arith.constant 4 : i32
          %scan3A_100 = scf.for %scan3A_136 = %scan3A_96 to %scan3A_98 step %scan3A_99 iter_args(%scan3A_137 = %scan3A_95) -> (i32)  : i32 {
            %mul3A_138 = arith.constant 16 : i32
            %mul3A_139 = arith.muli %scan3A_136, %mul3A_138 : i32
            %get3A = arith.index_cast %mul3A_139 : i32 to index
            %get3A_140 = tpu.vector_load %arg5[%get3A] {strides = array<i32>} : memref<1024xi32, #tpu.memory_space<vmem>>, vector<16xi32>,
            %shift_right_arithmetic3A = arith.constant 3 : i32
            %shift_right_arithmetic3A_141 = arith.shrsi %scan3A_136, %shift_right_arithmetic3A : i32
            %mul3A_142 = arith.constant 512 : i32
            %mul3A_143 = arith.muli %shift_right_arithmetic3A_141, %mul3A_142 : i32
            %and3A = arith.constant 7 : i32
            %and3A_144 = arith.andi %scan3A_136, %and3A : i32
            %mul3A_145 = arith.constant 16 : i32
            %mul3A_146 = arith.muli %and3A_144, %mul3A_145 : i32
            %add3A_147 = arith.addi %mul3A_143, %mul3A_146 : i32
            %add3A_148 = arith.addi %mul3A_57, %add3A_147 : i32
            %add3A_149 = arith.constant 0 : i32
            %add3A_150 = arith.addi %add3A_148, %add3A_149 : i32
            %gather3A = arith.constant 0 : i32
            %gather3A_151 = arith.constant 0 : i32
            %gather3A_152 = arith.constant 0 : i32
            %gather3A_153 = tpu.memref_slice %arg6[%gather3A, %gather3A_151, %gather3A_152] : memref<2x2x10112xf32, #tpu.memory_space<vmem>> -> memref<1x2x10112xf32, #tpu.memory_space<vmem>>
            %gather3A_154 = tpu.memref_squeeze %gather3A_153 : memref<1x2x10112xf32, #tpu.memory_space<vmem>> -> memref<2x10112xf32, #tpu.memory_space<vmem>>
            %gather3A_155 = tpu.vector_load_idx %gather3A_154[%broadcast_in_dim3A_92, %get3A_140] : memref<2x10112xf32, #tpu.memory_space<vmem>>[vector<16xi32>, vector<16xi32>], vector<16xf32>,
            %swap3A = arith.index_cast %add3A_150 : i32 to index
            %swap3A_156 = tpu.vector_load %arg7[%swap3A] {strides = array<i32>} : memref<65536xf32, #tpu.memory_space<vmem>>, vector<16xf32>,
            tpu.vector_store %arg7[%swap3A], %gather3A_155 {strides = array<i32>} : memref<65536xf32, #tpu.memory_space<vmem>>, vector<16xf32>,
            %gather3A_157 = arith.constant 0 : i32
            %gather3A_158 = arith.constant 0 : i32
            %gather3A_159 = arith.constant 0 : i32
            %gather3A_160 = tpu.memref_slice %arg6[%gather3A_157, %gather3A_158, %gather3A_159] : memref<2x2x10112xf32, #tpu.memory_space<vmem>> -> memref<1x2x10112xf32, #tpu.memory_space<vmem>>
            %gather3A_161 = tpu.memref_squeeze %gather3A_160 : memref<1x2x10112xf32, #tpu.memory_space<vmem>> -> memref<2x10112xf32, #tpu.memory_space<vmem>>
            %gather3A_162 = tpu.vector_load_idx %gather3A_161[%broadcast_in_dim3A_94, %get3A_140] : memref<2x10112xf32, #tpu.memory_space<vmem>>[vector<16xi32>, vector<16xi32>], vector<16xf32>,
            %add3A_163 = arith.constant 128 : i32
            %add3A_164 = arith.addi %add3A_150, %add3A_163 : i32
            %swap3A_165 = arith.index_cast %add3A_164 : i32 to index
            %swap3A_166 = tpu.vector_load %arg7[%swap3A_165] {strides = array<i32>} : memref<65536xf32, #tpu.memory_space<vmem>>, vector<16xf32>,
            tpu.vector_store %arg7[%swap3A_165], %gather3A_162 {strides = array<i32>} : memref<65536xf32, #tpu.memory_space<vmem>>, vector<16xf32>,
            %scan3A_167 = arith.constant 0 : i32
            %scan3A_168 = arith.constant 1 : i32
            %scan3A_169 = arith.addi %scan3A_136, %scan3A_168 : i32
            %mul3A_170 = arith.constant 16 : i32
            %mul3A_171 = arith.muli %scan3A_169, %mul3A_170 : i32
            %get3A_172 = arith.index_cast %mul3A_171 : i32 to index
            %get3A_173 = tpu.vector_load %arg5[%get3A_172] {strides = array<i32>} : memref<1024xi32, #tpu.memory_space<vmem>>, vector<16xi32>,
            %shift_right_arithmetic3A_174 = arith.constant 3 : i32
            %shift_right_arithmetic3A_175 = arith.shrsi %scan3A_169, %shift_right_arithmetic3A_174 : i32
            %mul3A_176 = arith.constant 512 : i32
            %mul3A_177 = arith.muli %shift_right_arithmetic3A_175, %mul3A_176 : i32
            %and3A_178 = arith.constant 7 : i32
            %and3A_179 = arith.andi %scan3A_169, %and3A_178 : i32
            %mul3A_180 = arith.constant 16 : i32
            %mul3A_181 = arith.muli %and3A_179, %mul3A_180 : i32
            %add3A_182 = arith.addi %mul3A_177, %mul3A_181 : i32
            %add3A_183 = arith.addi %mul3A_57, %add3A_182 : i32
            %add3A_184 = arith.constant 0 : i32
            %add3A_185 = arith.addi %add3A_183, %add3A_184 : i32
            %gather3A_186 = arith.constant 0 : i32
            %gather3A_187 = arith.constant 0 : i32
            %gather3A_188 = arith.constant 0 : i32
            %gather3A_189 = tpu.memref_slice %arg6[%gather3A_186, %gather3A_187, %gather3A_188] : memref<2x2x10112xf32, #tpu.memory_space<vmem>> -> memref<1x2x10112xf32, #tpu.memory_space<vmem>>
            %gather3A_190 = tpu.memref_squeeze %gather3A_189 : memref<1x2x10112xf32, #tpu.memory_space<vmem>> -> memref<2x10112xf32, #tpu.memory_space<vmem>>
            %gather3A_191 = tpu.vector_load_idx %gather3A_190[%broadcast_in_dim3A_92, %get3A_173] : memref<2x10112xf32, #tpu.memory_space<vmem>>[vector<16xi32>, vector<16xi32>], vector<16xf32>,
            %swap3A_192 = arith.index_cast %add3A_185 : i32 to index
            %swap3A_193 = tpu.vector_load %arg7[%swap3A_192] {strides = array<i32>} : memref<65536xf32, #tpu.memory_space<vmem>>, vector<16xf32>,
            tpu.vector_store %arg7[%swap3A_192], %gather3A_191 {strides = array<i32>} : memref<65536xf32, #tpu.memory_space<vmem>>, vector<16xf32>,
            %gather3A_194 = arith.constant 0 : i32
            %gather3A_195 = arith.constant 0 : i32
            %gather3A_196 = arith.constant 0 : i32
            %gather3A_197 = tpu.memref_slice %arg6[%gather3A_194, %gather3A_195, %gather3A_196] : memref<2x2x10112xf32, #tpu.memory_space<vmem>> -> memref<1x2x10112xf32, #tpu.memory_space<vmem>>
            %gather3A_198 = tpu.memref_squeeze %gather3A_197 : memref<1x2x10112xf32, #tpu.memory_space<vmem>> -> memref<2x10112xf32, #tpu.memory_space<vmem>>
            %gather3A_199 = tpu.vector_load_idx %gather3A_198[%broadcast_in_dim3A_94, %get3A_173] : memref<2x10112xf32, #tpu.memory_space<vmem>>[vector<16xi32>, vector<16xi32>], vector<16xf32>,
            %add3A_200 = arith.constant 128 : i32
            %add3A_201 = arith.addi %add3A_185, %add3A_200 : i32
            %swap3A_202 = arith.index_cast %add3A_201 : i32 to index
            %swap3A_203 = tpu.vector_load %arg7[%swap3A_202] {strides = array<i32>} : memref<65536xf32, #tpu.memory_space<vmem>>, vector<16xf32>,
            tpu.vector_store %arg7[%swap3A_202], %gather3A_199 {strides = array<i32>} : memref<65536xf32, #tpu.memory_space<vmem>>, vector<16xf32>,
            %scan3A_204 = arith.constant 0 : i32
            %scan3A_205 = arith.constant 2 : i32
            %scan3A_206 = arith.addi %scan3A_136, %scan3A_205 : i32
            %mul3A_207 = arith.constant 16 : i32
            %mul3A_208 = arith.muli %scan3A_206, %mul3A_207 : i32
            %get3A_209 = arith.index_cast %mul3A_208 : i32 to index
            %get3A_210 = tpu.vector_load %arg5[%get3A_209] {strides = array<i32>} : memref<1024xi32, #tpu.memory_space<vmem>>, vector<16xi32>,
            %shift_right_arithmetic3A_211 = arith.constant 3 : i32
            %shift_right_arithmetic3A_212 = arith.shrsi %scan3A_206, %shift_right_arithmetic3A_211 : i32
            %mul3A_213 = arith.constant 512 : i32
            %mul3A_214 = arith.muli %shift_right_arithmetic3A_212, %mul3A_213 : i32
            %and3A_215 = arith.constant 7 : i32
            %and3A_216 = arith.andi %scan3A_206, %and3A_215 : i32
            %mul3A_217 = arith.constant 16 : i32
            %mul3A_218 = arith.muli %and3A_216, %mul3A_217 : i32
            %add3A_219 = arith.addi %mul3A_214, %mul3A_218 : i32
            %add3A_220 = arith.addi %mul3A_57, %add3A_219 : i32
            %add3A_221 = arith.constant 0 : i32
            %add3A_222 = arith.addi %add3A_220, %add3A_221 : i32
            %gather3A_223 = arith.constant 0 : i32
            %gather3A_224 = arith.constant 0 : i32
            %gather3A_225 = arith.constant 0 : i32
            %gather3A_226 = tpu.memref_slice %arg6[%gather3A_223, %gather3A_224, %gather3A_225] : memref<2x2x10112xf32, #tpu.memory_space<vmem>> -> memref<1x2x10112xf32, #tpu.memory_space<vmem>>
            %gather3A_227 = tpu.memref_squeeze %gather3A_226 : memref<1x2x10112xf32, #tpu.memory_space<vmem>> -> memref<2x10112xf32, #tpu.memory_space<vmem>>
            %gather3A_228 = tpu.vector_load_idx %gather3A_227[%broadcast_in_dim3A_92, %get3A_210] : memref<2x10112xf32, #tpu.memory_space<vmem>>[vector<16xi32>, vector<16xi32>], vector<16xf32>,
            %swap3A_229 = arith.index_cast %add3A_222 : i32 to index
            %swap3A_230 = tpu.vector_load %arg7[%swap3A_229] {strides = array<i32>} : memref<65536xf32, #tpu.memory_space<vmem>>, vector<16xf32>,
            tpu.vector_store %arg7[%swap3A_229], %gather3A_228 {strides = array<i32>} : memref<65536xf32, #tpu.memory_space<vmem>>, vector<16xf32>,
            %gather3A_231 = arith.constant 0 : i32
            %gather3A_232 = arith.constant 0 : i32
            %gather3A_233 = arith.constant 0 : i32
            %gather3A_234 = tpu.memref_slice %arg6[%gather3A_231, %gather3A_232, %gather3A_233] : memref<2x2x10112xf32, #tpu.memory_space<vmem>> -> memref<1x2x10112xf32, #tpu.memory_space<vmem>>
            %gather3A_235 = tpu.memref_squeeze %gather3A_234 : memref<1x2x10112xf32, #tpu.memory_space<vmem>> -> memref<2x10112xf32, #tpu.memory_space<vmem>>
            %gather3A_236 = tpu.vector_load_idx %gather3A_235[%broadcast_in_dim3A_94, %get3A_210] : memref<2x10112xf32, #tpu.memory_space<vmem>>[vector<16xi32>, vector<16xi32>], vector<16xf32>,
            %add3A_237 = arith.constant 128 : i32
            %add3A_238 = arith.addi %add3A_222, %add3A_237 : i32
            %swap3A_239 = arith.index_cast %add3A_238 : i32 to index
            %swap3A_240 = tpu.vector_load %arg7[%swap3A_239] {strides = array<i32>} : memref<65536xf32, #tpu.memory_space<vmem>>, vector<16xf32>,
            tpu.vector_store %arg7[%swap3A_239], %gather3A_236 {strides = array<i32>} : memref<65536xf32, #tpu.memory_space<vmem>>, vector<16xf32>,
            %scan3A_241 = arith.constant 0 : i32
            %scan3A_242 = arith.constant 3 : i32
            %scan3A_243 = arith.addi %scan3A_136, %scan3A_242 : i32
            %mul3A_244 = arith.constant 16 : i32
            %mul3A_245 = arith.muli %scan3A_243, %mul3A_244 : i32
            %get3A_246 = arith.index_cast %mul3A_245 : i32 to index
            %get3A_247 = tpu.vector_load %arg5[%get3A_246] {strides = array<i32>} : memref<1024xi32, #tpu.memory_space<vmem>>, vector<16xi32>,
            %shift_right_arithmetic3A_248 = arith.constant 3 : i32
            %shift_right_arithmetic3A_249 = arith.shrsi %scan3A_243, %shift_right_arithmetic3A_248 : i32
            %mul3A_250 = arith.constant 512 : i32
            %mul3A_251 = arith.muli %shift_right_arithmetic3A_249, %mul3A_250 : i32
            %and3A_252 = arith.constant 7 : i32
            %and3A_253 = arith.andi %scan3A_243, %and3A_252 : i32
            %mul3A_254 = arith.constant 16 : i32
            %mul3A_255 = arith.muli %and3A_253, %mul3A_254 : i32
            %add3A_256 = arith.addi %mul3A_251, %mul3A_255 : i32
            %add3A_257 = arith.addi %mul3A_57, %add3A_256 : i32
            %add3A_258 = arith.constant 0 : i32
            %add3A_259 = arith.addi %add3A_257, %add3A_258 : i32
            %gather3A_260 = arith.constant 0 : i32
            %gather3A_261 = arith.constant 0 : i32
            %gather3A_262 = arith.constant 0 : i32
            %gather3A_263 = tpu.memref_slice %arg6[%gather3A_260, %gather3A_261, %gather3A_262] : memref<2x2x10112xf32, #tpu.memory_space<vmem>> -> memref<1x2x10112xf32, #tpu.memory_space<vmem>>
            %gather3A_264 = tpu.memref_squeeze %gather3A_263 : memref<1x2x10112xf32, #tpu.memory_space<vmem>> -> memref<2x10112xf32, #tpu.memory_space<vmem>>
            %gather3A_265 = tpu.vector_load_idx %gather3A_264[%broadcast_in_dim3A_92, %get3A_247] : memref<2x10112xf32, #tpu.memory_space<vmem>>[vector<16xi32>, vector<16xi32>], vector<16xf32>,
            %swap3A_266 = arith.index_cast %add3A_259 : i32 to index
            %swap3A_267 = tpu.vector_load %arg7[%swap3A_266] {strides = array<i32>} : memref<65536xf32, #tpu.memory_space<vmem>>, vector<16xf32>,
            tpu.vector_store %arg7[%swap3A_266], %gather3A_265 {strides = array<i32>} : memref<65536xf32, #tpu.memory_space<vmem>>, vector<16xf32>,
            %gather3A_268 = arith.constant 0 : i32
            %gather3A_269 = arith.constant 0 : i32
            %gather3A_270 = arith.constant 0 : i32
            %gather3A_271 = tpu.memref_slice %arg6[%gather3A_268, %gather3A_269, %gather3A_270] : memref<2x2x10112xf32, #tpu.memory_space<vmem>> -> memref<1x2x10112xf32, #tpu.memory_space<vmem>>
            %gather3A_272 = tpu.memref_squeeze %gather3A_271 : memref<1x2x10112xf32, #tpu.memory_space<vmem>> -> memref<2x10112xf32, #tpu.memory_space<vmem>>
            %gather3A_273 = tpu.vector_load_idx %gather3A_272[%broadcast_in_dim3A_94, %get3A_247] : memref<2x10112xf32, #tpu.memory_space<vmem>>[vector<16xi32>, vector<16xi32>], vector<16xf32>,
            %add3A_274 = arith.constant 128 : i32
            %add3A_275 = arith.addi %add3A_259, %add3A_274 : i32
            %swap3A_276 = arith.index_cast %add3A_275 : i32 to index
            %swap3A_277 = tpu.vector_load %arg7[%swap3A_276] {strides = array<i32>} : memref<65536xf32, #tpu.memory_space<vmem>>, vector<16xf32>,
            tpu.vector_store %arg7[%swap3A_276], %gather3A_273 {strides = array<i32>} : memref<65536xf32, #tpu.memory_space<vmem>>, vector<16xf32>,
            %scan3A_278 = arith.constant 0 : i32
            scf.yield %scan3A_278 : i32
          }
          %scan3A_101 = arith.constant 64 : i32
          %lt3A_102 = arith.constant 15 : i32
          %lt3A_103 = arith.cmpi slt, %scan3A_51, %lt3A_102 : i32
          %convert_element_type3A_104 = arith.extui %lt3A_103 : i1 to i32
          %cond3A_105 = arith.constant 0 : i32
          %cond3A_106 = arith.cmpi ne, %convert_element_type3A_104, %cond3A_105 : i32
          scf.if %cond3A_106 {
            %add3A_136 = arith.constant 1 : i32
            %add3A_137 = arith.addi %add3A_55, %add3A_136 : i32
            %dma_start3A_138 = arith.constant 0 : i32
            %dma_start3A_139 = arith.constant 0 : i32
            %dma_start3A_140 = arith.constant 0 : i32
            %dma_start3A_141 = tpu.memref_slice %arg6[%dma_start3A_138, %dma_start3A_139, %dma_start3A_140] : memref<2x2x10112xf32, #tpu.memory_space<vmem>> -> memref<1x2x10112xf32, #tpu.memory_space<vmem>>
            %dma_start3A_142 = tpu.memref_squeeze %dma_start3A_141 : memref<1x2x10112xf32, #tpu.memory_space<vmem>> -> memref<2x10112xf32, #tpu.memory_space<vmem>>
            %dma_start3A_143 = arith.constant 0 : i32
            %dma_start3A_144 = arith.constant 0 : i32
            %dma_start3A_145 = tpu.memref_slice %arg2[%add3A_137, %dma_start3A_143, %dma_start3A_144] : memref<3360x4x10112xf32, #tpu.memory_space<hbm>> -> memref<1x2x10112xf32, #tpu.memory_space<hbm>>
            %dma_start3A_146 = tpu.memref_squeeze %dma_start3A_145 : memref<1x2x10112xf32, #tpu.memory_space<hbm>> -> memref<2x10112xf32, #tpu.memory_space<hbm>>
            %dma_start3A_147 = arith.constant 0 : i32
            %dma_start3A_148 = arith.constant 0 : i32
            %dma_start3A_149 = tpu.memref_slice %arg6[%dma_start3A_138, %dma_start3A_147, %dma_start3A_148] : memref<2x2x10112xf32, #tpu.memory_space<vmem>> -> memref<1x2x10112xf32, #tpu.memory_space<vmem>>
            %dma_start3A_150 = tpu.memref_squeeze %dma_start3A_149 : memref<1x2x10112xf32, #tpu.memory_space<vmem>> -> memref<2x10112xf32, #tpu.memory_space<vmem>>
            %dma_start3A_151 = arith.constant 0 : i32
            %dma_start3A_152 = arith.constant 0 : i32
            %dma_start3A_153 = tpu.memref_slice %arg2[%add3A_137, %dma_start3A_151, %dma_start3A_152] : memref<3360x4x10112xf32, #tpu.memory_space<hbm>> -> memref<1x2x10112xf32, #tpu.memory_space<hbm>>
            %dma_start3A_154 = tpu.memref_squeeze %dma_start3A_153 : memref<1x2x10112xf32, #tpu.memory_space<hbm>> -> memref<2x10112xf32, #tpu.memory_space<hbm>>
            tpu.enqueue_dma source(%dma_start3A_154 : memref<2x10112xf32, #tpu.memory_space<hbm>>) target(%dma_start3A_150 : memref<2x10112xf32, #tpu.memory_space<vmem>>) target_semaphore(%arg8 : memref<!tpu.dma_semaphore, #tpu.memory_space<semaphore_mem>>)
          } else {
          }
          %dma_wait3A_107 = arith.constant 1 : i32
          %dma_wait3A_108 = arith.constant 0 : i32
          %dma_wait3A_109 = arith.constant 0 : i32
          %dma_wait3A_110 = tpu.memref_slice %arg6[%dma_wait3A_107, %dma_wait3A_108, %dma_wait3A_109] : memref<2x2x10112xf32, #tpu.memory_space<vmem>> -> memref<1x2x10112xf32, #tpu.memory_space<vmem>>
          %dma_wait3A_111 = tpu.memref_squeeze %dma_wait3A_110 : memref<1x2x10112xf32, #tpu.memory_space<vmem>> -> memref<2x10112xf32, #tpu.memory_space<vmem>>
          %dma_wait3A_112 = arith.constant 2 : i32
          %dma_wait3A_113 = arith.constant 0 : i32
          %dma_wait3A_114 = tpu.memref_slice %arg2[%add3A_55, %dma_wait3A_112, %dma_wait3A_113] : memref<3360x4x10112xf32, #tpu.memory_space<hbm>> -> memref<1x2x10112xf32, #tpu.memory_space<hbm>>
          %dma_wait3A_115 = tpu.memref_squeeze %dma_wait3A_114 : memref<1x2x10112xf32, #tpu.memory_space<hbm>> -> memref<2x10112xf32, #tpu.memory_space<hbm>>
          %dma_wait3A_116 = arith.constant 0 : i32
          %dma_wait3A_117 = arith.constant 0 : i32
          %dma_wait3A_118 = tpu.memref_slice %arg6[%dma_wait3A_107, %dma_wait3A_116, %dma_wait3A_117] : memref<2x2x10112xf32, #tpu.memory_space<vmem>> -> memref<1x2x10112xf32, #tpu.memory_space<vmem>>
          %dma_wait3A_119 = tpu.memref_squeeze %dma_wait3A_118 : memref<1x2x10112xf32, #tpu.memory_space<vmem>> -> memref<2x10112xf32, #tpu.memory_space<vmem>>
          %dma_wait3A_120 = arith.constant 2 : i32
          %dma_wait3A_121 = arith.constant 0 : i32
          %dma_wait3A_122 = tpu.memref_slice %arg2[%add3A_55, %dma_wait3A_120, %dma_wait3A_121] : memref<3360x4x10112xf32, #tpu.memory_space<hbm>> -> memref<1x2x10112xf32, #tpu.memory_space<hbm>>
          %dma_wait3A_123 = tpu.memref_squeeze %dma_wait3A_122 : memref<1x2x10112xf32, #tpu.memory_space<hbm>> -> memref<2x10112xf32, #tpu.memory_space<hbm>>
          tpu.wait_dma2 semaphore(%arg9 : memref<!tpu.dma_semaphore, #tpu.memory_space<semaphore_mem>>) src(%dma_wait3A_123 : memref<2x10112xf32, #tpu.memory_space<hbm>>) dst(%dma_wait3A_119 : memref<2x10112xf32, #tpu.memory_space<vmem>>)
          %broadcast_in_dim3A_124 = arith.constant 0 : i32
          %broadcast_in_dim3A_125 = vector.broadcast %broadcast_in_dim3A_124 : i32 to vector<16xi32>
          %broadcast_in_dim3A_126 = arith.constant 1 : i32
          %broadcast_in_dim3A_127 = vector.broadcast %broadcast_in_dim3A_126 : i32 to vector<16xi32>
          %scan3A_128 = arith.constant 0 : i32
          %scan3A_129 = arith.constant 0 : i32
          %scan3A_130 = arith.constant 64 : i32
          %scan3A_131 = arith.addi %scan3A_129, %scan3A_130 : i32
          %scan3A_132 = arith.constant 4 : i32
          %scan3A_133 = scf.for %scan3A_136 = %scan3A_129 to %scan3A_131 step %scan3A_132 iter_args(%scan3A_137 = %scan3A_128) -> (i32)  : i32 {
            %mul3A_138 = arith.constant 16 : i32
            %mul3A_139 = arith.muli %scan3A_136, %mul3A_138 : i32
            %get3A = arith.index_cast %mul3A_139 : i32 to index
            %get3A_140 = tpu.vector_load %arg5[%get3A] {strides = array<i32>} : memref<1024xi32, #tpu.memory_space<vmem>>, vector<16xi32>,
            %shift_right_arithmetic3A = arith.constant 3 : i32
            %shift_right_arithmetic3A_141 = arith.shrsi %scan3A_136, %shift_right_arithmetic3A : i32
            %mul3A_142 = arith.constant 512 : i32
            %mul3A_143 = arith.muli %shift_right_arithmetic3A_141, %mul3A_142 : i32
            %and3A = arith.constant 7 : i32
            %and3A_144 = arith.andi %scan3A_136, %and3A : i32
            %mul3A_145 = arith.constant 16 : i32
            %mul3A_146 = arith.muli %and3A_144, %mul3A_145 : i32
            %add3A_147 = arith.addi %mul3A_143, %mul3A_146 : i32
            %add3A_148 = arith.addi %mul3A_57, %add3A_147 : i32
            %add3A_149 = arith.constant 256 : i32
            %add3A_150 = arith.addi %add3A_148, %add3A_149 : i32
            %gather3A = arith.constant 1 : i32
            %gather3A_151 = arith.constant 0 : i32
            %gather3A_152 = arith.constant 0 : i32
            %gather3A_153 = tpu.memref_slice %arg6[%gather3A, %gather3A_151, %gather3A_152] : memref<2x2x10112xf32, #tpu.memory_space<vmem>> -> memref<1x2x10112xf32, #tpu.memory_space<vmem>>
            %gather3A_154 = tpu.memref_squeeze %gather3A_153 : memref<1x2x10112xf32, #tpu.memory_space<vmem>> -> memref<2x10112xf32, #tpu.memory_space<vmem>>
            %gather3A_155 = tpu.vector_load_idx %gather3A_154[%broadcast_in_dim3A_125, %get3A_140] : memref<2x10112xf32, #tpu.memory_space<vmem>>[vector<16xi32>, vector<16xi32>], vector<16xf32>,
            %swap3A = arith.index_cast %add3A_150 : i32 to index
            %swap3A_156 = tpu.vector_load %arg7[%swap3A] {strides = array<i32>} : memref<65536xf32, #tpu.memory_space<vmem>>, vector<16xf32>,
            tpu.vector_store %arg7[%swap3A], %gather3A_155 {strides = array<i32>} : memref<65536xf32, #tpu.memory_space<vmem>>, vector<16xf32>,
            %gather3A_157 = arith.constant 1 : i32
            %gather3A_158 = arith.constant 0 : i32
            %gather3A_159 = arith.constant 0 : i32
            %gather3A_160 = tpu.memref_slice %arg6[%gather3A_157, %gather3A_158, %gather3A_159] : memref<2x2x10112xf32, #tpu.memory_space<vmem>> -> memref<1x2x10112xf32, #tpu.memory_space<vmem>>
            %gather3A_161 = tpu.memref_squeeze %gather3A_160 : memref<1x2x10112xf32, #tpu.memory_space<vmem>> -> memref<2x10112xf32, #tpu.memory_space<vmem>>
            %gather3A_162 = tpu.vector_load_idx %gather3A_161[%broadcast_in_dim3A_127, %get3A_140] : memref<2x10112xf32, #tpu.memory_space<vmem>>[vector<16xi32>, vector<16xi32>], vector<16xf32>,
            %add3A_163 = arith.constant 128 : i32
            %add3A_164 = arith.addi %add3A_150, %add3A_163 : i32
            %swap3A_165 = arith.index_cast %add3A_164 : i32 to index
            %swap3A_166 = tpu.vector_load %arg7[%swap3A_165] {strides = array<i32>} : memref<65536xf32, #tpu.memory_space<vmem>>, vector<16xf32>,
            tpu.vector_store %arg7[%swap3A_165], %gather3A_162 {strides = array<i32>} : memref<65536xf32, #tpu.memory_space<vmem>>, vector<16xf32>,
            %scan3A_167 = arith.constant 0 : i32
            %scan3A_168 = arith.constant 1 : i32
            %scan3A_169 = arith.addi %scan3A_136, %scan3A_168 : i32
            %mul3A_170 = arith.constant 16 : i32
            %mul3A_171 = arith.muli %scan3A_169, %mul3A_170 : i32
            %get3A_172 = arith.index_cast %mul3A_171 : i32 to index
            %get3A_173 = tpu.vector_load %arg5[%get3A_172] {strides = array<i32>} : memref<1024xi32, #tpu.memory_space<vmem>>, vector<16xi32>,
            %shift_right_arithmetic3A_174 = arith.constant 3 : i32
            %shift_right_arithmetic3A_175 = arith.shrsi %scan3A_169, %shift_right_arithmetic3A_174 : i32
            %mul3A_176 = arith.constant 512 : i32
            %mul3A_177 = arith.muli %shift_right_arithmetic3A_175, %mul3A_176 : i32
            %and3A_178 = arith.constant 7 : i32
            %and3A_179 = arith.andi %scan3A_169, %and3A_178 : i32
            %mul3A_180 = arith.constant 16 : i32
            %mul3A_181 = arith.muli %and3A_179, %mul3A_180 : i32
            %add3A_182 = arith.addi %mul3A_177, %mul3A_181 : i32
            %add3A_183 = arith.addi %mul3A_57, %add3A_182 : i32
            %add3A_184 = arith.constant 256 : i32
            %add3A_185 = arith.addi %add3A_183, %add3A_184 : i32
            %gather3A_186 = arith.constant 1 : i32
            %gather3A_187 = arith.constant 0 : i32
            %gather3A_188 = arith.constant 0 : i32
            %gather3A_189 = tpu.memref_slice %arg6[%gather3A_186, %gather3A_187, %gather3A_188] : memref<2x2x10112xf32, #tpu.memory_space<vmem>> -> memref<1x2x10112xf32, #tpu.memory_space<vmem>>
            %gather3A_190 = tpu.memref_squeeze %gather3A_189 : memref<1x2x10112xf32, #tpu.memory_space<vmem>> -> memref<2x10112xf32, #tpu.memory_space<vmem>>
            %gather3A_191 = tpu.vector_load_idx %gather3A_190[%broadcast_in_dim3A_125, %get3A_173] : memref<2x10112xf32, #tpu.memory_space<vmem>>[vector<16xi32>, vector<16xi32>], vector<16xf32>,
            %swap3A_192 = arith.index_cast %add3A_185 : i32 to index
            %swap3A_193 = tpu.vector_load %arg7[%swap3A_192] {strides = array<i32>} : memref<65536xf32, #tpu.memory_space<vmem>>, vector<16xf32>,
            tpu.vector_store %arg7[%swap3A_192], %gather3A_191 {strides = array<i32>} : memref<65536xf32, #tpu.memory_space<vmem>>, vector<16xf32>,
            %gather3A_194 = arith.constant 1 : i32
            %gather3A_195 = arith.constant 0 : i32
            %gather3A_196 = arith.constant 0 : i32
            %gather3A_197 = tpu.memref_slice %arg6[%gather3A_194, %gather3A_195, %gather3A_196] : memref<2x2x10112xf32, #tpu.memory_space<vmem>> -> memref<1x2x10112xf32, #tpu.memory_space<vmem>>
            %gather3A_198 = tpu.memref_squeeze %gather3A_197 : memref<1x2x10112xf32, #tpu.memory_space<vmem>> -> memref<2x10112xf32, #tpu.memory_space<vmem>>
            %gather3A_199 = tpu.vector_load_idx %gather3A_198[%broadcast_in_dim3A_127, %get3A_173] : memref<2x10112xf32, #tpu.memory_space<vmem>>[vector<16xi32>, vector<16xi32>], vector<16xf32>,
            %add3A_200 = arith.constant 128 : i32
            %add3A_201 = arith.addi %add3A_185, %add3A_200 : i32
            %swap3A_202 = arith.index_cast %add3A_201 : i32 to index
            %swap3A_203 = tpu.vector_load %arg7[%swap3A_202] {strides = array<i32>} : memref<65536xf32, #tpu.memory_space<vmem>>, vector<16xf32>,
            tpu.vector_store %arg7[%swap3A_202], %gather3A_199 {strides = array<i32>} : memref<65536xf32, #tpu.memory_space<vmem>>, vector<16xf32>,
            %scan3A_204 = arith.constant 0 : i32
            %scan3A_205 = arith.constant 2 : i32
            %scan3A_206 = arith.addi %scan3A_136, %scan3A_205 : i32
            %mul3A_207 = arith.constant 16 : i32
            %mul3A_208 = arith.muli %scan3A_206, %mul3A_207 : i32
            %get3A_209 = arith.index_cast %mul3A_208 : i32 to index
            %get3A_210 = tpu.vector_load %arg5[%get3A_209] {strides = array<i32>} : memref<1024xi32, #tpu.memory_space<vmem>>, vector<16xi32>,
            %shift_right_arithmetic3A_211 = arith.constant 3 : i32
            %shift_right_arithmetic3A_212 = arith.shrsi %scan3A_206, %shift_right_arithmetic3A_211 : i32
            %mul3A_213 = arith.constant 512 : i32
            %mul3A_214 = arith.muli %shift_right_arithmetic3A_212, %mul3A_213 : i32
            %and3A_215 = arith.constant 7 : i32
            %and3A_216 = arith.andi %scan3A_206, %and3A_215 : i32
            %mul3A_217 = arith.constant 16 : i32
            %mul3A_218 = arith.muli %and3A_216, %mul3A_217 : i32
            %add3A_219 = arith.addi %mul3A_214, %mul3A_218 : i32
            %add3A_220 = arith.addi %mul3A_57, %add3A_219 : i32
            %add3A_221 = arith.constant 256 : i32
            %add3A_222 = arith.addi %add3A_220, %add3A_221 : i32
            %gather3A_223 = arith.constant 1 : i32
            %gather3A_224 = arith.constant 0 : i32
            %gather3A_225 = arith.constant 0 : i32
            %gather3A_226 = tpu.memref_slice %arg6[%gather3A_223, %gather3A_224, %gather3A_225] : memref<2x2x10112xf32, #tpu.memory_space<vmem>> -> memref<1x2x10112xf32, #tpu.memory_space<vmem>>
            %gather3A_227 = tpu.memref_squeeze %gather3A_226 : memref<1x2x10112xf32, #tpu.memory_space<vmem>> -> memref<2x10112xf32, #tpu.memory_space<vmem>>
            %gather3A_228 = tpu.vector_load_idx %gather3A_227[%broadcast_in_dim3A_125, %get3A_210] : memref<2x10112xf32, #tpu.memory_space<vmem>>[vector<16xi32>, vector<16xi32>], vector<16xf32>,
            %swap3A_229 = arith.index_cast %add3A_222 : i32 to index
            %swap3A_230 = tpu.vector_load %arg7[%swap3A_229] {strides = array<i32>} : memref<65536xf32, #tpu.memory_space<vmem>>, vector<16xf32>,
            tpu.vector_store %arg7[%swap3A_229], %gather3A_228 {strides = array<i32>} : memref<65536xf32, #tpu.memory_space<vmem>>, vector<16xf32>,
            %gather3A_231 = arith.constant 1 : i32
            %gather3A_232 = arith.constant 0 : i32
            %gather3A_233 = arith.constant 0 : i32
            %gather3A_234 = tpu.memref_slice %arg6[%gather3A_231, %gather3A_232, %gather3A_233] : memref<2x2x10112xf32, #tpu.memory_space<vmem>> -> memref<1x2x10112xf32, #tpu.memory_space<vmem>>
            %gather3A_235 = tpu.memref_squeeze %gather3A_234 : memref<1x2x10112xf32, #tpu.memory_space<vmem>> -> memref<2x10112xf32, #tpu.memory_space<vmem>>
            %gather3A_236 = tpu.vector_load_idx %gather3A_235[%broadcast_in_dim3A_127, %get3A_210] : memref<2x10112xf32, #tpu.memory_space<vmem>>[vector<16xi32>, vector<16xi32>], vector<16xf32>,
            %add3A_237 = arith.constant 128 : i32
            %add3A_238 = arith.addi %add3A_222, %add3A_237 : i32
            %swap3A_239 = arith.index_cast %add3A_238 : i32 to index
            %swap3A_240 = tpu.vector_load %arg7[%swap3A_239] {strides = array<i32>} : memref<65536xf32, #tpu.memory_space<vmem>>, vector<16xf32>,
            tpu.vector_store %arg7[%swap3A_239], %gather3A_236 {strides = array<i32>} : memref<65536xf32, #tpu.memory_space<vmem>>, vector<16xf32>,
            %scan3A_241 = arith.constant 0 : i32
            %scan3A_242 = arith.constant 3 : i32
            %scan3A_243 = arith.addi %scan3A_136, %scan3A_242 : i32
            %mul3A_244 = arith.constant 16 : i32
            %mul3A_245 = arith.muli %scan3A_243, %mul3A_244 : i32
            %get3A_246 = arith.index_cast %mul3A_245 : i32 to index
            %get3A_247 = tpu.vector_load %arg5[%get3A_246] {strides = array<i32>} : memref<1024xi32, #tpu.memory_space<vmem>>, vector<16xi32>,
            %shift_right_arithmetic3A_248 = arith.constant 3 : i32
            %shift_right_arithmetic3A_249 = arith.shrsi %scan3A_243, %shift_right_arithmetic3A_248 : i32
            %mul3A_250 = arith.constant 512 : i32
            %mul3A_251 = arith.muli %shift_right_arithmetic3A_249, %mul3A_250 : i32
            %and3A_252 = arith.constant 7 : i32
            %and3A_253 = arith.andi %scan3A_243, %and3A_252 : i32
            %mul3A_254 = arith.constant 16 : i32
            %mul3A_255 = arith.muli %and3A_253, %mul3A_254 : i32
            %add3A_256 = arith.addi %mul3A_251, %mul3A_255 : i32
            %add3A_257 = arith.addi %mul3A_57, %add3A_256 : i32
            %add3A_258 = arith.constant 256 : i32
            %add3A_259 = arith.addi %add3A_257, %add3A_258 : i32
            %gather3A_260 = arith.constant 1 : i32
            %gather3A_261 = arith.constant 0 : i32
            %gather3A_262 = arith.constant 0 : i32
            %gather3A_263 = tpu.memref_slice %arg6[%gather3A_260, %gather3A_261, %gather3A_262] : memref<2x2x10112xf32, #tpu.memory_space<vmem>> -> memref<1x2x10112xf32, #tpu.memory_space<vmem>>
            %gather3A_264 = tpu.memref_squeeze %gather3A_263 : memref<1x2x10112xf32, #tpu.memory_space<vmem>> -> memref<2x10112xf32, #tpu.memory_space<vmem>>
            %gather3A_265 = tpu.vector_load_idx %gather3A_264[%broadcast_in_dim3A_125, %get3A_247] : memref<2x10112xf32, #tpu.memory_space<vmem>>[vector<16xi32>, vector<16xi32>], vector<16xf32>,
            %swap3A_266 = arith.index_cast %add3A_259 : i32 to index
            %swap3A_267 = tpu.vector_load %arg7[%swap3A_266] {strides = array<i32>} : memref<65536xf32, #tpu.memory_space<vmem>>, vector<16xf32>,
            tpu.vector_store %arg7[%swap3A_266], %gather3A_265 {strides = array<i32>} : memref<65536xf32, #tpu.memory_space<vmem>>, vector<16xf32>,
            %gather3A_268 = arith.constant 1 : i32
            %gather3A_269 = arith.constant 0 : i32
            %gather3A_270 = arith.constant 0 : i32
            %gather3A_271 = tpu.memref_slice %arg6[%gather3A_268, %gather3A_269, %gather3A_270] : memref<2x2x10112xf32, #tpu.memory_space<vmem>> -> memref<1x2x10112xf32, #tpu.memory_space<vmem>>
            %gather3A_272 = tpu.memref_squeeze %gather3A_271 : memref<1x2x10112xf32, #tpu.memory_space<vmem>> -> memref<2x10112xf32, #tpu.memory_space<vmem>>
            %gather3A_273 = tpu.vector_load_idx %gather3A_272[%broadcast_in_dim3A_127, %get3A_247] : memref<2x10112xf32, #tpu.memory_space<vmem>>[vector<16xi32>, vector<16xi32>], vector<16xf32>,
            %add3A_274 = arith.constant 128 : i32
            %add3A_275 = arith.addi %add3A_259, %add3A_274 : i32
            %swap3A_276 = arith.index_cast %add3A_275 : i32 to index
            %swap3A_277 = tpu.vector_load %arg7[%swap3A_276] {strides = array<i32>} : memref<65536xf32, #tpu.memory_space<vmem>>, vector<16xf32>,
            tpu.vector_store %arg7[%swap3A_276], %gather3A_273 {strides = array<i32>} : memref<65536xf32, #tpu.memory_space<vmem>>, vector<16xf32>,
            %scan3A_278 = arith.constant 0 : i32
            scf.yield %scan3A_278 : i32
          }
          %scan3A_134 = arith.constant 64 : i32
          %scan3A_135 = arith.constant 0 : i32
          scf.yield %scan3A_135 : i32
        }
        %scan3A_46 = arith.constant 16 : i32
        %mul3A_47 = arith.constant 65536 : i32
        %mul3A_48 = arith.muli %add3A_14, %mul3A_47 : i32
        %dma_start3A_49 = tpu.memref_slice %arg4[%mul3A_48] : memref<13762560xf32, #tpu.memory_space<hbm>> -> memref<65536xf32, #tpu.memory_space<hbm>>
        %dma_start3A_50 = tpu.memref_slice %arg4[%mul3A_48] : memref<13762560xf32, #tpu.memory_space<hbm>> -> memref<65536xf32, #tpu.memory_space<hbm>>
        tpu.enqueue_dma source(%arg7 : memref<65536xf32, #tpu.memory_space<vmem>>) target(%dma_start3A_50 : memref<65536xf32, #tpu.memory_space<hbm>>) target_semaphore(%arg10 : memref<!tpu.dma_semaphore, #tpu.memory_space<semaphore_mem>>)
      } else {
      }
      %scan3A_17 = arith.constant 0 : i32
      scf.yield %scan3A_17 : i32
    }
    %scan3A_6 = arith.constant 7 : i32
    %dma_wait3A = arith.constant 0 : i32
    %dma_wait3A_7 = tpu.memref_slice %arg4[%dma_wait3A] : memref<13762560xf32, #tpu.memory_space<hbm>> -> memref<65536xf32, #tpu.memory_space<hbm>>
    %dma_wait3A_8 = arith.constant 0 : i32
    %dma_wait3A_9 = tpu.memref_slice %arg4[%dma_wait3A_8] : memref<13762560xf32, #tpu.memory_space<hbm>> -> memref<65536xf32, #tpu.memory_space<hbm>>
    tpu.wait_dma2 semaphore(%arg10 : memref<!tpu.dma_semaphore, #tpu.memory_space<semaphore_mem>>) src(%arg7 : memref<65536xf32, #tpu.memory_space<vmem>>) dst(%dma_wait3A_9 : memref<65536xf32, #tpu.memory_space<hbm>>)
    return
  }
}

#map = affine_map<(d0, d1) -> (0, 0, 0)>
#map1 = affine_map<(d0, d1) -> (0)>
module attributes {stable_mosaic.version = 14 : i64} {
  func.func @_body1(%arg0: i32, %arg1: i32, %arg2: memref<3696x4x10112xf32, #tpu.memory_space<hbm>>, %arg3: memref<1024xi32, #tpu.memory_space<hbm>>, %arg4: memref<15138816xf32, #tpu.memory_space<hbm>>, %arg5: memref<1024xi32, #tpu.memory_space<vmem>>, %arg6: memref<2x2x10112xf32, #tpu.memory_space<vmem>>, %arg7: memref<65536xf32, #tpu.memory_space<vmem>>, %arg8: memref<!tpu.dma_semaphore, #tpu.memory_space<semaphore_mem>>, %arg9: memref<!tpu.dma_semaphore, #tpu.memory_space<semaphore_mem>>, %arg10: memref<!tpu.dma_semaphore, #tpu.memory_space<semaphore_mem>>) attributes {dimension_semantics = [#tpu.dimension_semantics<core_parallel>, #tpu.dimension_semantics<subcore_parallel>], iteration_bounds = array<i64: 2, 16>, scalar_prefetch = 0 : i64, scratch_operands = 6 : i64, tpu.core_type = #tpu.core_type<sc_vector_subcore>, window_params = [{transform_indices = #map}, {transform_indices = #map1}, {transform_indices = #map1}]} {
    %mul3A = arith.constant 2 : i32
    %mul3A_0 = arith.muli %arg1, %mul3A : i32
    %add3A = arith.addi %mul3A_0, %arg0 : i32
    "tpu.region"() ({
      %run_scoped3A = tpu.sem_alloc : memref<!tpu.dma_semaphore, #tpu.memory_space<semaphore_mem>>
      tpu.enqueue_dma source(%arg3 : memref<1024xi32, #tpu.memory_space<hbm>>) target(%arg5 : memref<1024xi32, #tpu.memory_space<vmem>>) target_semaphore(%run_scoped3A : memref<!tpu.dma_semaphore, #tpu.memory_space<semaphore_mem>>)
      tpu.wait_dma2 semaphore(%run_scoped3A : memref<!tpu.dma_semaphore, #tpu.memory_space<semaphore_mem>>) src(%arg3 : memref<1024xi32, #tpu.memory_space<hbm>>) dst(%arg5 : memref<1024xi32, #tpu.memory_space<vmem>>)
      tpu.yield
    }) : () -> ()
    %scan3A = arith.constant 0 : i32
    %scan3A_1 = arith.constant 0 : i32
    %scan3A_2 = arith.constant 8 : i32
    %scan3A_3 = arith.addi %scan3A_1, %scan3A_2 : i32
    %scan3A_4 = arith.constant 1 : i32
    %scan3A_5 = scf.for %scan3A_10 = %scan3A_1 to %scan3A_3 step %scan3A_4 iter_args(%scan3A_11 = %scan3A) -> (i32)  : i32 {
      %mul3A_12 = arith.constant 32 : i32
      %mul3A_13 = arith.muli %scan3A_10, %mul3A_12 : i32
      %add3A_14 = arith.addi %add3A, %mul3A_13 : i32
      %lt3A = arith.constant 231 : i32
      %lt3A_15 = arith.cmpi slt, %add3A_14, %lt3A : i32
      %convert_element_type3A = arith.extui %lt3A_15 : i1 to i32
      %cond3A = arith.constant 0 : i32
      %cond3A_16 = arith.cmpi ne, %convert_element_type3A, %cond3A : i32
      scf.if %cond3A_16 {
        %mul3A_18 = arith.constant 16 : i32
        %mul3A_19 = arith.muli %add3A_14, %mul3A_18 : i32
        %dma_start3A = arith.constant 0 : i32
        %dma_start3A_20 = arith.constant 0 : i32
        %dma_start3A_21 = arith.constant 0 : i32
        %dma_start3A_22 = tpu.memref_slice %arg6[%dma_start3A, %dma_start3A_20, %dma_start3A_21] : memref<2x2x10112xf32, #tpu.memory_space<vmem>> -> memref<1x2x10112xf32, #tpu.memory_space<vmem>>
        %dma_start3A_23 = tpu.memref_squeeze %dma_start3A_22 : memref<1x2x10112xf32, #tpu.memory_space<vmem>> -> memref<2x10112xf32, #tpu.memory_space<vmem>>
        %dma_start3A_24 = arith.constant 0 : i32
        %dma_start3A_25 = arith.constant 0 : i32
        %dma_start3A_26 = tpu.memref_slice %arg2[%mul3A_19, %dma_start3A_24, %dma_start3A_25] : memref<3696x4x10112xf32, #tpu.memory_space<hbm>> -> memref<1x2x10112xf32, #tpu.memory_space<hbm>>
        %dma_start3A_27 = tpu.memref_squeeze %dma_start3A_26 : memref<1x2x10112xf32, #tpu.memory_space<hbm>> -> memref<2x10112xf32, #tpu.memory_space<hbm>>
        %dma_start3A_28 = arith.constant 0 : i32
        %dma_start3A_29 = arith.constant 0 : i32
        %dma_start3A_30 = tpu.memref_slice %arg6[%dma_start3A, %dma_start3A_28, %dma_start3A_29] : memref<2x2x10112xf32, #tpu.memory_space<vmem>> -> memref<1x2x10112xf32, #tpu.memory_space<vmem>>
        %dma_start3A_31 = tpu.memref_squeeze %dma_start3A_30 : memref<1x2x10112xf32, #tpu.memory_space<vmem>> -> memref<2x10112xf32, #tpu.memory_space<vmem>>
        %dma_start3A_32 = arith.constant 0 : i32
        %dma_start3A_33 = arith.constant 0 : i32
        %dma_start3A_34 = tpu.memref_slice %arg2[%mul3A_19, %dma_start3A_32, %dma_start3A_33] : memref<3696x4x10112xf32, #tpu.memory_space<hbm>> -> memref<1x2x10112xf32, #tpu.memory_space<hbm>>
        %dma_start3A_35 = tpu.memref_squeeze %dma_start3A_34 : memref<1x2x10112xf32, #tpu.memory_space<hbm>> -> memref<2x10112xf32, #tpu.memory_space<hbm>>
        tpu.enqueue_dma source(%dma_start3A_35 : memref<2x10112xf32, #tpu.memory_space<hbm>>) target(%dma_start3A_31 : memref<2x10112xf32, #tpu.memory_space<vmem>>) target_semaphore(%arg8 : memref<!tpu.dma_semaphore, #tpu.memory_space<semaphore_mem>>)
        %gt3A = arith.constant 0 : i32
        %gt3A_36 = arith.cmpi sgt, %scan3A_10, %gt3A : i32
        %convert_element_type3A_37 = arith.extui %gt3A_36 : i1 to i32
        %cond3A_38 = arith.constant 0 : i32
        %cond3A_39 = arith.cmpi ne, %convert_element_type3A_37, %cond3A_38 : i32
        scf.if %cond3A_39 {
          %dma_wait3A_51 = arith.constant 0 : i32
          %dma_wait3A_52 = tpu.memref_slice %arg4[%dma_wait3A_51] : memref<15138816xf32, #tpu.memory_space<hbm>> -> memref<65536xf32, #tpu.memory_space<hbm>>
          %dma_wait3A_53 = arith.constant 0 : i32
          %dma_wait3A_54 = tpu.memref_slice %arg4[%dma_wait3A_53] : memref<15138816xf32, #tpu.memory_space<hbm>> -> memref<65536xf32, #tpu.memory_space<hbm>>
          tpu.wait_dma2 semaphore(%arg10 : memref<!tpu.dma_semaphore, #tpu.memory_space<semaphore_mem>>) src(%arg7 : memref<65536xf32, #tpu.memory_space<vmem>>) dst(%dma_wait3A_54 : memref<65536xf32, #tpu.memory_space<hbm>>)
        } else {
        }
        %scan3A_40 = arith.constant 0 : i32
        %scan3A_41 = arith.constant 0 : i32
        %scan3A_42 = arith.constant 16 : i32
        %scan3A_43 = arith.addi %scan3A_41, %scan3A_42 : i32
        %scan3A_44 = arith.constant 1 : i32
        %scan3A_45 = scf.for %scan3A_51 = %scan3A_41 to %scan3A_43 step %scan3A_44 iter_args(%scan3A_52 = %scan3A_40) -> (i32)  : i32 {
          %mul3A_53 = arith.constant 16 : i32
          %mul3A_54 = arith.muli %add3A_14, %mul3A_53 : i32
          %add3A_55 = arith.addi %mul3A_54, %scan3A_51 : i32
          %mul3A_56 = arith.constant 4096 : i32
          %mul3A_57 = arith.muli %scan3A_51, %mul3A_56 : i32
          %dma_start3A_58 = arith.constant 1 : i32
          %dma_start3A_59 = arith.constant 0 : i32
          %dma_start3A_60 = arith.constant 0 : i32
          %dma_start3A_61 = tpu.memref_slice %arg6[%dma_start3A_58, %dma_start3A_59, %dma_start3A_60] : memref<2x2x10112xf32, #tpu.memory_space<vmem>> -> memref<1x2x10112xf32, #tpu.memory_space<vmem>>
          %dma_start3A_62 = tpu.memref_squeeze %dma_start3A_61 : memref<1x2x10112xf32, #tpu.memory_space<vmem>> -> memref<2x10112xf32, #tpu.memory_space<vmem>>
          %dma_start3A_63 = arith.constant 2 : i32
          %dma_start3A_64 = arith.constant 0 : i32
          %dma_start3A_65 = tpu.memref_slice %arg2[%add3A_55, %dma_start3A_63, %dma_start3A_64] : memref<3696x4x10112xf32, #tpu.memory_space<hbm>> -> memref<1x2x10112xf32, #tpu.memory_space<hbm>>
          %dma_start3A_66 = tpu.memref_squeeze %dma_start3A_65 : memref<1x2x10112xf32, #tpu.memory_space<hbm>> -> memref<2x10112xf32, #tpu.memory_space<hbm>>
          %dma_start3A_67 = arith.constant 0 : i32
          %dma_start3A_68 = arith.constant 0 : i32
          %dma_start3A_69 = tpu.memref_slice %arg6[%dma_start3A_58, %dma_start3A_67, %dma_start3A_68] : memref<2x2x10112xf32, #tpu.memory_space<vmem>> -> memref<1x2x10112xf32, #tpu.memory_space<vmem>>
          %dma_start3A_70 = tpu.memref_squeeze %dma_start3A_69 : memref<1x2x10112xf32, #tpu.memory_space<vmem>> -> memref<2x10112xf32, #tpu.memory_space<vmem>>
          %dma_start3A_71 = arith.constant 2 : i32
          %dma_start3A_72 = arith.constant 0 : i32
          %dma_start3A_73 = tpu.memref_slice %arg2[%add3A_55, %dma_start3A_71, %dma_start3A_72] : memref<3696x4x10112xf32, #tpu.memory_space<hbm>> -> memref<1x2x10112xf32, #tpu.memory_space<hbm>>
          %dma_start3A_74 = tpu.memref_squeeze %dma_start3A_73 : memref<1x2x10112xf32, #tpu.memory_space<hbm>> -> memref<2x10112xf32, #tpu.memory_space<hbm>>
          tpu.enqueue_dma source(%dma_start3A_74 : memref<2x10112xf32, #tpu.memory_space<hbm>>) target(%dma_start3A_70 : memref<2x10112xf32, #tpu.memory_space<vmem>>) target_semaphore(%arg9 : memref<!tpu.dma_semaphore, #tpu.memory_space<semaphore_mem>>)
          %dma_wait3A_75 = arith.constant 0 : i32
          %dma_wait3A_76 = arith.constant 0 : i32
          %dma_wait3A_77 = arith.constant 0 : i32
          %dma_wait3A_78 = tpu.memref_slice %arg6[%dma_wait3A_75, %dma_wait3A_76, %dma_wait3A_77] : memref<2x2x10112xf32, #tpu.memory_space<vmem>> -> memref<1x2x10112xf32, #tpu.memory_space<vmem>>
          %dma_wait3A_79 = tpu.memref_squeeze %dma_wait3A_78 : memref<1x2x10112xf32, #tpu.memory_space<vmem>> -> memref<2x10112xf32, #tpu.memory_space<vmem>>
          %dma_wait3A_80 = arith.constant 0 : i32
          %dma_wait3A_81 = arith.constant 0 : i32
          %dma_wait3A_82 = tpu.memref_slice %arg2[%add3A_55, %dma_wait3A_80, %dma_wait3A_81] : memref<3696x4x10112xf32, #tpu.memory_space<hbm>> -> memref<1x2x10112xf32, #tpu.memory_space<hbm>>
          %dma_wait3A_83 = tpu.memref_squeeze %dma_wait3A_82 : memref<1x2x10112xf32, #tpu.memory_space<hbm>> -> memref<2x10112xf32, #tpu.memory_space<hbm>>
          %dma_wait3A_84 = arith.constant 0 : i32
          %dma_wait3A_85 = arith.constant 0 : i32
          %dma_wait3A_86 = tpu.memref_slice %arg6[%dma_wait3A_75, %dma_wait3A_84, %dma_wait3A_85] : memref<2x2x10112xf32, #tpu.memory_space<vmem>> -> memref<1x2x10112xf32, #tpu.memory_space<vmem>>
          %dma_wait3A_87 = tpu.memref_squeeze %dma_wait3A_86 : memref<1x2x10112xf32, #tpu.memory_space<vmem>> -> memref<2x10112xf32, #tpu.memory_space<vmem>>
          %dma_wait3A_88 = arith.constant 0 : i32
          %dma_wait3A_89 = arith.constant 0 : i32
          %dma_wait3A_90 = tpu.memref_slice %arg2[%add3A_55, %dma_wait3A_88, %dma_wait3A_89] : memref<3696x4x10112xf32, #tpu.memory_space<hbm>> -> memref<1x2x10112xf32, #tpu.memory_space<hbm>>
          %dma_wait3A_91 = tpu.memref_squeeze %dma_wait3A_90 : memref<1x2x10112xf32, #tpu.memory_space<hbm>> -> memref<2x10112xf32, #tpu.memory_space<hbm>>
          tpu.wait_dma2 semaphore(%arg8 : memref<!tpu.dma_semaphore, #tpu.memory_space<semaphore_mem>>) src(%dma_wait3A_91 : memref<2x10112xf32, #tpu.memory_space<hbm>>) dst(%dma_wait3A_87 : memref<2x10112xf32, #tpu.memory_space<vmem>>)
          %broadcast_in_dim3A = arith.constant 0 : i32
          %broadcast_in_dim3A_92 = vector.broadcast %broadcast_in_dim3A : i32 to vector<16xi32>
          %broadcast_in_dim3A_93 = arith.constant 1 : i32
          %broadcast_in_dim3A_94 = vector.broadcast %broadcast_in_dim3A_93 : i32 to vector<16xi32>
          %scan3A_95 = arith.constant 0 : i32
          %scan3A_96 = arith.constant 0 : i32
          %scan3A_97 = arith.constant 64 : i32
          %scan3A_98 = arith.addi %scan3A_96, %scan3A_97 : i32
          %scan3A_99 = arith.constant 4 : i32
          %scan3A_100 = scf.for %scan3A_136 = %scan3A_96 to %scan3A_98 step %scan3A_99 iter_args(%scan3A_137 = %scan3A_95) -> (i32)  : i32 {
            %mul3A_138 = arith.constant 16 : i32
            %mul3A_139 = arith.muli %scan3A_136, %mul3A_138 : i32
            %get3A = arith.index_cast %mul3A_139 : i32 to index
            %get3A_140 = tpu.vector_load %arg5[%get3A] {strides = array<i32>} : memref<1024xi32, #tpu.memory_space<vmem>>, vector<16xi32>,
            %shift_right_arithmetic3A = arith.constant 3 : i32
            %shift_right_arithmetic3A_141 = arith.shrsi %scan3A_136, %shift_right_arithmetic3A : i32
            %mul3A_142 = arith.constant 512 : i32
            %mul3A_143 = arith.muli %shift_right_arithmetic3A_141, %mul3A_142 : i32
            %and3A = arith.constant 7 : i32
            %and3A_144 = arith.andi %scan3A_136, %and3A : i32
            %mul3A_145 = arith.constant 16 : i32
            %mul3A_146 = arith.muli %and3A_144, %mul3A_145 : i32
            %add3A_147 = arith.addi %mul3A_143, %mul3A_146 : i32
            %add3A_148 = arith.addi %mul3A_57, %add3A_147 : i32
            %add3A_149 = arith.constant 0 : i32
            %add3A_150 = arith.addi %add3A_148, %add3A_149 : i32
            %gather3A = arith.constant 0 : i32
            %gather3A_151 = arith.constant 0 : i32
            %gather3A_152 = arith.constant 0 : i32
            %gather3A_153 = tpu.memref_slice %arg6[%gather3A, %gather3A_151, %gather3A_152] : memref<2x2x10112xf32, #tpu.memory_space<vmem>> -> memref<1x2x10112xf32, #tpu.memory_space<vmem>>
            %gather3A_154 = tpu.memref_squeeze %gather3A_153 : memref<1x2x10112xf32, #tpu.memory_space<vmem>> -> memref<2x10112xf32, #tpu.memory_space<vmem>>
            %gather3A_155 = tpu.vector_load_idx %gather3A_154[%broadcast_in_dim3A_92, %get3A_140] : memref<2x10112xf32, #tpu.memory_space<vmem>>[vector<16xi32>, vector<16xi32>], vector<16xf32>,
            %swap3A = arith.index_cast %add3A_150 : i32 to index
            %swap3A_156 = tpu.vector_load %arg7[%swap3A] {strides = array<i32>} : memref<65536xf32, #tpu.memory_space<vmem>>, vector<16xf32>,
            tpu.vector_store %arg7[%swap3A], %gather3A_155 {strides = array<i32>} : memref<65536xf32, #tpu.memory_space<vmem>>, vector<16xf32>,
            %gather3A_157 = arith.constant 0 : i32
            %gather3A_158 = arith.constant 0 : i32
            %gather3A_159 = arith.constant 0 : i32
            %gather3A_160 = tpu.memref_slice %arg6[%gather3A_157, %gather3A_158, %gather3A_159] : memref<2x2x10112xf32, #tpu.memory_space<vmem>> -> memref<1x2x10112xf32, #tpu.memory_space<vmem>>
            %gather3A_161 = tpu.memref_squeeze %gather3A_160 : memref<1x2x10112xf32, #tpu.memory_space<vmem>> -> memref<2x10112xf32, #tpu.memory_space<vmem>>
            %gather3A_162 = tpu.vector_load_idx %gather3A_161[%broadcast_in_dim3A_94, %get3A_140] : memref<2x10112xf32, #tpu.memory_space<vmem>>[vector<16xi32>, vector<16xi32>], vector<16xf32>,
            %add3A_163 = arith.constant 128 : i32
            %add3A_164 = arith.addi %add3A_150, %add3A_163 : i32
            %swap3A_165 = arith.index_cast %add3A_164 : i32 to index
            %swap3A_166 = tpu.vector_load %arg7[%swap3A_165] {strides = array<i32>} : memref<65536xf32, #tpu.memory_space<vmem>>, vector<16xf32>,
            tpu.vector_store %arg7[%swap3A_165], %gather3A_162 {strides = array<i32>} : memref<65536xf32, #tpu.memory_space<vmem>>, vector<16xf32>,
            %scan3A_167 = arith.constant 0 : i32
            %scan3A_168 = arith.constant 1 : i32
            %scan3A_169 = arith.addi %scan3A_136, %scan3A_168 : i32
            %mul3A_170 = arith.constant 16 : i32
            %mul3A_171 = arith.muli %scan3A_169, %mul3A_170 : i32
            %get3A_172 = arith.index_cast %mul3A_171 : i32 to index
            %get3A_173 = tpu.vector_load %arg5[%get3A_172] {strides = array<i32>} : memref<1024xi32, #tpu.memory_space<vmem>>, vector<16xi32>,
            %shift_right_arithmetic3A_174 = arith.constant 3 : i32
            %shift_right_arithmetic3A_175 = arith.shrsi %scan3A_169, %shift_right_arithmetic3A_174 : i32
            %mul3A_176 = arith.constant 512 : i32
            %mul3A_177 = arith.muli %shift_right_arithmetic3A_175, %mul3A_176 : i32
            %and3A_178 = arith.constant 7 : i32
            %and3A_179 = arith.andi %scan3A_169, %and3A_178 : i32
            %mul3A_180 = arith.constant 16 : i32
            %mul3A_181 = arith.muli %and3A_179, %mul3A_180 : i32
            %add3A_182 = arith.addi %mul3A_177, %mul3A_181 : i32
            %add3A_183 = arith.addi %mul3A_57, %add3A_182 : i32
            %add3A_184 = arith.constant 0 : i32
            %add3A_185 = arith.addi %add3A_183, %add3A_184 : i32
            %gather3A_186 = arith.constant 0 : i32
            %gather3A_187 = arith.constant 0 : i32
            %gather3A_188 = arith.constant 0 : i32
            %gather3A_189 = tpu.memref_slice %arg6[%gather3A_186, %gather3A_187, %gather3A_188] : memref<2x2x10112xf32, #tpu.memory_space<vmem>> -> memref<1x2x10112xf32, #tpu.memory_space<vmem>>
            %gather3A_190 = tpu.memref_squeeze %gather3A_189 : memref<1x2x10112xf32, #tpu.memory_space<vmem>> -> memref<2x10112xf32, #tpu.memory_space<vmem>>
            %gather3A_191 = tpu.vector_load_idx %gather3A_190[%broadcast_in_dim3A_92, %get3A_173] : memref<2x10112xf32, #tpu.memory_space<vmem>>[vector<16xi32>, vector<16xi32>], vector<16xf32>,
            %swap3A_192 = arith.index_cast %add3A_185 : i32 to index
            %swap3A_193 = tpu.vector_load %arg7[%swap3A_192] {strides = array<i32>} : memref<65536xf32, #tpu.memory_space<vmem>>, vector<16xf32>,
            tpu.vector_store %arg7[%swap3A_192], %gather3A_191 {strides = array<i32>} : memref<65536xf32, #tpu.memory_space<vmem>>, vector<16xf32>,
            %gather3A_194 = arith.constant 0 : i32
            %gather3A_195 = arith.constant 0 : i32
            %gather3A_196 = arith.constant 0 : i32
            %gather3A_197 = tpu.memref_slice %arg6[%gather3A_194, %gather3A_195, %gather3A_196] : memref<2x2x10112xf32, #tpu.memory_space<vmem>> -> memref<1x2x10112xf32, #tpu.memory_space<vmem>>
            %gather3A_198 = tpu.memref_squeeze %gather3A_197 : memref<1x2x10112xf32, #tpu.memory_space<vmem>> -> memref<2x10112xf32, #tpu.memory_space<vmem>>
            %gather3A_199 = tpu.vector_load_idx %gather3A_198[%broadcast_in_dim3A_94, %get3A_173] : memref<2x10112xf32, #tpu.memory_space<vmem>>[vector<16xi32>, vector<16xi32>], vector<16xf32>,
            %add3A_200 = arith.constant 128 : i32
            %add3A_201 = arith.addi %add3A_185, %add3A_200 : i32
            %swap3A_202 = arith.index_cast %add3A_201 : i32 to index
            %swap3A_203 = tpu.vector_load %arg7[%swap3A_202] {strides = array<i32>} : memref<65536xf32, #tpu.memory_space<vmem>>, vector<16xf32>,
            tpu.vector_store %arg7[%swap3A_202], %gather3A_199 {strides = array<i32>} : memref<65536xf32, #tpu.memory_space<vmem>>, vector<16xf32>,
            %scan3A_204 = arith.constant 0 : i32
            %scan3A_205 = arith.constant 2 : i32
            %scan3A_206 = arith.addi %scan3A_136, %scan3A_205 : i32
            %mul3A_207 = arith.constant 16 : i32
            %mul3A_208 = arith.muli %scan3A_206, %mul3A_207 : i32
            %get3A_209 = arith.index_cast %mul3A_208 : i32 to index
            %get3A_210 = tpu.vector_load %arg5[%get3A_209] {strides = array<i32>} : memref<1024xi32, #tpu.memory_space<vmem>>, vector<16xi32>,
            %shift_right_arithmetic3A_211 = arith.constant 3 : i32
            %shift_right_arithmetic3A_212 = arith.shrsi %scan3A_206, %shift_right_arithmetic3A_211 : i32
            %mul3A_213 = arith.constant 512 : i32
            %mul3A_214 = arith.muli %shift_right_arithmetic3A_212, %mul3A_213 : i32
            %and3A_215 = arith.constant 7 : i32
            %and3A_216 = arith.andi %scan3A_206, %and3A_215 : i32
            %mul3A_217 = arith.constant 16 : i32
            %mul3A_218 = arith.muli %and3A_216, %mul3A_217 : i32
            %add3A_219 = arith.addi %mul3A_214, %mul3A_218 : i32
            %add3A_220 = arith.addi %mul3A_57, %add3A_219 : i32
            %add3A_221 = arith.constant 0 : i32
            %add3A_222 = arith.addi %add3A_220, %add3A_221 : i32
            %gather3A_223 = arith.constant 0 : i32
            %gather3A_224 = arith.constant 0 : i32
            %gather3A_225 = arith.constant 0 : i32
            %gather3A_226 = tpu.memref_slice %arg6[%gather3A_223, %gather3A_224, %gather3A_225] : memref<2x2x10112xf32, #tpu.memory_space<vmem>> -> memref<1x2x10112xf32, #tpu.memory_space<vmem>>
            %gather3A_227 = tpu.memref_squeeze %gather3A_226 : memref<1x2x10112xf32, #tpu.memory_space<vmem>> -> memref<2x10112xf32, #tpu.memory_space<vmem>>
            %gather3A_228 = tpu.vector_load_idx %gather3A_227[%broadcast_in_dim3A_92, %get3A_210] : memref<2x10112xf32, #tpu.memory_space<vmem>>[vector<16xi32>, vector<16xi32>], vector<16xf32>,
            %swap3A_229 = arith.index_cast %add3A_222 : i32 to index
            %swap3A_230 = tpu.vector_load %arg7[%swap3A_229] {strides = array<i32>} : memref<65536xf32, #tpu.memory_space<vmem>>, vector<16xf32>,
            tpu.vector_store %arg7[%swap3A_229], %gather3A_228 {strides = array<i32>} : memref<65536xf32, #tpu.memory_space<vmem>>, vector<16xf32>,
            %gather3A_231 = arith.constant 0 : i32
            %gather3A_232 = arith.constant 0 : i32
            %gather3A_233 = arith.constant 0 : i32
            %gather3A_234 = tpu.memref_slice %arg6[%gather3A_231, %gather3A_232, %gather3A_233] : memref<2x2x10112xf32, #tpu.memory_space<vmem>> -> memref<1x2x10112xf32, #tpu.memory_space<vmem>>
            %gather3A_235 = tpu.memref_squeeze %gather3A_234 : memref<1x2x10112xf32, #tpu.memory_space<vmem>> -> memref<2x10112xf32, #tpu.memory_space<vmem>>
            %gather3A_236 = tpu.vector_load_idx %gather3A_235[%broadcast_in_dim3A_94, %get3A_210] : memref<2x10112xf32, #tpu.memory_space<vmem>>[vector<16xi32>, vector<16xi32>], vector<16xf32>,
            %add3A_237 = arith.constant 128 : i32
            %add3A_238 = arith.addi %add3A_222, %add3A_237 : i32
            %swap3A_239 = arith.index_cast %add3A_238 : i32 to index
            %swap3A_240 = tpu.vector_load %arg7[%swap3A_239] {strides = array<i32>} : memref<65536xf32, #tpu.memory_space<vmem>>, vector<16xf32>,
            tpu.vector_store %arg7[%swap3A_239], %gather3A_236 {strides = array<i32>} : memref<65536xf32, #tpu.memory_space<vmem>>, vector<16xf32>,
            %scan3A_241 = arith.constant 0 : i32
            %scan3A_242 = arith.constant 3 : i32
            %scan3A_243 = arith.addi %scan3A_136, %scan3A_242 : i32
            %mul3A_244 = arith.constant 16 : i32
            %mul3A_245 = arith.muli %scan3A_243, %mul3A_244 : i32
            %get3A_246 = arith.index_cast %mul3A_245 : i32 to index
            %get3A_247 = tpu.vector_load %arg5[%get3A_246] {strides = array<i32>} : memref<1024xi32, #tpu.memory_space<vmem>>, vector<16xi32>,
            %shift_right_arithmetic3A_248 = arith.constant 3 : i32
            %shift_right_arithmetic3A_249 = arith.shrsi %scan3A_243, %shift_right_arithmetic3A_248 : i32
            %mul3A_250 = arith.constant 512 : i32
            %mul3A_251 = arith.muli %shift_right_arithmetic3A_249, %mul3A_250 : i32
            %and3A_252 = arith.constant 7 : i32
            %and3A_253 = arith.andi %scan3A_243, %and3A_252 : i32
            %mul3A_254 = arith.constant 16 : i32
            %mul3A_255 = arith.muli %and3A_253, %mul3A_254 : i32
            %add3A_256 = arith.addi %mul3A_251, %mul3A_255 : i32
            %add3A_257 = arith.addi %mul3A_57, %add3A_256 : i32
            %add3A_258 = arith.constant 0 : i32
            %add3A_259 = arith.addi %add3A_257, %add3A_258 : i32
            %gather3A_260 = arith.constant 0 : i32
            %gather3A_261 = arith.constant 0 : i32
            %gather3A_262 = arith.constant 0 : i32
            %gather3A_263 = tpu.memref_slice %arg6[%gather3A_260, %gather3A_261, %gather3A_262] : memref<2x2x10112xf32, #tpu.memory_space<vmem>> -> memref<1x2x10112xf32, #tpu.memory_space<vmem>>
            %gather3A_264 = tpu.memref_squeeze %gather3A_263 : memref<1x2x10112xf32, #tpu.memory_space<vmem>> -> memref<2x10112xf32, #tpu.memory_space<vmem>>
            %gather3A_265 = tpu.vector_load_idx %gather3A_264[%broadcast_in_dim3A_92, %get3A_247] : memref<2x10112xf32, #tpu.memory_space<vmem>>[vector<16xi32>, vector<16xi32>], vector<16xf32>,
            %swap3A_266 = arith.index_cast %add3A_259 : i32 to index
            %swap3A_267 = tpu.vector_load %arg7[%swap3A_266] {strides = array<i32>} : memref<65536xf32, #tpu.memory_space<vmem>>, vector<16xf32>,
            tpu.vector_store %arg7[%swap3A_266], %gather3A_265 {strides = array<i32>} : memref<65536xf32, #tpu.memory_space<vmem>>, vector<16xf32>,
            %gather3A_268 = arith.constant 0 : i32
            %gather3A_269 = arith.constant 0 : i32
            %gather3A_270 = arith.constant 0 : i32
            %gather3A_271 = tpu.memref_slice %arg6[%gather3A_268, %gather3A_269, %gather3A_270] : memref<2x2x10112xf32, #tpu.memory_space<vmem>> -> memref<1x2x10112xf32, #tpu.memory_space<vmem>>
            %gather3A_272 = tpu.memref_squeeze %gather3A_271 : memref<1x2x10112xf32, #tpu.memory_space<vmem>> -> memref<2x10112xf32, #tpu.memory_space<vmem>>
            %gather3A_273 = tpu.vector_load_idx %gather3A_272[%broadcast_in_dim3A_94, %get3A_247] : memref<2x10112xf32, #tpu.memory_space<vmem>>[vector<16xi32>, vector<16xi32>], vector<16xf32>,
            %add3A_274 = arith.constant 128 : i32
            %add3A_275 = arith.addi %add3A_259, %add3A_274 : i32
            %swap3A_276 = arith.index_cast %add3A_275 : i32 to index
            %swap3A_277 = tpu.vector_load %arg7[%swap3A_276] {strides = array<i32>} : memref<65536xf32, #tpu.memory_space<vmem>>, vector<16xf32>,
            tpu.vector_store %arg7[%swap3A_276], %gather3A_273 {strides = array<i32>} : memref<65536xf32, #tpu.memory_space<vmem>>, vector<16xf32>,
            %scan3A_278 = arith.constant 0 : i32
            scf.yield %scan3A_278 : i32
          }
          %scan3A_101 = arith.constant 64 : i32
          %lt3A_102 = arith.constant 15 : i32
          %lt3A_103 = arith.cmpi slt, %scan3A_51, %lt3A_102 : i32
          %convert_element_type3A_104 = arith.extui %lt3A_103 : i1 to i32
          %cond3A_105 = arith.constant 0 : i32
          %cond3A_106 = arith.cmpi ne, %convert_element_type3A_104, %cond3A_105 : i32
          scf.if %cond3A_106 {
            %add3A_136 = arith.constant 1 : i32
            %add3A_137 = arith.addi %add3A_55, %add3A_136 : i32
            %dma_start3A_138 = arith.constant 0 : i32
            %dma_start3A_139 = arith.constant 0 : i32
            %dma_start3A_140 = arith.constant 0 : i32
            %dma_start3A_141 = tpu.memref_slice %arg6[%dma_start3A_138, %dma_start3A_139, %dma_start3A_140] : memref<2x2x10112xf32, #tpu.memory_space<vmem>> -> memref<1x2x10112xf32, #tpu.memory_space<vmem>>
            %dma_start3A_142 = tpu.memref_squeeze %dma_start3A_141 : memref<1x2x10112xf32, #tpu.memory_space<vmem>> -> memref<2x10112xf32, #tpu.memory_space<vmem>>
            %dma_start3A_143 = arith.constant 0 : i32
            %dma_start3A_144 = arith.constant 0 : i32
            %dma_start3A_145 = tpu.memref_slice %arg2[%add3A_137, %dma_start3A_143, %dma_start3A_144] : memref<3696x4x10112xf32, #tpu.memory_space<hbm>> -> memref<1x2x10112xf32, #tpu.memory_space<hbm>>
            %dma_start3A_146 = tpu.memref_squeeze %dma_start3A_145 : memref<1x2x10112xf32, #tpu.memory_space<hbm>> -> memref<2x10112xf32, #tpu.memory_space<hbm>>
            %dma_start3A_147 = arith.constant 0 : i32
            %dma_start3A_148 = arith.constant 0 : i32
            %dma_start3A_149 = tpu.memref_slice %arg6[%dma_start3A_138, %dma_start3A_147, %dma_start3A_148] : memref<2x2x10112xf32, #tpu.memory_space<vmem>> -> memref<1x2x10112xf32, #tpu.memory_space<vmem>>
            %dma_start3A_150 = tpu.memref_squeeze %dma_start3A_149 : memref<1x2x10112xf32, #tpu.memory_space<vmem>> -> memref<2x10112xf32, #tpu.memory_space<vmem>>
            %dma_start3A_151 = arith.constant 0 : i32
            %dma_start3A_152 = arith.constant 0 : i32
            %dma_start3A_153 = tpu.memref_slice %arg2[%add3A_137, %dma_start3A_151, %dma_start3A_152] : memref<3696x4x10112xf32, #tpu.memory_space<hbm>> -> memref<1x2x10112xf32, #tpu.memory_space<hbm>>
            %dma_start3A_154 = tpu.memref_squeeze %dma_start3A_153 : memref<1x2x10112xf32, #tpu.memory_space<hbm>> -> memref<2x10112xf32, #tpu.memory_space<hbm>>
            tpu.enqueue_dma source(%dma_start3A_154 : memref<2x10112xf32, #tpu.memory_space<hbm>>) target(%dma_start3A_150 : memref<2x10112xf32, #tpu.memory_space<vmem>>) target_semaphore(%arg8 : memref<!tpu.dma_semaphore, #tpu.memory_space<semaphore_mem>>)
          } else {
          }
          %dma_wait3A_107 = arith.constant 1 : i32
          %dma_wait3A_108 = arith.constant 0 : i32
          %dma_wait3A_109 = arith.constant 0 : i32
          %dma_wait3A_110 = tpu.memref_slice %arg6[%dma_wait3A_107, %dma_wait3A_108, %dma_wait3A_109] : memref<2x2x10112xf32, #tpu.memory_space<vmem>> -> memref<1x2x10112xf32, #tpu.memory_space<vmem>>
          %dma_wait3A_111 = tpu.memref_squeeze %dma_wait3A_110 : memref<1x2x10112xf32, #tpu.memory_space<vmem>> -> memref<2x10112xf32, #tpu.memory_space<vmem>>
          %dma_wait3A_112 = arith.constant 2 : i32
          %dma_wait3A_113 = arith.constant 0 : i32
          %dma_wait3A_114 = tpu.memref_slice %arg2[%add3A_55, %dma_wait3A_112, %dma_wait3A_113] : memref<3696x4x10112xf32, #tpu.memory_space<hbm>> -> memref<1x2x10112xf32, #tpu.memory_space<hbm>>
          %dma_wait3A_115 = tpu.memref_squeeze %dma_wait3A_114 : memref<1x2x10112xf32, #tpu.memory_space<hbm>> -> memref<2x10112xf32, #tpu.memory_space<hbm>>
          %dma_wait3A_116 = arith.constant 0 : i32
          %dma_wait3A_117 = arith.constant 0 : i32
          %dma_wait3A_118 = tpu.memref_slice %arg6[%dma_wait3A_107, %dma_wait3A_116, %dma_wait3A_117] : memref<2x2x10112xf32, #tpu.memory_space<vmem>> -> memref<1x2x10112xf32, #tpu.memory_space<vmem>>
          %dma_wait3A_119 = tpu.memref_squeeze %dma_wait3A_118 : memref<1x2x10112xf32, #tpu.memory_space<vmem>> -> memref<2x10112xf32, #tpu.memory_space<vmem>>
          %dma_wait3A_120 = arith.constant 2 : i32
          %dma_wait3A_121 = arith.constant 0 : i32
          %dma_wait3A_122 = tpu.memref_slice %arg2[%add3A_55, %dma_wait3A_120, %dma_wait3A_121] : memref<3696x4x10112xf32, #tpu.memory_space<hbm>> -> memref<1x2x10112xf32, #tpu.memory_space<hbm>>
          %dma_wait3A_123 = tpu.memref_squeeze %dma_wait3A_122 : memref<1x2x10112xf32, #tpu.memory_space<hbm>> -> memref<2x10112xf32, #tpu.memory_space<hbm>>
          tpu.wait_dma2 semaphore(%arg9 : memref<!tpu.dma_semaphore, #tpu.memory_space<semaphore_mem>>) src(%dma_wait3A_123 : memref<2x10112xf32, #tpu.memory_space<hbm>>) dst(%dma_wait3A_119 : memref<2x10112xf32, #tpu.memory_space<vmem>>)
          %broadcast_in_dim3A_124 = arith.constant 0 : i32
          %broadcast_in_dim3A_125 = vector.broadcast %broadcast_in_dim3A_124 : i32 to vector<16xi32>
          %broadcast_in_dim3A_126 = arith.constant 1 : i32
          %broadcast_in_dim3A_127 = vector.broadcast %broadcast_in_dim3A_126 : i32 to vector<16xi32>
          %scan3A_128 = arith.constant 0 : i32
          %scan3A_129 = arith.constant 0 : i32
          %scan3A_130 = arith.constant 64 : i32
          %scan3A_131 = arith.addi %scan3A_129, %scan3A_130 : i32
          %scan3A_132 = arith.constant 4 : i32
          %scan3A_133 = scf.for %scan3A_136 = %scan3A_129 to %scan3A_131 step %scan3A_132 iter_args(%scan3A_137 = %scan3A_128) -> (i32)  : i32 {
            %mul3A_138 = arith.constant 16 : i32
            %mul3A_139 = arith.muli %scan3A_136, %mul3A_138 : i32
            %get3A = arith.index_cast %mul3A_139 : i32 to index
            %get3A_140 = tpu.vector_load %arg5[%get3A] {strides = array<i32>} : memref<1024xi32, #tpu.memory_space<vmem>>, vector<16xi32>,
            %shift_right_arithmetic3A = arith.constant 3 : i32
            %shift_right_arithmetic3A_141 = arith.shrsi %scan3A_136, %shift_right_arithmetic3A : i32
            %mul3A_142 = arith.constant 512 : i32
            %mul3A_143 = arith.muli %shift_right_arithmetic3A_141, %mul3A_142 : i32
            %and3A = arith.constant 7 : i32
            %and3A_144 = arith.andi %scan3A_136, %and3A : i32
            %mul3A_145 = arith.constant 16 : i32
            %mul3A_146 = arith.muli %and3A_144, %mul3A_145 : i32
            %add3A_147 = arith.addi %mul3A_143, %mul3A_146 : i32
            %add3A_148 = arith.addi %mul3A_57, %add3A_147 : i32
            %add3A_149 = arith.constant 256 : i32
            %add3A_150 = arith.addi %add3A_148, %add3A_149 : i32
            %gather3A = arith.constant 1 : i32
            %gather3A_151 = arith.constant 0 : i32
            %gather3A_152 = arith.constant 0 : i32
            %gather3A_153 = tpu.memref_slice %arg6[%gather3A, %gather3A_151, %gather3A_152] : memref<2x2x10112xf32, #tpu.memory_space<vmem>> -> memref<1x2x10112xf32, #tpu.memory_space<vmem>>
            %gather3A_154 = tpu.memref_squeeze %gather3A_153 : memref<1x2x10112xf32, #tpu.memory_space<vmem>> -> memref<2x10112xf32, #tpu.memory_space<vmem>>
            %gather3A_155 = tpu.vector_load_idx %gather3A_154[%broadcast_in_dim3A_125, %get3A_140] : memref<2x10112xf32, #tpu.memory_space<vmem>>[vector<16xi32>, vector<16xi32>], vector<16xf32>,
            %swap3A = arith.index_cast %add3A_150 : i32 to index
            %swap3A_156 = tpu.vector_load %arg7[%swap3A] {strides = array<i32>} : memref<65536xf32, #tpu.memory_space<vmem>>, vector<16xf32>,
            tpu.vector_store %arg7[%swap3A], %gather3A_155 {strides = array<i32>} : memref<65536xf32, #tpu.memory_space<vmem>>, vector<16xf32>,
            %gather3A_157 = arith.constant 1 : i32
            %gather3A_158 = arith.constant 0 : i32
            %gather3A_159 = arith.constant 0 : i32
            %gather3A_160 = tpu.memref_slice %arg6[%gather3A_157, %gather3A_158, %gather3A_159] : memref<2x2x10112xf32, #tpu.memory_space<vmem>> -> memref<1x2x10112xf32, #tpu.memory_space<vmem>>
            %gather3A_161 = tpu.memref_squeeze %gather3A_160 : memref<1x2x10112xf32, #tpu.memory_space<vmem>> -> memref<2x10112xf32, #tpu.memory_space<vmem>>
            %gather3A_162 = tpu.vector_load_idx %gather3A_161[%broadcast_in_dim3A_127, %get3A_140] : memref<2x10112xf32, #tpu.memory_space<vmem>>[vector<16xi32>, vector<16xi32>], vector<16xf32>,
            %add3A_163 = arith.constant 128 : i32
            %add3A_164 = arith.addi %add3A_150, %add3A_163 : i32
            %swap3A_165 = arith.index_cast %add3A_164 : i32 to index
            %swap3A_166 = tpu.vector_load %arg7[%swap3A_165] {strides = array<i32>} : memref<65536xf32, #tpu.memory_space<vmem>>, vector<16xf32>,
            tpu.vector_store %arg7[%swap3A_165], %gather3A_162 {strides = array<i32>} : memref<65536xf32, #tpu.memory_space<vmem>>, vector<16xf32>,
            %scan3A_167 = arith.constant 0 : i32
            %scan3A_168 = arith.constant 1 : i32
            %scan3A_169 = arith.addi %scan3A_136, %scan3A_168 : i32
            %mul3A_170 = arith.constant 16 : i32
            %mul3A_171 = arith.muli %scan3A_169, %mul3A_170 : i32
            %get3A_172 = arith.index_cast %mul3A_171 : i32 to index
            %get3A_173 = tpu.vector_load %arg5[%get3A_172] {strides = array<i32>} : memref<1024xi32, #tpu.memory_space<vmem>>, vector<16xi32>,
            %shift_right_arithmetic3A_174 = arith.constant 3 : i32
            %shift_right_arithmetic3A_175 = arith.shrsi %scan3A_169, %shift_right_arithmetic3A_174 : i32
            %mul3A_176 = arith.constant 512 : i32
            %mul3A_177 = arith.muli %shift_right_arithmetic3A_175, %mul3A_176 : i32
            %and3A_178 = arith.constant 7 : i32
            %and3A_179 = arith.andi %scan3A_169, %and3A_178 : i32
            %mul3A_180 = arith.constant 16 : i32
            %mul3A_181 = arith.muli %and3A_179, %mul3A_180 : i32
            %add3A_182 = arith.addi %mul3A_177, %mul3A_181 : i32
            %add3A_183 = arith.addi %mul3A_57, %add3A_182 : i32
            %add3A_184 = arith.constant 256 : i32
            %add3A_185 = arith.addi %add3A_183, %add3A_184 : i32
            %gather3A_186 = arith.constant 1 : i32
            %gather3A_187 = arith.constant 0 : i32
            %gather3A_188 = arith.constant 0 : i32
            %gather3A_189 = tpu.memref_slice %arg6[%gather3A_186, %gather3A_187, %gather3A_188] : memref<2x2x10112xf32, #tpu.memory_space<vmem>> -> memref<1x2x10112xf32, #tpu.memory_space<vmem>>
            %gather3A_190 = tpu.memref_squeeze %gather3A_189 : memref<1x2x10112xf32, #tpu.memory_space<vmem>> -> memref<2x10112xf32, #tpu.memory_space<vmem>>
            %gather3A_191 = tpu.vector_load_idx %gather3A_190[%broadcast_in_dim3A_125, %get3A_173] : memref<2x10112xf32, #tpu.memory_space<vmem>>[vector<16xi32>, vector<16xi32>], vector<16xf32>,
            %swap3A_192 = arith.index_cast %add3A_185 : i32 to index
            %swap3A_193 = tpu.vector_load %arg7[%swap3A_192] {strides = array<i32>} : memref<65536xf32, #tpu.memory_space<vmem>>, vector<16xf32>,
            tpu.vector_store %arg7[%swap3A_192], %gather3A_191 {strides = array<i32>} : memref<65536xf32, #tpu.memory_space<vmem>>, vector<16xf32>,
            %gather3A_194 = arith.constant 1 : i32
            %gather3A_195 = arith.constant 0 : i32
            %gather3A_196 = arith.constant 0 : i32
            %gather3A_197 = tpu.memref_slice %arg6[%gather3A_194, %gather3A_195, %gather3A_196] : memref<2x2x10112xf32, #tpu.memory_space<vmem>> -> memref<1x2x10112xf32, #tpu.memory_space<vmem>>
            %gather3A_198 = tpu.memref_squeeze %gather3A_197 : memref<1x2x10112xf32, #tpu.memory_space<vmem>> -> memref<2x10112xf32, #tpu.memory_space<vmem>>
            %gather3A_199 = tpu.vector_load_idx %gather3A_198[%broadcast_in_dim3A_127, %get3A_173] : memref<2x10112xf32, #tpu.memory_space<vmem>>[vector<16xi32>, vector<16xi32>], vector<16xf32>,
            %add3A_200 = arith.constant 128 : i32
            %add3A_201 = arith.addi %add3A_185, %add3A_200 : i32
            %swap3A_202 = arith.index_cast %add3A_201 : i32 to index
            %swap3A_203 = tpu.vector_load %arg7[%swap3A_202] {strides = array<i32>} : memref<65536xf32, #tpu.memory_space<vmem>>, vector<16xf32>,
            tpu.vector_store %arg7[%swap3A_202], %gather3A_199 {strides = array<i32>} : memref<65536xf32, #tpu.memory_space<vmem>>, vector<16xf32>,
            %scan3A_204 = arith.constant 0 : i32
            %scan3A_205 = arith.constant 2 : i32
            %scan3A_206 = arith.addi %scan3A_136, %scan3A_205 : i32
            %mul3A_207 = arith.constant 16 : i32
            %mul3A_208 = arith.muli %scan3A_206, %mul3A_207 : i32
            %get3A_209 = arith.index_cast %mul3A_208 : i32 to index
            %get3A_210 = tpu.vector_load %arg5[%get3A_209] {strides = array<i32>} : memref<1024xi32, #tpu.memory_space<vmem>>, vector<16xi32>,
            %shift_right_arithmetic3A_211 = arith.constant 3 : i32
            %shift_right_arithmetic3A_212 = arith.shrsi %scan3A_206, %shift_right_arithmetic3A_211 : i32
            %mul3A_213 = arith.constant 512 : i32
            %mul3A_214 = arith.muli %shift_right_arithmetic3A_212, %mul3A_213 : i32
            %and3A_215 = arith.constant 7 : i32
            %and3A_216 = arith.andi %scan3A_206, %and3A_215 : i32
            %mul3A_217 = arith.constant 16 : i32
            %mul3A_218 = arith.muli %and3A_216, %mul3A_217 : i32
            %add3A_219 = arith.addi %mul3A_214, %mul3A_218 : i32
            %add3A_220 = arith.addi %mul3A_57, %add3A_219 : i32
            %add3A_221 = arith.constant 256 : i32
            %add3A_222 = arith.addi %add3A_220, %add3A_221 : i32
            %gather3A_223 = arith.constant 1 : i32
            %gather3A_224 = arith.constant 0 : i32
            %gather3A_225 = arith.constant 0 : i32
            %gather3A_226 = tpu.memref_slice %arg6[%gather3A_223, %gather3A_224, %gather3A_225] : memref<2x2x10112xf32, #tpu.memory_space<vmem>> -> memref<1x2x10112xf32, #tpu.memory_space<vmem>>
            %gather3A_227 = tpu.memref_squeeze %gather3A_226 : memref<1x2x10112xf32, #tpu.memory_space<vmem>> -> memref<2x10112xf32, #tpu.memory_space<vmem>>
            %gather3A_228 = tpu.vector_load_idx %gather3A_227[%broadcast_in_dim3A_125, %get3A_210] : memref<2x10112xf32, #tpu.memory_space<vmem>>[vector<16xi32>, vector<16xi32>], vector<16xf32>,
            %swap3A_229 = arith.index_cast %add3A_222 : i32 to index
            %swap3A_230 = tpu.vector_load %arg7[%swap3A_229] {strides = array<i32>} : memref<65536xf32, #tpu.memory_space<vmem>>, vector<16xf32>,
            tpu.vector_store %arg7[%swap3A_229], %gather3A_228 {strides = array<i32>} : memref<65536xf32, #tpu.memory_space<vmem>>, vector<16xf32>,
            %gather3A_231 = arith.constant 1 : i32
            %gather3A_232 = arith.constant 0 : i32
            %gather3A_233 = arith.constant 0 : i32
            %gather3A_234 = tpu.memref_slice %arg6[%gather3A_231, %gather3A_232, %gather3A_233] : memref<2x2x10112xf32, #tpu.memory_space<vmem>> -> memref<1x2x10112xf32, #tpu.memory_space<vmem>>
            %gather3A_235 = tpu.memref_squeeze %gather3A_234 : memref<1x2x10112xf32, #tpu.memory_space<vmem>> -> memref<2x10112xf32, #tpu.memory_space<vmem>>
            %gather3A_236 = tpu.vector_load_idx %gather3A_235[%broadcast_in_dim3A_127, %get3A_210] : memref<2x10112xf32, #tpu.memory_space<vmem>>[vector<16xi32>, vector<16xi32>], vector<16xf32>,
            %add3A_237 = arith.constant 128 : i32
            %add3A_238 = arith.addi %add3A_222, %add3A_237 : i32
            %swap3A_239 = arith.index_cast %add3A_238 : i32 to index
            %swap3A_240 = tpu.vector_load %arg7[%swap3A_239] {strides = array<i32>} : memref<65536xf32, #tpu.memory_space<vmem>>, vector<16xf32>,
            tpu.vector_store %arg7[%swap3A_239], %gather3A_236 {strides = array<i32>} : memref<65536xf32, #tpu.memory_space<vmem>>, vector<16xf32>,
            %scan3A_241 = arith.constant 0 : i32
            %scan3A_242 = arith.constant 3 : i32
            %scan3A_243 = arith.addi %scan3A_136, %scan3A_242 : i32
            %mul3A_244 = arith.constant 16 : i32
            %mul3A_245 = arith.muli %scan3A_243, %mul3A_244 : i32
            %get3A_246 = arith.index_cast %mul3A_245 : i32 to index
            %get3A_247 = tpu.vector_load %arg5[%get3A_246] {strides = array<i32>} : memref<1024xi32, #tpu.memory_space<vmem>>, vector<16xi32>,
            %shift_right_arithmetic3A_248 = arith.constant 3 : i32
            %shift_right_arithmetic3A_249 = arith.shrsi %scan3A_243, %shift_right_arithmetic3A_248 : i32
            %mul3A_250 = arith.constant 512 : i32
            %mul3A_251 = arith.muli %shift_right_arithmetic3A_249, %mul3A_250 : i32
            %and3A_252 = arith.constant 7 : i32
            %and3A_253 = arith.andi %scan3A_243, %and3A_252 : i32
            %mul3A_254 = arith.constant 16 : i32
            %mul3A_255 = arith.muli %and3A_253, %mul3A_254 : i32
            %add3A_256 = arith.addi %mul3A_251, %mul3A_255 : i32
            %add3A_257 = arith.addi %mul3A_57, %add3A_256 : i32
            %add3A_258 = arith.constant 256 : i32
            %add3A_259 = arith.addi %add3A_257, %add3A_258 : i32
            %gather3A_260 = arith.constant 1 : i32
            %gather3A_261 = arith.constant 0 : i32
            %gather3A_262 = arith.constant 0 : i32
            %gather3A_263 = tpu.memref_slice %arg6[%gather3A_260, %gather3A_261, %gather3A_262] : memref<2x2x10112xf32, #tpu.memory_space<vmem>> -> memref<1x2x10112xf32, #tpu.memory_space<vmem>>
            %gather3A_264 = tpu.memref_squeeze %gather3A_263 : memref<1x2x10112xf32, #tpu.memory_space<vmem>> -> memref<2x10112xf32, #tpu.memory_space<vmem>>
            %gather3A_265 = tpu.vector_load_idx %gather3A_264[%broadcast_in_dim3A_125, %get3A_247] : memref<2x10112xf32, #tpu.memory_space<vmem>>[vector<16xi32>, vector<16xi32>], vector<16xf32>,
            %swap3A_266 = arith.index_cast %add3A_259 : i32 to index
            %swap3A_267 = tpu.vector_load %arg7[%swap3A_266] {strides = array<i32>} : memref<65536xf32, #tpu.memory_space<vmem>>, vector<16xf32>,
            tpu.vector_store %arg7[%swap3A_266], %gather3A_265 {strides = array<i32>} : memref<65536xf32, #tpu.memory_space<vmem>>, vector<16xf32>,
            %gather3A_268 = arith.constant 1 : i32
            %gather3A_269 = arith.constant 0 : i32
            %gather3A_270 = arith.constant 0 : i32
            %gather3A_271 = tpu.memref_slice %arg6[%gather3A_268, %gather3A_269, %gather3A_270] : memref<2x2x10112xf32, #tpu.memory_space<vmem>> -> memref<1x2x10112xf32, #tpu.memory_space<vmem>>
            %gather3A_272 = tpu.memref_squeeze %gather3A_271 : memref<1x2x10112xf32, #tpu.memory_space<vmem>> -> memref<2x10112xf32, #tpu.memory_space<vmem>>
            %gather3A_273 = tpu.vector_load_idx %gather3A_272[%broadcast_in_dim3A_127, %get3A_247] : memref<2x10112xf32, #tpu.memory_space<vmem>>[vector<16xi32>, vector<16xi32>], vector<16xf32>,
            %add3A_274 = arith.constant 128 : i32
            %add3A_275 = arith.addi %add3A_259, %add3A_274 : i32
            %swap3A_276 = arith.index_cast %add3A_275 : i32 to index
            %swap3A_277 = tpu.vector_load %arg7[%swap3A_276] {strides = array<i32>} : memref<65536xf32, #tpu.memory_space<vmem>>, vector<16xf32>,
            tpu.vector_store %arg7[%swap3A_276], %gather3A_273 {strides = array<i32>} : memref<65536xf32, #tpu.memory_space<vmem>>, vector<16xf32>,
            %scan3A_278 = arith.constant 0 : i32
            scf.yield %scan3A_278 : i32
          }
          %scan3A_134 = arith.constant 64 : i32
          %scan3A_135 = arith.constant 0 : i32
          scf.yield %scan3A_135 : i32
        }
        %scan3A_46 = arith.constant 16 : i32
        %mul3A_47 = arith.constant 65536 : i32
        %mul3A_48 = arith.muli %add3A_14, %mul3A_47 : i32
        %dma_start3A_49 = tpu.memref_slice %arg4[%mul3A_48] : memref<15138816xf32, #tpu.memory_space<hbm>> -> memref<65536xf32, #tpu.memory_space<hbm>>
        %dma_start3A_50 = tpu.memref_slice %arg4[%mul3A_48] : memref<15138816xf32, #tpu.memory_space<hbm>> -> memref<65536xf32, #tpu.memory_space<hbm>>
        tpu.enqueue_dma source(%arg7 : memref<65536xf32, #tpu.memory_space<vmem>>) target(%dma_start3A_50 : memref<65536xf32, #tpu.memory_space<hbm>>) target_semaphore(%arg10 : memref<!tpu.dma_semaphore, #tpu.memory_space<semaphore_mem>>)
      } else {
      }
      %scan3A_17 = arith.constant 0 : i32
      scf.yield %scan3A_17 : i32
    }
    %scan3A_6 = arith.constant 8 : i32
    %dma_wait3A = arith.constant 0 : i32
    %dma_wait3A_7 = tpu.memref_slice %arg4[%dma_wait3A] : memref<15138816xf32, #tpu.memory_space<hbm>> -> memref<65536xf32, #tpu.memory_space<hbm>>
    %dma_wait3A_8 = arith.constant 0 : i32
    %dma_wait3A_9 = tpu.memref_slice %arg4[%dma_wait3A_8] : memref<15138816xf32, #tpu.memory_space<hbm>> -> memref<65536xf32, #tpu.memory_space<hbm>>
    tpu.wait_dma2 semaphore(%arg10 : memref<!tpu.dma_semaphore, #tpu.memory_space<semaphore_mem>>) src(%arg7 : memref<65536xf32, #tpu.memory_space<vmem>>) dst(%dma_wait3A_9 : memref<65536xf32, #tpu.memory_space<hbm>>)
    return
  }
}

#map = affine_map<(d0, d1) -> (0, 0, 0)>
#map1 = affine_map<(d0, d1) -> (0)>
module attributes {stable_mosaic.version = 14 : i64} {
  func.func @_body1(%arg0: i32, %arg1: i32, %arg2: memref<3696x4x10112xf32, #tpu.memory_space<hbm>>, %arg3: memref<1024xi32, #tpu.memory_space<hbm>>, %arg4: memref<15138816xf32, #tpu.memory_space<hbm>>, %arg5: memref<1024xi32, #tpu.memory_space<vmem>>, %arg6: memref<2x2x10112xf32, #tpu.memory_space<vmem>>, %arg7: memref<65536xf32, #tpu.memory_space<vmem>>, %arg8: memref<!tpu.dma_semaphore, #tpu.memory_space<semaphore_mem>>, %arg9: memref<!tpu.dma_semaphore, #tpu.memory_space<semaphore_mem>>, %arg10: memref<!tpu.dma_semaphore, #tpu.memory_space<semaphore_mem>>) attributes {dimension_semantics = [#tpu.dimension_semantics<core_parallel>, #tpu.dimension_semantics<subcore_parallel>], iteration_bounds = array<i64: 2, 16>, scalar_prefetch = 0 : i64, scratch_operands = 6 : i64, tpu.core_type = #tpu.core_type<sc_vector_subcore>, window_params = [{transform_indices = #map}, {transform_indices = #map1}, {transform_indices = #map1}]} {
    %mul3A = arith.constant 2 : i32
    %mul3A_0 = arith.muli %arg1, %mul3A : i32
    %add3A = arith.addi %mul3A_0, %arg0 : i32
    "tpu.region"() ({
      %run_scoped3A = tpu.sem_alloc : memref<!tpu.dma_semaphore, #tpu.memory_space<semaphore_mem>>
      tpu.enqueue_dma source(%arg3 : memref<1024xi32, #tpu.memory_space<hbm>>) target(%arg5 : memref<1024xi32, #tpu.memory_space<vmem>>) target_semaphore(%run_scoped3A : memref<!tpu.dma_semaphore, #tpu.memory_space<semaphore_mem>>)
      tpu.wait_dma2 semaphore(%run_scoped3A : memref<!tpu.dma_semaphore, #tpu.memory_space<semaphore_mem>>) src(%arg3 : memref<1024xi32, #tpu.memory_space<hbm>>) dst(%arg5 : memref<1024xi32, #tpu.memory_space<vmem>>)
      tpu.yield
    }) : () -> ()
    %scan3A = arith.constant 0 : i32
    %scan3A_1 = arith.constant 0 : i32
    %scan3A_2 = arith.constant 8 : i32
    %scan3A_3 = arith.addi %scan3A_1, %scan3A_2 : i32
    %scan3A_4 = arith.constant 1 : i32
    %scan3A_5 = scf.for %scan3A_10 = %scan3A_1 to %scan3A_3 step %scan3A_4 iter_args(%scan3A_11 = %scan3A) -> (i32)  : i32 {
      %mul3A_12 = arith.constant 32 : i32
      %mul3A_13 = arith.muli %scan3A_10, %mul3A_12 : i32
      %add3A_14 = arith.addi %add3A, %mul3A_13 : i32
      %lt3A = arith.constant 231 : i32
      %lt3A_15 = arith.cmpi slt, %add3A_14, %lt3A : i32
      %convert_element_type3A = arith.extui %lt3A_15 : i1 to i32
      %cond3A = arith.constant 0 : i32
      %cond3A_16 = arith.cmpi ne, %convert_element_type3A, %cond3A : i32
      scf.if %cond3A_16 {
        %mul3A_18 = arith.constant 16 : i32
        %mul3A_19 = arith.muli %add3A_14, %mul3A_18 : i32
        %dma_start3A = arith.constant 0 : i32
        %dma_start3A_20 = arith.constant 0 : i32
        %dma_start3A_21 = arith.constant 0 : i32
        %dma_start3A_22 = tpu.memref_slice %arg6[%dma_start3A, %dma_start3A_20, %dma_start3A_21] : memref<2x2x10112xf32, #tpu.memory_space<vmem>> -> memref<1x2x10112xf32, #tpu.memory_space<vmem>>
        %dma_start3A_23 = tpu.memref_squeeze %dma_start3A_22 : memref<1x2x10112xf32, #tpu.memory_space<vmem>> -> memref<2x10112xf32, #tpu.memory_space<vmem>>
        %dma_start3A_24 = arith.constant 0 : i32
        %dma_start3A_25 = arith.constant 0 : i32
        %dma_start3A_26 = tpu.memref_slice %arg2[%mul3A_19, %dma_start3A_24, %dma_start3A_25] : memref<3696x4x10112xf32, #tpu.memory_space<hbm>> -> memref<1x2x10112xf32, #tpu.memory_space<hbm>>
        %dma_start3A_27 = tpu.memref_squeeze %dma_start3A_26 : memref<1x2x10112xf32, #tpu.memory_space<hbm>> -> memref<2x10112xf32, #tpu.memory_space<hbm>>
        %dma_start3A_28 = arith.constant 0 : i32
        %dma_start3A_29 = arith.constant 0 : i32
        %dma_start3A_30 = tpu.memref_slice %arg6[%dma_start3A, %dma_start3A_28, %dma_start3A_29] : memref<2x2x10112xf32, #tpu.memory_space<vmem>> -> memref<1x2x10112xf32, #tpu.memory_space<vmem>>
        %dma_start3A_31 = tpu.memref_squeeze %dma_start3A_30 : memref<1x2x10112xf32, #tpu.memory_space<vmem>> -> memref<2x10112xf32, #tpu.memory_space<vmem>>
        %dma_start3A_32 = arith.constant 0 : i32
        %dma_start3A_33 = arith.constant 0 : i32
        %dma_start3A_34 = tpu.memref_slice %arg2[%mul3A_19, %dma_start3A_32, %dma_start3A_33] : memref<3696x4x10112xf32, #tpu.memory_space<hbm>> -> memref<1x2x10112xf32, #tpu.memory_space<hbm>>
        %dma_start3A_35 = tpu.memref_squeeze %dma_start3A_34 : memref<1x2x10112xf32, #tpu.memory_space<hbm>> -> memref<2x10112xf32, #tpu.memory_space<hbm>>
        tpu.enqueue_dma source(%dma_start3A_35 : memref<2x10112xf32, #tpu.memory_space<hbm>>) target(%dma_start3A_31 : memref<2x10112xf32, #tpu.memory_space<vmem>>) target_semaphore(%arg8 : memref<!tpu.dma_semaphore, #tpu.memory_space<semaphore_mem>>)
        %gt3A = arith.constant 0 : i32
        %gt3A_36 = arith.cmpi sgt, %scan3A_10, %gt3A : i32
        %convert_element_type3A_37 = arith.extui %gt3A_36 : i1 to i32
        %cond3A_38 = arith.constant 0 : i32
        %cond3A_39 = arith.cmpi ne, %convert_element_type3A_37, %cond3A_38 : i32
        scf.if %cond3A_39 {
          %dma_wait3A_51 = arith.constant 0 : i32
          %dma_wait3A_52 = tpu.memref_slice %arg4[%dma_wait3A_51] : memref<15138816xf32, #tpu.memory_space<hbm>> -> memref<65536xf32, #tpu.memory_space<hbm>>
          %dma_wait3A_53 = arith.constant 0 : i32
          %dma_wait3A_54 = tpu.memref_slice %arg4[%dma_wait3A_53] : memref<15138816xf32, #tpu.memory_space<hbm>> -> memref<65536xf32, #tpu.memory_space<hbm>>
          tpu.wait_dma2 semaphore(%arg10 : memref<!tpu.dma_semaphore, #tpu.memory_space<semaphore_mem>>) src(%arg7 : memref<65536xf32, #tpu.memory_space<vmem>>) dst(%dma_wait3A_54 : memref<65536xf32, #tpu.memory_space<hbm>>)
        } else {
        }
        %scan3A_40 = arith.constant 0 : i32
        %scan3A_41 = arith.constant 0 : i32
        %scan3A_42 = arith.constant 16 : i32
        %scan3A_43 = arith.addi %scan3A_41, %scan3A_42 : i32
        %scan3A_44 = arith.constant 1 : i32
        %scan3A_45 = scf.for %scan3A_51 = %scan3A_41 to %scan3A_43 step %scan3A_44 iter_args(%scan3A_52 = %scan3A_40) -> (i32)  : i32 {
          %mul3A_53 = arith.constant 16 : i32
          %mul3A_54 = arith.muli %add3A_14, %mul3A_53 : i32
          %add3A_55 = arith.addi %mul3A_54, %scan3A_51 : i32
          %mul3A_56 = arith.constant 4096 : i32
          %mul3A_57 = arith.muli %scan3A_51, %mul3A_56 : i32
          %dma_start3A_58 = arith.constant 1 : i32
          %dma_start3A_59 = arith.constant 0 : i32
          %dma_start3A_60 = arith.constant 0 : i32
          %dma_start3A_61 = tpu.memref_slice %arg6[%dma_start3A_58, %dma_start3A_59, %dma_start3A_60] : memref<2x2x10112xf32, #tpu.memory_space<vmem>> -> memref<1x2x10112xf32, #tpu.memory_space<vmem>>
          %dma_start3A_62 = tpu.memref_squeeze %dma_start3A_61 : memref<1x2x10112xf32, #tpu.memory_space<vmem>> -> memref<2x10112xf32, #tpu.memory_space<vmem>>
          %dma_start3A_63 = arith.constant 2 : i32
          %dma_start3A_64 = arith.constant 0 : i32
          %dma_start3A_65 = tpu.memref_slice %arg2[%add3A_55, %dma_start3A_63, %dma_start3A_64] : memref<3696x4x10112xf32, #tpu.memory_space<hbm>> -> memref<1x2x10112xf32, #tpu.memory_space<hbm>>
          %dma_start3A_66 = tpu.memref_squeeze %dma_start3A_65 : memref<1x2x10112xf32, #tpu.memory_space<hbm>> -> memref<2x10112xf32, #tpu.memory_space<hbm>>
          %dma_start3A_67 = arith.constant 0 : i32
          %dma_start3A_68 = arith.constant 0 : i32
          %dma_start3A_69 = tpu.memref_slice %arg6[%dma_start3A_58, %dma_start3A_67, %dma_start3A_68] : memref<2x2x10112xf32, #tpu.memory_space<vmem>> -> memref<1x2x10112xf32, #tpu.memory_space<vmem>>
          %dma_start3A_70 = tpu.memref_squeeze %dma_start3A_69 : memref<1x2x10112xf32, #tpu.memory_space<vmem>> -> memref<2x10112xf32, #tpu.memory_space<vmem>>
          %dma_start3A_71 = arith.constant 2 : i32
          %dma_start3A_72 = arith.constant 0 : i32
          %dma_start3A_73 = tpu.memref_slice %arg2[%add3A_55, %dma_start3A_71, %dma_start3A_72] : memref<3696x4x10112xf32, #tpu.memory_space<hbm>> -> memref<1x2x10112xf32, #tpu.memory_space<hbm>>
          %dma_start3A_74 = tpu.memref_squeeze %dma_start3A_73 : memref<1x2x10112xf32, #tpu.memory_space<hbm>> -> memref<2x10112xf32, #tpu.memory_space<hbm>>
          tpu.enqueue_dma source(%dma_start3A_74 : memref<2x10112xf32, #tpu.memory_space<hbm>>) target(%dma_start3A_70 : memref<2x10112xf32, #tpu.memory_space<vmem>>) target_semaphore(%arg9 : memref<!tpu.dma_semaphore, #tpu.memory_space<semaphore_mem>>)
          %dma_wait3A_75 = arith.constant 0 : i32
          %dma_wait3A_76 = arith.constant 0 : i32
          %dma_wait3A_77 = arith.constant 0 : i32
          %dma_wait3A_78 = tpu.memref_slice %arg6[%dma_wait3A_75, %dma_wait3A_76, %dma_wait3A_77] : memref<2x2x10112xf32, #tpu.memory_space<vmem>> -> memref<1x2x10112xf32, #tpu.memory_space<vmem>>
          %dma_wait3A_79 = tpu.memref_squeeze %dma_wait3A_78 : memref<1x2x10112xf32, #tpu.memory_space<vmem>> -> memref<2x10112xf32, #tpu.memory_space<vmem>>
          %dma_wait3A_80 = arith.constant 0 : i32
          %dma_wait3A_81 = arith.constant 0 : i32
          %dma_wait3A_82 = tpu.memref_slice %arg2[%add3A_55, %dma_wait3A_80, %dma_wait3A_81] : memref<3696x4x10112xf32, #tpu.memory_space<hbm>> -> memref<1x2x10112xf32, #tpu.memory_space<hbm>>
          %dma_wait3A_83 = tpu.memref_squeeze %dma_wait3A_82 : memref<1x2x10112xf32, #tpu.memory_space<hbm>> -> memref<2x10112xf32, #tpu.memory_space<hbm>>
          %dma_wait3A_84 = arith.constant 0 : i32
          %dma_wait3A_85 = arith.constant 0 : i32
          %dma_wait3A_86 = tpu.memref_slice %arg6[%dma_wait3A_75, %dma_wait3A_84, %dma_wait3A_85] : memref<2x2x10112xf32, #tpu.memory_space<vmem>> -> memref<1x2x10112xf32, #tpu.memory_space<vmem>>
          %dma_wait3A_87 = tpu.memref_squeeze %dma_wait3A_86 : memref<1x2x10112xf32, #tpu.memory_space<vmem>> -> memref<2x10112xf32, #tpu.memory_space<vmem>>
          %dma_wait3A_88 = arith.constant 0 : i32
          %dma_wait3A_89 = arith.constant 0 : i32
          %dma_wait3A_90 = tpu.memref_slice %arg2[%add3A_55, %dma_wait3A_88, %dma_wait3A_89] : memref<3696x4x10112xf32, #tpu.memory_space<hbm>> -> memref<1x2x10112xf32, #tpu.memory_space<hbm>>
          %dma_wait3A_91 = tpu.memref_squeeze %dma_wait3A_90 : memref<1x2x10112xf32, #tpu.memory_space<hbm>> -> memref<2x10112xf32, #tpu.memory_space<hbm>>
          tpu.wait_dma2 semaphore(%arg8 : memref<!tpu.dma_semaphore, #tpu.memory_space<semaphore_mem>>) src(%dma_wait3A_91 : memref<2x10112xf32, #tpu.memory_space<hbm>>) dst(%dma_wait3A_87 : memref<2x10112xf32, #tpu.memory_space<vmem>>)
          %broadcast_in_dim3A = arith.constant 0 : i32
          %broadcast_in_dim3A_92 = vector.broadcast %broadcast_in_dim3A : i32 to vector<16xi32>
          %broadcast_in_dim3A_93 = arith.constant 1 : i32
          %broadcast_in_dim3A_94 = vector.broadcast %broadcast_in_dim3A_93 : i32 to vector<16xi32>
          %scan3A_95 = arith.constant 0 : i32
          %scan3A_96 = arith.constant 0 : i32
          %scan3A_97 = arith.constant 64 : i32
          %scan3A_98 = arith.addi %scan3A_96, %scan3A_97 : i32
          %scan3A_99 = arith.constant 4 : i32
          %scan3A_100 = scf.for %scan3A_136 = %scan3A_96 to %scan3A_98 step %scan3A_99 iter_args(%scan3A_137 = %scan3A_95) -> (i32)  : i32 {
            %mul3A_138 = arith.constant 16 : i32
            %mul3A_139 = arith.muli %scan3A_136, %mul3A_138 : i32
            %get3A = arith.index_cast %mul3A_139 : i32 to index
            %get3A_140 = tpu.vector_load %arg5[%get3A] {strides = array<i32>} : memref<1024xi32, #tpu.memory_space<vmem>>, vector<16xi32>,
            %shift_right_arithmetic3A = arith.constant 3 : i32
            %shift_right_arithmetic3A_141 = arith.shrsi %scan3A_136, %shift_right_arithmetic3A : i32
            %mul3A_142 = arith.constant 512 : i32
            %mul3A_143 = arith.muli %shift_right_arithmetic3A_141, %mul3A_142 : i32
            %and3A = arith.constant 7 : i32
            %and3A_144 = arith.andi %scan3A_136, %and3A : i32
            %mul3A_145 = arith.constant 16 : i32
            %mul3A_146 = arith.muli %and3A_144, %mul3A_145 : i32
            %add3A_147 = arith.addi %mul3A_143, %mul3A_146 : i32
            %add3A_148 = arith.addi %mul3A_57, %add3A_147 : i32
            %add3A_149 = arith.constant 0 : i32
            %add3A_150 = arith.addi %add3A_148, %add3A_149 : i32
            %gather3A = arith.constant 0 : i32
            %gather3A_151 = arith.constant 0 : i32
            %gather3A_152 = arith.constant 0 : i32
            %gather3A_153 = tpu.memref_slice %arg6[%gather3A, %gather3A_151, %gather3A_152] : memref<2x2x10112xf32, #tpu.memory_space<vmem>> -> memref<1x2x10112xf32, #tpu.memory_space<vmem>>
            %gather3A_154 = tpu.memref_squeeze %gather3A_153 : memref<1x2x10112xf32, #tpu.memory_space<vmem>> -> memref<2x10112xf32, #tpu.memory_space<vmem>>
            %gather3A_155 = tpu.vector_load_idx %gather3A_154[%broadcast_in_dim3A_92, %get3A_140] : memref<2x10112xf32, #tpu.memory_space<vmem>>[vector<16xi32>, vector<16xi32>], vector<16xf32>,
            %swap3A = arith.index_cast %add3A_150 : i32 to index
            %swap3A_156 = tpu.vector_load %arg7[%swap3A] {strides = array<i32>} : memref<65536xf32, #tpu.memory_space<vmem>>, vector<16xf32>,
            tpu.vector_store %arg7[%swap3A], %gather3A_155 {strides = array<i32>} : memref<65536xf32, #tpu.memory_space<vmem>>, vector<16xf32>,
            %gather3A_157 = arith.constant 0 : i32
            %gather3A_158 = arith.constant 0 : i32
            %gather3A_159 = arith.constant 0 : i32
            %gather3A_160 = tpu.memref_slice %arg6[%gather3A_157, %gather3A_158, %gather3A_159] : memref<2x2x10112xf32, #tpu.memory_space<vmem>> -> memref<1x2x10112xf32, #tpu.memory_space<vmem>>
            %gather3A_161 = tpu.memref_squeeze %gather3A_160 : memref<1x2x10112xf32, #tpu.memory_space<vmem>> -> memref<2x10112xf32, #tpu.memory_space<vmem>>
            %gather3A_162 = tpu.vector_load_idx %gather3A_161[%broadcast_in_dim3A_94, %get3A_140] : memref<2x10112xf32, #tpu.memory_space<vmem>>[vector<16xi32>, vector<16xi32>], vector<16xf32>,
            %add3A_163 = arith.constant 128 : i32
            %add3A_164 = arith.addi %add3A_150, %add3A_163 : i32
            %swap3A_165 = arith.index_cast %add3A_164 : i32 to index
            %swap3A_166 = tpu.vector_load %arg7[%swap3A_165] {strides = array<i32>} : memref<65536xf32, #tpu.memory_space<vmem>>, vector<16xf32>,
            tpu.vector_store %arg7[%swap3A_165], %gather3A_162 {strides = array<i32>} : memref<65536xf32, #tpu.memory_space<vmem>>, vector<16xf32>,
            %scan3A_167 = arith.constant 0 : i32
            %scan3A_168 = arith.constant 1 : i32
            %scan3A_169 = arith.addi %scan3A_136, %scan3A_168 : i32
            %mul3A_170 = arith.constant 16 : i32
            %mul3A_171 = arith.muli %scan3A_169, %mul3A_170 : i32
            %get3A_172 = arith.index_cast %mul3A_171 : i32 to index
            %get3A_173 = tpu.vector_load %arg5[%get3A_172] {strides = array<i32>} : memref<1024xi32, #tpu.memory_space<vmem>>, vector<16xi32>,
            %shift_right_arithmetic3A_174 = arith.constant 3 : i32
            %shift_right_arithmetic3A_175 = arith.shrsi %scan3A_169, %shift_right_arithmetic3A_174 : i32
            %mul3A_176 = arith.constant 512 : i32
            %mul3A_177 = arith.muli %shift_right_arithmetic3A_175, %mul3A_176 : i32
            %and3A_178 = arith.constant 7 : i32
            %and3A_179 = arith.andi %scan3A_169, %and3A_178 : i32
            %mul3A_180 = arith.constant 16 : i32
            %mul3A_181 = arith.muli %and3A_179, %mul3A_180 : i32
            %add3A_182 = arith.addi %mul3A_177, %mul3A_181 : i32
            %add3A_183 = arith.addi %mul3A_57, %add3A_182 : i32
            %add3A_184 = arith.constant 0 : i32
            %add3A_185 = arith.addi %add3A_183, %add3A_184 : i32
            %gather3A_186 = arith.constant 0 : i32
            %gather3A_187 = arith.constant 0 : i32
            %gather3A_188 = arith.constant 0 : i32
            %gather3A_189 = tpu.memref_slice %arg6[%gather3A_186, %gather3A_187, %gather3A_188] : memref<2x2x10112xf32, #tpu.memory_space<vmem>> -> memref<1x2x10112xf32, #tpu.memory_space<vmem>>
            %gather3A_190 = tpu.memref_squeeze %gather3A_189 : memref<1x2x10112xf32, #tpu.memory_space<vmem>> -> memref<2x10112xf32, #tpu.memory_space<vmem>>
            %gather3A_191 = tpu.vector_load_idx %gather3A_190[%broadcast_in_dim3A_92, %get3A_173] : memref<2x10112xf32, #tpu.memory_space<vmem>>[vector<16xi32>, vector<16xi32>], vector<16xf32>,
            %swap3A_192 = arith.index_cast %add3A_185 : i32 to index
            %swap3A_193 = tpu.vector_load %arg7[%swap3A_192] {strides = array<i32>} : memref<65536xf32, #tpu.memory_space<vmem>>, vector<16xf32>,
            tpu.vector_store %arg7[%swap3A_192], %gather3A_191 {strides = array<i32>} : memref<65536xf32, #tpu.memory_space<vmem>>, vector<16xf32>,
            %gather3A_194 = arith.constant 0 : i32
            %gather3A_195 = arith.constant 0 : i32
            %gather3A_196 = arith.constant 0 : i32
            %gather3A_197 = tpu.memref_slice %arg6[%gather3A_194, %gather3A_195, %gather3A_196] : memref<2x2x10112xf32, #tpu.memory_space<vmem>> -> memref<1x2x10112xf32, #tpu.memory_space<vmem>>
            %gather3A_198 = tpu.memref_squeeze %gather3A_197 : memref<1x2x10112xf32, #tpu.memory_space<vmem>> -> memref<2x10112xf32, #tpu.memory_space<vmem>>
            %gather3A_199 = tpu.vector_load_idx %gather3A_198[%broadcast_in_dim3A_94, %get3A_173] : memref<2x10112xf32, #tpu.memory_space<vmem>>[vector<16xi32>, vector<16xi32>], vector<16xf32>,
            %add3A_200 = arith.constant 128 : i32
            %add3A_201 = arith.addi %add3A_185, %add3A_200 : i32
            %swap3A_202 = arith.index_cast %add3A_201 : i32 to index
            %swap3A_203 = tpu.vector_load %arg7[%swap3A_202] {strides = array<i32>} : memref<65536xf32, #tpu.memory_space<vmem>>, vector<16xf32>,
            tpu.vector_store %arg7[%swap3A_202], %gather3A_199 {strides = array<i32>} : memref<65536xf32, #tpu.memory_space<vmem>>, vector<16xf32>,
            %scan3A_204 = arith.constant 0 : i32
            %scan3A_205 = arith.constant 2 : i32
            %scan3A_206 = arith.addi %scan3A_136, %scan3A_205 : i32
            %mul3A_207 = arith.constant 16 : i32
            %mul3A_208 = arith.muli %scan3A_206, %mul3A_207 : i32
            %get3A_209 = arith.index_cast %mul3A_208 : i32 to index
            %get3A_210 = tpu.vector_load %arg5[%get3A_209] {strides = array<i32>} : memref<1024xi32, #tpu.memory_space<vmem>>, vector<16xi32>,
            %shift_right_arithmetic3A_211 = arith.constant 3 : i32
            %shift_right_arithmetic3A_212 = arith.shrsi %scan3A_206, %shift_right_arithmetic3A_211 : i32
            %mul3A_213 = arith.constant 512 : i32
            %mul3A_214 = arith.muli %shift_right_arithmetic3A_212, %mul3A_213 : i32
            %and3A_215 = arith.constant 7 : i32
            %and3A_216 = arith.andi %scan3A_206, %and3A_215 : i32
            %mul3A_217 = arith.constant 16 : i32
            %mul3A_218 = arith.muli %and3A_216, %mul3A_217 : i32
            %add3A_219 = arith.addi %mul3A_214, %mul3A_218 : i32
            %add3A_220 = arith.addi %mul3A_57, %add3A_219 : i32
            %add3A_221 = arith.constant 0 : i32
            %add3A_222 = arith.addi %add3A_220, %add3A_221 : i32
            %gather3A_223 = arith.constant 0 : i32
            %gather3A_224 = arith.constant 0 : i32
            %gather3A_225 = arith.constant 0 : i32
            %gather3A_226 = tpu.memref_slice %arg6[%gather3A_223, %gather3A_224, %gather3A_225] : memref<2x2x10112xf32, #tpu.memory_space<vmem>> -> memref<1x2x10112xf32, #tpu.memory_space<vmem>>
            %gather3A_227 = tpu.memref_squeeze %gather3A_226 : memref<1x2x10112xf32, #tpu.memory_space<vmem>> -> memref<2x10112xf32, #tpu.memory_space<vmem>>
            %gather3A_228 = tpu.vector_load_idx %gather3A_227[%broadcast_in_dim3A_92, %get3A_210] : memref<2x10112xf32, #tpu.memory_space<vmem>>[vector<16xi32>, vector<16xi32>], vector<16xf32>,
            %swap3A_229 = arith.index_cast %add3A_222 : i32 to index
            %swap3A_230 = tpu.vector_load %arg7[%swap3A_229] {strides = array<i32>} : memref<65536xf32, #tpu.memory_space<vmem>>, vector<16xf32>,
            tpu.vector_store %arg7[%swap3A_229], %gather3A_228 {strides = array<i32>} : memref<65536xf32, #tpu.memory_space<vmem>>, vector<16xf32>,
            %gather3A_231 = arith.constant 0 : i32
            %gather3A_232 = arith.constant 0 : i32
            %gather3A_233 = arith.constant 0 : i32
            %gather3A_234 = tpu.memref_slice %arg6[%gather3A_231, %gather3A_232, %gather3A_233] : memref<2x2x10112xf32, #tpu.memory_space<vmem>> -> memref<1x2x10112xf32, #tpu.memory_space<vmem>>
            %gather3A_235 = tpu.memref_squeeze %gather3A_234 : memref<1x2x10112xf32, #tpu.memory_space<vmem>> -> memref<2x10112xf32, #tpu.memory_space<vmem>>
            %gather3A_236 = tpu.vector_load_idx %gather3A_235[%broadcast_in_dim3A_94, %get3A_210] : memref<2x10112xf32, #tpu.memory_space<vmem>>[vector<16xi32>, vector<16xi32>], vector<16xf32>,
            %add3A_237 = arith.constant 128 : i32
            %add3A_238 = arith.addi %add3A_222, %add3A_237 : i32
            %swap3A_239 = arith.index_cast %add3A_238 : i32 to index
            %swap3A_240 = tpu.vector_load %arg7[%swap3A_239] {strides = array<i32>} : memref<65536xf32, #tpu.memory_space<vmem>>, vector<16xf32>,
            tpu.vector_store %arg7[%swap3A_239], %gather3A_236 {strides = array<i32>} : memref<65536xf32, #tpu.memory_space<vmem>>, vector<16xf32>,
            %scan3A_241 = arith.constant 0 : i32
            %scan3A_242 = arith.constant 3 : i32
            %scan3A_243 = arith.addi %scan3A_136, %scan3A_242 : i32
            %mul3A_244 = arith.constant 16 : i32
            %mul3A_245 = arith.muli %scan3A_243, %mul3A_244 : i32
            %get3A_246 = arith.index_cast %mul3A_245 : i32 to index
            %get3A_247 = tpu.vector_load %arg5[%get3A_246] {strides = array<i32>} : memref<1024xi32, #tpu.memory_space<vmem>>, vector<16xi32>,
            %shift_right_arithmetic3A_248 = arith.constant 3 : i32
            %shift_right_arithmetic3A_249 = arith.shrsi %scan3A_243, %shift_right_arithmetic3A_248 : i32
            %mul3A_250 = arith.constant 512 : i32
            %mul3A_251 = arith.muli %shift_right_arithmetic3A_249, %mul3A_250 : i32
            %and3A_252 = arith.constant 7 : i32
            %and3A_253 = arith.andi %scan3A_243, %and3A_252 : i32
            %mul3A_254 = arith.constant 16 : i32
            %mul3A_255 = arith.muli %and3A_253, %mul3A_254 : i32
            %add3A_256 = arith.addi %mul3A_251, %mul3A_255 : i32
            %add3A_257 = arith.addi %mul3A_57, %add3A_256 : i32
            %add3A_258 = arith.constant 0 : i32
            %add3A_259 = arith.addi %add3A_257, %add3A_258 : i32
            %gather3A_260 = arith.constant 0 : i32
            %gather3A_261 = arith.constant 0 : i32
            %gather3A_262 = arith.constant 0 : i32
            %gather3A_263 = tpu.memref_slice %arg6[%gather3A_260, %gather3A_261, %gather3A_262] : memref<2x2x10112xf32, #tpu.memory_space<vmem>> -> memref<1x2x10112xf32, #tpu.memory_space<vmem>>
            %gather3A_264 = tpu.memref_squeeze %gather3A_263 : memref<1x2x10112xf32, #tpu.memory_space<vmem>> -> memref<2x10112xf32, #tpu.memory_space<vmem>>
            %gather3A_265 = tpu.vector_load_idx %gather3A_264[%broadcast_in_dim3A_92, %get3A_247] : memref<2x10112xf32, #tpu.memory_space<vmem>>[vector<16xi32>, vector<16xi32>], vector<16xf32>,
            %swap3A_266 = arith.index_cast %add3A_259 : i32 to index
            %swap3A_267 = tpu.vector_load %arg7[%swap3A_266] {strides = array<i32>} : memref<65536xf32, #tpu.memory_space<vmem>>, vector<16xf32>,
            tpu.vector_store %arg7[%swap3A_266], %gather3A_265 {strides = array<i32>} : memref<65536xf32, #tpu.memory_space<vmem>>, vector<16xf32>,
            %gather3A_268 = arith.constant 0 : i32
            %gather3A_269 = arith.constant 0 : i32
            %gather3A_270 = arith.constant 0 : i32
            %gather3A_271 = tpu.memref_slice %arg6[%gather3A_268, %gather3A_269, %gather3A_270] : memref<2x2x10112xf32, #tpu.memory_space<vmem>> -> memref<1x2x10112xf32, #tpu.memory_space<vmem>>
            %gather3A_272 = tpu.memref_squeeze %gather3A_271 : memref<1x2x10112xf32, #tpu.memory_space<vmem>> -> memref<2x10112xf32, #tpu.memory_space<vmem>>
            %gather3A_273 = tpu.vector_load_idx %gather3A_272[%broadcast_in_dim3A_94, %get3A_247] : memref<2x10112xf32, #tpu.memory_space<vmem>>[vector<16xi32>, vector<16xi32>], vector<16xf32>,
            %add3A_274 = arith.constant 128 : i32
            %add3A_275 = arith.addi %add3A_259, %add3A_274 : i32
            %swap3A_276 = arith.index_cast %add3A_275 : i32 to index
            %swap3A_277 = tpu.vector_load %arg7[%swap3A_276] {strides = array<i32>} : memref<65536xf32, #tpu.memory_space<vmem>>, vector<16xf32>,
            tpu.vector_store %arg7[%swap3A_276], %gather3A_273 {strides = array<i32>} : memref<65536xf32, #tpu.memory_space<vmem>>, vector<16xf32>,
            %scan3A_278 = arith.constant 0 : i32
            scf.yield %scan3A_278 : i32
          }
          %scan3A_101 = arith.constant 64 : i32
          %lt3A_102 = arith.constant 15 : i32
          %lt3A_103 = arith.cmpi slt, %scan3A_51, %lt3A_102 : i32
          %convert_element_type3A_104 = arith.extui %lt3A_103 : i1 to i32
          %cond3A_105 = arith.constant 0 : i32
          %cond3A_106 = arith.cmpi ne, %convert_element_type3A_104, %cond3A_105 : i32
          scf.if %cond3A_106 {
            %add3A_136 = arith.constant 1 : i32
            %add3A_137 = arith.addi %add3A_55, %add3A_136 : i32
            %dma_start3A_138 = arith.constant 0 : i32
            %dma_start3A_139 = arith.constant 0 : i32
            %dma_start3A_140 = arith.constant 0 : i32
            %dma_start3A_141 = tpu.memref_slice %arg6[%dma_start3A_138, %dma_start3A_139, %dma_start3A_140] : memref<2x2x10112xf32, #tpu.memory_space<vmem>> -> memref<1x2x10112xf32, #tpu.memory_space<vmem>>
            %dma_start3A_142 = tpu.memref_squeeze %dma_start3A_141 : memref<1x2x10112xf32, #tpu.memory_space<vmem>> -> memref<2x10112xf32, #tpu.memory_space<vmem>>
            %dma_start3A_143 = arith.constant 0 : i32
            %dma_start3A_144 = arith.constant 0 : i32
            %dma_start3A_145 = tpu.memref_slice %arg2[%add3A_137, %dma_start3A_143, %dma_start3A_144] : memref<3696x4x10112xf32, #tpu.memory_space<hbm>> -> memref<1x2x10112xf32, #tpu.memory_space<hbm>>
            %dma_start3A_146 = tpu.memref_squeeze %dma_start3A_145 : memref<1x2x10112xf32, #tpu.memory_space<hbm>> -> memref<2x10112xf32, #tpu.memory_space<hbm>>
            %dma_start3A_147 = arith.constant 0 : i32
            %dma_start3A_148 = arith.constant 0 : i32
            %dma_start3A_149 = tpu.memref_slice %arg6[%dma_start3A_138, %dma_start3A_147, %dma_start3A_148] : memref<2x2x10112xf32, #tpu.memory_space<vmem>> -> memref<1x2x10112xf32, #tpu.memory_space<vmem>>
            %dma_start3A_150 = tpu.memref_squeeze %dma_start3A_149 : memref<1x2x10112xf32, #tpu.memory_space<vmem>> -> memref<2x10112xf32, #tpu.memory_space<vmem>>
            %dma_start3A_151 = arith.constant 0 : i32
            %dma_start3A_152 = arith.constant 0 : i32
            %dma_start3A_153 = tpu.memref_slice %arg2[%add3A_137, %dma_start3A_151, %dma_start3A_152] : memref<3696x4x10112xf32, #tpu.memory_space<hbm>> -> memref<1x2x10112xf32, #tpu.memory_space<hbm>>
            %dma_start3A_154 = tpu.memref_squeeze %dma_start3A_153 : memref<1x2x10112xf32, #tpu.memory_space<hbm>> -> memref<2x10112xf32, #tpu.memory_space<hbm>>
            tpu.enqueue_dma source(%dma_start3A_154 : memref<2x10112xf32, #tpu.memory_space<hbm>>) target(%dma_start3A_150 : memref<2x10112xf32, #tpu.memory_space<vmem>>) target_semaphore(%arg8 : memref<!tpu.dma_semaphore, #tpu.memory_space<semaphore_mem>>)
          } else {
          }
          %dma_wait3A_107 = arith.constant 1 : i32
          %dma_wait3A_108 = arith.constant 0 : i32
          %dma_wait3A_109 = arith.constant 0 : i32
          %dma_wait3A_110 = tpu.memref_slice %arg6[%dma_wait3A_107, %dma_wait3A_108, %dma_wait3A_109] : memref<2x2x10112xf32, #tpu.memory_space<vmem>> -> memref<1x2x10112xf32, #tpu.memory_space<vmem>>
          %dma_wait3A_111 = tpu.memref_squeeze %dma_wait3A_110 : memref<1x2x10112xf32, #tpu.memory_space<vmem>> -> memref<2x10112xf32, #tpu.memory_space<vmem>>
          %dma_wait3A_112 = arith.constant 2 : i32
          %dma_wait3A_113 = arith.constant 0 : i32
          %dma_wait3A_114 = tpu.memref_slice %arg2[%add3A_55, %dma_wait3A_112, %dma_wait3A_113] : memref<3696x4x10112xf32, #tpu.memory_space<hbm>> -> memref<1x2x10112xf32, #tpu.memory_space<hbm>>
          %dma_wait3A_115 = tpu.memref_squeeze %dma_wait3A_114 : memref<1x2x10112xf32, #tpu.memory_space<hbm>> -> memref<2x10112xf32, #tpu.memory_space<hbm>>
          %dma_wait3A_116 = arith.constant 0 : i32
          %dma_wait3A_117 = arith.constant 0 : i32
          %dma_wait3A_118 = tpu.memref_slice %arg6[%dma_wait3A_107, %dma_wait3A_116, %dma_wait3A_117] : memref<2x2x10112xf32, #tpu.memory_space<vmem>> -> memref<1x2x10112xf32, #tpu.memory_space<vmem>>
          %dma_wait3A_119 = tpu.memref_squeeze %dma_wait3A_118 : memref<1x2x10112xf32, #tpu.memory_space<vmem>> -> memref<2x10112xf32, #tpu.memory_space<vmem>>
          %dma_wait3A_120 = arith.constant 2 : i32
          %dma_wait3A_121 = arith.constant 0 : i32
          %dma_wait3A_122 = tpu.memref_slice %arg2[%add3A_55, %dma_wait3A_120, %dma_wait3A_121] : memref<3696x4x10112xf32, #tpu.memory_space<hbm>> -> memref<1x2x10112xf32, #tpu.memory_space<hbm>>
          %dma_wait3A_123 = tpu.memref_squeeze %dma_wait3A_122 : memref<1x2x10112xf32, #tpu.memory_space<hbm>> -> memref<2x10112xf32, #tpu.memory_space<hbm>>
          tpu.wait_dma2 semaphore(%arg9 : memref<!tpu.dma_semaphore, #tpu.memory_space<semaphore_mem>>) src(%dma_wait3A_123 : memref<2x10112xf32, #tpu.memory_space<hbm>>) dst(%dma_wait3A_119 : memref<2x10112xf32, #tpu.memory_space<vmem>>)
          %broadcast_in_dim3A_124 = arith.constant 0 : i32
          %broadcast_in_dim3A_125 = vector.broadcast %broadcast_in_dim3A_124 : i32 to vector<16xi32>
          %broadcast_in_dim3A_126 = arith.constant 1 : i32
          %broadcast_in_dim3A_127 = vector.broadcast %broadcast_in_dim3A_126 : i32 to vector<16xi32>
          %scan3A_128 = arith.constant 0 : i32
          %scan3A_129 = arith.constant 0 : i32
          %scan3A_130 = arith.constant 64 : i32
          %scan3A_131 = arith.addi %scan3A_129, %scan3A_130 : i32
          %scan3A_132 = arith.constant 4 : i32
          %scan3A_133 = scf.for %scan3A_136 = %scan3A_129 to %scan3A_131 step %scan3A_132 iter_args(%scan3A_137 = %scan3A_128) -> (i32)  : i32 {
            %mul3A_138 = arith.constant 16 : i32
            %mul3A_139 = arith.muli %scan3A_136, %mul3A_138 : i32
            %get3A = arith.index_cast %mul3A_139 : i32 to index
            %get3A_140 = tpu.vector_load %arg5[%get3A] {strides = array<i32>} : memref<1024xi32, #tpu.memory_space<vmem>>, vector<16xi32>,
            %shift_right_arithmetic3A = arith.constant 3 : i32
            %shift_right_arithmetic3A_141 = arith.shrsi %scan3A_136, %shift_right_arithmetic3A : i32
            %mul3A_142 = arith.constant 512 : i32
            %mul3A_143 = arith.muli %shift_right_arithmetic3A_141, %mul3A_142 : i32
            %and3A = arith.constant 7 : i32
            %and3A_144 = arith.andi %scan3A_136, %and3A : i32
            %mul3A_145 = arith.constant 16 : i32
            %mul3A_146 = arith.muli %and3A_144, %mul3A_145 : i32
            %add3A_147 = arith.addi %mul3A_143, %mul3A_146 : i32
            %add3A_148 = arith.addi %mul3A_57, %add3A_147 : i32
            %add3A_149 = arith.constant 256 : i32
            %add3A_150 = arith.addi %add3A_148, %add3A_149 : i32
            %gather3A = arith.constant 1 : i32
            %gather3A_151 = arith.constant 0 : i32
            %gather3A_152 = arith.constant 0 : i32
            %gather3A_153 = tpu.memref_slice %arg6[%gather3A, %gather3A_151, %gather3A_152] : memref<2x2x10112xf32, #tpu.memory_space<vmem>> -> memref<1x2x10112xf32, #tpu.memory_space<vmem>>
            %gather3A_154 = tpu.memref_squeeze %gather3A_153 : memref<1x2x10112xf32, #tpu.memory_space<vmem>> -> memref<2x10112xf32, #tpu.memory_space<vmem>>
            %gather3A_155 = tpu.vector_load_idx %gather3A_154[%broadcast_in_dim3A_125, %get3A_140] : memref<2x10112xf32, #tpu.memory_space<vmem>>[vector<16xi32>, vector<16xi32>], vector<16xf32>,
            %swap3A = arith.index_cast %add3A_150 : i32 to index
            %swap3A_156 = tpu.vector_load %arg7[%swap3A] {strides = array<i32>} : memref<65536xf32, #tpu.memory_space<vmem>>, vector<16xf32>,
            tpu.vector_store %arg7[%swap3A], %gather3A_155 {strides = array<i32>} : memref<65536xf32, #tpu.memory_space<vmem>>, vector<16xf32>,
            %gather3A_157 = arith.constant 1 : i32
            %gather3A_158 = arith.constant 0 : i32
            %gather3A_159 = arith.constant 0 : i32
            %gather3A_160 = tpu.memref_slice %arg6[%gather3A_157, %gather3A_158, %gather3A_159] : memref<2x2x10112xf32, #tpu.memory_space<vmem>> -> memref<1x2x10112xf32, #tpu.memory_space<vmem>>
            %gather3A_161 = tpu.memref_squeeze %gather3A_160 : memref<1x2x10112xf32, #tpu.memory_space<vmem>> -> memref<2x10112xf32, #tpu.memory_space<vmem>>
            %gather3A_162 = tpu.vector_load_idx %gather3A_161[%broadcast_in_dim3A_127, %get3A_140] : memref<2x10112xf32, #tpu.memory_space<vmem>>[vector<16xi32>, vector<16xi32>], vector<16xf32>,
            %add3A_163 = arith.constant 128 : i32
            %add3A_164 = arith.addi %add3A_150, %add3A_163 : i32
            %swap3A_165 = arith.index_cast %add3A_164 : i32 to index
            %swap3A_166 = tpu.vector_load %arg7[%swap3A_165] {strides = array<i32>} : memref<65536xf32, #tpu.memory_space<vmem>>, vector<16xf32>,
            tpu.vector_store %arg7[%swap3A_165], %gather3A_162 {strides = array<i32>} : memref<65536xf32, #tpu.memory_space<vmem>>, vector<16xf32>,
            %scan3A_167 = arith.constant 0 : i32
            %scan3A_168 = arith.constant 1 : i32
            %scan3A_169 = arith.addi %scan3A_136, %scan3A_168 : i32
            %mul3A_170 = arith.constant 16 : i32
            %mul3A_171 = arith.muli %scan3A_169, %mul3A_170 : i32
            %get3A_172 = arith.index_cast %mul3A_171 : i32 to index
            %get3A_173 = tpu.vector_load %arg5[%get3A_172] {strides = array<i32>} : memref<1024xi32, #tpu.memory_space<vmem>>, vector<16xi32>,
            %shift_right_arithmetic3A_174 = arith.constant 3 : i32
            %shift_right_arithmetic3A_175 = arith.shrsi %scan3A_169, %shift_right_arithmetic3A_174 : i32
            %mul3A_176 = arith.constant 512 : i32
            %mul3A_177 = arith.muli %shift_right_arithmetic3A_175, %mul3A_176 : i32
            %and3A_178 = arith.constant 7 : i32
            %and3A_179 = arith.andi %scan3A_169, %and3A_178 : i32
            %mul3A_180 = arith.constant 16 : i32
            %mul3A_181 = arith.muli %and3A_179, %mul3A_180 : i32
            %add3A_182 = arith.addi %mul3A_177, %mul3A_181 : i32
            %add3A_183 = arith.addi %mul3A_57, %add3A_182 : i32
            %add3A_184 = arith.constant 256 : i32
            %add3A_185 = arith.addi %add3A_183, %add3A_184 : i32
            %gather3A_186 = arith.constant 1 : i32
            %gather3A_187 = arith.constant 0 : i32
            %gather3A_188 = arith.constant 0 : i32
            %gather3A_189 = tpu.memref_slice %arg6[%gather3A_186, %gather3A_187, %gather3A_188] : memref<2x2x10112xf32, #tpu.memory_space<vmem>> -> memref<1x2x10112xf32, #tpu.memory_space<vmem>>
            %gather3A_190 = tpu.memref_squeeze %gather3A_189 : memref<1x2x10112xf32, #tpu.memory_space<vmem>> -> memref<2x10112xf32, #tpu.memory_space<vmem>>
            %gather3A_191 = tpu.vector_load_idx %gather3A_190[%broadcast_in_dim3A_125, %get3A_173] : memref<2x10112xf32, #tpu.memory_space<vmem>>[vector<16xi32>, vector<16xi32>], vector<16xf32>,
            %swap3A_192 = arith.index_cast %add3A_185 : i32 to index
            %swap3A_193 = tpu.vector_load %arg7[%swap3A_192] {strides = array<i32>} : memref<65536xf32, #tpu.memory_space<vmem>>, vector<16xf32>,
            tpu.vector_store %arg7[%swap3A_192], %gather3A_191 {strides = array<i32>} : memref<65536xf32, #tpu.memory_space<vmem>>, vector<16xf32>,
            %gather3A_194 = arith.constant 1 : i32
            %gather3A_195 = arith.constant 0 : i32
            %gather3A_196 = arith.constant 0 : i32
            %gather3A_197 = tpu.memref_slice %arg6[%gather3A_194, %gather3A_195, %gather3A_196] : memref<2x2x10112xf32, #tpu.memory_space<vmem>> -> memref<1x2x10112xf32, #tpu.memory_space<vmem>>
            %gather3A_198 = tpu.memref_squeeze %gather3A_197 : memref<1x2x10112xf32, #tpu.memory_space<vmem>> -> memref<2x10112xf32, #tpu.memory_space<vmem>>
            %gather3A_199 = tpu.vector_load_idx %gather3A_198[%broadcast_in_dim3A_127, %get3A_173] : memref<2x10112xf32, #tpu.memory_space<vmem>>[vector<16xi32>, vector<16xi32>], vector<16xf32>,
            %add3A_200 = arith.constant 128 : i32
            %add3A_201 = arith.addi %add3A_185, %add3A_200 : i32
            %swap3A_202 = arith.index_cast %add3A_201 : i32 to index
            %swap3A_203 = tpu.vector_load %arg7[%swap3A_202] {strides = array<i32>} : memref<65536xf32, #tpu.memory_space<vmem>>, vector<16xf32>,
            tpu.vector_store %arg7[%swap3A_202], %gather3A_199 {strides = array<i32>} : memref<65536xf32, #tpu.memory_space<vmem>>, vector<16xf32>,
            %scan3A_204 = arith.constant 0 : i32
            %scan3A_205 = arith.constant 2 : i32
            %scan3A_206 = arith.addi %scan3A_136, %scan3A_205 : i32
            %mul3A_207 = arith.constant 16 : i32
            %mul3A_208 = arith.muli %scan3A_206, %mul3A_207 : i32
            %get3A_209 = arith.index_cast %mul3A_208 : i32 to index
            %get3A_210 = tpu.vector_load %arg5[%get3A_209] {strides = array<i32>} : memref<1024xi32, #tpu.memory_space<vmem>>, vector<16xi32>,
            %shift_right_arithmetic3A_211 = arith.constant 3 : i32
            %shift_right_arithmetic3A_212 = arith.shrsi %scan3A_206, %shift_right_arithmetic3A_211 : i32
            %mul3A_213 = arith.constant 512 : i32
            %mul3A_214 = arith.muli %shift_right_arithmetic3A_212, %mul3A_213 : i32
            %and3A_215 = arith.constant 7 : i32
            %and3A_216 = arith.andi %scan3A_206, %and3A_215 : i32
            %mul3A_217 = arith.constant 16 : i32
            %mul3A_218 = arith.muli %and3A_216, %mul3A_217 : i32
            %add3A_219 = arith.addi %mul3A_214, %mul3A_218 : i32
            %add3A_220 = arith.addi %mul3A_57, %add3A_219 : i32
            %add3A_221 = arith.constant 256 : i32
            %add3A_222 = arith.addi %add3A_220, %add3A_221 : i32
            %gather3A_223 = arith.constant 1 : i32
            %gather3A_224 = arith.constant 0 : i32
            %gather3A_225 = arith.constant 0 : i32
            %gather3A_226 = tpu.memref_slice %arg6[%gather3A_223, %gather3A_224, %gather3A_225] : memref<2x2x10112xf32, #tpu.memory_space<vmem>> -> memref<1x2x10112xf32, #tpu.memory_space<vmem>>
            %gather3A_227 = tpu.memref_squeeze %gather3A_226 : memref<1x2x10112xf32, #tpu.memory_space<vmem>> -> memref<2x10112xf32, #tpu.memory_space<vmem>>
            %gather3A_228 = tpu.vector_load_idx %gather3A_227[%broadcast_in_dim3A_125, %get3A_210] : memref<2x10112xf32, #tpu.memory_space<vmem>>[vector<16xi32>, vector<16xi32>], vector<16xf32>,
            %swap3A_229 = arith.index_cast %add3A_222 : i32 to index
            %swap3A_230 = tpu.vector_load %arg7[%swap3A_229] {strides = array<i32>} : memref<65536xf32, #tpu.memory_space<vmem>>, vector<16xf32>,
            tpu.vector_store %arg7[%swap3A_229], %gather3A_228 {strides = array<i32>} : memref<65536xf32, #tpu.memory_space<vmem>>, vector<16xf32>,
            %gather3A_231 = arith.constant 1 : i32
            %gather3A_232 = arith.constant 0 : i32
            %gather3A_233 = arith.constant 0 : i32
            %gather3A_234 = tpu.memref_slice %arg6[%gather3A_231, %gather3A_232, %gather3A_233] : memref<2x2x10112xf32, #tpu.memory_space<vmem>> -> memref<1x2x10112xf32, #tpu.memory_space<vmem>>
            %gather3A_235 = tpu.memref_squeeze %gather3A_234 : memref<1x2x10112xf32, #tpu.memory_space<vmem>> -> memref<2x10112xf32, #tpu.memory_space<vmem>>
            %gather3A_236 = tpu.vector_load_idx %gather3A_235[%broadcast_in_dim3A_127, %get3A_210] : memref<2x10112xf32, #tpu.memory_space<vmem>>[vector<16xi32>, vector<16xi32>], vector<16xf32>,
            %add3A_237 = arith.constant 128 : i32
            %add3A_238 = arith.addi %add3A_222, %add3A_237 : i32
            %swap3A_239 = arith.index_cast %add3A_238 : i32 to index
            %swap3A_240 = tpu.vector_load %arg7[%swap3A_239] {strides = array<i32>} : memref<65536xf32, #tpu.memory_space<vmem>>, vector<16xf32>,
            tpu.vector_store %arg7[%swap3A_239], %gather3A_236 {strides = array<i32>} : memref<65536xf32, #tpu.memory_space<vmem>>, vector<16xf32>,
            %scan3A_241 = arith.constant 0 : i32
            %scan3A_242 = arith.constant 3 : i32
            %scan3A_243 = arith.addi %scan3A_136, %scan3A_242 : i32
            %mul3A_244 = arith.constant 16 : i32
            %mul3A_245 = arith.muli %scan3A_243, %mul3A_244 : i32
            %get3A_246 = arith.index_cast %mul3A_245 : i32 to index
            %get3A_247 = tpu.vector_load %arg5[%get3A_246] {strides = array<i32>} : memref<1024xi32, #tpu.memory_space<vmem>>, vector<16xi32>,
            %shift_right_arithmetic3A_248 = arith.constant 3 : i32
            %shift_right_arithmetic3A_249 = arith.shrsi %scan3A_243, %shift_right_arithmetic3A_248 : i32
            %mul3A_250 = arith.constant 512 : i32
            %mul3A_251 = arith.muli %shift_right_arithmetic3A_249, %mul3A_250 : i32
            %and3A_252 = arith.constant 7 : i32
            %and3A_253 = arith.andi %scan3A_243, %and3A_252 : i32
            %mul3A_254 = arith.constant 16 : i32
            %mul3A_255 = arith.muli %and3A_253, %mul3A_254 : i32
            %add3A_256 = arith.addi %mul3A_251, %mul3A_255 : i32
            %add3A_257 = arith.addi %mul3A_57, %add3A_256 : i32
            %add3A_258 = arith.constant 256 : i32
            %add3A_259 = arith.addi %add3A_257, %add3A_258 : i32
            %gather3A_260 = arith.constant 1 : i32
            %gather3A_261 = arith.constant 0 : i32
            %gather3A_262 = arith.constant 0 : i32
            %gather3A_263 = tpu.memref_slice %arg6[%gather3A_260, %gather3A_261, %gather3A_262] : memref<2x2x10112xf32, #tpu.memory_space<vmem>> -> memref<1x2x10112xf32, #tpu.memory_space<vmem>>
            %gather3A_264 = tpu.memref_squeeze %gather3A_263 : memref<1x2x10112xf32, #tpu.memory_space<vmem>> -> memref<2x10112xf32, #tpu.memory_space<vmem>>
            %gather3A_265 = tpu.vector_load_idx %gather3A_264[%broadcast_in_dim3A_125, %get3A_247] : memref<2x10112xf32, #tpu.memory_space<vmem>>[vector<16xi32>, vector<16xi32>], vector<16xf32>,
            %swap3A_266 = arith.index_cast %add3A_259 : i32 to index
            %swap3A_267 = tpu.vector_load %arg7[%swap3A_266] {strides = array<i32>} : memref<65536xf32, #tpu.memory_space<vmem>>, vector<16xf32>,
            tpu.vector_store %arg7[%swap3A_266], %gather3A_265 {strides = array<i32>} : memref<65536xf32, #tpu.memory_space<vmem>>, vector<16xf32>,
            %gather3A_268 = arith.constant 1 : i32
            %gather3A_269 = arith.constant 0 : i32
            %gather3A_270 = arith.constant 0 : i32
            %gather3A_271 = tpu.memref_slice %arg6[%gather3A_268, %gather3A_269, %gather3A_270] : memref<2x2x10112xf32, #tpu.memory_space<vmem>> -> memref<1x2x10112xf32, #tpu.memory_space<vmem>>
            %gather3A_272 = tpu.memref_squeeze %gather3A_271 : memref<1x2x10112xf32, #tpu.memory_space<vmem>> -> memref<2x10112xf32, #tpu.memory_space<vmem>>
            %gather3A_273 = tpu.vector_load_idx %gather3A_272[%broadcast_in_dim3A_127, %get3A_247] : memref<2x10112xf32, #tpu.memory_space<vmem>>[vector<16xi32>, vector<16xi32>], vector<16xf32>,
            %add3A_274 = arith.constant 128 : i32
            %add3A_275 = arith.addi %add3A_259, %add3A_274 : i32
            %swap3A_276 = arith.index_cast %add3A_275 : i32 to index
            %swap3A_277 = tpu.vector_load %arg7[%swap3A_276] {strides = array<i32>} : memref<65536xf32, #tpu.memory_space<vmem>>, vector<16xf32>,
            tpu.vector_store %arg7[%swap3A_276], %gather3A_273 {strides = array<i32>} : memref<65536xf32, #tpu.memory_space<vmem>>, vector<16xf32>,
            %scan3A_278 = arith.constant 0 : i32
            scf.yield %scan3A_278 : i32
          }
          %scan3A_134 = arith.constant 64 : i32
          %scan3A_135 = arith.constant 0 : i32
          scf.yield %scan3A_135 : i32
        }
        %scan3A_46 = arith.constant 16 : i32
        %mul3A_47 = arith.constant 65536 : i32
        %mul3A_48 = arith.muli %add3A_14, %mul3A_47 : i32
        %dma_start3A_49 = tpu.memref_slice %arg4[%mul3A_48] : memref<15138816xf32, #tpu.memory_space<hbm>> -> memref<65536xf32, #tpu.memory_space<hbm>>
        %dma_start3A_50 = tpu.memref_slice %arg4[%mul3A_48] : memref<15138816xf32, #tpu.memory_space<hbm>> -> memref<65536xf32, #tpu.memory_space<hbm>>
        tpu.enqueue_dma source(%arg7 : memref<65536xf32, #tpu.memory_space<vmem>>) target(%dma_start3A_50 : memref<65536xf32, #tpu.memory_space<hbm>>) target_semaphore(%arg10 : memref<!tpu.dma_semaphore, #tpu.memory_space<semaphore_mem>>)
      } else {
      }
      %scan3A_17 = arith.constant 0 : i32
      scf.yield %scan3A_17 : i32
    }
    %scan3A_6 = arith.constant 8 : i32
    %dma_wait3A = arith.constant 0 : i32
    %dma_wait3A_7 = tpu.memref_slice %arg4[%dma_wait3A] : memref<15138816xf32, #tpu.memory_space<hbm>> -> memref<65536xf32, #tpu.memory_space<hbm>>
    %dma_wait3A_8 = arith.constant 0 : i32
    %dma_wait3A_9 = tpu.memref_slice %arg4[%dma_wait3A_8] : memref<15138816xf32, #tpu.memory_space<hbm>> -> memref<65536xf32, #tpu.memory_space<hbm>>
    tpu.wait_dma2 semaphore(%arg10 : memref<!tpu.dma_semaphore, #tpu.memory_space<semaphore_mem>>) src(%arg7 : memref<65536xf32, #tpu.memory_space<vmem>>) dst(%dma_wait3A_9 : memref<65536xf32, #tpu.memory_space<hbm>>)
    return
  }
}

module attributes {stable_mosaic.version = 14 : i64} {
  func.func @_detile_body(%arg0: i32, %arg1: memref<48x4x10000xf32, #tpu.memory_space<vmem>>, %arg2: memref<15168x128xf32, #tpu.memory_space<vmem>>) attributes {dimension_semantics = [#tpu.dimension_semantics<arbitrary>], iteration_bounds = array<i64: 70>, scalar_prefetch = 0 : i64, scratch_operands = 0 : i64, tpu.core_type = #tpu.core_type<tc>, window_params = [{transform_indices = @transform_0, window_bounds = array<i64: 48, 4, 10000>}, {transform_indices = @transform_1, window_bounds = array<i64: 15168, 128>}]} {
    %get3A = arith.constant 0 : index
    %get3A_0 = arith.constant 0 : index
    %get3A_1 = arith.constant 0 : index
    %get3A_2 = vector.load %arg1[%get3A, %get3A_0, %get3A_1] : memref<48x4x10000xf32, #tpu.memory_space<vmem>>, vector<48x4x10000xf32>
    %jit3A = arith.constant 0 : i32
    %convert_element_type3A = arith.sitofp %jit3A : i32 to f32
    %pad3A = vector.broadcast %convert_element_type3A : f32 to vector<48x4x112xf32>
    %pad3A_3 = tpu.concatenate %get3A_2, %pad3A in 2 : vector<48x4x10000xf32>, vector<48x4x112xf32> -> vector<48x4x10112xf32>
    %reshape3A = vector.shape_cast %pad3A_3 : vector<48x4x10112xf32> to vector<15168x128xf32>
    %swap3A = arith.constant 0 : index
    %swap3A_4 = arith.constant 0 : index
    %swap3A_5 = vector.load %arg2[%swap3A, %swap3A_4] : memref<15168x128xf32, #tpu.memory_space<vmem>>, vector<15168x128xf32>
    tpu.vector_store %arg2[%swap3A, %swap3A_4], %reshape3A {strides = array<i32>} : memref<15168x128xf32, #tpu.memory_space<vmem>>, vector<15168x128xf32>,
    return
  }
  func.func @transform_0(%arg0: i32) -> (i32, i32, i32) {
    %add3A = arith.constant 0 : i32
    %add3A_0 = arith.addi %arg0, %add3A : i32
    %c0_i32 = arith.constant 0 : i32
    %c0_i32_1 = arith.constant 0 : i32
    %c0_i32_2 = arith.constant 0 : i32
    return %add3A_0, %c0_i32, %c0_i32_1 : i32, i32, i32
  }
  func.func @transform_1(%arg0: i32) -> (i32, i32) {
    %c0_i32 = arith.constant 0 : i32
    %c0_i32_0 = arith.constant 0 : i32
    return %arg0, %c0_i32 : i32, i32
  }
}

module attributes {stable_mosaic.version = 14 : i64} {
  func.func @_detile_body(%arg0: i32, %arg1: memref<48x4x10000xf32, #tpu.memory_space<vmem>>, %arg2: memref<15168x128xf32, #tpu.memory_space<vmem>>) attributes {dimension_semantics = [#tpu.dimension_semantics<arbitrary>], iteration_bounds = array<i64: 77>, scalar_prefetch = 0 : i64, scratch_operands = 0 : i64, tpu.core_type = #tpu.core_type<tc>, window_params = [{transform_indices = @transform_0, window_bounds = array<i64: 48, 4, 10000>}, {transform_indices = @transform_1, window_bounds = array<i64: 15168, 128>}]} {
    %get3A = arith.constant 0 : index
    %get3A_0 = arith.constant 0 : index
    %get3A_1 = arith.constant 0 : index
    %get3A_2 = vector.load %arg1[%get3A, %get3A_0, %get3A_1] : memref<48x4x10000xf32, #tpu.memory_space<vmem>>, vector<48x4x10000xf32>
    %jit3A = arith.constant 0 : i32
    %convert_element_type3A = arith.sitofp %jit3A : i32 to f32
    %pad3A = vector.broadcast %convert_element_type3A : f32 to vector<48x4x112xf32>
    %pad3A_3 = tpu.concatenate %get3A_2, %pad3A in 2 : vector<48x4x10000xf32>, vector<48x4x112xf32> -> vector<48x4x10112xf32>
    %reshape3A = vector.shape_cast %pad3A_3 : vector<48x4x10112xf32> to vector<15168x128xf32>
    %swap3A = arith.constant 0 : index
    %swap3A_4 = arith.constant 0 : index
    %swap3A_5 = vector.load %arg2[%swap3A, %swap3A_4] : memref<15168x128xf32, #tpu.memory_space<vmem>>, vector<15168x128xf32>
    tpu.vector_store %arg2[%swap3A, %swap3A_4], %reshape3A {strides = array<i32>} : memref<15168x128xf32, #tpu.memory_space<vmem>>, vector<15168x128xf32>,
    return
  }
  func.func @transform_0(%arg0: i32) -> (i32, i32, i32) {
    %add3A = arith.constant 70 : i32
    %add3A_0 = arith.addi %arg0, %add3A : i32
    %c0_i32 = arith.constant 0 : i32
    %c0_i32_1 = arith.constant 0 : i32
    %c0_i32_2 = arith.constant 0 : i32
    return %add3A_0, %c0_i32, %c0_i32_1 : i32, i32, i32
  }
  func.func @transform_1(%arg0: i32) -> (i32, i32) {
    %c0_i32 = arith.constant 0 : i32
    %c0_i32_0 = arith.constant 0 : i32
    return %arg0, %c0_i32 : i32, i32
  }
}

</mosaic_0001>

<sc_bundles>
// kernel: kernel.10.cloned.1.call-start
scs
__scs_entry_jumppad:
0x0: {  	(pc) =	sbr.rel $0x88, $3  }
0x1: {  	(tag) =	ssettag $0x0;
	lr =	simm.s32 $0x1  }
0x2: {  	[smem:$0x3F99] =	sst lr;
	_ =	strace $0xD0000000  }
0x3: {  	_ = 	snop  }
0x4: {  	_ = 	snop  }
0x5: {  	_ = 	snop  }
0x6: {  	_ = 	snop  }
0x7: {  	_ = 	snop  }
__scs_overlays_trampoline_lowered:
0x8: {  	[smem:$0x3FA8] =	sst s0  }
0x9: {  	[smem:$0x3FA9] =	sst s1  }
0xa: {  	[smem:$0x3FAA] =	sst s2  }
0xb: {  	[smem:$0x3FAB] =	sst s3  }
0xc: {  	[smem:$0x3FAC] =	sst s4  }
0xd: {  	[smem:$0x3FAD] =	sst s5  }
0xe: {  	[smem:$0x3FAE] =	sst s6  }
0xf: {  	[smem:$0x3FAF] =	sst s7  }
0x10: {  	[smem:$0x3FB0] =	sst s8  }
0x11: {  	[smem:$0x3FB1] =	sst s9;
	s0 =	simm.s32 @!p0 $0x0  }
0x12: {  	s1 =	sld [smem:$0x3F97];
	s0 =	simm.s32 @p0 $0x1  }
0x13: {  	[smem:$0x3FB2] =	sst s0;
	s0 =	simm.s32 @!p1 $0x0  }
0x14: {  	s2 =	sld [smem:$0x3F96];
	s0 =	simm.s32 @p1 $0x1  }
0x15: {  	[smem:$0x3FB3] =	sst s0;
	s0 =	simm.s32 @!p2 $0x0  }
0x16: {  	s3 =	sld [smem:$0x3FDB];
	s0 =	simm.s32 @p2 $0x1  }
0x17: {  	s4 =	simm.s32 $0x1BF5;
	[smem:$0x3FB5] =	sst s0  }
0x18: {  	s0 =	sld [smem:$0x3F98];
	_ =	swait.ge [sflag:s4], $0x0  }
0x19: {  	s7 =	sld [smem:$0x3F99]  }
0x1a: {  	s8 =	sadd.s32 $0xFFFFE003, lr  }
0x1b: {  	s9 =	sadd.s32 $0xFFFFFEF7, lr;
	s5 =	simm.s32 $0xFFFFFFFF;
	p2 =	slt.u32 s8, $0xFFFFF086  }
0x1c: {  	p1 =	slt.u32 s9, $0xF7A;
	s5 =	simm.s32 @!p2 $0x0  }
0x1d: {  	s5 =	simm.s32 @p1 $0x1;
	p0 =	seq.s32 s7, s2  }
0x1e: {  	s7 =	smul.u32 @!p0 $0xF7A, s2;
	p2 =	seq.s32 @!p0 s5, $0x0  }
0x1f: {  	s9 =	smul.u32 $0xF7A, s1;
	s8 =	simm.s32 @!p0 $0x1BF5;
	p2 =	por !p2, p0  }
0x20: {  	[sflag:s8] =	ssyncset.s32 @!p0 $0xFFFFF086;
	s6 =	sadd.s32 @!p0 s3, s7;
	s7 =	simm.s32 @!p0 $0x108  }
0x21: {  	s3 =	sadd.s32 s3, s9;
	s6 =	sadd.s32 @!p0 $0x88, s6;
	s7 =	simm.s32 @p2 $0x1082  }
0x22: {  	[simem:s7], [sflag:s8] =	dma.local @!p0 [hbm:s6], $0xF7A  }
0x23: {  	s9 =	sor.u32 $0xD0000000, s2;
	s6 =	simm.s32 $0x108;
	_ =	swait.ge @!p0 [sflag:s8], $0x0  }
0x24: {  	s3 =	sadd.s32 $0x88, s3;
	s6 =	simm.s32 @!p1 $0x1082;
	[sflag:s4] =	ssyncset.s32 $0xFFFFF086  }
0x25: {  	[simem:s6], [sflag:s4] =	dma.local [hbm:s3], $0xF7A  }
0x26: {  	[smem:$0x3F99] =	sst s1;
	(tag) =	ssettag s2;
	_ =	strace s9  }
0x27: {  	s1 =	sld [smem:$0x3FA9]  }
0x28: {  	s2 =	sld [smem:$0x3FAA]  }
0x29: {  	s4 =	sld [smem:$0x3FAC]  }
0x2a: {  	p0 =	seq.s32 s5, $0x0;
	s5 =	sld [smem:$0x3FAD]  }
0x2b: {  	s6 =	sld [smem:$0x3FAE]  }
0x2c: {  	s7 =	sld [smem:$0x3FAF]  }
0x2d: {  	s3 =	simm.s32 $0x108;
	s8 =	sld [smem:$0x3FB0]  }
0x2e: {  	s3 =	simm.s32 @!p0 $0x1082;
	s9 =	sld [smem:$0x3FB1]  }
0x2f: {  	lr =	sadd.s32 s0, s3;
	s0 =	sld [smem:$0x3FA8]  }
0x30: {  	s3 =	sld [smem:$0x3FAB]  }
0x31: {  	[smem:$0x3FB4] =	sst s10  }
0x32: {  	s10 =	sld [smem:$0x3FB2];
	_ =	sdelay $0x3  }
0x33: {  	p0 =	seq.s32 s10, $0x1;
	s10 =	sld [smem:$0x3FB4];
	_ =	sdelay $0x3  }
0x34: {  	[smem:$0x3FB4] =	sst s10  }
0x35: {  	s10 =	sld [smem:$0x3FB3];
	_ =	sdelay $0x3  }
0x36: {  	p1 =	seq.s32 s10, $0x1;
	s10 =	sld [smem:$0x3FB4];
	_ =	sdelay $0x3  }
0x37: {  	[smem:$0x3FB4] =	sst s10  }
0x38: {  	s10 =	sld [smem:$0x3FB5]  }
0x39: {  	_ = 	snop;
	(pc) =	sbr.ind lr, $3  }
0x3a: {  	_ = 	snop  }
0x3b: {  	_ = 	snop  }
0x3c: {  	p2 =	seq.s32 s10, $0x1;
	s10 =	sld [smem:$0x3FB4]  }
0x3d: {  	_ =	shalt  }
0x3e: {  	_ =	shalt  }
0x3f: {  	_ =	shalt  }
0x40: {  	_ =	shalt  }
0x41: {  	_ =	shalt  }
0x42: {  	_ =	shalt  }
0x43: {  	_ =	shalt  }
0x44: {  	_ =	shalt  }
0x45: {  	_ =	shalt  }
0x46: {  	_ =	shalt  }
0x47: {  	_ =	shalt  }
0x48: {  	_ =	shalt  }
0x49: {  	_ =	shalt  }
0x4a: {  	_ =	shalt  }
0x4b: {  	_ =	shalt  }
0x4c: {  	_ =	shalt  }
0x4d: {  	_ =	shalt  }
0x4e: {  	_ =	shalt  }
0x4f: {  	_ =	shalt  }
0x50: {  	_ =	shalt  }
0x51: {  	_ =	shalt  }
0x52: {  	_ =	shalt  }
0x53: {  	_ =	shalt  }
0x54: {  	_ =	shalt  }
0x55: {  	_ =	shalt  }
0x56: {  	_ =	shalt  }
0x57: {  	_ =	shalt  }
0x58: {  	_ =	shalt  }
0x59: {  	_ =	shalt  }
0x5a: {  	_ =	shalt  }
0x5b: {  	_ =	shalt  }
0x5c: {  	_ =	shalt  }
0x5d: {  	_ =	shalt  }
0x5e: {  	_ =	shalt  }
0x5f: {  	_ =	shalt  }
0x60: {  	_ =	shalt  }
0x61: {  	_ =	shalt  }
0x62: {  	_ =	shalt  }
0x63: {  	_ =	shalt  }
0x64: {  	_ =	shalt  }
0x65: {  	_ =	shalt  }
0x66: {  	_ =	shalt  }
0x67: {  	_ =	shalt  }
0x68: {  	_ =	shalt  }
0x69: {  	_ =	shalt  }
0x6a: {  	_ =	shalt  }
0x6b: {  	_ =	shalt  }
0x6c: {  	_ =	shalt  }
0x6d: {  	_ =	shalt  }
0x6e: {  	_ =	shalt  }
0x6f: {  	_ =	shalt  }
0x70: {  	_ =	shalt  }
0x71: {  	_ =	shalt  }
0x72: {  	_ =	shalt  }
0x73: {  	_ =	shalt  }
0x74: {  	_ =	shalt  }
0x75: {  	_ =	shalt  }
0x76: {  	_ =	shalt  }
0x77: {  	_ =	shalt  }
0x78: {  	_ =	shalt  }
0x79: {  	_ =	shalt  }
0x7a: {  	_ =	shalt  }
0x7b: {  	_ =	shalt  }
0x7c: {  	_ =	shalt  }
0x7d: {  	_ =	shalt  }
0x7e: {  	_ =	shalt  }
0x7f: {  	_ =	shalt  }
0x80: {  	_ =	shalt  }
0x81: {  	_ =	shalt  }
0x82: {  	_ =	shalt  }
0x83: {  	_ =	shalt  }
0x84: {  	_ =	shalt  }
0x85: {  	_ =	shalt  }
0x86: {  	_ =	shalt  }
0x87: {  	_ =	shalt  }
.Lfunc_end0:
.L_simem_size_0:
called_computation_lowered:
.L_overlay_start_0:
0x88: {  	s2 =	sld [smem:$0x3FD9]  }
0x89: {  	s3 =	sld [smem:$0x3FFE];
	_ =	sdelay $0x1  }
0x8a: {  	s1 =	srdreg.scid  }
0x8b: {  	s0 =	sand.u32 $0x1, s1  }
0x8c: {  	s14 =	sshll.u32 s0, $0xA;
	s2 =	sadd.s32 s3, s2  }
0x8d: {  	s2 =	sadd.s32 s2, s14  }
0x8e: {  	[smem:$0x3FC0] =	sst s2  }
0x8f: {  	_ = 	snop  }
0x90: {  	s2 =	sld [smem:$0x3FD0];
	_ =	sdelay $0x1  }
0x91: {  	s15 =	sld [smem:$0x3FC8]  }
0x92: {  	s5 =	simm.s32 $0xD;
	s6 =	simm.s32 $0x10;
	s4 =	sld [smem:$0x3FC3]  }
0x93: {  	[smem:s6], [sflag:s5] =	dma.local [hbm:s2], $0x1  }
0x94: {  	_ =	swait.eq [sflag:s5], $0x1  }
0x95: {  	s16 =	sld [smem:$0x10]  }
0x96: {  	s17 =	sld [smem:$0x11]  }
0x97: {  	s7 =	sld [smem:$0x13];
	[sflag:s5] =	ssyncset.done $0x0  }
0x98: {  	s8 =	sld [smem:$0x15];
	[sflag:s5] =	ssyncadd.s32 $0xFFFFFFFF  }
0x99: {  	s18 =	sld [smem:$0x16];
	(tm) =	ssettm $0x1  }
0x9a: {  	s9 =	sld [smem:$0x3FFB];
	_ =	sdelay $0x3  }
0x9b: {  	_ =	strace s9  }
0x9c: {  	s9 =	sld [smem:$0x3FFC];
	_ =	sdelay $0x3  }
0x9d: {  	_ =	strace s9  }
0x9e: {  	s9 =	sld [smem:$0x3FFD];
	_ =	sdelay $0x3  }
0x9f: {  	_ =	strace s9  }
0xa0: {  	_ =	strace $0x8FFFFFFF  }
0xa1: {  	s19 =	sld [smem:$0x3FDB];
	_ =	sdelay $0x1  }
0xa2: {  	s10 =	simm.s32 $_scs_section_size  }
0xa3: {  	s11 =	simm.s32 $_size__tile_overlayer_lowered;
	s12 =	simm.s32 $_tile_overlayer_lowered  }
0xa4: {  	s22 =	simm.s32 $0x1BFF;
	s21 =	sshll.u32 s12, $0x1;
	s9 =	sadd.s32 s10, s19  }
0xa5: {  	s13 =	simm.s32 $0x0;
	s20 =	sshll.u32 s11, $0x1;
	s11 =	sadd.s32 s21, s9  }
0xa6: {  	[timem:s13], [sflag:s22] =	dma.local [hbm:s11], s20  }
0xa7: {  	_ =	swait.ge [sflag:s22], s20  }
0xa8: {  	s10 =	ssub.s32 $0x0, s20;
	[sflag:s22] =	ssyncset.done $0x0  }
0xa9: {  	[sflag:s22] =	ssyncadd.s32 s10;
	_ =	sdelay $0x1  }
0xaa: {  	s23 =	simm.s32 $0x1B8B  }
0xab: {  	_ =	swait.ge [sflag:s23], $0x1  }
0xac: {  	[sflag:s23] =	ssyncset.done $0x0  }
0xad: {  	s25 =	simm.s32 $0x1B8E;
	s24 =	sld [smem:$0x3FFE];
	[sflag:s23] =	ssyncadd.s32 $0xFFFFFFFF  }
0xae: {  	s26 =	simm.s32 $execute0_lowered;
	[smem:$0x3FD2] =	sst s25  }
0xaf: {  	s11 =	sshll.u32 s26, $0x1;
	_ =	strace $0x80000046;
	[dreg:$0x1] =	wrdreg $0xFFFFFFFF  }
0xb0: {  	s28 =	simm.s32 $_size_execute0_lowered;
	s9 =	sadd.s32 s9, s11;
	[dreg:$0x0] =	wrdreg $0x0  }
0xb1: {  	s11 =	sshll.u32 s28, $0x1;
	[dreg:$0x2] =	wrdreg s9  }
0xb2: {  	[dreg:$0x3] =	wrdreg s11  }
0xb3: {  	[dreg:$0x4] =	wrdreg $0xC0  }
0xb4: {  	_ =	task [dreg:s13], $0x5FFFF  }
0xb5: {  	[dreg:$0x1] =	wrdreg $0xFFFFFFFF  }
0xb6: {  	[dreg:$0x0] =	wrdreg $0x60  }
0xb7: {  	[dreg:$0x2] =	wrdreg s24  }
0xb8: {  	[dreg:$0x3] =	wrdreg s18  }
0xb9: {  	[dreg:$0x4] =	wrdreg s4  }
0xba: {  	[dreg:$0x5] =	wrdreg s8  }
0xbb: {  	[dreg:$0x6] =	wrdreg s15  }
0xbc: {  	[dreg:$0x7] =	wrdreg s16  }
0xbd: {  	[dreg:$0x8] =	wrdreg s17  }
0xbe: {  	[dreg:$0x9] =	wrdreg s7  }
0xbf: {  	[dreg:$0xa] =	wrdreg $0x9  }
0xc0: {  	_ =	task.clear_ibuf [dreg:s13], $0xBFFFF;
	_ =	strace $0x90000046  }
0xc1: {  	s29 =	simm.s32 $0x9;
	_ =	strace $0x80000048  }
0xc2: {  	_ =	swait.ge [sflag:s29], $0x1  }
0xc3: {  	[sflag:s29] =	ssyncadd.s32 $0xFFFFFFFF  }
0xc4: {  	_ =	strace $0x90000048  }
0xc5: {  	_ =	sfence  }
0xc6: {  	s30 =	sld [smem:$0x0];
	_ =	sdelay $0x2  }
0xc7: {  	s31 =	sshll.u32 s1, $0xD;
	s1 =	sshrl.u32 s1, $0x2  }
0xc8: {  	s3 =	sand.u32 $0x4000, s31;
	s1 =	sadd.s32 s1, s30  }
0xc9: {  	s0 =	sor.u32 s3, s0;
	s1 =	sshll.u32 s1, $0x11  }
0xca: {  	s0 =	sor.u32 s1, s0  }
0xcb: {  	s0 =	sadd.s32 $0x8F2B, s0  }
0xcc: {  	[sflag:s0] =	ssyncadd.remote.s32 $0x1  }
0xcd: {  	_ =	sfence.sel $0xFFFF  }
0xce: {  	[dreg:$0x0] =	wrdreg $0xFFFFFFFF;
	(pc) =	sbr.abs _section_cstart, $3  }
0xcf: {  	[dreg:$0x1] =	wrdreg $0xFFFFFFFF  }
0xd0: {  	_ =	task.clear_ibuf [dreg:s13], $0x2FFFF;
	_ =	strace $0x9FFFFFFF  }
0xd1: {  	(tm) =	ssettm $0x7FFFFFFF  }
tec
execute0_lowered:
.L_overlay_start_1:
0x0: {  	(tag) =	ssettag $0x1  }
0x1: {  	s0 =	rddreg [dreg:$0x0]  }
0x2: {  	s2 =	rddreg [dreg:$0x2];
	s8 =	simm.s32 $0x0  }
0x3: {  	s1 =	srdreg.scid;
	s5 =	stileid.u32;
	s18 =	simm.s32 $0x4  }
0x4: {  	s19 =	simm.s32 $0x1A200;
	s21 =	simm.s32 $0x1CD10;
	s22 =	simm.s32 $0x400  }
0x5: {  	s23 =	simm.s32 $0x5300;
	s24 =	simm.s32 $0x1;
	s28 =	simm.s32 $0x3  }
0x6: {  	s29 =	simm.s32 $0x0;
	[smem:$0x7FF] =	sst s8;
	s9 =	sadd.s32 $0x1C00, s0  }
0x7: {  	s11 =	simm.s32 $0x0;
	s3 =	sadd.s32 $0x1035400, s0;
	s12 =	sadd.s32 $0x1036400, s0  }
0x8: {  	s1 =	sand.u32 $0x1, s1;
	s25 =	sadd.s32 $0x1036000, s0;
	s14 =	sadd.s32 $0x1036200, s0  }
0x9: {  	vm13 =	vcmask $0x3B38;
	s15 =	sadd.s32 $0x1035A00, s0;
	_ =	strace $0x80000047;
	[dreg:$0x9] =	wrdreg s3  }
.Ltmp0:
0xa: {  	vm0 =	vcmask $0x704;
	vm14 =	vcmask $0x3F3C;
	s31 =	sshll.u32 s5, $0x1;
	[dreg:$0xa] =	wrdreg s25;
	(pc) =	sbr.rel .LBB2_1-.Ltmp0, $4  }
0xb: {  	vm1 =	vcmask $0xB08;
	vm2 =	vcmask $0xF0C;
	vm3 =	vcmask $0x1310;
	s26 =	ssub.s32 $0x2, s1;
	s16 =	sor.u32 s1, s31;
	s25 =	simm.s32 $0x2  }
0xc: {  	vm4 =	vcmask $0x1714;
	vm5 =	vcmask $0x1B18;
	vm6 =	vcmask $0x1F1C;
	s4 =	sshrl.u32 s26, $0x1;
	p0 =	sgt.s32 s16, $0x1;
	p1 =	seq.s32 s16, $0x0  }
0xd: {  	vm7 =	vcmask $0x2320;
	vm8 =	vcmask $0x2724;
	vm9 =	vcmask $0x2B28;
	p2 =	seq.s32 s16, $0x1;
	p3 =	seq.s32 s16, $0x2;
	s30 =	ssub.s32 s26, s4  }
0xe: {  	vm10 =	vcmask $0x2F2C;
	vm11 =	vcmask $0x3330;
	vm12 =	vcmask $0x3734;
	p4 =	seq.s32 s16, $0x3;
	s26 =	simm.s32 $0xA200;
	s17 =	smax.u32 s30, $0x1  }
.LBB2_32:
0xf: {  	s29 =	sadd.s32 $0x1, s29  }
0x10: {  	p5 =	sne.s32 s29, s17  }
.Ltmp1:
0x11: {  	_ = 	snop;
	(pc) =	sbr.rel @!p5 .LBB2_33-.Ltmp1, $4  }
0x12: {  	_ = 	snop  }
0x13: {  	_ =	swait.ge [sflag:s28], $0x10000  }
0x14: {  	[sflag:s28] =	ssyncset.done $0x0  }
0x15: {  	[sflag:s28] =	ssyncadd.s32 $0xFFFF0000  }
.LBB2_1:
.Ltmp2:
0x16: {  	(pc) =	sbr.rel @p0 .LBB2_7-.Ltmp2, $4  }
0x17: {  	[tilespmem:s8], [sflag:$0x4] =	stream.linear.gather [hbm4b:s2+s8], $0x400, $0x38;
	[tilespmem:$0x1D110] =	vst v63  }
0x18: {  	_ =	swait.ge [sflag:s18], $0x400  }
0x19: {  	[sflag:s18] =	ssyncset.done $0x0  }
0x1a: {  	[sflag:s18] =	ssyncadd.s32 $0xFFFFFC00  }
.Ltmp3:
0x1b: {  	(pc) =	sbr.rel @p1 .LBB2_12-.Ltmp3, $1  }
0x1c: {  	_ =	sdelay $0x3  }
.Ltmp4:
0x1d: {  	(pc) =	sbr.rel @!p2 .LBB2_22-.Ltmp4, $1  }
0x1e: {  	_ =	sdelay $0x3  }
0x1f: {  	s0 =	simm.s32 $0x0;
	s1 =	rddreg [dreg:$0x4]  }
0x20: {  	[tilespmem:s19], [sflag:$0x4] =	stream.linear.gather [hbm4b:s1+s0], $0x2710, $0x38;
	[tilespmem:$0x1D110] =	vst v63  }
0x21: {  	_ =	swait.ge [sflag:s18], $0x2710  }
0x22: {  	[sflag:s18] =	ssyncset.done $0x0  }
0x23: {  	s0 =	simm.s32 $0x0;
	[sflag:s18] =	ssyncadd.s32 $0xFFFFD8F0  }
0x24: {  	v0 =	vld [tilespmem:s0+$0x0];
	_ =	sdelay $0x7  }
0x25: {  	s3 =	simm.s32 $0x80;
	s1 =	simm.s32 $0x10;
	v0 =	vld.idx.msk [tilespmem:v0+s19+$0x0], $0xffff  }
.LBB2_5:
0x26: {  	p5 =	sne.s32 s3, $0xFC0;
	v1 =	vld [tilespmem:s1+$0x0];
	_ =	sdelay $0x3  }
.Ltmp5:
0x27: {  	(pc) =	sbr.rel @p5 .LBB2_5-.Ltmp5, $2  }
0x28: {  	[tilespmem:s0+$0x1CD10] =	vst v0;
	s0 =	smov.u32 s1;
	_ =	sdelay $0x2  }
0x29: {  	s1 =	sshra.s32 s3, $0x2;
	s3 =	sadd.s32 $0x40, s3;
	v0 =	vld.idx.msk [tilespmem:v1+s19+$0x0], $0xffff  }
0x2a: {  	v1 =	vld [tilespmem:s1+$0x0];
	_ =	sdelay $0x6  }
0x2b: {  	[tilespmem:s0+$0x1CD10] =	vst v0  }
0x2c: {  	v0 =	vld.idx.msk [tilespmem:v1+s19+$0x0], $0xffff;
	_ =	sdelay $0x4  }
.Ltmp6:
0x2d: {  	s31 =	rddreg [dreg:$0x6];
	[tilespmem:s1+$0x1CD10] =	vst v0;
	(pc) =	sbr.rel .LBB2_22-.Ltmp6, $4  }
0x2e: {  	[hbm4b:s31+s8] =	stream.linear.scatter [tilespmem:s21], [sflag:$0x4], $0x400, $0x38;
	[tilespmem:$0x1D110] =	vst v63  }
0x2f: {  	_ =	swait.ge [sflag:s18], $0x400  }
0x30: {  	[sflag:s18] =	ssyncset.done $0x0  }
0x31: {  	[sflag:s18] =	ssyncadd.s32 $0xFFFFFC00  }
.LBB2_7:
.Ltmp7:
0x32: {  	(pc) =	sbr.rel @p3 .LBB2_19-.Ltmp7, $1  }
0x33: {  	_ =	sdelay $0x3  }
.Ltmp8:
0x34: {  	(pc) =	sbr.rel @!p4 .LBB2_22-.Ltmp8, $1  }
0x35: {  	_ =	sdelay $0x3  }
0x36: {  	s0 =	simm.s32 $0x0;
	s1 =	rddreg [dreg:$0x9]  }
0x37: {  	[tilespmem:s19], [sflag:$0x4] =	stream.linear.gather [hbm4b:s1+s0], $0x2710, $0x38;
	[tilespmem:$0x1D110] =	vst v63  }
0x38: {  	_ =	swait.ge [sflag:s18], $0x2710  }
0x39: {  	[sflag:s18] =	ssyncset.done $0x0  }
0x3a: {  	s0 =	simm.s32 $0x0;
	[sflag:s18] =	ssyncadd.s32 $0xFFFFD8F0  }
0x3b: {  	v0 =	vld [tilespmem:s0+$0x0];
	_ =	sdelay $0x7  }
0x3c: {  	s3 =	simm.s32 $0x80;
	s1 =	simm.s32 $0x10;
	v0 =	vld.idx.msk [tilespmem:v0+s19+$0x0], $0xffff  }
.LBB2_10:
0x3d: {  	p5 =	sne.s32 s3, $0xFC0;
	v1 =	vld [tilespmem:s1+$0x0];
	_ =	sdelay $0x3  }
.Ltmp9:
0x3e: {  	(pc) =	sbr.rel @p5 .LBB2_10-.Ltmp9, $2  }
0x3f: {  	[tilespmem:s0+$0x1CD10] =	vst v0;
	s0 =	smov.u32 s1;
	_ =	sdelay $0x2  }
0x40: {  	s1 =	sshra.s32 s3, $0x2;
	s3 =	sadd.s32 $0x40, s3;
	v0 =	vld.idx.msk [tilespmem:v1+s19+$0x0], $0xffff  }
0x41: {  	v1 =	vld [tilespmem:s1+$0x0];
	_ =	sdelay $0x6  }
0x42: {  	[tilespmem:s0+$0x1CD10] =	vst v0  }
0x43: {  	v0 =	vld.idx.msk [tilespmem:v1+s19+$0x0], $0xffff;
	_ =	sdelay $0x4  }
.Ltmp10:
0x44: {  	s31 =	rddreg [dreg:$0xa];
	[tilespmem:s1+$0x1CD10] =	vst v0;
	(pc) =	sbr.rel .LBB2_22-.Ltmp10, $4  }
0x45: {  	[hbm4b:s31+s8] =	stream.linear.scatter [tilespmem:s21], [sflag:$0x4], $0x400, $0x38;
	[tilespmem:$0x1D110] =	vst v63  }
0x46: {  	_ =	swait.ge [sflag:s18], $0x400  }
0x47: {  	[sflag:s18] =	ssyncset.done $0x0  }
0x48: {  	[sflag:s18] =	ssyncadd.s32 $0xFFFFFC00  }
.LBB2_12:
0x49: {  	s0 =	simm.s32 $0x0;
	s1 =	rddreg [dreg:$0x1]  }
0x4a: {  	[tilespmem:s19], [sflag:$0x4] =	stream.linear.gather [hbm4b:s1+s0], $0x2710, $0x38;
	[tilespmem:$0x1D110] =	vst v63  }
0x4b: {  	_ =	swait.ge [sflag:s18], $0x2710  }
0x4c: {  	[sflag:s18] =	ssyncset.done $0x0  }
0x4d: {  	[sflag:s18] =	ssyncadd.s32 $0xFFFFD8F0  }
0x4e: {  	s3 =	simm.s32 $0x1C910;
	s31 =	rddreg [dreg:$0x3]  }
0x4f: {  	[tilespmem:s3], [sflag:$0x4] =	stream.linear.gather [hbm4b:s31+s0], $0x400, $0x38;
	[tilespmem:$0x1D110] =	vst v63  }
0x50: {  	_ =	swait.ge [sflag:s18], $0x400  }
0x51: {  	[sflag:s18] =	ssyncset.done $0x0  }
0x52: {  	s0 =	simm.s32 $0x0;
	[sflag:s18] =	ssyncadd.s32 $0xFFFFFC00  }
0x53: {  	v0 =	vld [tilespmem:s0+$0x0];
	_ =	sdelay $0x7  }
0x54: {  	v0 =	vld.idx.msk [tilespmem:v0+s19+$0x0], $0xffff;
	_ =	sdelay $0x4  }
0x55: {  	v0 =	vmul.f32 $1.000000000e+04, v0;
	_ =	sdelay $0x1  }
0x56: {  	v1 =	vshra.s32 v0, $0x1;
	v2 =	vmul.f32 $5.000000000e-01, v0  }
0x57: {  	v0 =	vsub.s32 $0x5F3759DF, v1  }
0x58: {  	v1 =	vmul.f32 v0, v2;
	_ =	sdelay $0x1  }
0x59: {  	v1 =	vmul.f32 v0, v1;
	_ =	sdelay $0x1  }
0x5a: {  	v1 =	vsub.f32 $1.500000000e+00, v1;
	_ =	sdelay $0x1  }
0x5b: {  	v0 =	vmul.f32 v0, v1;
	_ =	sdelay $0x1  }
0x5c: {  	v1 =	vmul.f32 v0, v2;
	_ =	sdelay $0x1  }
0x5d: {  	v1 =	vmul.f32 v1, v0;
	_ =	sdelay $0x1  }
0x5e: {  	v1 =	vsub.f32 $1.500000000e+00, v1;
	_ =	sdelay $0x1  }
0x5f: {  	v1 =	vmul.f32 v1, v0;
	_ =	sdelay $0x1  }
0x60: {  	s1 =	simm.s32 $0x80;
	s3 =	simm.s32 $0x10;
	v0 =	vimm.f32 $0.0e+00;
	v2 =	vmul.f32 v1, v2  }
.LBB2_13:
0x61: {  	p5 =	sne.s32 s1, $0xFC0;
	v3 =	vld [tilespmem:s3+$0x0]  }
0x62: {  	v2 =	vmul.f32 v2, v1;
	_ =	sdelay $0x1  }
0x63: {  	v2 =	vsub.f32 $1.500000000e+00, v2;
	_ =	sdelay $0x1  }
0x64: {  	v1 =	vmul.f32 v2, v1;
	_ =	sdelay $0x1  }
0x65: {  	[tilespmem:s0+$0x1CD10] =	vst v1;
	v0 =	vmax.f32 v0, v1;
	s0 =	smov.u32 s3  }
0x66: {  	v1 =	vld.idx.msk [tilespmem:v3+s19+$0x0], $0xffff;
	_ =	sdelay $0x5  }
0x67: {  	v1 =	vmul.f32 $1.000000000e+04, v1;
	_ =	sdelay $0x1  }
0x68: {  	v2 =	vshra.s32 v1, $0x1;
	v3 =	vmul.f32 $5.000000000e-01, v1  }
0x69: {  	v1 =	vsub.s32 $0x5F3759DF, v2  }
0x6a: {  	v2 =	vmul.f32 v1, v3;
	_ =	sdelay $0x1  }
0x6b: {  	v2 =	vmul.f32 v1, v2;
	_ =	sdelay $0x1  }
0x6c: {  	v2 =	vsub.f32 $1.500000000e+00, v2;
	_ =	sdelay $0x1  }
0x6d: {  	v1 =	vmul.f32 v1, v2;
	_ =	sdelay $0x1  }
0x6e: {  	v2 =	vmul.f32 v1, v3;
	_ =	sdelay $0x1  }
0x6f: {  	v2 =	vmul.f32 v2, v1;
	_ =	sdelay $0x1  }
.Ltmp11:
0x70: {  	v2 =	vsub.f32 $1.500000000e+00, v2;
	(pc) =	sbr.rel @p5 .LBB2_13-.Ltmp11, $3  }
0x71: {  	_ = 	snop  }
0x72: {  	v1 =	vmul.f32 v2, v1;
	_ =	sdelay $0x1  }
0x73: {  	s3 =	sshra.s32 s1, $0x2;
	s1 =	sadd.s32 $0x40, s1;
	v2 =	vmul.f32 v1, v3  }
0x74: {  	v3 =	vld [tilespmem:s3+$0x0]  }
0x75: {  	v2 =	vmul.f32 v2, v1;
	_ =	sdelay $0x1  }
0x76: {  	v2 =	vsub.f32 $1.500000000e+00, v2;
	_ =	sdelay $0x1  }
0x77: {  	v1 =	vmul.f32 v2, v1;
	_ =	sdelay $0x1  }
0x78: {  	[tilespmem:s0+$0x1CD10] =	vst v1  }
0x79: {  	v2 =	vld.idx.msk [tilespmem:v3+s19+$0x0], $0xffff;
	_ =	sdelay $0x4  }
0x7a: {  	v2 =	vmul.f32 $1.000000000e+04, v2;
	_ =	sdelay $0x1  }
0x7b: {  	v3 =	vshra.s32 v2, $0x1;
	v2 =	vmul.f32 $5.000000000e-01, v2  }
0x7c: {  	v3 =	vsub.s32 $0x5F3759DF, v3  }
0x7d: {  	v4 =	vmul.f32 v3, v2;
	_ =	sdelay $0x1  }
0x7e: {  	v4 =	vmul.f32 v3, v4;
	_ =	sdelay $0x1  }
0x7f: {  	v4 =	vsub.f32 $1.500000000e+00, v4;
	_ =	sdelay $0x1  }
0x80: {  	v3 =	vmul.f32 v3, v4;
	_ =	sdelay $0x1  }
0x81: {  	v4 =	vmul.f32 v3, v2;
	_ =	sdelay $0x1  }
0x82: {  	v4 =	vmul.f32 v4, v3;
	_ =	sdelay $0x1  }
0x83: {  	v4 =	vsub.f32 $1.500000000e+00, v4;
	_ =	sdelay $0x1  }
0x84: {  	v3 =	vmul.f32 v4, v3;
	_ =	sdelay $0x1  }
0x85: {  	v2 =	vmul.f32 v3, v2;
	_ =	sdelay $0x1  }
0x86: {  	v2 =	vmul.f32 v2, v3;
	_ =	sdelay $0x1  }
0x87: {  	v2 =	vsub.f32 $1.500000000e+00, v2;
	_ =	sdelay $0x1  }
0x88: {  	v2 =	vmul.f32 v2, v3  }
0x89: {  	v0 =	vmax.f32 v0, v1  }
0x8a: {  	v0 =	vmax.f32 v0, v2  }
0x8b: {  	(xrf0) =	vmax.scan.msk.f32 $0xffff, v0;
	_ =	sdelay $0x5  }
0x8c: {  	v0, _, _ =	vpop (xrf0)  }
0x8d: {  	v0 =	vbroadcast v0, $0xF;
	_ =	sdelay $0x1  }
0x8e: {  	(erf) = vrcp.f32 v0;
	_ =	sdelay $0x8  }
0x8f: {  	s1 =	simm.s32 $0x40;
	s0 =	simm.s32 $0x0;
	[tilespmem:s3+$0x1CD10] =	vst v2;
	v0 =	vpop (erf)  }
.LBB2_15:
0x90: {  	p5 =	sne.s32 s1, $0xFC0;
	v1 =	vld [tilespmem:s0+$0x1CD10];
	_ =	sdelay $0x2  }
.Ltmp12:
0x91: {  	(pc) =	sbr.rel @p5 .LBB2_15-.Ltmp12, $3  }
0x92: {  	_ = 	snop  }
0x93: {  	v1 =	vmul.f32 v1, v0;
	_ =	sdelay $0x1  }
0x94: {  	[tilespmem:s0+$0x1CD10] =	vst v1;
	s0 =	sshra.s32 s1, $0x2;
	s1 =	sadd.s32 $0x40, s1  }
0x95: {  	v1 =	vld [tilespmem:s0+$0x1CD10];
	_ =	sdelay $0x4  }
0x96: {  	v0 =	vmul.f32 v1, v0;
	_ =	sdelay $0x1  }
0x97: {  	s30 =	simm.s32 $0x0;
	[tilespmem:s0+$0x1CD10] =	vst v0  }
0x98: {  	[hbm4b:s14+s30] =	stream.linear.scatter [tilespmem:s21], [sflag:$0x4], $0x400, $0x38;
	[tilespmem:$0x1D110] =	vst v63  }
0x99: {  	_ =	swait.ge [sflag:s18], $0x400  }
0x9a: {  	[sflag:s18] =	ssyncset.done $0x0  }
0x9b: {  	s31 =	simm.s32 $0x0;
	[sflag:s18] =	ssyncadd.s32 $0xFFFFFC00  }
0x9c: {  	v0 =	vld [tilespmem:s31+$0x0]  }
0x9d: {  	v1 =	vld [tilespmem:s31+$0x1C910];
	_ =	sdelay $0x4  }
0x9e: {  	v1 =	vand.u32 $0x7FFFFFFF, v1  }
0x9f: {  	v1 =	vadd.f32 $1.000000010e-01, v1;
	_ =	sdelay $0x1  }
0xa0: {  	[tilespmem:v0+s19+$0x0] =	vst.idx.msk $0x1, v1  }
0xa1: {  	[tilespmem:v0+s19+$0x0] =	vst.idx.msk vm0, v1  }
0xa2: {  	[tilespmem:v0+s19+$0x0] =	vst.idx.msk vm1, v1  }
0xa3: {  	[tilespmem:v0+s19+$0x0] =	vst.idx.msk vm2, v1  }
0xa4: {  	[tilespmem:v0+s19+$0x0] =	vst.idx.msk vm3, v1  }
0xa5: {  	[tilespmem:v0+s19+$0x0] =	vst.idx.msk vm4, v1  }
0xa6: {  	[tilespmem:v0+s19+$0x0] =	vst.idx.msk vm5, v1  }
0xa7: {  	[tilespmem:v0+s19+$0x0] =	vst.idx.msk vm6, v1  }
0xa8: {  	[tilespmem:v0+s19+$0x0] =	vst.idx.msk vm7, v1  }
0xa9: {  	[tilespmem:v0+s19+$0x0] =	vst.idx.msk vm8, v1  }
0xaa: {  	[tilespmem:v0+s19+$0x0] =	vst.idx.msk vm9, v1  }
0xab: {  	[tilespmem:v0+s19+$0x0] =	vst.idx.msk vm10, v1  }
0xac: {  	[tilespmem:v0+s19+$0x0] =	vst.idx.msk vm11, v1  }
0xad: {  	s0 =	simm.s32 $0x40;
	[tilespmem:v0+s19+$0x0] =	vst.idx.msk vm12, v1  }
.LBB2_17:
0xae: {  	p5 =	sne.s32 s0, $0xFC0;
	[tilespmem:v0+s19+$0x0] =	vst.idx.msk vm13, v1;
	s1 =	smov.u32 s0;
	s0 =	sadd.s32 $0x40, s0  }
0xaf: {  	s1 =	sshra.s32 s1, $0x2;
	[tilespmem:v0+s19+$0x0] =	vst.idx.msk vm14, v1  }
0xb0: {  	v0 =	vld [tilespmem:s1+$0x0]  }
0xb1: {  	v1 =	vld [tilespmem:s1+$0x1C910];
	_ =	sdelay $0x4  }
0xb2: {  	v1 =	vand.u32 $0x7FFFFFFF, v1  }
0xb3: {  	v1 =	vadd.f32 $1.000000010e-01, v1;
	_ =	sdelay $0x1  }
0xb4: {  	[tilespmem:v0+s19+$0x0] =	vst.idx.msk $0x1, v1  }
0xb5: {  	[tilespmem:v0+s19+$0x0] =	vst.idx.msk vm0, v1  }
0xb6: {  	[tilespmem:v0+s19+$0x0] =	vst.idx.msk vm1, v1  }
0xb7: {  	[tilespmem:v0+s19+$0x0] =	vst.idx.msk vm2, v1  }
0xb8: {  	[tilespmem:v0+s19+$0x0] =	vst.idx.msk vm3, v1  }
0xb9: {  	[tilespmem:v0+s19+$0x0] =	vst.idx.msk vm4, v1  }
0xba: {  	[tilespmem:v0+s19+$0x0] =	vst.idx.msk vm5, v1  }
0xbb: {  	[tilespmem:v0+s19+$0x0] =	vst.idx.msk vm6, v1  }
0xbc: {  	[tilespmem:v0+s19+$0x0] =	vst.idx.msk vm7, v1  }
.Ltmp13:
0xbd: {  	[tilespmem:v0+s19+$0x0] =	vst.idx.msk vm8, v1;
	(pc) =	sbr.rel @p5 .LBB2_17-.Ltmp13, $4  }
0xbe: {  	[tilespmem:v0+s19+$0x0] =	vst.idx.msk vm9, v1  }
0xbf: {  	[tilespmem:v0+s19+$0x0] =	vst.idx.msk vm10, v1  }
0xc0: {  	[tilespmem:v0+s19+$0x0] =	vst.idx.msk vm11, v1  }
0xc1: {  	[tilespmem:v0+s19+$0x0] =	vst.idx.msk vm12, v1  }
0xc2: {  	_ =	sdelay $0x4  }
0xc3: {  	[tilespmem:v0+s19+$0x0] =	vst.idx.msk vm13, v1  }
.Ltmp14:
0xc4: {  	[tilespmem:v0+s19+$0x0] =	vst.idx.msk vm14, v1;
	(pc) =	sbr.rel .LBB2_22-.Ltmp14, $4  }
0xc5: {  	[hbm4b:s15+s8] =	stream.linear.scatter [tilespmem:s19], [sflag:$0x4], $0x2710, $0x38;
	[tilespmem:$0x1D110] =	vst v63  }
0xc6: {  	_ =	swait.ge [sflag:s18], $0x2710  }
0xc7: {  	[sflag:s18] =	ssyncset.done $0x0  }
0xc8: {  	[sflag:s18] =	ssyncadd.s32 $0xFFFFD8F0  }
.LBB2_19:
0xc9: {  	s0 =	simm.s32 $0x0;
	s1 =	rddreg [dreg:$0x5]  }
0xca: {  	[tilespmem:s19], [sflag:$0x4] =	stream.linear.gather [hbm4b:s1+s0], $0x2710, $0x38;
	[tilespmem:$0x1D110] =	vst v63  }
0xcb: {  	_ =	swait.ge [sflag:s18], $0x2710  }
0xcc: {  	[sflag:s18] =	ssyncset.done $0x0  }
0xcd: {  	s0 =	simm.s32 $0x0;
	[sflag:s18] =	ssyncadd.s32 $0xFFFFD8F0  }
0xce: {  	v0 =	vld [tilespmem:s0+$0x0];
	_ =	sdelay $0x7  }
0xcf: {  	s3 =	simm.s32 $0x80;
	s1 =	simm.s32 $0x10;
	v0 =	vld.idx.msk [tilespmem:v0+s19+$0x0], $0xffff  }
.LBB2_20:
0xd0: {  	p5 =	sne.s32 s3, $0xFC0;
	v1 =	vld [tilespmem:s1+$0x0];
	_ =	sdelay $0x3  }
.Ltmp15:
0xd1: {  	(pc) =	sbr.rel @p5 .LBB2_20-.Ltmp15, $2  }
0xd2: {  	[tilespmem:s0+$0x1CD10] =	vst v0;
	s0 =	smov.u32 s1;
	_ =	sdelay $0x2  }
0xd3: {  	s1 =	sshra.s32 s3, $0x2;
	s3 =	sadd.s32 $0x40, s3;
	v0 =	vld.idx.msk [tilespmem:v1+s19+$0x0], $0xffff  }
0xd4: {  	v1 =	vld [tilespmem:s1+$0x0];
	_ =	sdelay $0x6  }
0xd5: {  	[tilespmem:s0+$0x1CD10] =	vst v0  }
0xd6: {  	v0 =	vld.idx.msk [tilespmem:v1+s19+$0x0], $0xffff;
	_ =	sdelay $0x4  }
0xd7: {  	s31 =	rddreg [dreg:$0x7];
	[tilespmem:s1+$0x1CD10] =	vst v0  }
0xd8: {  	[hbm4b:s31+s8] =	stream.linear.scatter [tilespmem:s21], [sflag:$0x4], $0x400, $0x38;
	[tilespmem:$0x1D110] =	vst v63  }
0xd9: {  	_ =	swait.ge [sflag:s18], $0x400  }
0xda: {  	[sflag:s18] =	ssyncset.done $0x0  }
0xdb: {  	[sflag:s18] =	ssyncadd.s32 $0xFFFFFC00  }
.LBB2_22:
.Ltmp16:
0xdc: {  	(pc) =	sbr.rel .LBB2_23-.Ltmp16, $2  }
0xdd: {  	_ =	sdelay $0x2  }
0xde: {  	s30 =	simm.s32 $0x0  }
.LBB2_31:
0xdf: {  	s30 =	sadd.s32 $0x1, s30  }
0xe0: {  	p5 =	sne.s32 s30, $0x7  }
.Ltmp17:
0xe1: {  	_ = 	snop;
	(pc) =	sbr.rel @!p5 .LBB2_32-.Ltmp17, $1  }
0xe2: {  	_ =	sdelay $0x3  }
.LBB2_23:
0xe3: {  	s0 =	sshll.u32 s30, $0x5  }
0xe4: {  	s31 =	sor.u32 s16, s0  }
0xe5: {  	p5 =	sgt.u32 s31, $0xD1  }
.Ltmp18:
0xe6: {  	_ = 	snop;
	(pc) =	sbr.rel @p5 .LBB2_31-.Ltmp18, $1  }
0xe7: {  	_ =	sdelay $0x3  }
0xe8: {  	s0 =	smul.u32 $0x13C00, s31;
	_ =	sdelay $0x1  }
0xe9: {  	p5 =	seq.s32 s30, $0x0;
	s0 =	sadd.s32 s9, s0  }
0xea: {  	[tilespmem:s22], [sflag:$0x1] =	stream.linear.gather [hbm4b:s0+s8], $0x4F00, $0x38;
	[tilespmem:$0x1D110] =	vst v63  }
0xeb: {  	s0 =	simm.s32 @!p5 $0x3  }
0xec: {  	_ =	swait.ge @!p5 [sflag:s0], $0x10000  }
0xed: {  	[sflag:s0] =	ssyncset.done @!p5 $0x0  }
0xee: {  	s1 =	sshll.u32 s31, $0x4;
	[sflag:s0] =	ssyncadd.s32 @!p5 $0xFFFF0000;
	s0 =	simm.s32 $0x0  }
.LBB2_25:
0xef: {  	s3 =	sadd.s32 s1, s0  }
0xf0: {  	s4 =	smul.u32 $0x9E00, s3;
	_ =	sdelay $0x1  }
0xf1: {  	s3 =	sshrl.u32 s4, $0x3  }
0xf2: {  	s3 =	sadd.s32 s9, s3  }
0xf3: {  	s3 =	sadd.s32 $0x9E0, s3  }
0xf4: {  	[tilespmem:s23], [sflag:$0x2] =	stream.linear.gather [hbm4b:s3+s11], $0x4F00, $0x38;
	[tilespmem:$0x1D110] =	vst v63  }
0xf5: {  	s20 =	sshll.u32 s0, $0xE;
	s5 =	simm.s32 $0xFFFFFFFC;
	_ =	swait.ge [sflag:s24], $0x4F00  }
0xf6: {  	s6 =	simm.s32 $0x30;
	s3 =	sshra.s32 s20, $0x2;
	[sflag:s24] =	ssyncset.done $0x0  }
0xf7: {  	s7 =	simm.s32 $0x0;
	s3 =	sadd.s32 $0xA200, s3;
	[sflag:s24] =	ssyncadd.s32 $0xFFFFB100  }
.LBB2_26:
0xf8: {  	s20 =	sshra.s32 s7, $0x2  }
0xf9: {  	v0 =	vld [tilespmem:s20+$0x0];
	_ =	sdelay $0x7  }
0xfa: {  	v1 =	vld.idx.msk [tilespmem:v0+s22+$0x0], $0xffff  }
0xfb: {  	v0 =	vadd.s32 $0x2780, v0  }
0xfc: {  	s10 =	sand.u32 $0xE00, s7;
	s13 =	sadd.s32 $0xFFFFFFD0, s6  }
0xfd: {  	s13 =	sand.u32 $0x40, s13;
	s10 =	sadd.s32 s10, s3  }
0xfe: {  	s13 =	sadd.s32 s13, s10  }
0xff: {  	[tilespmem:s13+$0x0] =	vst v1  }
0x100: {  	v0 =	vld.idx.msk [tilespmem:v0+s22+$0x0], $0xffff;
	_ =	sdelay $0x4  }
0x101: {  	[tilespmem:s13+$0x80] =	vst v0  }
0x102: {  	v0 =	vld [tilespmem:s20+$0x10];
	_ =	sdelay $0x7  }
0x103: {  	v1 =	vld.idx.msk [tilespmem:v0+s22+$0x0], $0xffff  }
0x104: {  	v0 =	vadd.s32 $0x2780, v0  }
0x105: {  	s13 =	sadd.s32 $0xFFFFFFE0, s6  }
0x106: {  	s13 =	sand.u32 $0x50, s13  }
0x107: {  	s13 =	sadd.s32 s13, s10  }
0x108: {  	[tilespmem:s13+$0x0] =	vst v1  }
0x109: {  	v0 =	vld.idx.msk [tilespmem:v0+s22+$0x0], $0xffff;
	_ =	sdelay $0x4  }
0x10a: {  	[tilespmem:s13+$0x80] =	vst v0  }
0x10b: {  	v0 =	vld [tilespmem:s20+$0x20];
	_ =	sdelay $0x7  }
0x10c: {  	v1 =	vld.idx.msk [tilespmem:v0+s22+$0x0], $0xffff  }
0x10d: {  	v0 =	vadd.s32 $0x2780, v0  }
0x10e: {  	s13 =	sadd.s32 $0xFFFFFFF0, s6  }
0x10f: {  	s13 =	sand.u32 $0x60, s13  }
0x110: {  	s13 =	sadd.s32 s13, s10  }
0x111: {  	[tilespmem:s13+$0x0] =	vst v1  }
0x112: {  	v0 =	vld.idx.msk [tilespmem:v0+s22+$0x0], $0xffff;
	_ =	sdelay $0x4  }
0x113: {  	[tilespmem:s13+$0x80] =	vst v0  }
0x114: {  	v0 =	vld [tilespmem:s20+$0x30];
	_ =	sdelay $0x7  }
0x115: {  	v1 =	vld.idx.msk [tilespmem:v0+s22+$0x0], $0xffff  }
0x116: {  	v0 =	vadd.s32 $0x2780, v0;
	_ =	sdelay $0x1  }
0x117: {  	s20 =	sand.u32 $0x70, s6  }
0x118: {  	s10 =	sadd.s32 s20, s10  }
0x119: {  	s5 =	sadd.s32 $0x4, s5;
	[tilespmem:s10+$0x0] =	vst v1  }
0x11a: {  	p5 =	slt.u32 s5, $0x3C;
	v0 =	vld.idx.msk [tilespmem:v0+s22+$0x0], $0xffff  }
.Ltmp19:
0x11b: {  	_ = 	snop;
	(pc) =	sbr.rel @p5 .LBB2_26-.Ltmp19, $2  }
0x11c: {  	_ =	sdelay $0x2  }
0x11d: {  	s7 =	sadd.s32 $0x100, s7;
	s6 =	sadd.s32 $0x40, s6;
	[tilespmem:s10+$0x80] =	vst v0  }
0x11e: {  	p5 =	seq.s32 s0, $0xF  }
0x11f: {  	s4 =	sshrl.u32 @!p5 s4, $0x3  }
0x120: {  	s4 =	sadd.s32 @!p5 s9, s4  }
0x121: {  	s5 =	simm.s32 @!p5 $0x0;
	s6 =	simm.s32 @!p5 $0x400;
	s4 =	sadd.s32 @!p5 $0x13C0, s4  }
0x122: {  	[tilespmem:s6], [sflag:$0x1] =	stream.linear.gather @!p5 [hbm4b:s4+s5], $0x4F00, $0x38;
	[tilespmem:$0x1D110] =	vst v63  }
0x123: {  	_ =	swait.ge [sflag:s25], $0x4F00  }
0x124: {  	s4 =	simm.s32 $0xFFFFFFFC;
	[sflag:s25] =	ssyncset.done $0x0  }
0x125: {  	s5 =	simm.s32 $0x30;
	s6 =	simm.s32 $0x0;
	[sflag:s25] =	ssyncadd.s32 $0xFFFFB100  }
.LBB2_28:
0x126: {  	s7 =	sshra.s32 s6, $0x2  }
0x127: {  	v0 =	vld [tilespmem:s7+$0x0];
	_ =	sdelay $0x7  }
0x128: {  	v1 =	vld.idx.msk [tilespmem:v0+s23+$0x0], $0xffff  }
0x129: {  	v0 =	vadd.s32 $0x2780, v0  }
0x12a: {  	s10 =	sand.u32 $0xE00, s6;
	s13 =	sadd.s32 $0xFFFFFFD0, s5  }
0x12b: {  	s13 =	sand.u32 $0x40, s13;
	s10 =	sadd.s32 s10, s3  }
0x12c: {  	s13 =	sadd.s32 s13, s10  }
0x12d: {  	[tilespmem:s13+$0x100] =	vst v1  }
0x12e: {  	v0 =	vld.idx.msk [tilespmem:v0+s23+$0x0], $0xffff;
	_ =	sdelay $0x4  }
0x12f: {  	[tilespmem:s13+$0x180] =	vst v0  }
0x130: {  	v0 =	vld [tilespmem:s7+$0x10];
	_ =	sdelay $0x7  }
0x131: {  	v1 =	vld.idx.msk [tilespmem:v0+s23+$0x0], $0xffff  }
0x132: {  	v0 =	vadd.s32 $0x2780, v0  }
0x133: {  	s20 =	sadd.s32 $0xFFFFFFE0, s5  }
0x134: {  	s13 =	sand.u32 $0x50, s20  }
0x135: {  	s13 =	sadd.s32 s13, s10  }
0x136: {  	[tilespmem:s13+$0x100] =	vst v1  }
0x137: {  	v0 =	vld.idx.msk [tilespmem:v0+s23+$0x0], $0xffff;
	_ =	sdelay $0x4  }
0x138: {  	[tilespmem:s13+$0x180] =	vst v0  }
0x139: {  	v0 =	vld [tilespmem:s7+$0x20];
	_ =	sdelay $0x7  }
0x13a: {  	v1 =	vld.idx.msk [tilespmem:v0+s23+$0x0], $0xffff  }
0x13b: {  	v0 =	vadd.s32 $0x2780, v0  }
0x13c: {  	s20 =	sadd.s32 $0xFFFFFFF0, s5  }
0x13d: {  	s13 =	sand.u32 $0x60, s20  }
0x13e: {  	s13 =	sadd.s32 s13, s10  }
0x13f: {  	[tilespmem:s13+$0x100] =	vst v1  }
0x140: {  	v0 =	vld.idx.msk [tilespmem:v0+s23+$0x0], $0xffff;
	_ =	sdelay $0x4  }
0x141: {  	[tilespmem:s13+$0x180] =	vst v0  }
0x142: {  	v0 =	vld [tilespmem:s7+$0x30];
	_ =	sdelay $0x7  }
0x143: {  	v1 =	vld.idx.msk [tilespmem:v0+s23+$0x0], $0xffff  }
0x144: {  	v0 =	vadd.s32 $0x2780, v0;
	_ =	sdelay $0x1  }
0x145: {  	s20 =	sand.u32 $0x70, s5  }
0x146: {  	s7 =	sadd.s32 s20, s10  }
0x147: {  	s4 =	sadd.s32 $0x4, s4;
	[tilespmem:s7+$0x100] =	vst v1  }
0x148: {  	p5 =	slt.u32 s4, $0x3C;
	v0 =	vld.idx.msk [tilespmem:v0+s23+$0x0], $0xffff  }
.Ltmp20:
0x149: {  	_ = 	snop;
	(pc) =	sbr.rel @p5 .LBB2_28-.Ltmp20, $2  }
0x14a: {  	_ =	sdelay $0x2  }
0x14b: {  	s6 =	sadd.s32 $0x100, s6;
	s5 =	sadd.s32 $0x40, s5;
	[tilespmem:s7+$0x180] =	vst v0  }
0x14c: {  	s0 =	sadd.s32 $0x1, s0  }
0x14d: {  	p5 =	sne.s32 s0, $0x10  }
.Ltmp21:
0x14e: {  	_ = 	snop;
	(pc) =	sbr.rel @p5 .LBB2_25-.Ltmp21, $1  }
0x14f: {  	_ =	sdelay $0x3  }
.Ltmp22:
0x150: {  	(pc) =	sbr.rel .LBB2_31-.Ltmp22, $4  }
0x151: {  	_ = 	snop  }
0x152: {  	s0 =	sshll.u32 s31, $0xD  }
0x153: {  	s0 =	sadd.s32 s12, s0  }
0x154: {  	[hbm4b:s0+s8] =	stream.linear.scatter [tilespmem:s26], [sflag:$0x3], $0x10000, $0x38;
	[tilespmem:$0x1D110] =	vst v63  }
.LBB2_33:
0x155: {  	_ =	sfence.sel $0x180000  }
0x156: {  	[bflag:$0x0] =	sbarrier.arrive $0xFFFF  }
0x157: {  	_ =	strace $0x90000047  }
0x158: {  	s0 =	stileid.u32;
	[bflag:$0x2] =	sbarrier.arrive $0xFFFF  }
0x159: {  	p0 =	sne.s32 s0, $0x0;
	s0 =	rddreg [dreg:$0x8]  }
0x15a: {  	s0 =	sadd.s32 @!p0 $0x100000, s0  }
0x15b: {  	[sflag:s0] =	ssyncadd.tile.s32 @!p0 $0x1;
	_ =	shalt  }
.Lfunc_end2:
_tile_overlayer_lowered:
.L_overlay_start_2:
0x15c: {  	(tag) =	ssettag $0x2  }
0x15d: {  	s0 =	rddreg [dreg:$0x0];
	s2 =	stileid.u32  }
0x15e: {  	s1 =	rddreg [dreg:$0x1];
	p0 =	sne.s32 s2, $0x0  }
0x15f: {  	s3 =	rddreg [dreg:$0x2];
	[bflag:$0x3] =	sbarrier.arrive $0xFFFF;
	s2 =	simm.s32 @!p0 $0x1C04  }
0x160: {  	[timem:s3], [sflag:s2] =	dma.local @!p0 [hbm:s0], s1  }
0x161: {  	s0 =	simm.s32 @!p0 $0x4  }
0x162: {  	_ =	swait.ge @!p0 [sflag:s0], s1  }
0x163: {  	s1 =	ssub.s32 @!p0 $0x0, s1;
	[sflag:s0] =	ssyncset.done @!p0 $0x0  }
0x164: {  	[sflag:s0] =	ssyncadd.s32 @!p0 s1  }
0x165: {  	[bflag:$0x3] =	sbarrier.arrive $0xFFFF  }
0x166: {  	_ =	shalt  }

// kernel: kernel.13.cloned.1.call-start
scs
__scs_entry_jumppad:
0x0: {  	(pc) =	sbr.rel $0x88, $3  }
0x1: {  	(tag) =	ssettag $0x0;
	lr =	simm.s32 $0x1  }
0x2: {  	[smem:$0x3F99] =	sst lr;
	_ =	strace $0xD0000000  }
0x3: {  	_ = 	snop  }
0x4: {  	_ = 	snop  }
0x5: {  	_ = 	snop  }
0x6: {  	_ = 	snop  }
0x7: {  	_ = 	snop  }
__scs_overlays_trampoline_lowered:
0x8: {  	[smem:$0x3FA8] =	sst s0  }
0x9: {  	[smem:$0x3FA9] =	sst s1  }
0xa: {  	[smem:$0x3FAA] =	sst s2  }
0xb: {  	[smem:$0x3FAB] =	sst s3  }
0xc: {  	[smem:$0x3FAC] =	sst s4  }
0xd: {  	[smem:$0x3FAD] =	sst s5  }
0xe: {  	[smem:$0x3FAE] =	sst s6  }
0xf: {  	[smem:$0x3FAF] =	sst s7  }
0x10: {  	[smem:$0x3FB0] =	sst s8  }
0x11: {  	[smem:$0x3FB1] =	sst s9;
	s0 =	simm.s32 @!p0 $0x0  }
0x12: {  	s1 =	sld [smem:$0x3F97];
	s0 =	simm.s32 @p0 $0x1  }
0x13: {  	[smem:$0x3FB2] =	sst s0;
	s0 =	simm.s32 @!p1 $0x0  }
0x14: {  	s2 =	sld [smem:$0x3F96];
	s0 =	simm.s32 @p1 $0x1  }
0x15: {  	[smem:$0x3FB3] =	sst s0;
	s0 =	simm.s32 @!p2 $0x0  }
0x16: {  	s3 =	sld [smem:$0x3FDB];
	s0 =	simm.s32 @p2 $0x1  }
0x17: {  	s4 =	simm.s32 $0x1BF5;
	[smem:$0x3FB5] =	sst s0  }
0x18: {  	s0 =	sld [smem:$0x3F98];
	_ =	swait.ge [sflag:s4], $0x0  }
0x19: {  	s7 =	sld [smem:$0x3F99]  }
0x1a: {  	s8 =	sadd.s32 $0xFFFFE003, lr  }
0x1b: {  	s9 =	sadd.s32 $0xFFFFFEF7, lr;
	s5 =	simm.s32 $0xFFFFFFFF;
	p2 =	slt.u32 s8, $0xFFFFF086  }
0x1c: {  	p1 =	slt.u32 s9, $0xF7A;
	s5 =	simm.s32 @!p2 $0x0  }
0x1d: {  	s5 =	simm.s32 @p1 $0x1;
	p0 =	seq.s32 s7, s2  }
0x1e: {  	s7 =	smul.u32 @!p0 $0xF7A, s2;
	p2 =	seq.s32 @!p0 s5, $0x0  }
0x1f: {  	s9 =	smul.u32 $0xF7A, s1;
	s8 =	simm.s32 @!p0 $0x1BF5;
	p2 =	por !p2, p0  }
0x20: {  	[sflag:s8] =	ssyncset.s32 @!p0 $0xFFFFF086;
	s6 =	sadd.s32 @!p0 s3, s7;
	s7 =	simm.s32 @!p0 $0x108  }
0x21: {  	s3 =	sadd.s32 s3, s9;
	s6 =	sadd.s32 @!p0 $0x88, s6;
	s7 =	simm.s32 @p2 $0x1082  }
0x22: {  	[simem:s7], [sflag:s8] =	dma.local @!p0 [hbm:s6], $0xF7A  }
0x23: {  	s9 =	sor.u32 $0xD0000000, s2;
	s6 =	simm.s32 $0x108;
	_ =	swait.ge @!p0 [sflag:s8], $0x0  }
0x24: {  	s3 =	sadd.s32 $0x88, s3;
	s6 =	simm.s32 @!p1 $0x1082;
	[sflag:s4] =	ssyncset.s32 $0xFFFFF086  }
0x25: {  	[simem:s6], [sflag:s4] =	dma.local [hbm:s3], $0xF7A  }
0x26: {  	[smem:$0x3F99] =	sst s1;
	(tag) =	ssettag s2;
	_ =	strace s9  }
0x27: {  	s1 =	sld [smem:$0x3FA9]  }
0x28: {  	s2 =	sld [smem:$0x3FAA]  }
0x29: {  	s4 =	sld [smem:$0x3FAC]  }
0x2a: {  	p0 =	seq.s32 s5, $0x0;
	s5 =	sld [smem:$0x3FAD]  }
0x2b: {  	s6 =	sld [smem:$0x3FAE]  }
0x2c: {  	s7 =	sld [smem:$0x3FAF]  }
0x2d: {  	s3 =	simm.s32 $0x108;
	s8 =	sld [smem:$0x3FB0]  }
0x2e: {  	s3 =	simm.s32 @!p0 $0x1082;
	s9 =	sld [smem:$0x3FB1]  }
0x2f: {  	lr =	sadd.s32 s0, s3;
	s0 =	sld [smem:$0x3FA8]  }
0x30: {  	s3 =	sld [smem:$0x3FAB]  }
0x31: {  	[smem:$0x3FB4] =	sst s10  }
0x32: {  	s10 =	sld [smem:$0x3FB2];
	_ =	sdelay $0x3  }
0x33: {  	p0 =	seq.s32 s10, $0x1;
	s10 =	sld [smem:$0x3FB4];
	_ =	sdelay $0x3  }
0x34: {  	[smem:$0x3FB4] =	sst s10  }
0x35: {  	s10 =	sld [smem:$0x3FB3];
	_ =	sdelay $0x3  }
0x36: {  	p1 =	seq.s32 s10, $0x1;
	s10 =	sld [smem:$0x3FB4];
	_ =	sdelay $0x3  }
0x37: {  	[smem:$0x3FB4] =	sst s10  }
0x38: {  	s10 =	sld [smem:$0x3FB5]  }
0x39: {  	_ = 	snop;
	(pc) =	sbr.ind lr, $3  }
0x3a: {  	_ = 	snop  }
0x3b: {  	_ = 	snop  }
0x3c: {  	p2 =	seq.s32 s10, $0x1;
	s10 =	sld [smem:$0x3FB4]  }
0x3d: {  	_ =	shalt  }
0x3e: {  	_ =	shalt  }
0x3f: {  	_ =	shalt  }
0x40: {  	_ =	shalt  }
0x41: {  	_ =	shalt  }
0x42: {  	_ =	shalt  }
0x43: {  	_ =	shalt  }
0x44: {  	_ =	shalt  }
0x45: {  	_ =	shalt  }
0x46: {  	_ =	shalt  }
0x47: {  	_ =	shalt  }
0x48: {  	_ =	shalt  }
0x49: {  	_ =	shalt  }
0x4a: {  	_ =	shalt  }
0x4b: {  	_ =	shalt  }
0x4c: {  	_ =	shalt  }
0x4d: {  	_ =	shalt  }
0x4e: {  	_ =	shalt  }
0x4f: {  	_ =	shalt  }
0x50: {  	_ =	shalt  }
0x51: {  	_ =	shalt  }
0x52: {  	_ =	shalt  }
0x53: {  	_ =	shalt  }
0x54: {  	_ =	shalt  }
0x55: {  	_ =	shalt  }
0x56: {  	_ =	shalt  }
0x57: {  	_ =	shalt  }
0x58: {  	_ =	shalt  }
0x59: {  	_ =	shalt  }
0x5a: {  	_ =	shalt  }
0x5b: {  	_ =	shalt  }
0x5c: {  	_ =	shalt  }
0x5d: {  	_ =	shalt  }
0x5e: {  	_ =	shalt  }
0x5f: {  	_ =	shalt  }
0x60: {  	_ =	shalt  }
0x61: {  	_ =	shalt  }
0x62: {  	_ =	shalt  }
0x63: {  	_ =	shalt  }
0x64: {  	_ =	shalt  }
0x65: {  	_ =	shalt  }
0x66: {  	_ =	shalt  }
0x67: {  	_ =	shalt  }
0x68: {  	_ =	shalt  }
0x69: {  	_ =	shalt  }
0x6a: {  	_ =	shalt  }
0x6b: {  	_ =	shalt  }
0x6c: {  	_ =	shalt  }
0x6d: {  	_ =	shalt  }
0x6e: {  	_ =	shalt  }
0x6f: {  	_ =	shalt  }
0x70: {  	_ =	shalt  }
0x71: {  	_ =	shalt  }
0x72: {  	_ =	shalt  }
0x73: {  	_ =	shalt  }
0x74: {  	_ =	shalt  }
0x75: {  	_ =	shalt  }
0x76: {  	_ =	shalt  }
0x77: {  	_ =	shalt  }
0x78: {  	_ =	shalt  }
0x79: {  	_ =	shalt  }
0x7a: {  	_ =	shalt  }
0x7b: {  	_ =	shalt  }
0x7c: {  	_ =	shalt  }
0x7d: {  	_ =	shalt  }
0x7e: {  	_ =	shalt  }
0x7f: {  	_ =	shalt  }
0x80: {  	_ =	shalt  }
0x81: {  	_ =	shalt  }
0x82: {  	_ =	shalt  }
0x83: {  	_ =	shalt  }
0x84: {  	_ =	shalt  }
0x85: {  	_ =	shalt  }
0x86: {  	_ =	shalt  }
0x87: {  	_ =	shalt  }
.Lfunc_end0:
.L_simem_size_0:
called_computation.1_lowered:
.L_overlay_start_0:
0x88: {  	s2 =	sld [smem:$0x3FD9]  }
0x89: {  	s3 =	sld [smem:$0x3FFE];
	_ =	sdelay $0x1  }
0x8a: {  	s1 =	srdreg.scid  }
0x8b: {  	s0 =	sand.u32 $0x1, s1  }
0x8c: {  	s15 =	sshll.u32 s0, $0xA;
	s2 =	sadd.s32 s3, s2  }
0x8d: {  	s2 =	sadd.s32 s2, s15  }
0x8e: {  	[smem:$0x3FC0] =	sst s2  }
0x8f: {  	_ = 	snop  }
0x90: {  	s16 =	sld [smem:$0x3FD0];
	_ =	sdelay $0x2  }
0x91: {  	s4 =	simm.s32 $0xD;
	s5 =	simm.s32 $0x10;
	s2 =	sld [smem:$0x3FC3]  }
0x92: {  	[smem:s5], [sflag:s4] =	dma.local [hbm:s16], $0x1  }
0x93: {  	_ =	swait.eq [sflag:s4], $0x1  }
0x94: {  	[sflag:s4] =	ssyncset.done $0x0  }
0x95: {  	[sflag:s4] =	ssyncadd.s32 $0xFFFFFFFF  }
0x96: {  	s17 =	sld [smem:$0x14];
	(tm) =	ssettm $0x1  }
0x97: {  	s18 =	sld [smem:$0x3FFB];
	_ =	sdelay $0x3  }
0x98: {  	_ =	strace s18  }
0x99: {  	s3 =	sld [smem:$0x3FFC];
	_ =	sdelay $0x3  }
0x9a: {  	_ =	strace s3  }
0x9b: {  	s3 =	sld [smem:$0x3FFD];
	_ =	sdelay $0x3  }
0x9c: {  	_ =	strace s3  }
0x9d: {  	_ =	strace $0x8FFFFFFF  }
0x9e: {  	s19 =	sld [smem:$0x3FDB];
	_ =	sdelay $0x1  }
0x9f: {  	s20 =	simm.s32 $_scs_section_size  }
0xa0: {  	s6 =	simm.s32 $_size__tile_overlayer_lowered;
	s7 =	simm.s32 $_tile_overlayer_lowered  }
0xa1: {  	s8 =	simm.s32 $0x1BFF;
	s21 =	sshll.u32 s7, $0x1;
	s5 =	sadd.s32 s20, s19  }
0xa2: {  	s22 =	simm.s32 $0x0;
	s6 =	sshll.u32 s6, $0x1;
	s7 =	sadd.s32 s21, s5  }
0xa3: {  	[timem:s22], [sflag:s8] =	dma.local [hbm:s7], s6  }
0xa4: {  	_ =	swait.ge [sflag:s8], s6  }
0xa5: {  	s6 =	ssub.s32 $0x0, s6;
	[sflag:s8] =	ssyncset.done $0x0  }
0xa6: {  	[sflag:s8] =	ssyncadd.s32 s6;
	_ =	sdelay $0x1  }
0xa7: {  	s23 =	simm.s32 $0x1B8B  }
0xa8: {  	_ =	swait.ge [sflag:s23], $0x1  }
0xa9: {  	[sflag:s23] =	ssyncset.done $0x0  }
0xaa: {  	[sflag:s23] =	ssyncadd.s32 $0xFFFFFFFF  }
0xab: {  	s6 =	sld [smem:$0x0]  }
0xac: {  	s7 =	sand.u32 $0xFFFFFFFE, s1  }
0xad: {  	p0 =	sne.s32 s1, s7  }
0xae: {  	s7 =	sshll.u32 @p0 s7, $0xE  }
0xaf: {  	s7 =	sadd.s32 @p0 $0x11B8D, s7;
	s8 =	sshll.u32 @p0 s6, $0x11  }
0xb0: {  	s7 =	sor.u32 @p0 s8, s7  }
0xb1: {  	[sflag:s7] =	ssyncadd.remote.s32 @p0 $0x1;
	_ =	sdelay $0x1  }
0xb2: {  	s7 =	simm.s32 @p0 $0x1B8D  }
0xb3: {  	_ =	swait.eq @p0 [sflag:s7], $0x1  }
0xb4: {  	[sflag:s7] =	ssyncadd.s32 @p0 $0xFFFFFFFF  }
0xb5: {  	s8 =	sshll.u32 @!p0 s1, $0xE  }
0xb6: {  	s8 =	sor.u32 @!p0 $0x4000, s8;
	s7 =	simm.s32 @!p0 $0x1B8D  }
0xb7: {  	s6 =	sshll.u32 @!p0 s6, $0x11;
	s8 =	sadd.s32 @!p0 $0x11B8D, s8;
	_ =	swait.eq @!p0 [sflag:s7], $0x1  }
0xb8: {  	s6 =	sor.u32 @!p0 s6, s8;
	[sflag:s7] =	ssyncadd.s32 @!p0 $0xFFFFFFFF  }
0xb9: {  	s25 =	simm.s32 $0x1B8E;
	s24 =	sld [smem:$0x3FFE];
	[sflag:s6] =	ssyncadd.remote.s32 @!p0 $0x1  }
0xba: {  	s26 =	simm.s32 $execute0_lowered;
	[smem:$0x3FD2] =	sst s25  }
0xbb: {  	s7 =	sshll.u32 s26, $0x1;
	_ =	strace $0x80000049;
	[dreg:$0x1] =	wrdreg $0xFFFFFFFF  }
0xbc: {  	s28 =	simm.s32 $_size_execute0_lowered;
	s5 =	sadd.s32 s5, s7;
	[dreg:$0x0] =	wrdreg $0x0  }
0xbd: {  	s7 =	sshll.u32 s28, $0x1;
	[dreg:$0x2] =	wrdreg s5  }
0xbe: {  	[dreg:$0x3] =	wrdreg s7  }
0xbf: {  	[dreg:$0x4] =	wrdreg $0xC0  }
0xc0: {  	_ =	task [dreg:s22], $0x5FFFF  }
0xc1: {  	[dreg:$0x1] =	wrdreg $0xFFFFFFFF  }
0xc2: {  	[dreg:$0x0] =	wrdreg $0x60  }
0xc3: {  	[dreg:$0x2] =	wrdreg s24  }
0xc4: {  	[dreg:$0x3] =	wrdreg s2  }
0xc5: {  	[dreg:$0x4] =	wrdreg s17  }
0xc6: {  	[dreg:$0x5] =	wrdreg $0xA  }
0xc7: {  	_ =	task.clear_ibuf [dreg:s22], $0x6FFFF;
	_ =	strace $0x90000049  }
0xc8: {  	s29 =	simm.s32 $0xA;
	_ =	strace $0x8000004B  }
0xc9: {  	_ =	swait.ge [sflag:s29], $0x1  }
0xca: {  	[sflag:s29] =	ssyncadd.s32 $0xFFFFFFFF  }
0xcb: {  	_ =	strace $0x9000004B  }
0xcc: {  	_ =	sfence  }
0xcd: {  	s30 =	sld [smem:$0x0];
	_ =	sdelay $0x2  }
0xce: {  	s31 =	sshll.u32 s1, $0xD;
	s1 =	sshrl.u32 s1, $0x2  }
0xcf: {  	s4 =	sand.u32 $0x4000, s31;
	s1 =	sadd.s32 s1, s30  }
0xd0: {  	s0 =	sor.u32 s4, s0;
	s1 =	sshll.u32 s1, $0x11  }
0xd1: {  	s0 =	sor.u32 s1, s0  }
0xd2: {  	s0 =	sadd.s32 $0x8F2B, s0  }
0xd3: {  	[sflag:s0] =	ssyncadd.remote.s32 $0x1  }
0xd4: {  	_ =	sfence.sel $0xFFFF  }
0xd5: {  	[dreg:$0x0] =	wrdreg $0xFFFFFFFF;
	(pc) =	sbr.abs _section_cstart, $3  }
0xd6: {  	[dreg:$0x1] =	wrdreg $0xFFFFFFFF  }
0xd7: {  	_ =	task.clear_ibuf [dreg:s22], $0x2FFFF;
	_ =	strace $0x9FFFFFFF  }
0xd8: {  	(tm) =	ssettm $0x7FFFFFFF  }
0xd9: {  	_ =	shalt  }
tec
execute0_lowered:
.L_overlay_start_1:
0x0: {  	(tag) =	ssettag $0x1  }
0x1: {  	s6 =	rddreg [dreg:$0x0]  }
0x2: {  	s1 =	rddreg [dreg:$0x1]  }
0x3: {  	s2 =	rddreg [dreg:$0x2];
	s4 =	srdreg.scid  }
0x4: {  	s0 =	rddreg [dreg:$0x3];
	s3 =	simm.s32 $0x0;
	s9 =	simm.s32 $0x4  }
0x5: {  	s10 =	simm.s32 $0x400;
	s11 =	simm.s32 $0x5300;
	s12 =	simm.s32 $0x1  }
.Ltmp0:
0x6: {  	s13 =	simm.s32 $0x2;
	s5 =	sand.u32 $0x1, s4;
	(pc) =	sbr.rel .LBB2_1-.Ltmp0, $4  }
0x7: {  	s14 =	simm.s32 $0xA200;
	s15 =	simm.s32 $0x3;
	s7 =	ssub.s32 $0x2, s5  }
0x8: {  	s16 =	simm.s32 $0x0;
	[smem:$0x7FF] =	sst s3;
	s8 =	sshrl.u32 s7, $0x1  }
0x9: {  	s4 =	stileid.u32;
	s6 =	sadd.s32 $0x11DA400, s6;
	s8 =	ssub.s32 s7, s8  }
0xa: {  	_ =	strace $0x8000004A;
	s7 =	sshll.u32 s4, $0x1;
	s8 =	smax.u32 s8, $0x1  }
.LBB2_11:
0xb: {  	s16 =	sadd.s32 $0x1, s16  }
0xc: {  	p0 =	sne.s32 s16, s8  }
.Ltmp1:
0xd: {  	_ = 	snop;
	(pc) =	sbr.rel @!p0 .LBB2_12-.Ltmp1, $4  }
0xe: {  	_ = 	snop  }
0xf: {  	_ =	swait.ge [sflag:s15], $0x10000  }
0x10: {  	[sflag:s15] =	ssyncset.done $0x0  }
0x11: {  	[sflag:s15] =	ssyncadd.s32 $0xFFFF0000  }
.LBB2_1:
.Ltmp2:
0x12: {  	(pc) =	sbr.rel .LBB2_2-.Ltmp2, $4  }
0x13: {  	[tilespmem:s3], [sflag:$0x4] =	stream.linear.gather [hbm4b:s1+s3], $0x400, $0x38;
	[tilespmem:$0x1A200] =	vst v63  }
0x14: {  	_ =	swait.ge [sflag:s9], $0x400  }
0x15: {  	[sflag:s9] =	ssyncset.done $0x0  }
0x16: {  	s17 =	simm.s32 $0x0;
	[sflag:s9] =	ssyncadd.s32 $0xFFFFFC00  }
.LBB2_10:
0x17: {  	s17 =	sadd.s32 $0x1, s17  }
0x18: {  	p0 =	sne.s32 s17, $0x8  }
.Ltmp3:
0x19: {  	_ = 	snop;
	(pc) =	sbr.rel @!p0 .LBB2_11-.Ltmp3, $1  }
0x1a: {  	_ =	sdelay $0x3  }
.LBB2_2:
0x1b: {  	s18 =	sshll.u32 s17, $0x5  }
0x1c: {  	s18 =	sor.u32 s18, s7  }
0x1d: {  	s18 =	sor.u32 s5, s18  }
0x1e: {  	p0 =	sgt.u32 s18, $0xE6  }
.Ltmp4:
0x1f: {  	_ = 	snop;
	(pc) =	sbr.rel @p0 .LBB2_10-.Ltmp4, $1  }
0x20: {  	_ =	sdelay $0x3  }
0x21: {  	s19 =	smul.u32 $0x13C00, s18  }
0x22: {  	p0 =	seq.s32 s17, $0x0  }
0x23: {  	s20 =	simm.s32 @!p0 $0x3;
	s19 =	sadd.s32 s6, s19  }
0x24: {  	[tilespmem:s10], [sflag:$0x1] =	stream.linear.gather [hbm4b:s19+s3], $0x4F00, $0x38;
	[tilespmem:$0x1A200] =	vst v63  }
0x25: {  	_ =	swait.ge @!p0 [sflag:s20], $0x10000  }
0x26: {  	s21 =	simm.s32 $0x0;
	[sflag:s20] =	ssyncset.done @!p0 $0x0  }
0x27: {  	s19 =	sshll.u32 s18, $0x4;
	[sflag:s20] =	ssyncadd.s32 @!p0 $0xFFFF0000;
	s20 =	simm.s32 $0x0  }
.LBB2_4:
0x28: {  	s22 =	sadd.s32 s19, s21  }
0x29: {  	s23 =	smul.u32 $0x9E00, s22;
	_ =	sdelay $0x1  }
0x2a: {  	s22 =	sshrl.u32 s23, $0x3  }
0x2b: {  	s22 =	sadd.s32 s6, s22  }
0x2c: {  	s22 =	sadd.s32 $0x9E0, s22  }
0x2d: {  	[tilespmem:s11], [sflag:$0x2] =	stream.linear.gather [hbm4b:s22+s20], $0x4F00, $0x38;
	[tilespmem:$0x1A200] =	vst v63  }
0x2e: {  	s31 =	sshll.u32 s21, $0xE;
	s24 =	simm.s32 $0xFFFFFFFC;
	_ =	swait.ge [sflag:s12], $0x4F00  }
0x2f: {  	s25 =	simm.s32 $0x30;
	s22 =	sshra.s32 s31, $0x2;
	[sflag:s12] =	ssyncset.done $0x0  }
0x30: {  	s26 =	simm.s32 $0x0;
	s22 =	sadd.s32 $0xA200, s22;
	[sflag:s12] =	ssyncadd.s32 $0xFFFFB100  }
.LBB2_5:
0x31: {  	s28 =	sshra.s32 s26, $0x2  }
0x32: {  	v0 =	vld [tilespmem:s28+$0x0];
	_ =	sdelay $0x7  }
0x33: {  	v1 =	vld.idx.msk [tilespmem:v0+s10+$0x0], $0xffff  }
0x34: {  	v0 =	vadd.s32 $0x2780, v0  }
0x35: {  	s29 =	sand.u32 $0xE00, s26;
	s30 =	sadd.s32 $0xFFFFFFD0, s25  }
0x36: {  	s30 =	sand.u32 $0x40, s30;
	s29 =	sadd.s32 s29, s22  }
0x37: {  	s30 =	sadd.s32 s30, s29  }
0x38: {  	[tilespmem:s30+$0x0] =	vst v1  }
0x39: {  	v0 =	vld.idx.msk [tilespmem:v0+s10+$0x0], $0xffff;
	_ =	sdelay $0x4  }
0x3a: {  	[tilespmem:s30+$0x80] =	vst v0  }
0x3b: {  	v0 =	vld [tilespmem:s28+$0x10];
	_ =	sdelay $0x7  }
0x3c: {  	v1 =	vld.idx.msk [tilespmem:v0+s10+$0x0], $0xffff  }
0x3d: {  	v0 =	vadd.s32 $0x2780, v0  }
0x3e: {  	s31 =	sadd.s32 $0xFFFFFFE0, s25  }
0x3f: {  	s30 =	sand.u32 $0x50, s31  }
0x40: {  	s30 =	sadd.s32 s30, s29  }
0x41: {  	[tilespmem:s30+$0x0] =	vst v1  }
0x42: {  	v0 =	vld.idx.msk [tilespmem:v0+s10+$0x0], $0xffff;
	_ =	sdelay $0x4  }
0x43: {  	[tilespmem:s30+$0x80] =	vst v0  }
0x44: {  	v0 =	vld [tilespmem:s28+$0x20];
	_ =	sdelay $0x7  }
0x45: {  	v1 =	vld.idx.msk [tilespmem:v0+s10+$0x0], $0xffff  }
0x46: {  	v0 =	vadd.s32 $0x2780, v0  }
0x47: {  	s31 =	sadd.s32 $0xFFFFFFF0, s25  }
0x48: {  	s30 =	sand.u32 $0x60, s31  }
0x49: {  	s30 =	sadd.s32 s30, s29  }
0x4a: {  	[tilespmem:s30+$0x0] =	vst v1  }
0x4b: {  	v0 =	vld.idx.msk [tilespmem:v0+s10+$0x0], $0xffff;
	_ =	sdelay $0x4  }
0x4c: {  	[tilespmem:s30+$0x80] =	vst v0  }
0x4d: {  	v0 =	vld [tilespmem:s28+$0x30];
	_ =	sdelay $0x7  }
0x4e: {  	v1 =	vld.idx.msk [tilespmem:v0+s10+$0x0], $0xffff  }
0x4f: {  	v0 =	vadd.s32 $0x2780, v0;
	_ =	sdelay $0x1  }
0x50: {  	s31 =	sand.u32 $0x70, s25  }
0x51: {  	s28 =	sadd.s32 s31, s29  }
0x52: {  	s24 =	sadd.s32 $0x4, s24;
	[tilespmem:s28+$0x0] =	vst v1  }
0x53: {  	p0 =	slt.u32 s24, $0x3C;
	v0 =	vld.idx.msk [tilespmem:v0+s10+$0x0], $0xffff  }
.Ltmp5:
0x54: {  	_ = 	snop;
	(pc) =	sbr.rel @p0 .LBB2_5-.Ltmp5, $2  }
0x55: {  	_ =	sdelay $0x2  }
0x56: {  	s26 =	sadd.s32 $0x100, s26;
	s25 =	sadd.s32 $0x40, s25;
	[tilespmem:s28+$0x80] =	vst v0  }
0x57: {  	p0 =	seq.s32 s21, $0xF  }
0x58: {  	s23 =	sshrl.u32 @!p0 s23, $0x3  }
0x59: {  	s23 =	sadd.s32 @!p0 s6, s23  }
0x5a: {  	s24 =	simm.s32 @!p0 $0x0;
	s25 =	simm.s32 @!p0 $0x400;
	s23 =	sadd.s32 @!p0 $0x13C0, s23  }
0x5b: {  	[tilespmem:s25], [sflag:$0x1] =	stream.linear.gather @!p0 [hbm4b:s23+s24], $0x4F00, $0x38;
	[tilespmem:$0x1A200] =	vst v63  }
0x5c: {  	_ =	swait.ge [sflag:s13], $0x4F00  }
0x5d: {  	s23 =	simm.s32 $0xFFFFFFFC;
	[sflag:s13] =	ssyncset.done $0x0  }
0x5e: {  	s24 =	simm.s32 $0x30;
	s25 =	simm.s32 $0x0;
	[sflag:s13] =	ssyncadd.s32 $0xFFFFB100  }
.LBB2_7:
0x5f: {  	s26 =	sshra.s32 s25, $0x2  }
0x60: {  	v0 =	vld [tilespmem:s26+$0x0];
	_ =	sdelay $0x7  }
0x61: {  	v1 =	vld.idx.msk [tilespmem:v0+s11+$0x0], $0xffff  }
0x62: {  	v0 =	vadd.s32 $0x2780, v0  }
0x63: {  	s28 =	sand.u32 $0xE00, s25;
	s29 =	sadd.s32 $0xFFFFFFD0, s24  }
0x64: {  	s29 =	sand.u32 $0x40, s29;
	s28 =	sadd.s32 s28, s22  }
0x65: {  	s29 =	sadd.s32 s29, s28  }
0x66: {  	[tilespmem:s29+$0x100] =	vst v1  }
0x67: {  	v0 =	vld.idx.msk [tilespmem:v0+s11+$0x0], $0xffff;
	_ =	sdelay $0x4  }
0x68: {  	[tilespmem:s29+$0x180] =	vst v0  }
0x69: {  	v0 =	vld [tilespmem:s26+$0x10];
	_ =	sdelay $0x7  }
0x6a: {  	v1 =	vld.idx.msk [tilespmem:v0+s11+$0x0], $0xffff  }
0x6b: {  	v0 =	vadd.s32 $0x2780, v0  }
0x6c: {  	s31 =	sadd.s32 $0xFFFFFFE0, s24  }
0x6d: {  	s29 =	sand.u32 $0x50, s31  }
0x6e: {  	s29 =	sadd.s32 s29, s28  }
0x6f: {  	[tilespmem:s29+$0x100] =	vst v1  }
0x70: {  	v0 =	vld.idx.msk [tilespmem:v0+s11+$0x0], $0xffff;
	_ =	sdelay $0x4  }
0x71: {  	[tilespmem:s29+$0x180] =	vst v0  }
0x72: {  	v0 =	vld [tilespmem:s26+$0x20];
	_ =	sdelay $0x7  }
0x73: {  	v1 =	vld.idx.msk [tilespmem:v0+s11+$0x0], $0xffff  }
0x74: {  	v0 =	vadd.s32 $0x2780, v0  }
0x75: {  	s30 =	sadd.s32 $0xFFFFFFF0, s24  }
0x76: {  	s29 =	sand.u32 $0x60, s30  }
0x77: {  	s29 =	sadd.s32 s29, s28  }
0x78: {  	[tilespmem:s29+$0x100] =	vst v1  }
0x79: {  	v0 =	vld.idx.msk [tilespmem:v0+s11+$0x0], $0xffff;
	_ =	sdelay $0x4  }
0x7a: {  	[tilespmem:s29+$0x180] =	vst v0  }
0x7b: {  	v0 =	vld [tilespmem:s26+$0x30];
	_ =	sdelay $0x7  }
0x7c: {  	v1 =	vld.idx.msk [tilespmem:v0+s11+$0x0], $0xffff  }
0x7d: {  	v0 =	vadd.s32 $0x2780, v0;
	_ =	sdelay $0x1  }
0x7e: {  	s31 =	sand.u32 $0x70, s24  }
0x7f: {  	s26 =	sadd.s32 s31, s28  }
0x80: {  	s23 =	sadd.s32 $0x4, s23;
	[tilespmem:s26+$0x100] =	vst v1  }
0x81: {  	p0 =	slt.u32 s23, $0x3C;
	v0 =	vld.idx.msk [tilespmem:v0+s11+$0x0], $0xffff  }
.Ltmp6:
0x82: {  	_ = 	snop;
	(pc) =	sbr.rel @p0 .LBB2_7-.Ltmp6, $2  }
0x83: {  	_ =	sdelay $0x2  }
0x84: {  	s25 =	sadd.s32 $0x100, s25;
	s24 =	sadd.s32 $0x40, s24;
	[tilespmem:s26+$0x180] =	vst v0  }
0x85: {  	s21 =	sadd.s32 $0x1, s21  }
0x86: {  	p0 =	sne.s32 s21, $0x10  }
.Ltmp7:
0x87: {  	_ = 	snop;
	(pc) =	sbr.rel @p0 .LBB2_4-.Ltmp7, $1  }
0x88: {  	_ =	sdelay $0x3  }
.Ltmp8:
0x89: {  	(pc) =	sbr.rel .LBB2_10-.Ltmp8, $4  }
0x8a: {  	_ = 	snop  }
0x8b: {  	s18 =	sshll.u32 s18, $0xD  }
0x8c: {  	s18 =	sadd.s32 s2, s18  }
0x8d: {  	[hbm4b:s18+s3] =	stream.linear.scatter [tilespmem:s14], [sflag:$0x3], $0x10000, $0x38;
	[tilespmem:$0x1A200] =	vst v63  }
.LBB2_12:
0x8e: {  	_ =	sfence.sel $0x180000  }
0x8f: {  	[bflag:$0x0] =	sbarrier.arrive $0xFFFF  }
0x90: {  	p0 =	sne.s32 s4, $0x0;
	_ =	strace $0x9000004A  }
0x91: {  	s0 =	sadd.s32 @!p0 $0x100000, s0;
	[bflag:$0x2] =	sbarrier.arrive $0xFFFF  }
0x92: {  	[sflag:s0] =	ssyncadd.tile.s32 @!p0 $0x1;
	_ =	shalt  }
.Lfunc_end2:
_tile_overlayer_lowered:
.L_overlay_start_2:
0x93: {  	(tag) =	ssettag $0x2  }
0x94: {  	s0 =	rddreg [dreg:$0x0];
	s2 =	stileid.u32  }
0x95: {  	s1 =	rddreg [dreg:$0x1];
	p0 =	sne.s32 s2, $0x0  }
0x96: {  	s3 =	rddreg [dreg:$0x2];
	[bflag:$0x3] =	sbarrier.arrive $0xFFFF;
	s2 =	simm.s32 @!p0 $0x1C04  }
0x97: {  	[timem:s3], [sflag:s2] =	dma.local @!p0 [hbm:s0], s1  }
0x98: {  	s0 =	simm.s32 @!p0 $0x4  }
0x99: {  	_ =	swait.ge @!p0 [sflag:s0], s1  }
0x9a: {  	s1 =	ssub.s32 @!p0 $0x0, s1;
	[sflag:s0] =	ssyncset.done @!p0 $0x0  }
0x9b: {  	[sflag:s0] =	ssyncadd.s32 @!p0 s1  }
0x9c: {  	[bflag:$0x3] =	sbarrier.arrive $0xFFFF  }
0x9d: {  	_ =	shalt  }

// kernel: kernel.16.cloned.1.call-start
scs
__scs_entry_jumppad:
0x0: {  	(pc) =	sbr.rel $0x88, $3  }
0x1: {  	(tag) =	ssettag $0x0;
	lr =	simm.s32 $0x1  }
0x2: {  	[smem:$0x3F99] =	sst lr;
	_ =	strace $0xD0000000  }
0x3: {  	_ = 	snop  }
0x4: {  	_ = 	snop  }
0x5: {  	_ = 	snop  }
0x6: {  	_ = 	snop  }
0x7: {  	_ = 	snop  }
__scs_overlays_trampoline_lowered:
0x8: {  	[smem:$0x3FA8] =	sst s0  }
0x9: {  	[smem:$0x3FA9] =	sst s1  }
0xa: {  	[smem:$0x3FAA] =	sst s2  }
0xb: {  	[smem:$0x3FAB] =	sst s3  }
0xc: {  	[smem:$0x3FAC] =	sst s4  }
0xd: {  	[smem:$0x3FAD] =	sst s5  }
0xe: {  	[smem:$0x3FAE] =	sst s6  }
0xf: {  	[smem:$0x3FAF] =	sst s7  }
0x10: {  	[smem:$0x3FB0] =	sst s8  }
0x11: {  	[smem:$0x3FB1] =	sst s9;
	s0 =	simm.s32 @!p0 $0x0  }
0x12: {  	s1 =	sld [smem:$0x3F97];
	s0 =	simm.s32 @p0 $0x1  }
0x13: {  	[smem:$0x3FB2] =	sst s0;
	s0 =	simm.s32 @!p1 $0x0  }
0x14: {  	s2 =	sld [smem:$0x3F96];
	s0 =	simm.s32 @p1 $0x1  }
0x15: {  	[smem:$0x3FB3] =	sst s0;
	s0 =	simm.s32 @!p2 $0x0  }
0x16: {  	s3 =	sld [smem:$0x3FDB];
	s0 =	simm.s32 @p2 $0x1  }
0x17: {  	s4 =	simm.s32 $0x1BF5;
	[smem:$0x3FB5] =	sst s0  }
0x18: {  	s0 =	sld [smem:$0x3F98];
	_ =	swait.ge [sflag:s4], $0x0  }
0x19: {  	s7 =	sld [smem:$0x3F99]  }
0x1a: {  	s8 =	sadd.s32 $0xFFFFE003, lr  }
0x1b: {  	s9 =	sadd.s32 $0xFFFFFEF7, lr;
	s5 =	simm.s32 $0xFFFFFFFF;
	p2 =	slt.u32 s8, $0xFFFFF086  }
0x1c: {  	p1 =	slt.u32 s9, $0xF7A;
	s5 =	simm.s32 @!p2 $0x0  }
0x1d: {  	s5 =	simm.s32 @p1 $0x1;
	p0 =	seq.s32 s7, s2  }
0x1e: {  	s7 =	smul.u32 @!p0 $0xF7A, s2;
	p2 =	seq.s32 @!p0 s5, $0x0  }
0x1f: {  	s9 =	smul.u32 $0xF7A, s1;
	s8 =	simm.s32 @!p0 $0x1BF5;
	p2 =	por !p2, p0  }
0x20: {  	[sflag:s8] =	ssyncset.s32 @!p0 $0xFFFFF086;
	s6 =	sadd.s32 @!p0 s3, s7;
	s7 =	simm.s32 @!p0 $0x108  }
0x21: {  	s3 =	sadd.s32 s3, s9;
	s6 =	sadd.s32 @!p0 $0x88, s6;
	s7 =	simm.s32 @p2 $0x1082  }
0x22: {  	[simem:s7], [sflag:s8] =	dma.local @!p0 [hbm:s6], $0xF7A  }
0x23: {  	s9 =	sor.u32 $0xD0000000, s2;
	s6 =	simm.s32 $0x108;
	_ =	swait.ge @!p0 [sflag:s8], $0x0  }
0x24: {  	s3 =	sadd.s32 $0x88, s3;
	s6 =	simm.s32 @!p1 $0x1082;
	[sflag:s4] =	ssyncset.s32 $0xFFFFF086  }
0x25: {  	[simem:s6], [sflag:s4] =	dma.local [hbm:s3], $0xF7A  }
0x26: {  	[smem:$0x3F99] =	sst s1;
	(tag) =	ssettag s2;
	_ =	strace s9  }
0x27: {  	s1 =	sld [smem:$0x3FA9]  }
0x28: {  	s2 =	sld [smem:$0x3FAA]  }
0x29: {  	s4 =	sld [smem:$0x3FAC]  }
0x2a: {  	p0 =	seq.s32 s5, $0x0;
	s5 =	sld [smem:$0x3FAD]  }
0x2b: {  	s6 =	sld [smem:$0x3FAE]  }
0x2c: {  	s7 =	sld [smem:$0x3FAF]  }
0x2d: {  	s3 =	simm.s32 $0x108;
	s8 =	sld [smem:$0x3FB0]  }
0x2e: {  	s3 =	simm.s32 @!p0 $0x1082;
	s9 =	sld [smem:$0x3FB1]  }
0x2f: {  	lr =	sadd.s32 s0, s3;
	s0 =	sld [smem:$0x3FA8]  }
0x30: {  	s3 =	sld [smem:$0x3FAB]  }
0x31: {  	[smem:$0x3FB4] =	sst s10  }
0x32: {  	s10 =	sld [smem:$0x3FB2];
	_ =	sdelay $0x3  }
0x33: {  	p0 =	seq.s32 s10, $0x1;
	s10 =	sld [smem:$0x3FB4];
	_ =	sdelay $0x3  }
0x34: {  	[smem:$0x3FB4] =	sst s10  }
0x35: {  	s10 =	sld [smem:$0x3FB3];
	_ =	sdelay $0x3  }
0x36: {  	p1 =	seq.s32 s10, $0x1;
	s10 =	sld [smem:$0x3FB4];
	_ =	sdelay $0x3  }
0x37: {  	[smem:$0x3FB4] =	sst s10  }
0x38: {  	s10 =	sld [smem:$0x3FB5]  }
0x39: {  	_ = 	snop;
	(pc) =	sbr.ind lr, $3  }
0x3a: {  	_ = 	snop  }
0x3b: {  	_ = 	snop  }
0x3c: {  	p2 =	seq.s32 s10, $0x1;
	s10 =	sld [smem:$0x3FB4]  }
0x3d: {  	_ =	shalt  }
0x3e: {  	_ =	shalt  }
0x3f: {  	_ =	shalt  }
0x40: {  	_ =	shalt  }
0x41: {  	_ =	shalt  }
0x42: {  	_ =	shalt  }
0x43: {  	_ =	shalt  }
0x44: {  	_ =	shalt  }
0x45: {  	_ =	shalt  }
0x46: {  	_ =	shalt  }
0x47: {  	_ =	shalt  }
0x48: {  	_ =	shalt  }
0x49: {  	_ =	shalt  }
0x4a: {  	_ =	shalt  }
0x4b: {  	_ =	shalt  }
0x4c: {  	_ =	shalt  }
0x4d: {  	_ =	shalt  }
0x4e: {  	_ =	shalt  }
0x4f: {  	_ =	shalt  }
0x50: {  	_ =	shalt  }
0x51: {  	_ =	shalt  }
0x52: {  	_ =	shalt  }
0x53: {  	_ =	shalt  }
0x54: {  	_ =	shalt  }
0x55: {  	_ =	shalt  }
0x56: {  	_ =	shalt  }
0x57: {  	_ =	shalt  }
0x58: {  	_ =	shalt  }
0x59: {  	_ =	shalt  }
0x5a: {  	_ =	shalt  }
0x5b: {  	_ =	shalt  }
0x5c: {  	_ =	shalt  }
0x5d: {  	_ =	shalt  }
0x5e: {  	_ =	shalt  }
0x5f: {  	_ =	shalt  }
0x60: {  	_ =	shalt  }
0x61: {  	_ =	shalt  }
0x62: {  	_ =	shalt  }
0x63: {  	_ =	shalt  }
0x64: {  	_ =	shalt  }
0x65: {  	_ =	shalt  }
0x66: {  	_ =	shalt  }
0x67: {  	_ =	shalt  }
0x68: {  	_ =	shalt  }
0x69: {  	_ =	shalt  }
0x6a: {  	_ =	shalt  }
0x6b: {  	_ =	shalt  }
0x6c: {  	_ =	shalt  }
0x6d: {  	_ =	shalt  }
0x6e: {  	_ =	shalt  }
0x6f: {  	_ =	shalt  }
0x70: {  	_ =	shalt  }
0x71: {  	_ =	shalt  }
0x72: {  	_ =	shalt  }
0x73: {  	_ =	shalt  }
0x74: {  	_ =	shalt  }
0x75: {  	_ =	shalt  }
0x76: {  	_ =	shalt  }
0x77: {  	_ =	shalt  }
0x78: {  	_ =	shalt  }
0x79: {  	_ =	shalt  }
0x7a: {  	_ =	shalt  }
0x7b: {  	_ =	shalt  }
0x7c: {  	_ =	shalt  }
0x7d: {  	_ =	shalt  }
0x7e: {  	_ =	shalt  }
0x7f: {  	_ =	shalt  }
0x80: {  	_ =	shalt  }
0x81: {  	_ =	shalt  }
0x82: {  	_ =	shalt  }
0x83: {  	_ =	shalt  }
0x84: {  	_ =	shalt  }
0x85: {  	_ =	shalt  }
0x86: {  	_ =	shalt  }
0x87: {  	_ =	shalt  }
.Lfunc_end0:
.L_simem_size_0:
called_computation.2_lowered:
.L_overlay_start_0:
0x88: {  	s2 =	sld [smem:$0x3FD9]  }
0x89: {  	s3 =	sld [smem:$0x3FFE];
	_ =	sdelay $0x1  }
0x8a: {  	s1 =	srdreg.scid  }
0x8b: {  	s0 =	sand.u32 $0x1, s1  }
0x8c: {  	s17 =	sshll.u32 s0, $0xA;
	s2 =	sadd.s32 s3, s2  }
0x8d: {  	s2 =	sadd.s32 s2, s17  }
0x8e: {  	[smem:$0x3FC0] =	sst s2  }
0x8f: {  	_ = 	snop  }
0x90: {  	s18 =	sld [smem:$0x3FC3];
	(tm) =	ssettm $0x1  }
0x91: {  	s19 =	sld [smem:$0x3FFB];
	_ =	sdelay $0x3  }
0x92: {  	_ =	strace s19  }
0x93: {  	s2 =	sld [smem:$0x3FFC];
	_ =	sdelay $0x3  }
0x94: {  	_ =	strace s2  }
0x95: {  	s2 =	sld [smem:$0x3FFD];
	_ =	sdelay $0x3  }
0x96: {  	_ =	strace s2  }
0x97: {  	_ =	strace $0x8FFFFFFF  }
0x98: {  	s20 =	sld [smem:$0x3FDB];
	_ =	sdelay $0x1  }
0x99: {  	s4 =	simm.s32 $_scs_section_size  }
0x9a: {  	s5 =	simm.s32 $_size__tile_overlayer_lowered;
	s6 =	simm.s32 $_tile_overlayer_lowered  }
0x9b: {  	s7 =	simm.s32 $0x1BFF;
	s21 =	sshll.u32 s6, $0x1;
	s4 =	sadd.s32 s4, s20  }
0x9c: {  	s22 =	simm.s32 $0x0;
	s5 =	sshll.u32 s5, $0x1;
	s6 =	sadd.s32 s21, s4  }
0x9d: {  	[timem:s22], [sflag:s7] =	dma.local [hbm:s6], s5  }
0x9e: {  	_ =	swait.ge [sflag:s7], s5  }
0x9f: {  	s5 =	ssub.s32 $0x0, s5;
	[sflag:s7] =	ssyncset.done $0x0  }
0xa0: {  	[sflag:s7] =	ssyncadd.s32 s5;
	_ =	sdelay $0x1  }
0xa1: {  	s23 =	simm.s32 $0x1B8B  }
0xa2: {  	_ =	swait.ge [sflag:s23], $0x1  }
0xa3: {  	[sflag:s23] =	ssyncset.done $0x0  }
0xa4: {  	[sflag:s23] =	ssyncadd.s32 $0xFFFFFFFF  }
0xa5: {  	s5 =	sld [smem:$0x0]  }
0xa6: {  	s6 =	sand.u32 $0xFFFFFFFE, s1  }
0xa7: {  	p0 =	sne.s32 s1, s6  }
0xa8: {  	s6 =	sshll.u32 @p0 s6, $0xE  }
0xa9: {  	s6 =	sadd.s32 @p0 $0x11B8D, s6;
	s7 =	sshll.u32 @p0 s5, $0x11  }
0xaa: {  	s6 =	sor.u32 @p0 s7, s6  }
0xab: {  	[sflag:s6] =	ssyncadd.remote.s32 @p0 $0x1;
	_ =	sdelay $0x1  }
0xac: {  	s6 =	simm.s32 @p0 $0x1B8D  }
0xad: {  	_ =	swait.eq @p0 [sflag:s6], $0x1  }
0xae: {  	[sflag:s6] =	ssyncadd.s32 @p0 $0xFFFFFFFF  }
0xaf: {  	s7 =	sshll.u32 @!p0 s1, $0xE  }
0xb0: {  	s7 =	sor.u32 @!p0 $0x4000, s7;
	s6 =	simm.s32 @!p0 $0x1B8D  }
0xb1: {  	s5 =	sshll.u32 @!p0 s5, $0x11;
	s7 =	sadd.s32 @!p0 $0x11B8D, s7;
	_ =	swait.eq @!p0 [sflag:s6], $0x1  }
0xb2: {  	s5 =	sor.u32 @!p0 s5, s7;
	[sflag:s6] =	ssyncadd.s32 @!p0 $0xFFFFFFFF  }
0xb3: {  	s25 =	simm.s32 $0x1B8E;
	s24 =	sld [smem:$0x3FFE];
	[sflag:s5] =	ssyncadd.remote.s32 @!p0 $0x1  }
0xb4: {  	s26 =	simm.s32 $execute0_lowered;
	[smem:$0x3FD2] =	sst s25  }
0xb5: {  	s6 =	sshll.u32 s26, $0x1;
	_ =	strace $0x8000004F;
	[dreg:$0x1] =	wrdreg $0xFFFFFFFF  }
0xb6: {  	s28 =	simm.s32 $_size_execute0_lowered;
	s4 =	sadd.s32 s4, s6;
	[dreg:$0x0] =	wrdreg $0x0  }
0xb7: {  	s6 =	sshll.u32 s28, $0x1;
	[dreg:$0x2] =	wrdreg s4  }
0xb8: {  	[dreg:$0x3] =	wrdreg s6  }
0xb9: {  	[dreg:$0x4] =	wrdreg $0xC0  }
0xba: {  	_ =	task [dreg:s22], $0x5FFFF  }
0xbb: {  	[dreg:$0x1] =	wrdreg $0xFFFFFFFF  }
0xbc: {  	[dreg:$0x0] =	wrdreg $0x60  }
0xbd: {  	[dreg:$0x2] =	wrdreg s24  }
0xbe: {  	[dreg:$0x3] =	wrdreg s18  }
0xbf: {  	[dreg:$0x4] =	wrdreg $0xB  }
0xc0: {  	_ =	task.clear_ibuf [dreg:s22], $0x5FFFF;
	_ =	strace $0x9000004F  }
0xc1: {  	s29 =	simm.s32 $0xB;
	_ =	strace $0x80000051  }
0xc2: {  	_ =	swait.ge [sflag:s29], $0x1  }
0xc3: {  	[sflag:s29] =	ssyncadd.s32 $0xFFFFFFFF  }
0xc4: {  	_ =	strace $0x90000051  }
0xc5: {  	_ =	sfence  }
0xc6: {  	s30 =	sld [smem:$0x0];
	_ =	sdelay $0x2  }
0xc7: {  	s31 =	sshll.u32 s1, $0xD;
	s1 =	sshrl.u32 s1, $0x2  }
0xc8: {  	s4 =	sand.u32 $0x4000, s31;
	s1 =	sadd.s32 s1, s30  }
0xc9: {  	s0 =	sor.u32 s4, s0;
	s1 =	sshll.u32 s1, $0x11  }
0xca: {  	s0 =	sor.u32 s1, s0  }
0xcb: {  	s0 =	sadd.s32 $0x8F2B, s0  }
0xcc: {  	[sflag:s0] =	ssyncadd.remote.s32 $0x1  }
0xcd: {  	_ =	sfence.sel $0xFFFF  }
0xce: {  	[dreg:$0x0] =	wrdreg $0xFFFFFFFF;
	(pc) =	sbr.abs _section_cstart, $3  }
0xcf: {  	[dreg:$0x1] =	wrdreg $0xFFFFFFFF  }
0xd0: {  	_ =	task.clear_ibuf [dreg:s22], $0x2FFFF;
	_ =	strace $0x9FFFFFFF  }
0xd1: {  	(tm) =	ssettm $0x7FFFFFFF  }
tec
execute0_lowered:
.L_overlay_start_1:
0x0: {  	(tag) =	ssettag $0x1  }
0x1: {  	s6 =	rddreg [dreg:$0x0]  }
0x2: {  	s1 =	rddreg [dreg:$0x1]  }
0x3: {  	s0 =	rddreg [dreg:$0x2];
	s2 =	simm.s32 $0x0  }
0x4: {  	s3 =	srdreg.scid;
	s9 =	simm.s32 $0x4;
	s10 =	simm.s32 $0x400  }
0x5: {  	s11 =	simm.s32 $0x5300;
	s12 =	simm.s32 $0x1;
	s13 =	simm.s32 $0x2  }
.Ltmp0:
0x6: {  	s14 =	simm.s32 $0xA200;
	s4 =	sand.u32 $0x1, s3;
	(pc) =	sbr.rel .LBB2_1-.Ltmp0, $4  }
0x7: {  	s15 =	simm.s32 $0x3;
	s16 =	simm.s32 $0x0;
	s7 =	ssub.s32 $0x2, s4  }
0x8: {  	[smem:$0x7FF] =	sst s2;
	s5 =	sadd.s32 $0x374CC00, s6;
	s8 =	sshrl.u32 s7, $0x1  }
0x9: {  	s3 =	stileid.u32;
	s6 =	sadd.s32 $0x4780400, s6;
	s8 =	ssub.s32 s7, s8  }
0xa: {  	_ =	strace $0x80000050;
	s7 =	sshll.u32 s3, $0x1;
	s8 =	smax.u32 s8, $0x1  }
.LBB2_11:
0xb: {  	s16 =	sadd.s32 $0x1, s16  }
0xc: {  	p0 =	sne.s32 s16, s8  }
.Ltmp1:
0xd: {  	_ = 	snop;
	(pc) =	sbr.rel @!p0 .LBB2_12-.Ltmp1, $4  }
0xe: {  	_ = 	snop  }
0xf: {  	_ =	swait.ge [sflag:s15], $0x10000  }
0x10: {  	[sflag:s15] =	ssyncset.done $0x0  }
0x11: {  	[sflag:s15] =	ssyncadd.s32 $0xFFFF0000  }
.LBB2_1:
.Ltmp2:
0x12: {  	(pc) =	sbr.rel .LBB2_2-.Ltmp2, $4  }
0x13: {  	[tilespmem:s2], [sflag:$0x4] =	stream.linear.gather [hbm4b:s1+s2], $0x400, $0x38;
	[tilespmem:$0x1A200] =	vst v63  }
0x14: {  	_ =	swait.ge [sflag:s9], $0x400  }
0x15: {  	[sflag:s9] =	ssyncset.done $0x0  }
0x16: {  	s17 =	simm.s32 $0x0;
	[sflag:s9] =	ssyncadd.s32 $0xFFFFFC00  }
.LBB2_10:
0x17: {  	s17 =	sadd.s32 $0x1, s17  }
0x18: {  	p0 =	sne.s32 s17, $0x7  }
.Ltmp3:
0x19: {  	_ = 	snop;
	(pc) =	sbr.rel @!p0 .LBB2_11-.Ltmp3, $1  }
0x1a: {  	_ =	sdelay $0x3  }
.LBB2_2:
0x1b: {  	s18 =	sshll.u32 s17, $0x5  }
0x1c: {  	s18 =	sor.u32 s7, s18  }
0x1d: {  	p0 =	sgt.u32 s18, $0xD1  }
.Ltmp4:
0x1e: {  	_ = 	snop;
	(pc) =	sbr.rel @p0 .LBB2_10-.Ltmp4, $1  }
0x1f: {  	_ =	sdelay $0x3  }
0x20: {  	s18 =	sor.u32 s4, s18  }
0x21: {  	s19 =	smul.u32 $0x13C00, s18  }
0x22: {  	p0 =	seq.s32 s17, $0x0  }
0x23: {  	s20 =	simm.s32 @!p0 $0x3;
	s19 =	sadd.s32 s5, s19  }
0x24: {  	[tilespmem:s10], [sflag:$0x1] =	stream.linear.gather [hbm4b:s19+s2], $0x4F00, $0x38;
	[tilespmem:$0x1A200] =	vst v63  }
0x25: {  	_ =	swait.ge @!p0 [sflag:s20], $0x10000  }
0x26: {  	s21 =	simm.s32 $0x0;
	[sflag:s20] =	ssyncset.done @!p0 $0x0  }
0x27: {  	s19 =	sshll.u32 s18, $0x4;
	[sflag:s20] =	ssyncadd.s32 @!p0 $0xFFFF0000;
	s20 =	simm.s32 $0x0  }
.LBB2_4:
0x28: {  	s22 =	sadd.s32 s19, s21  }
0x29: {  	s23 =	smul.u32 $0x9E00, s22;
	_ =	sdelay $0x1  }
0x2a: {  	s22 =	sshrl.u32 s23, $0x3  }
0x2b: {  	s22 =	sadd.s32 s5, s22  }
0x2c: {  	s22 =	sadd.s32 $0x9E0, s22  }
0x2d: {  	[tilespmem:s11], [sflag:$0x2] =	stream.linear.gather [hbm4b:s22+s20], $0x4F00, $0x38;
	[tilespmem:$0x1A200] =	vst v63  }
0x2e: {  	s31 =	sshll.u32 s21, $0xE;
	s24 =	simm.s32 $0xFFFFFFFC;
	_ =	swait.ge [sflag:s12], $0x4F00  }
0x2f: {  	s25 =	simm.s32 $0x30;
	s22 =	sshra.s32 s31, $0x2;
	[sflag:s12] =	ssyncset.done $0x0  }
0x30: {  	s26 =	simm.s32 $0x0;
	s22 =	sadd.s32 $0xA200, s22;
	[sflag:s12] =	ssyncadd.s32 $0xFFFFB100  }
.LBB2_5:
0x31: {  	s28 =	sshra.s32 s26, $0x2  }
0x32: {  	v0 =	vld [tilespmem:s28+$0x0];
	_ =	sdelay $0x7  }
0x33: {  	v1 =	vld.idx.msk [tilespmem:v0+s10+$0x0], $0xffff  }
0x34: {  	v0 =	vadd.s32 $0x2780, v0  }
0x35: {  	s29 =	sand.u32 $0xE00, s26;
	s30 =	sadd.s32 $0xFFFFFFD0, s25  }
0x36: {  	s30 =	sand.u32 $0x40, s30;
	s29 =	sadd.s32 s29, s22  }
0x37: {  	s30 =	sadd.s32 s30, s29  }
0x38: {  	[tilespmem:s30+$0x0] =	vst v1  }
0x39: {  	v0 =	vld.idx.msk [tilespmem:v0+s10+$0x0], $0xffff;
	_ =	sdelay $0x4  }
0x3a: {  	[tilespmem:s30+$0x80] =	vst v0  }
0x3b: {  	v0 =	vld [tilespmem:s28+$0x10];
	_ =	sdelay $0x7  }
0x3c: {  	v1 =	vld.idx.msk [tilespmem:v0+s10+$0x0], $0xffff  }
0x3d: {  	v0 =	vadd.s32 $0x2780, v0  }
0x3e: {  	s31 =	sadd.s32 $0xFFFFFFE0, s25  }
0x3f: {  	s30 =	sand.u32 $0x50, s31  }
0x40: {  	s30 =	sadd.s32 s30, s29  }
0x41: {  	[tilespmem:s30+$0x0] =	vst v1  }
0x42: {  	v0 =	vld.idx.msk [tilespmem:v0+s10+$0x0], $0xffff;
	_ =	sdelay $0x4  }
0x43: {  	[tilespmem:s30+$0x80] =	vst v0  }
0x44: {  	v0 =	vld [tilespmem:s28+$0x20];
	_ =	sdelay $0x7  }
0x45: {  	v1 =	vld.idx.msk [tilespmem:v0+s10+$0x0], $0xffff  }
0x46: {  	v0 =	vadd.s32 $0x2780, v0  }
0x47: {  	s31 =	sadd.s32 $0xFFFFFFF0, s25  }
0x48: {  	s30 =	sand.u32 $0x60, s31  }
0x49: {  	s30 =	sadd.s32 s30, s29  }
0x4a: {  	[tilespmem:s30+$0x0] =	vst v1  }
0x4b: {  	v0 =	vld.idx.msk [tilespmem:v0+s10+$0x0], $0xffff;
	_ =	sdelay $0x4  }
0x4c: {  	[tilespmem:s30+$0x80] =	vst v0  }
0x4d: {  	v0 =	vld [tilespmem:s28+$0x30];
	_ =	sdelay $0x7  }
0x4e: {  	v1 =	vld.idx.msk [tilespmem:v0+s10+$0x0], $0xffff  }
0x4f: {  	v0 =	vadd.s32 $0x2780, v0;
	_ =	sdelay $0x1  }
0x50: {  	s31 =	sand.u32 $0x70, s25  }
0x51: {  	s28 =	sadd.s32 s31, s29  }
0x52: {  	s24 =	sadd.s32 $0x4, s24;
	[tilespmem:s28+$0x0] =	vst v1  }
0x53: {  	p0 =	slt.u32 s24, $0x3C;
	v0 =	vld.idx.msk [tilespmem:v0+s10+$0x0], $0xffff  }
.Ltmp5:
0x54: {  	_ = 	snop;
	(pc) =	sbr.rel @p0 .LBB2_5-.Ltmp5, $2  }
0x55: {  	_ =	sdelay $0x2  }
0x56: {  	s26 =	sadd.s32 $0x100, s26;
	s25 =	sadd.s32 $0x40, s25;
	[tilespmem:s28+$0x80] =	vst v0  }
0x57: {  	p0 =	seq.s32 s21, $0xF  }
0x58: {  	s23 =	sshrl.u32 @!p0 s23, $0x3  }
0x59: {  	s23 =	sadd.s32 @!p0 s5, s23  }
0x5a: {  	s24 =	simm.s32 @!p0 $0x0;
	s25 =	simm.s32 @!p0 $0x400;
	s23 =	sadd.s32 @!p0 $0x13C0, s23  }
0x5b: {  	[tilespmem:s25], [sflag:$0x1] =	stream.linear.gather @!p0 [hbm4b:s23+s24], $0x4F00, $0x38;
	[tilespmem:$0x1A200] =	vst v63  }
0x5c: {  	_ =	swait.ge [sflag:s13], $0x4F00  }
0x5d: {  	s23 =	simm.s32 $0xFFFFFFFC;
	[sflag:s13] =	ssyncset.done $0x0  }
0x5e: {  	s24 =	simm.s32 $0x30;
	s25 =	simm.s32 $0x0;
	[sflag:s13] =	ssyncadd.s32 $0xFFFFB100  }
.LBB2_7:
0x5f: {  	s26 =	sshra.s32 s25, $0x2  }
0x60: {  	v0 =	vld [tilespmem:s26+$0x0];
	_ =	sdelay $0x7  }
0x61: {  	v1 =	vld.idx.msk [tilespmem:v0+s11+$0x0], $0xffff  }
0x62: {  	v0 =	vadd.s32 $0x2780, v0  }
0x63: {  	s28 =	sand.u32 $0xE00, s25;
	s29 =	sadd.s32 $0xFFFFFFD0, s24  }
0x64: {  	s29 =	sand.u32 $0x40, s29;
	s28 =	sadd.s32 s28, s22  }
0x65: {  	s29 =	sadd.s32 s29, s28  }
0x66: {  	[tilespmem:s29+$0x100] =	vst v1  }
0x67: {  	v0 =	vld.idx.msk [tilespmem:v0+s11+$0x0], $0xffff;
	_ =	sdelay $0x4  }
0x68: {  	[tilespmem:s29+$0x180] =	vst v0  }
0x69: {  	v0 =	vld [tilespmem:s26+$0x10];
	_ =	sdelay $0x7  }
0x6a: {  	v1 =	vld.idx.msk [tilespmem:v0+s11+$0x0], $0xffff  }
0x6b: {  	v0 =	vadd.s32 $0x2780, v0  }
0x6c: {  	s31 =	sadd.s32 $0xFFFFFFE0, s24  }
0x6d: {  	s29 =	sand.u32 $0x50, s31  }
0x6e: {  	s29 =	sadd.s32 s29, s28  }
0x6f: {  	[tilespmem:s29+$0x100] =	vst v1  }
0x70: {  	v0 =	vld.idx.msk [tilespmem:v0+s11+$0x0], $0xffff;
	_ =	sdelay $0x4  }
0x71: {  	[tilespmem:s29+$0x180] =	vst v0  }
0x72: {  	v0 =	vld [tilespmem:s26+$0x20];
	_ =	sdelay $0x7  }
0x73: {  	v1 =	vld.idx.msk [tilespmem:v0+s11+$0x0], $0xffff  }
0x74: {  	v0 =	vadd.s32 $0x2780, v0  }
0x75: {  	s30 =	sadd.s32 $0xFFFFFFF0, s24  }
0x76: {  	s29 =	sand.u32 $0x60, s30  }
0x77: {  	s29 =	sadd.s32 s29, s28  }
0x78: {  	[tilespmem:s29+$0x100] =	vst v1  }
0x79: {  	v0 =	vld.idx.msk [tilespmem:v0+s11+$0x0], $0xffff;
	_ =	sdelay $0x4  }
0x7a: {  	[tilespmem:s29+$0x180] =	vst v0  }
0x7b: {  	v0 =	vld [tilespmem:s26+$0x30];
	_ =	sdelay $0x7  }
0x7c: {  	v1 =	vld.idx.msk [tilespmem:v0+s11+$0x0], $0xffff  }
0x7d: {  	v0 =	vadd.s32 $0x2780, v0;
	_ =	sdelay $0x1  }
0x7e: {  	s31 =	sand.u32 $0x70, s24  }
0x7f: {  	s26 =	sadd.s32 s31, s28  }
0x80: {  	s23 =	sadd.s32 $0x4, s23;
	[tilespmem:s26+$0x100] =	vst v1  }
0x81: {  	p0 =	slt.u32 s23, $0x3C;
	v0 =	vld.idx.msk [tilespmem:v0+s11+$0x0], $0xffff  }
.Ltmp6:
0x82: {  	_ = 	snop;
	(pc) =	sbr.rel @p0 .LBB2_7-.Ltmp6, $2  }
0x83: {  	_ =	sdelay $0x2  }
0x84: {  	s25 =	sadd.s32 $0x100, s25;
	s24 =	sadd.s32 $0x40, s24;
	[tilespmem:s26+$0x180] =	vst v0  }
0x85: {  	s21 =	sadd.s32 $0x1, s21  }
0x86: {  	p0 =	sne.s32 s21, $0x10  }
.Ltmp7:
0x87: {  	_ = 	snop;
	(pc) =	sbr.rel @p0 .LBB2_4-.Ltmp7, $1  }
0x88: {  	_ =	sdelay $0x3  }
.Ltmp8:
0x89: {  	(pc) =	sbr.rel .LBB2_10-.Ltmp8, $4  }
0x8a: {  	_ = 	snop  }
0x8b: {  	s18 =	sshll.u32 s18, $0xD  }
0x8c: {  	s18 =	sadd.s32 s6, s18  }
0x8d: {  	[hbm4b:s18+s2] =	stream.linear.scatter [tilespmem:s14], [sflag:$0x3], $0x10000, $0x38;
	[tilespmem:$0x1A200] =	vst v63  }
.LBB2_12:
0x8e: {  	_ =	sfence.sel $0x180000  }
0x8f: {  	[bflag:$0x0] =	sbarrier.arrive $0xFFFF  }
0x90: {  	p0 =	sne.s32 s3, $0x0;
	_ =	strace $0x90000050  }
0x91: {  	s0 =	sadd.s32 @!p0 $0x100000, s0;
	[bflag:$0x2] =	sbarrier.arrive $0xFFFF  }
0x92: {  	[sflag:s0] =	ssyncadd.tile.s32 @!p0 $0x1;
	_ =	shalt  }
.Lfunc_end2:
_tile_overlayer_lowered:
.L_overlay_start_2:
0x93: {  	(tag) =	ssettag $0x2  }
0x94: {  	s0 =	rddreg [dreg:$0x0];
	s2 =	stileid.u32  }
0x95: {  	s1 =	rddreg [dreg:$0x1];
	p0 =	sne.s32 s2, $0x0  }
0x96: {  	s3 =	rddreg [dreg:$0x2];
	[bflag:$0x3] =	sbarrier.arrive $0xFFFF;
	s2 =	simm.s32 @!p0 $0x1C04  }
0x97: {  	[timem:s3], [sflag:s2] =	dma.local @!p0 [hbm:s0], s1  }
0x98: {  	s0 =	simm.s32 @!p0 $0x4  }
0x99: {  	_ =	swait.ge @!p0 [sflag:s0], s1  }
0x9a: {  	s1 =	ssub.s32 @!p0 $0x0, s1;
	[sflag:s0] =	ssyncset.done @!p0 $0x0  }
0x9b: {  	[sflag:s0] =	ssyncadd.s32 @!p0 s1  }
0x9c: {  	[bflag:$0x3] =	sbarrier.arrive $0xFFFF  }
0x9d: {  	_ =	shalt  }

// kernel: kernel.19.cloned.1.call-start
scs
__scs_entry_jumppad:
0x0: {  	(pc) =	sbr.rel $0x88, $3  }
0x1: {  	(tag) =	ssettag $0x0;
	lr =	simm.s32 $0x1  }
0x2: {  	[smem:$0x3F99] =	sst lr;
	_ =	strace $0xD0000000  }
0x3: {  	_ = 	snop  }
0x4: {  	_ = 	snop  }
0x5: {  	_ = 	snop  }
0x6: {  	_ = 	snop  }
0x7: {  	_ = 	snop  }
__scs_overlays_trampoline_lowered:
0x8: {  	[smem:$0x3FA8] =	sst s0  }
0x9: {  	[smem:$0x3FA9] =	sst s1  }
0xa: {  	[smem:$0x3FAA] =	sst s2  }
0xb: {  	[smem:$0x3FAB] =	sst s3  }
0xc: {  	[smem:$0x3FAC] =	sst s4  }
0xd: {  	[smem:$0x3FAD] =	sst s5  }
0xe: {  	[smem:$0x3FAE] =	sst s6  }
0xf: {  	[smem:$0x3FAF] =	sst s7  }
0x10: {  	[smem:$0x3FB0] =	sst s8  }
0x11: {  	[smem:$0x3FB1] =	sst s9;
	s0 =	simm.s32 @!p0 $0x0  }
0x12: {  	s1 =	sld [smem:$0x3F97];
	s0 =	simm.s32 @p0 $0x1  }
0x13: {  	[smem:$0x3FB2] =	sst s0;
	s0 =	simm.s32 @!p1 $0x0  }
0x14: {  	s2 =	sld [smem:$0x3F96];
	s0 =	simm.s32 @p1 $0x1  }
0x15: {  	[smem:$0x3FB3] =	sst s0;
	s0 =	simm.s32 @!p2 $0x0  }
0x16: {  	s3 =	sld [smem:$0x3FDB];
	s0 =	simm.s32 @p2 $0x1  }
0x17: {  	s4 =	simm.s32 $0x1BF5;
	[smem:$0x3FB5] =	sst s0  }
0x18: {  	s0 =	sld [smem:$0x3F98];
	_ =	swait.ge [sflag:s4], $0x0  }
0x19: {  	s7 =	sld [smem:$0x3F99]  }
0x1a: {  	s8 =	sadd.s32 $0xFFFFE003, lr  }
0x1b: {  	s9 =	sadd.s32 $0xFFFFFEF7, lr;
	s5 =	simm.s32 $0xFFFFFFFF;
	p2 =	slt.u32 s8, $0xFFFFF086  }
0x1c: {  	p1 =	slt.u32 s9, $0xF7A;
	s5 =	simm.s32 @!p2 $0x0  }
0x1d: {  	s5 =	simm.s32 @p1 $0x1;
	p0 =	seq.s32 s7, s2  }
0x1e: {  	s7 =	smul.u32 @!p0 $0xF7A, s2;
	p2 =	seq.s32 @!p0 s5, $0x0  }
0x1f: {  	s9 =	smul.u32 $0xF7A, s1;
	s8 =	simm.s32 @!p0 $0x1BF5;
	p2 =	por !p2, p0  }
0x20: {  	[sflag:s8] =	ssyncset.s32 @!p0 $0xFFFFF086;
	s6 =	sadd.s32 @!p0 s3, s7;
	s7 =	simm.s32 @!p0 $0x108  }
0x21: {  	s3 =	sadd.s32 s3, s9;
	s6 =	sadd.s32 @!p0 $0x88, s6;
	s7 =	simm.s32 @p2 $0x1082  }
0x22: {  	[simem:s7], [sflag:s8] =	dma.local @!p0 [hbm:s6], $0xF7A  }
0x23: {  	s9 =	sor.u32 $0xD0000000, s2;
	s6 =	simm.s32 $0x108;
	_ =	swait.ge @!p0 [sflag:s8], $0x0  }
0x24: {  	s3 =	sadd.s32 $0x88, s3;
	s6 =	simm.s32 @!p1 $0x1082;
	[sflag:s4] =	ssyncset.s32 $0xFFFFF086  }
0x25: {  	[simem:s6], [sflag:s4] =	dma.local [hbm:s3], $0xF7A  }
0x26: {  	[smem:$0x3F99] =	sst s1;
	(tag) =	ssettag s2;
	_ =	strace s9  }
0x27: {  	s1 =	sld [smem:$0x3FA9]  }
0x28: {  	s2 =	sld [smem:$0x3FAA]  }
0x29: {  	s4 =	sld [smem:$0x3FAC]  }
0x2a: {  	p0 =	seq.s32 s5, $0x0;
	s5 =	sld [smem:$0x3FAD]  }
0x2b: {  	s6 =	sld [smem:$0x3FAE]  }
0x2c: {  	s7 =	sld [smem:$0x3FAF]  }
0x2d: {  	s3 =	simm.s32 $0x108;
	s8 =	sld [smem:$0x3FB0]  }
0x2e: {  	s3 =	simm.s32 @!p0 $0x1082;
	s9 =	sld [smem:$0x3FB1]  }
0x2f: {  	lr =	sadd.s32 s0, s3;
	s0 =	sld [smem:$0x3FA8]  }
0x30: {  	s3 =	sld [smem:$0x3FAB]  }
0x31: {  	[smem:$0x3FB4] =	sst s10  }
0x32: {  	s10 =	sld [smem:$0x3FB2];
	_ =	sdelay $0x3  }
0x33: {  	p0 =	seq.s32 s10, $0x1;
	s10 =	sld [smem:$0x3FB4];
	_ =	sdelay $0x3  }
0x34: {  	[smem:$0x3FB4] =	sst s10  }
0x35: {  	s10 =	sld [smem:$0x3FB3];
	_ =	sdelay $0x3  }
0x36: {  	p1 =	seq.s32 s10, $0x1;
	s10 =	sld [smem:$0x3FB4];
	_ =	sdelay $0x3  }
0x37: {  	[smem:$0x3FB4] =	sst s10  }
0x38: {  	s10 =	sld [smem:$0x3FB5]  }
0x39: {  	_ = 	snop;
	(pc) =	sbr.ind lr, $3  }
0x3a: {  	_ = 	snop  }
0x3b: {  	_ = 	snop  }
0x3c: {  	p2 =	seq.s32 s10, $0x1;
	s10 =	sld [smem:$0x3FB4]  }
0x3d: {  	_ =	shalt  }
0x3e: {  	_ =	shalt  }
0x3f: {  	_ =	shalt  }
0x40: {  	_ =	shalt  }
0x41: {  	_ =	shalt  }
0x42: {  	_ =	shalt  }
0x43: {  	_ =	shalt  }
0x44: {  	_ =	shalt  }
0x45: {  	_ =	shalt  }
0x46: {  	_ =	shalt  }
0x47: {  	_ =	shalt  }
0x48: {  	_ =	shalt  }
0x49: {  	_ =	shalt  }
0x4a: {  	_ =	shalt  }
0x4b: {  	_ =	shalt  }
0x4c: {  	_ =	shalt  }
0x4d: {  	_ =	shalt  }
0x4e: {  	_ =	shalt  }
0x4f: {  	_ =	shalt  }
0x50: {  	_ =	shalt  }
0x51: {  	_ =	shalt  }
0x52: {  	_ =	shalt  }
0x53: {  	_ =	shalt  }
0x54: {  	_ =	shalt  }
0x55: {  	_ =	shalt  }
0x56: {  	_ =	shalt  }
0x57: {  	_ =	shalt  }
0x58: {  	_ =	shalt  }
0x59: {  	_ =	shalt  }
0x5a: {  	_ =	shalt  }
0x5b: {  	_ =	shalt  }
0x5c: {  	_ =	shalt  }
0x5d: {  	_ =	shalt  }
0x5e: {  	_ =	shalt  }
0x5f: {  	_ =	shalt  }
0x60: {  	_ =	shalt  }
0x61: {  	_ =	shalt  }
0x62: {  	_ =	shalt  }
0x63: {  	_ =	shalt  }
0x64: {  	_ =	shalt  }
0x65: {  	_ =	shalt  }
0x66: {  	_ =	shalt  }
0x67: {  	_ =	shalt  }
0x68: {  	_ =	shalt  }
0x69: {  	_ =	shalt  }
0x6a: {  	_ =	shalt  }
0x6b: {  	_ =	shalt  }
0x6c: {  	_ =	shalt  }
0x6d: {  	_ =	shalt  }
0x6e: {  	_ =	shalt  }
0x6f: {  	_ =	shalt  }
0x70: {  	_ =	shalt  }
0x71: {  	_ =	shalt  }
0x72: {  	_ =	shalt  }
0x73: {  	_ =	shalt  }
0x74: {  	_ =	shalt  }
0x75: {  	_ =	shalt  }
0x76: {  	_ =	shalt  }
0x77: {  	_ =	shalt  }
0x78: {  	_ =	shalt  }
0x79: {  	_ =	shalt  }
0x7a: {  	_ =	shalt  }
0x7b: {  	_ =	shalt  }
0x7c: {  	_ =	shalt  }
0x7d: {  	_ =	shalt  }
0x7e: {  	_ =	shalt  }
0x7f: {  	_ =	shalt  }
0x80: {  	_ =	shalt  }
0x81: {  	_ =	shalt  }
0x82: {  	_ =	shalt  }
0x83: {  	_ =	shalt  }
0x84: {  	_ =	shalt  }
0x85: {  	_ =	shalt  }
0x86: {  	_ =	shalt  }
0x87: {  	_ =	shalt  }
.Lfunc_end0:
.L_simem_size_0:
called_computation.3_lowered:
.L_overlay_start_0:
0x88: {  	s2 =	sld [smem:$0x3FD9]  }
0x89: {  	s3 =	sld [smem:$0x3FFE];
	_ =	sdelay $0x1  }
0x8a: {  	s1 =	srdreg.scid  }
0x8b: {  	s0 =	sand.u32 $0x1, s1  }
0x8c: {  	s17 =	sshll.u32 s0, $0xA;
	s2 =	sadd.s32 s3, s2  }
0x8d: {  	s2 =	sadd.s32 s2, s17  }
0x8e: {  	[smem:$0x3FC0] =	sst s2  }
0x8f: {  	_ = 	snop  }
0x90: {  	s18 =	sld [smem:$0x3FC3];
	(tm) =	ssettm $0x1  }
0x91: {  	s19 =	sld [smem:$0x3FFB];
	_ =	sdelay $0x3  }
0x92: {  	_ =	strace s19  }
0x93: {  	s2 =	sld [smem:$0x3FFC];
	_ =	sdelay $0x3  }
0x94: {  	_ =	strace s2  }
0x95: {  	s2 =	sld [smem:$0x3FFD];
	_ =	sdelay $0x3  }
0x96: {  	_ =	strace s2  }
0x97: {  	_ =	strace $0x8FFFFFFF  }
0x98: {  	s20 =	sld [smem:$0x3FDB];
	_ =	sdelay $0x1  }
0x99: {  	s4 =	simm.s32 $_scs_section_size  }
0x9a: {  	s5 =	simm.s32 $_size__tile_overlayer_lowered;
	s6 =	simm.s32 $_tile_overlayer_lowered  }
0x9b: {  	s7 =	simm.s32 $0x1BFF;
	s21 =	sshll.u32 s6, $0x1;
	s4 =	sadd.s32 s4, s20  }
0x9c: {  	s22 =	simm.s32 $0x0;
	s5 =	sshll.u32 s5, $0x1;
	s6 =	sadd.s32 s21, s4  }
0x9d: {  	[timem:s22], [sflag:s7] =	dma.local [hbm:s6], s5  }
0x9e: {  	_ =	swait.ge [sflag:s7], s5  }
0x9f: {  	s5 =	ssub.s32 $0x0, s5;
	[sflag:s7] =	ssyncset.done $0x0  }
0xa0: {  	[sflag:s7] =	ssyncadd.s32 s5;
	_ =	sdelay $0x1  }
0xa1: {  	s23 =	simm.s32 $0x1B8B  }
0xa2: {  	_ =	swait.ge [sflag:s23], $0x1  }
0xa3: {  	[sflag:s23] =	ssyncset.done $0x0  }
0xa4: {  	[sflag:s23] =	ssyncadd.s32 $0xFFFFFFFF  }
0xa5: {  	s5 =	sld [smem:$0x0]  }
0xa6: {  	s6 =	sand.u32 $0xFFFFFFFE, s1  }
0xa7: {  	p0 =	sne.s32 s1, s6  }
0xa8: {  	s6 =	sshll.u32 @p0 s6, $0xE  }
0xa9: {  	s6 =	sadd.s32 @p0 $0x11B8D, s6;
	s7 =	sshll.u32 @p0 s5, $0x11  }
0xaa: {  	s6 =	sor.u32 @p0 s7, s6  }
0xab: {  	[sflag:s6] =	ssyncadd.remote.s32 @p0 $0x1;
	_ =	sdelay $0x1  }
0xac: {  	s6 =	simm.s32 @p0 $0x1B8D  }
0xad: {  	_ =	swait.eq @p0 [sflag:s6], $0x1  }
0xae: {  	[sflag:s6] =	ssyncadd.s32 @p0 $0xFFFFFFFF  }
0xaf: {  	s7 =	sshll.u32 @!p0 s1, $0xE  }
0xb0: {  	s7 =	sor.u32 @!p0 $0x4000, s7;
	s6 =	simm.s32 @!p0 $0x1B8D  }
0xb1: {  	s5 =	sshll.u32 @!p0 s5, $0x11;
	s7 =	sadd.s32 @!p0 $0x11B8D, s7;
	_ =	swait.eq @!p0 [sflag:s6], $0x1  }
0xb2: {  	s5 =	sor.u32 @!p0 s5, s7;
	[sflag:s6] =	ssyncadd.s32 @!p0 $0xFFFFFFFF  }
0xb3: {  	s25 =	simm.s32 $0x1B8E;
	s24 =	sld [smem:$0x3FFE];
	[sflag:s5] =	ssyncadd.remote.s32 @!p0 $0x1  }
0xb4: {  	s26 =	simm.s32 $execute0_lowered;
	[smem:$0x3FD2] =	sst s25  }
0xb5: {  	s6 =	sshll.u32 s26, $0x1;
	_ =	strace $0x8000004C;
	[dreg:$0x1] =	wrdreg $0xFFFFFFFF  }
0xb6: {  	s28 =	simm.s32 $_size_execute0_lowered;
	s4 =	sadd.s32 s4, s6;
	[dreg:$0x0] =	wrdreg $0x0  }
0xb7: {  	s6 =	sshll.u32 s28, $0x1;
	[dreg:$0x2] =	wrdreg s4  }
0xb8: {  	[dreg:$0x3] =	wrdreg s6  }
0xb9: {  	[dreg:$0x4] =	wrdreg $0xC0  }
0xba: {  	_ =	task [dreg:s22], $0x5FFFF  }
0xbb: {  	[dreg:$0x1] =	wrdreg $0xFFFFFFFF  }
0xbc: {  	[dreg:$0x0] =	wrdreg $0x60  }
0xbd: {  	[dreg:$0x2] =	wrdreg s24  }
0xbe: {  	[dreg:$0x3] =	wrdreg s18  }
0xbf: {  	[dreg:$0x4] =	wrdreg $0xC  }
0xc0: {  	_ =	task.clear_ibuf [dreg:s22], $0x5FFFF;
	_ =	strace $0x9000004C  }
0xc1: {  	s29 =	simm.s32 $0xC;
	_ =	strace $0x8000004E  }
0xc2: {  	_ =	swait.ge [sflag:s29], $0x1  }
0xc3: {  	[sflag:s29] =	ssyncadd.s32 $0xFFFFFFFF  }
0xc4: {  	_ =	strace $0x9000004E  }
0xc5: {  	_ =	sfence  }
0xc6: {  	s30 =	sld [smem:$0x0];
	_ =	sdelay $0x2  }
0xc7: {  	s31 =	sshll.u32 s1, $0xD;
	s1 =	sshrl.u32 s1, $0x2  }
0xc8: {  	s4 =	sand.u32 $0x4000, s31;
	s1 =	sadd.s32 s1, s30  }
0xc9: {  	s0 =	sor.u32 s4, s0;
	s1 =	sshll.u32 s1, $0x11  }
0xca: {  	s0 =	sor.u32 s1, s0  }
0xcb: {  	s0 =	sadd.s32 $0x8F2B, s0  }
0xcc: {  	[sflag:s0] =	ssyncadd.remote.s32 $0x1  }
0xcd: {  	_ =	sfence.sel $0xFFFF  }
0xce: {  	[dreg:$0x0] =	wrdreg $0xFFFFFFFF;
	(pc) =	sbr.abs _section_cstart, $3  }
0xcf: {  	[dreg:$0x1] =	wrdreg $0xFFFFFFFF  }
0xd0: {  	_ =	task.clear_ibuf [dreg:s22], $0x2FFFF;
	_ =	strace $0x9FFFFFFF  }
0xd1: {  	(tm) =	ssettm $0x7FFFFFFF  }
tec
execute0_lowered:
.L_overlay_start_1:
0x0: {  	(tag) =	ssettag $0x1  }
0x1: {  	s6 =	rddreg [dreg:$0x0]  }
0x2: {  	s1 =	rddreg [dreg:$0x1]  }
0x3: {  	s0 =	rddreg [dreg:$0x2];
	s2 =	simm.s32 $0x0  }
0x4: {  	s3 =	srdreg.scid;
	s9 =	simm.s32 $0x4;
	s10 =	simm.s32 $0x400  }
0x5: {  	s11 =	simm.s32 $0x5300;
	s12 =	simm.s32 $0x1;
	s13 =	simm.s32 $0x2  }
.Ltmp0:
0x6: {  	s14 =	simm.s32 $0xA200;
	s4 =	sand.u32 $0x1, s3;
	(pc) =	sbr.rel .LBB2_1-.Ltmp0, $4  }
0x7: {  	s15 =	simm.s32 $0x3;
	s16 =	simm.s32 $0x0;
	s7 =	ssub.s32 $0x2, s4  }
0x8: {  	[smem:$0x7FF] =	sst s2;
	s5 =	sadd.s32 $0x23AC800, s6;
	s8 =	sshrl.u32 s7, $0x1  }
0x9: {  	s3 =	stileid.u32;
	s6 =	sadd.s32 $0x357EC00, s6;
	s8 =	ssub.s32 s7, s8  }
0xa: {  	_ =	strace $0x8000004D;
	s7 =	sshll.u32 s3, $0x1;
	s8 =	smax.u32 s8, $0x1  }
.LBB2_11:
0xb: {  	s16 =	sadd.s32 $0x1, s16  }
0xc: {  	p0 =	sne.s32 s16, s8  }
.Ltmp1:
0xd: {  	_ = 	snop;
	(pc) =	sbr.rel @!p0 .LBB2_12-.Ltmp1, $4  }
0xe: {  	_ = 	snop  }
0xf: {  	_ =	swait.ge [sflag:s15], $0x10000  }
0x10: {  	[sflag:s15] =	ssyncset.done $0x0  }
0x11: {  	[sflag:s15] =	ssyncadd.s32 $0xFFFF0000  }
.LBB2_1:
.Ltmp2:
0x12: {  	(pc) =	sbr.rel .LBB2_2-.Ltmp2, $4  }
0x13: {  	[tilespmem:s2], [sflag:$0x4] =	stream.linear.gather [hbm4b:s1+s2], $0x400, $0x38;
	[tilespmem:$0x1A200] =	vst v63  }
0x14: {  	_ =	swait.ge [sflag:s9], $0x400  }
0x15: {  	[sflag:s9] =	ssyncset.done $0x0  }
0x16: {  	s17 =	simm.s32 $0x0;
	[sflag:s9] =	ssyncadd.s32 $0xFFFFFC00  }
.LBB2_10:
0x17: {  	s17 =	sadd.s32 $0x1, s17  }
0x18: {  	p0 =	sne.s32 s17, $0x8  }
.Ltmp3:
0x19: {  	_ = 	snop;
	(pc) =	sbr.rel @!p0 .LBB2_11-.Ltmp3, $1  }
0x1a: {  	_ =	sdelay $0x3  }
.LBB2_2:
0x1b: {  	s18 =	sshll.u32 s17, $0x5  }
0x1c: {  	s18 =	sor.u32 s18, s7  }
0x1d: {  	s18 =	sor.u32 s4, s18  }
0x1e: {  	p0 =	sgt.u32 s18, $0xE6  }
.Ltmp4:
0x1f: {  	_ = 	snop;
	(pc) =	sbr.rel @p0 .LBB2_10-.Ltmp4, $1  }
0x20: {  	_ =	sdelay $0x3  }
0x21: {  	s19 =	smul.u32 $0x13C00, s18  }
0x22: {  	p0 =	seq.s32 s17, $0x0  }
0x23: {  	s20 =	simm.s32 @!p0 $0x3;
	s19 =	sadd.s32 s5, s19  }
0x24: {  	[tilespmem:s10], [sflag:$0x1] =	stream.linear.gather [hbm4b:s19+s2], $0x4F00, $0x38;
	[tilespmem:$0x1A200] =	vst v63  }
0x25: {  	_ =	swait.ge @!p0 [sflag:s20], $0x10000  }
0x26: {  	s21 =	simm.s32 $0x0;
	[sflag:s20] =	ssyncset.done @!p0 $0x0  }
0x27: {  	s19 =	sshll.u32 s18, $0x4;
	[sflag:s20] =	ssyncadd.s32 @!p0 $0xFFFF0000;
	s20 =	simm.s32 $0x0  }
.LBB2_4:
0x28: {  	s22 =	sadd.s32 s19, s21  }
0x29: {  	s23 =	smul.u32 $0x9E00, s22;
	_ =	sdelay $0x1  }
0x2a: {  	s22 =	sshrl.u32 s23, $0x3  }
0x2b: {  	s22 =	sadd.s32 s5, s22  }
0x2c: {  	s22 =	sadd.s32 $0x9E0, s22  }
0x2d: {  	[tilespmem:s11], [sflag:$0x2] =	stream.linear.gather [hbm4b:s22+s20], $0x4F00, $0x38;
	[tilespmem:$0x1A200] =	vst v63  }
0x2e: {  	s31 =	sshll.u32 s21, $0xE;
	s24 =	simm.s32 $0xFFFFFFFC;
	_ =	swait.ge [sflag:s12], $0x4F00  }
0x2f: {  	s25 =	simm.s32 $0x30;
	s22 =	sshra.s32 s31, $0x2;
	[sflag:s12] =	ssyncset.done $0x0  }
0x30: {  	s26 =	simm.s32 $0x0;
	s22 =	sadd.s32 $0xA200, s22;
	[sflag:s12] =	ssyncadd.s32 $0xFFFFB100  }
.LBB2_5:
0x31: {  	s28 =	sshra.s32 s26, $0x2  }
0x32: {  	v0 =	vld [tilespmem:s28+$0x0];
	_ =	sdelay $0x7  }
0x33: {  	v1 =	vld.idx.msk [tilespmem:v0+s10+$0x0], $0xffff  }
0x34: {  	v0 =	vadd.s32 $0x2780, v0  }
0x35: {  	s29 =	sand.u32 $0xE00, s26;
	s30 =	sadd.s32 $0xFFFFFFD0, s25  }
0x36: {  	s30 =	sand.u32 $0x40, s30;
	s29 =	sadd.s32 s29, s22  }
0x37: {  	s30 =	sadd.s32 s30, s29  }
0x38: {  	[tilespmem:s30+$0x0] =	vst v1  }
0x39: {  	v0 =	vld.idx.msk [tilespmem:v0+s10+$0x0], $0xffff;
	_ =	sdelay $0x4  }
0x3a: {  	[tilespmem:s30+$0x80] =	vst v0  }
0x3b: {  	v0 =	vld [tilespmem:s28+$0x10];
	_ =	sdelay $0x7  }
0x3c: {  	v1 =	vld.idx.msk [tilespmem:v0+s10+$0x0], $0xffff  }
0x3d: {  	v0 =	vadd.s32 $0x2780, v0  }
0x3e: {  	s31 =	sadd.s32 $0xFFFFFFE0, s25  }
0x3f: {  	s30 =	sand.u32 $0x50, s31  }
0x40: {  	s30 =	sadd.s32 s30, s29  }
0x41: {  	[tilespmem:s30+$0x0] =	vst v1  }
0x42: {  	v0 =	vld.idx.msk [tilespmem:v0+s10+$0x0], $0xffff;
	_ =	sdelay $0x4  }
0x43: {  	[tilespmem:s30+$0x80] =	vst v0  }
0x44: {  	v0 =	vld [tilespmem:s28+$0x20];
	_ =	sdelay $0x7  }
0x45: {  	v1 =	vld.idx.msk [tilespmem:v0+s10+$0x0], $0xffff  }
0x46: {  	v0 =	vadd.s32 $0x2780, v0  }
0x47: {  	s31 =	sadd.s32 $0xFFFFFFF0, s25  }
0x48: {  	s30 =	sand.u32 $0x60, s31  }
0x49: {  	s30 =	sadd.s32 s30, s29  }
0x4a: {  	[tilespmem:s30+$0x0] =	vst v1  }
0x4b: {  	v0 =	vld.idx.msk [tilespmem:v0+s10+$0x0], $0xffff;
	_ =	sdelay $0x4  }
0x4c: {  	[tilespmem:s30+$0x80] =	vst v0  }
0x4d: {  	v0 =	vld [tilespmem:s28+$0x30];
	_ =	sdelay $0x7  }
0x4e: {  	v1 =	vld.idx.msk [tilespmem:v0+s10+$0x0], $0xffff  }
0x4f: {  	v0 =	vadd.s32 $0x2780, v0;
	_ =	sdelay $0x1  }
0x50: {  	s31 =	sand.u32 $0x70, s25  }
0x51: {  	s28 =	sadd.s32 s31, s29  }
0x52: {  	s24 =	sadd.s32 $0x4, s24;
	[tilespmem:s28+$0x0] =	vst v1  }
0x53: {  	p0 =	slt.u32 s24, $0x3C;
	v0 =	vld.idx.msk [tilespmem:v0+s10+$0x0], $0xffff  }
.Ltmp5:
0x54: {  	_ = 	snop;
	(pc) =	sbr.rel @p0 .LBB2_5-.Ltmp5, $2  }
0x55: {  	_ =	sdelay $0x2  }
0x56: {  	s26 =	sadd.s32 $0x100, s26;
	s25 =	sadd.s32 $0x40, s25;
	[tilespmem:s28+$0x80] =	vst v0  }
0x57: {  	p0 =	seq.s32 s21, $0xF  }
0x58: {  	s23 =	sshrl.u32 @!p0 s23, $0x3  }
0x59: {  	s23 =	sadd.s32 @!p0 s5, s23  }
0x5a: {  	s24 =	simm.s32 @!p0 $0x0;
	s25 =	simm.s32 @!p0 $0x400;
	s23 =	sadd.s32 @!p0 $0x13C0, s23  }
0x5b: {  	[tilespmem:s25], [sflag:$0x1] =	stream.linear.gather @!p0 [hbm4b:s23+s24], $0x4F00, $0x38;
	[tilespmem:$0x1A200] =	vst v63  }
0x5c: {  	_ =	swait.ge [sflag:s13], $0x4F00  }
0x5d: {  	s23 =	simm.s32 $0xFFFFFFFC;
	[sflag:s13] =	ssyncset.done $0x0  }
0x5e: {  	s24 =	simm.s32 $0x30;
	s25 =	simm.s32 $0x0;
	[sflag:s13] =	ssyncadd.s32 $0xFFFFB100  }
.LBB2_7:
0x5f: {  	s26 =	sshra.s32 s25, $0x2  }
0x60: {  	v0 =	vld [tilespmem:s26+$0x0];
	_ =	sdelay $0x7  }
0x61: {  	v1 =	vld.idx.msk [tilespmem:v0+s11+$0x0], $0xffff  }
0x62: {  	v0 =	vadd.s32 $0x2780, v0  }
0x63: {  	s28 =	sand.u32 $0xE00, s25;
	s29 =	sadd.s32 $0xFFFFFFD0, s24  }
0x64: {  	s29 =	sand.u32 $0x40, s29;
	s28 =	sadd.s32 s28, s22  }
0x65: {  	s29 =	sadd.s32 s29, s28  }
0x66: {  	[tilespmem:s29+$0x100] =	vst v1  }
0x67: {  	v0 =	vld.idx.msk [tilespmem:v0+s11+$0x0], $0xffff;
	_ =	sdelay $0x4  }
0x68: {  	[tilespmem:s29+$0x180] =	vst v0  }
0x69: {  	v0 =	vld [tilespmem:s26+$0x10];
	_ =	sdelay $0x7  }
0x6a: {  	v1 =	vld.idx.msk [tilespmem:v0+s11+$0x0], $0xffff  }
0x6b: {  	v0 =	vadd.s32 $0x2780, v0  }
0x6c: {  	s31 =	sadd.s32 $0xFFFFFFE0, s24  }
0x6d: {  	s29 =	sand.u32 $0x50, s31  }
0x6e: {  	s29 =	sadd.s32 s29, s28  }
0x6f: {  	[tilespmem:s29+$0x100] =	vst v1  }
0x70: {  	v0 =	vld.idx.msk [tilespmem:v0+s11+$0x0], $0xffff;
	_ =	sdelay $0x4  }
0x71: {  	[tilespmem:s29+$0x180] =	vst v0  }
0x72: {  	v0 =	vld [tilespmem:s26+$0x20];
	_ =	sdelay $0x7  }
0x73: {  	v1 =	vld.idx.msk [tilespmem:v0+s11+$0x0], $0xffff  }
0x74: {  	v0 =	vadd.s32 $0x2780, v0  }
0x75: {  	s30 =	sadd.s32 $0xFFFFFFF0, s24  }
0x76: {  	s29 =	sand.u32 $0x60, s30  }
0x77: {  	s29 =	sadd.s32 s29, s28  }
0x78: {  	[tilespmem:s29+$0x100] =	vst v1  }
0x79: {  	v0 =	vld.idx.msk [tilespmem:v0+s11+$0x0], $0xffff;
	_ =	sdelay $0x4  }
0x7a: {  	[tilespmem:s29+$0x180] =	vst v0  }
0x7b: {  	v0 =	vld [tilespmem:s26+$0x30];
	_ =	sdelay $0x7  }
0x7c: {  	v1 =	vld.idx.msk [tilespmem:v0+s11+$0x0], $0xffff  }
0x7d: {  	v0 =	vadd.s32 $0x2780, v0;
	_ =	sdelay $0x1  }
0x7e: {  	s31 =	sand.u32 $0x70, s24  }
0x7f: {  	s26 =	sadd.s32 s31, s28  }
0x80: {  	s23 =	sadd.s32 $0x4, s23;
	[tilespmem:s26+$0x100] =	vst v1  }
0x81: {  	p0 =	slt.u32 s23, $0x3C;
	v0 =	vld.idx.msk [tilespmem:v0+s11+$0x0], $0xffff  }
.Ltmp6:
0x82: {  	_ = 	snop;
	(pc) =	sbr.rel @p0 .LBB2_7-.Ltmp6, $2  }
0x83: {  	_ =	sdelay $0x2  }
0x84: {  	s25 =	sadd.s32 $0x100, s25;
	s24 =	sadd.s32 $0x40, s24;
	[tilespmem:s26+$0x180] =	vst v0  }
0x85: {  	s21 =	sadd.s32 $0x1, s21  }
0x86: {  	p0 =	sne.s32 s21, $0x10  }
.Ltmp7:
0x87: {  	_ = 	snop;
	(pc) =	sbr.rel @p0 .LBB2_4-.Ltmp7, $1  }
0x88: {  	_ =	sdelay $0x3  }
.Ltmp8:
0x89: {  	(pc) =	sbr.rel .LBB2_10-.Ltmp8, $4  }
0x8a: {  	_ = 	snop  }
0x8b: {  	s18 =	sshll.u32 s18, $0xD  }
0x8c: {  	s18 =	sadd.s32 s6, s18  }
0x8d: {  	[hbm4b:s18+s2] =	stream.linear.scatter [tilespmem:s14], [sflag:$0x3], $0x10000, $0x38;
	[tilespmem:$0x1A200] =	vst v63  }
.LBB2_12:
0x8e: {  	_ =	sfence.sel $0x180000  }
0x8f: {  	[bflag:$0x0] =	sbarrier.arrive $0xFFFF  }
0x90: {  	p0 =	sne.s32 s3, $0x0;
	_ =	strace $0x9000004D  }
0x91: {  	s0 =	sadd.s32 @!p0 $0x100000, s0;
	[bflag:$0x2] =	sbarrier.arrive $0xFFFF  }
0x92: {  	[sflag:s0] =	ssyncadd.tile.s32 @!p0 $0x1;
	_ =	shalt  }
.Lfunc_end2:
_tile_overlayer_lowered:
.L_overlay_start_2:
0x93: {  	(tag) =	ssettag $0x2  }
0x94: {  	s0 =	rddreg [dreg:$0x0];
	s2 =	stileid.u32  }
0x95: {  	s1 =	rddreg [dreg:$0x1];
	p0 =	sne.s32 s2, $0x0  }
0x96: {  	s3 =	rddreg [dreg:$0x2];
	[bflag:$0x3] =	sbarrier.arrive $0xFFFF;
	s2 =	simm.s32 @!p0 $0x1C04  }
0x97: {  	[timem:s3], [sflag:s2] =	dma.local @!p0 [hbm:s0], s1  }
0x98: {  	s0 =	simm.s32 @!p0 $0x4  }
0x99: {  	_ =	swait.ge @!p0 [sflag:s0], s1  }
0x9a: {  	s1 =	ssub.s32 @!p0 $0x0, s1;
	[sflag:s0] =	ssyncset.done @!p0 $0x0  }
0x9b: {  	[sflag:s0] =	ssyncadd.s32 @!p0 s1  }
0x9c: {  	[bflag:$0x3] =	sbarrier.arrive $0xFFFF  }
0x9d: {  	_ =	shalt  }

</sc_bundles>
